<compile_context>
chip_gen: v7x
topology: tpu7x:2x2x1
jax: 0.10.2.dev20260603
libtpu: 0.0.44.dev20260713+nightly
codegen_flags: <defaults>
</compile_context>

<pallas_src>
import functools

import jax
import jax.numpy as jnp
import numpy as np
from jax import lax
from jax.experimental import pallas as pl
from jax.experimental.pallas import tpu as pltpu
from jax.experimental.pallas import tpu_sc as plsc

H = 384
W = 384
NPH = 24
NPW = 24
PH = 16
PW = 16
NS = 2048
D = 96
DH = 24
NT = NPH * NPW * PH * PW
CT = 2304
RB = 8

NSUB = 16
CHUNK = NT // NSUB
NV = CHUNK // 16
LOC = 256
CMAX = NSUB * LOC
JC = 512

_I32MIN = np.int32(-2**31)
_I32MAX = np.int32(2**31 - 1)


_ERF_T = [7.853861353153693e-5, -8.010193625184903e-4, 5.188327685732524e-3,
          -2.685381193529856e-2, 1.128358514861418e-1, -3.761262582423300e-1,
          1.128379165726710e+0]
_ERFC_P = [2.326819970068386e-2, -1.387039388740657e-1, 3.687424674597105e-1,
           -5.824733027278666e-1, 6.210004621745983e-1, -4.944515323274145e-1,
           3.404879937665872e-1, -2.741127028184656e-1, 5.638259427386472e-1]
_ERFC_R = [-1.047766399936249e+1, 1.297719955372516e+1, -7.495518717768503e+0,
           2.921019019210786e+0, -1.015265279202700e+0, 4.218463358204948e-1,
           -2.820767439740514e-1, 5.641895067754075e-1]
_MAXLOG = 88.72283905206835


def _poly(y, coeffs):
    acc = jnp.full_like(y, np.float32(coeffs[0]))
    for c in coeffs[1:]:
        acc = acc * y + np.float32(c)
    return acc


def _erfc_f32(x):
    x2 = x * x
    ax = jnp.abs(x)
    z = jnp.exp(-x2)
    q = 1.0 / ax
    y = q * q
    p = jnp.where(ax < 2.0, _poly(y, _ERFC_P), _poly(y, _ERFC_R))
    yl = z * q * p
    yl = jnp.where(x < 0.0, 2.0 - yl, yl)
    yl = jnp.where(-x2 < np.float32(-_MAXLOG),
                   jnp.where(x < 0.0, 2.0, 0.0), yl)
    erf_small = x * _poly(x2, _ERF_T)
    return jnp.where(ax < 1.0, 1.0 - erf_small, yl)


def _score_body(x_ref, ln_g_ref, ln_b_ref, w1t_ref, b1_ref, w2p_ref, b2_ref,
                out_ref):
    xv = x_ref[...].reshape(RB * CT, D)
    mu = jnp.mean(xv, axis=-1, keepdims=True)
    var = jnp.var(xv, axis=-1, keepdims=True)
    xn = (xv - mu) / jnp.sqrt(var + 1e-5) * ln_g_ref[0] + ln_b_ref[0]
    h = jnp.dot(xn.astype(jnp.bfloat16), w1t_ref[:],
                preferred_element_type=jnp.float32) + b1_ref[0]
    h = 0.5 * h * _erfc_f32(-h * np.float32(np.sqrt(0.5)))
    imp = jnp.dot(h.astype(jnp.bfloat16), w2p_ref[:],
                  preferred_element_type=jnp.float32)[:, :1] + b2_ref[0]
    out_ref[...] = imp.reshape(RB, CT)


def _scores(x_tok, ln_g, ln_b, W1, b1, W2, b2):
    batch = x_tok.shape[0]
    rows = batch * NT // CT
    x_ch = x_tok.reshape(rows, CT, D)
    w1t = W1.T.astype(jnp.bfloat16)
    w2p = jnp.zeros((DH, 128), jnp.bfloat16).at[:, 0].set(
        W2[0].astype(jnp.bfloat16))
    out = pl.pallas_call(
        _score_body,
        grid=(rows // RB,),
        in_specs=[
            pl.BlockSpec((RB, CT, D), lambda g: (g, 0, 0)),
            pl.BlockSpec((1, D), lambda g: (0, 0)),
            pl.BlockSpec((1, D), lambda g: (0, 0)),
            pl.BlockSpec((D, DH), lambda g: (0, 0)),
            pl.BlockSpec((1, DH), lambda g: (0, 0)),
            pl.BlockSpec((DH, 128), lambda g: (0, 0)),
            pl.BlockSpec((1, 1), lambda g: (0, 0)),
        ],
        out_specs=pl.BlockSpec((RB, CT), lambda g: (g, 0)),
        out_shape=jax.ShapeDtypeStruct((rows, CT), jnp.float32),
    )(x_ch, ln_g.reshape(1, D), ln_b.reshape(1, D), w1t, b1.reshape(1, DH),
      w2p, b2.reshape(1, 1))
    return out.reshape(batch, NT)


def _lanes():
    return jax.lax.iota(jnp.int32, 16)


def _pcnt(mask):
    return jnp.max(plsc.all_reduce_population_count(mask))


def _lane(v, j):
    return jnp.sum(jnp.where(_lanes() == j, v, 0))


def _rsuf(v):
    return lax.rev(plsc.cumsum(lax.rev(v, (0,))), (0,))


def _select_body(scores_hbm, tof_hbm, skey_out, gidx_out, trow_out,
                 sbuf, ukey, tloc, hist, colbuf, totslc, totpl, bins256,
                 hist_sh, tot_sh, sem):
    sid = lax.axis_index("s")
    cid = lax.axis_index("c")
    pb = scores_hbm.shape[0] // 2
    pltpu.sync_copy(tof_hbm.at[pl.ds(sid * CHUNK, CHUNK)], tloc)

    def per_batch(bb, _):
        b = cid * pb + bb
        pltpu.sync_copy(scores_hbm.at[b, pl.ds(sid * CHUNK, CHUNK)], sbuf)

        def mk_key(i, _):
            u = lax.bitcast_convert_type(sbuf[pl.ds(i * 16, 16)], jnp.int32)
            m = lax.shift_right_arithmetic(u, 31)
            ukey[pl.ds(i * 16, 16)] = u ^ (m | _I32MIN)
            return 0
        lax.fori_loop(0, NV, mk_key, 0)

        k_rem = jnp.int32(NS)
        prefix = jnp.int32(0)
        for p in range(4):
            shift = 24 - 8 * p

            def zero_hist(i, _):
                hist[pl.ds(i * 16, 16)] = jnp.zeros((16,), jnp.int32)
                return 0
            lax.fori_loop(0, 256, zero_hist, 0)

            def hist_step(i, pfx):
                u = ukey[pl.ds(i * 16, 16)]
                byte = lax.shift_right_logical(u, shift) & 255
                if p == 0:
                    ok = jnp.ones((16,), jnp.bool_)
                else:
                    ok = lax.shift_right_logical(u, shift + 8) == pfx
                addr = byte * 16 + _lanes()
                plsc.addupdate_scatter(hist, [addr],
                                       jnp.where(ok, 1, 0).astype(jnp.int32))
                return pfx
            lax.fori_loop(0, NV, hist_step, prefix)

            pltpu.sync_copy(hist, hist_sh.at[sid])
            plsc.subcore_barrier()
            pltpu.sync_copy(hist_sh.at[:, pl.ds(sid * 256, 256)], colbuf)
            for j in range(16):
                def macc(r, a):
                    return a + colbuf[r, pl.ds(j * 16, 16)]
                totslc[pl.ds(j * 16, 16)] = lax.fori_loop(
                    0, NSUB, macc, jnp.zeros((16,), jnp.int32))
            pltpu.sync_copy(totslc, tot_sh.at[pl.ds(sid * 256, 256)])
            plsc.subcore_barrier()
            pltpu.sync_copy(tot_sh, totpl)

            def bin_tot(g, _):
                def gsum(j, a):
                    idx = (g * 16 + _lanes()) * 16 + j
                    return a + plsc.load_gather(totpl, [idx])
                bins256[pl.ds(g * 16, 16)] = lax.fori_loop(
                    0, 16, gsum, jnp.zeros((16,), jnp.int32))
                return 0
            lax.fori_loop(0, 16, bin_tot, 0)
            def grp_sum(j, a):
                return a + plsc.load_gather(bins256, [_lanes() * 16 + j])
            gtot = lax.fori_loop(0, 16, grp_sum, jnp.zeros((16,), jnp.int32))

            gsuf = _rsuf(gtot)
            G = _pcnt(gsuf >= k_rem) - 1
            after_g = jnp.where(G >= 15, 0, _lane(gsuf, jnp.minimum(G + 1, 15)))
            bvec = bins256[pl.ds(G * 16, 16)]
            bsuf = _rsuf(bvec) + after_g
            nb = _pcnt(bsuf >= k_rem)
            B = G * 16 + (nb - 1)
            above = jnp.where(nb >= 16, after_g,
                              _lane(bsuf, jnp.minimum(nb, 15)))
            k_rem = k_rem - above
            prefix = lax.shift_left(prefix, 8) | B
            plsc.subcore_barrier()

        t_s = prefix ^ _I32MIN

        def init_loc(i, _):
            hist[pl.ds(i * 16, 16)] = jnp.full((16,), _I32MIN, jnp.int32)
            hist[pl.ds(LOC + i * 16, 16)] = jnp.full((16,), _I32MAX, jnp.int32)
            hist[pl.ds(2 * LOC + i * 16, 16)] = jnp.zeros((16,), jnp.int32)
            return 0
        lax.fori_loop(0, LOC // 16, init_loc, 0)

        def compact(i, cnt):
            skey = ukey[pl.ds(i * 16, 16)] ^ _I32MIN
            m = skey >= t_s
            pos = cnt + plsc.cumsum(jnp.where(m, 1, 0).astype(jnp.int32)) - 1
            valid = m & (pos < LOC)
            cpos = jnp.clip(pos, 0, LOC - 1)
            plsc.store_scatter(hist, [cpos], skey, mask=valid)
            f_vec = sid * CHUNK + i * 16 + _lanes()
            plsc.store_scatter(hist, [LOC + cpos], f_vec, mask=valid)
            t_vec = tloc[pl.ds(i * 16, 16)] + b * NT
            plsc.store_scatter(hist, [2 * LOC + cpos], t_vec, mask=valid)
            return cnt + _pcnt(m)
        lax.fori_loop(0, NV, compact, jnp.int32(0))

        pltpu.sync_copy(hist.at[pl.ds(0, LOC)],
                        skey_out.at[b, pl.ds(sid * LOC, LOC)])
        pltpu.sync_copy(hist.at[pl.ds(LOC, LOC)],
                        gidx_out.at[b, pl.ds(sid * LOC, LOC)])
        pltpu.sync_copy(hist.at[pl.ds(2 * LOC, LOC)],
                        trow_out.at[b, pl.ds(sid * LOC, LOC)])
        plsc.subcore_barrier()
        return 0

    lax.fori_loop(0, pb, per_batch, 0)


def _select(scores_grid, t_of_f):
    batch = scores_grid.shape[0]
    mesh = plsc.VectorSubcoreMesh(core_axis_name="c", subcore_axis_name="s")
    out = pl.kernel(
        _select_body,
        out_type=(
            jax.ShapeDtypeStruct((batch, CMAX), jnp.int32),
            jax.ShapeDtypeStruct((batch, CMAX), jnp.int32),
            jax.ShapeDtypeStruct((batch, CMAX), jnp.int32),
        ),
        mesh=mesh,
        compiler_params=pltpu.CompilerParams(needs_layout_passes=False),
        scratch_types=[
            pltpu.VMEM((CHUNK,), jnp.float32),
            pltpu.VMEM((CHUNK,), jnp.int32),
            pltpu.VMEM((CHUNK,), jnp.int32),
            pltpu.VMEM((4096,), jnp.int32),
            pltpu.VMEM((NSUB, 256), jnp.int32),
            pltpu.VMEM((256,), jnp.int32),
            pltpu.VMEM((4096,), jnp.int32),
            pltpu.VMEM((256,), jnp.int32),
            pltpu.VMEM_SHARED((NSUB, 4096), jnp.int32),
            pltpu.VMEM_SHARED((4096,), jnp.int32),
            pltpu.SemaphoreType.DMA,
        ],
    )(scores_grid, t_of_f)
    return out


def _rank_body(kc_ref, fc_ref, kr_ref, fr_ref, out_ref):
    kc = kc_ref[0]
    fc = fc_ref[0]
    acc = jnp.zeros((CMAX, 1), jnp.int32)
    for q in range(CMAX // JC):
        kr = kr_ref[0][:, q * JC:(q + 1) * JC]
        fr = fr_ref[0][:, q * JC:(q + 1) * JC]
        gt = kr > kc
        tie = (kr == kc) & (fr < fc)
        acc = acc + jnp.sum((gt | tie).astype(jnp.int32), axis=1,
                            keepdims=True)
    out_ref[...] = acc.reshape(1, CMAX, 1)


def _ranks(skey, gidx):
    batch = skey.shape[0]
    kc = skey.reshape(batch, CMAX, 1)
    fc = gidx.reshape(batch, CMAX, 1)
    kr = skey.reshape(batch, 1, CMAX)
    fr = gidx.reshape(batch, 1, CMAX)
    out = pl.pallas_call(
        _rank_body,
        grid=(batch,),
        in_specs=[
            pl.BlockSpec((1, CMAX, 1), lambda b: (b, 0, 0)),
            pl.BlockSpec((1, CMAX, 1), lambda b: (b, 0, 0)),
            pl.BlockSpec((1, 1, CMAX), lambda b: (b, 0, 0)),
            pl.BlockSpec((1, 1, CMAX), lambda b: (b, 0, 0)),
        ],
        out_specs=pl.BlockSpec((1, CMAX, 1), lambda b: (b, 0, 0)),
        out_shape=jax.ShapeDtypeStruct((batch, CMAX, 1), jnp.int32),
    )(kc, fc, kr, fr)
    return out.reshape(batch, CMAX)


def _gather_body(trow_hbm, rank_hbm, xrows_hbm, out_hbm,
                 tv, rv, sidx, oidx, zbuf, rows, ord_sh, sem):
    sid = lax.axis_index("s")
    cid = lax.axis_index("c")
    pb = trow_hbm.shape[0] // 2
    for _z in range(8):
        zbuf[pl.ds(_z * 16, 16)] = jnp.zeros((16,), jnp.int32)

    def per_batch(bb, _):
        b = cid * pb + bb
        pltpu.sync_copy(zbuf, ord_sh.at[pl.ds(sid * 128, 128)])

        @pl.when(sid == 0)
        def _():
            pltpu.sync_copy(zbuf.at[pl.ds(0, 64)], ord_sh.at[pl.ds(NS, 64)])
        pltpu.sync_copy(trow_hbm.at[b, pl.ds(sid * LOC, LOC)], tv)
        pltpu.sync_copy(rank_hbm.at[b, pl.ds(sid * LOC, LOC)], rv)

        def mk_idx(j, _):
            q = j // 8
            r = rv[pl.ds(j * 16, 16)]
            sidx[q, pl.ds((j % 8) * 16, 16)] = jnp.where(r < NS, r, NS)
            return 0
        for j in range(LOC // 16):
            mk_idx(j, 0)
        plsc.subcore_barrier()
        for q in range(2):
            pltpu.sync_copy(tv.at[pl.ds(q * 128, 128)], ord_sh.at[sidx.at[q]])
        plsc.subcore_barrier()
        pltpu.sync_copy(ord_sh.at[pl.ds(sid * 128, 128)], oidx)
        pltpu.async_copy(xrows_hbm.at[oidx], rows, sem).wait()
        pltpu.sync_copy(rows, out_hbm.at[b, pl.ds(sid * 128, 128), :])
        plsc.subcore_barrier()
        return 0

    lax.fori_loop(0, pb, per_batch, 0)


def _gather(trow, ranks, xrows, batch):
    mesh = plsc.VectorSubcoreMesh(core_axis_name="c", subcore_axis_name="s")
    out = pl.kernel(
        _gather_body,
        out_type=jax.ShapeDtypeStruct((batch, NS, D), jnp.float32),
        mesh=mesh,
        compiler_params=pltpu.CompilerParams(needs_layout_passes=False,
                                             use_tc_tiling_on_sc=False),
        scratch_types=[
            pltpu.VMEM((LOC,), jnp.int32),
            pltpu.VMEM((LOC,), jnp.int32),
            pltpu.VMEM((2, 128), jnp.int32),
            pltpu.VMEM((128,), jnp.int32),
            pltpu.VMEM((128,), jnp.int32),
            pltpu.VMEM((128, D), jnp.float32),
            pltpu.VMEM_SHARED((NS + 64,), jnp.int32),
            pltpu.SemaphoreType.DMA,
        ],
    )(trow, ranks, xrows)
    return out


def _grid_to_patch_idx(f):
    i = f // (PH * W)
    rem = f % (PH * W)
    a = rem // W
    rem2 = rem % W
    j = rem2 // PW
    bb = rem2 % PW
    return ((i * NPW + j) * PH + a) * PW + bb


_T_OF_F = _grid_to_patch_idx(np.arange(NT, dtype=np.int64)).astype(np.int32)


def kernel(x, ln_g, ln_b, W1, b1, W2, b2):
    batch = x.shape[0]
    x_tok = x.reshape(batch, NT, D)
    scores = _scores(x_tok, ln_g, ln_b, W1, b1, W2, b2)
    sg = scores.reshape(batch, NPH, NPW, PH, PW)
    sg = jnp.transpose(sg, (0, 1, 3, 2, 4)).reshape(batch, NT)
    skey, gidx, trow = _select(sg, jnp.asarray(_T_OF_F))
    ranks = _ranks(skey, gidx)
    xrows = x.reshape(batch * NT, D)
    return _gather(trow, ranks, xrows, batch)

# --- scband reference (transcript-rebuilt; emitter-appended) ---
"""Pipeline reference for scband-grid-adaptive-sampling-26044681683016 (READ-ONLY COPY).

The authoritative reference and input builder live on the scoring server;
editing this copy changes nothing except your own understanding.
"""

import jax, jax.numpy as jnp
import numpy as np

H = 384
W = 384
NPH = 24
NPW = 24
PH = 16
PW = 16
NS = 2048
D = 96
BATCH = 4


def setup_inputs(seed: int = 0) -> dict:
    key = jax.random.key(seed)
    ks = jax.random.split(key, 4)
    x = jax.random.normal(ks[0], (BATCH, NPH * NPW, PH, PW, D), dtype=jnp.float32)
    ln_g = jnp.ones((D,), dtype=jnp.float32)
    ln_b = jnp.zeros((D,), dtype=jnp.float32)
    W1 = jax.random.normal(ks[1], (D // 4, D), dtype=jnp.float32) * 0.05
    b1 = jnp.zeros((D // 4,), dtype=jnp.float32)
    W2 = jax.random.normal(ks[2], (1, D // 4), dtype=jnp.float32) * 0.05
    b2 = jnp.zeros((1,), dtype=jnp.float32)
    return {"x": x, "ln_g": ln_g, "ln_b": ln_b, "W1": W1, "b1": b1, "W2": W2, "b2": b2}


def reference(x, ln_g, ln_b, W1, b1, W2, b2):
    batch = x.shape[0]
    # grid reconstruction: (B, P, ph, pw, D) -> (B, H, W, D)
    xg = x.reshape(batch, NPH, NPW, PH, PW, D)
    xg = jnp.transpose(xg, (0, 1, 3, 2, 4, 5))
    xg = xg.reshape(batch, H, W, D)
    # importance net: LayerNorm -> Linear -> GELU -> Linear
    mu = jnp.mean(xg, axis=-1, keepdims=True)
    var = jnp.var(xg, axis=-1, keepdims=True)
    xn = (xg - mu) / jnp.sqrt(var + 1e-5) * ln_g + ln_b
    h = xn @ W1.T + b1
    h = jax.nn.gelu(h, approximate=False)
    imp = (h @ W2.T + b2)[..., 0]
    importance_flat = imp.reshape(batch, -1)
    x_flat = xg.reshape(batch, -1, D)
    top_k_values, top_k_indices = jax.lax.top_k(importance_flat, NS)
    x_sampled = jnp.take_along_axis(x_flat, top_k_indices[:, :, None], axis=1)
    return x_sampled

if __name__ == "__main__":
    import jax
    _d = setup_inputs()
    print(jax.jit(kernel)(*tuple(_d.values())))

</pallas_src>

<mosaic_0001>
#map = affine_map<(d0, d1) -> (0, 0)>
#map1 = affine_map<(d0, d1) -> (0, 0, 0)>
module attributes {stable_mosaic.version = 14 : i64} {
  func.func @_gather_body(%arg0: i32, %arg1: i32, %arg2: memref<4x4096xi32, #tpu.memory_space<hbm>>, %arg3: memref<4x4096xi32, #tpu.memory_space<hbm>>, %arg4: memref<589824x96xf32, #tpu.memory_space<hbm>>, %arg5: memref<4x2048x96xf32, #tpu.memory_space<hbm>>, %arg6: memref<256xi32, #tpu.memory_space<vmem>>, %arg7: memref<256xi32, #tpu.memory_space<vmem>>, %arg8: memref<2x128xi32, #tpu.memory_space<vmem>>, %arg9: memref<128xi32, #tpu.memory_space<vmem>>, %arg10: memref<128xi32, #tpu.memory_space<vmem>>, %arg11: memref<128x96xf32, #tpu.memory_space<vmem>>, %arg12: memref<2112xi32, #tpu.memory_space<vmem_shared>>, %arg13: memref<!tpu.dma_semaphore, #tpu.memory_space<semaphore_mem>>) attributes {dimension_semantics = [#tpu.dimension_semantics<core_parallel>, #tpu.dimension_semantics<subcore_parallel>], iteration_bounds = array<i64: 2, 16>, scalar_prefetch = 0 : i64, scratch_operands = 8 : i64, tpu.core_type = #tpu.core_type<sc_vector_subcore>, window_params = [{transform_indices = #map}, {transform_indices = #map}, {transform_indices = #map}, {transform_indices = #map1}]} {
    %broadcast_in_dim3A = arith.constant 0 : i32
    %broadcast_in_dim3A_0 = vector.broadcast %broadcast_in_dim3A : i32 to vector<16xi32>
    %swap3A = arith.constant 0 : index
    %swap3A_1 = tpu.vector_load %arg10[%swap3A] {strides = array<i32>} : memref<128xi32, #tpu.memory_space<vmem>>, vector<16xi32>,
    tpu.vector_store %arg10[%swap3A], %broadcast_in_dim3A_0 {strides = array<i32>} : memref<128xi32, #tpu.memory_space<vmem>>, vector<16xi32>,
    %broadcast_in_dim3A_2 = arith.constant 0 : i32
    %broadcast_in_dim3A_3 = vector.broadcast %broadcast_in_dim3A_2 : i32 to vector<16xi32>
    %swap3A_4 = arith.constant 16 : index
    %swap3A_5 = tpu.vector_load %arg10[%swap3A_4] {strides = array<i32>} : memref<128xi32, #tpu.memory_space<vmem>>, vector<16xi32>,
    tpu.vector_store %arg10[%swap3A_4], %broadcast_in_dim3A_3 {strides = array<i32>} : memref<128xi32, #tpu.memory_space<vmem>>, vector<16xi32>,
    %broadcast_in_dim3A_6 = arith.constant 0 : i32
    %broadcast_in_dim3A_7 = vector.broadcast %broadcast_in_dim3A_6 : i32 to vector<16xi32>
    %swap3A_8 = arith.constant 32 : index
    %swap3A_9 = tpu.vector_load %arg10[%swap3A_8] {strides = array<i32>} : memref<128xi32, #tpu.memory_space<vmem>>, vector<16xi32>,
    tpu.vector_store %arg10[%swap3A_8], %broadcast_in_dim3A_7 {strides = array<i32>} : memref<128xi32, #tpu.memory_space<vmem>>, vector<16xi32>,
    %broadcast_in_dim3A_10 = arith.constant 0 : i32
    %broadcast_in_dim3A_11 = vector.broadcast %broadcast_in_dim3A_10 : i32 to vector<16xi32>
    %swap3A_12 = arith.constant 48 : index
    %swap3A_13 = tpu.vector_load %arg10[%swap3A_12] {strides = array<i32>} : memref<128xi32, #tpu.memory_space<vmem>>, vector<16xi32>,
    tpu.vector_store %arg10[%swap3A_12], %broadcast_in_dim3A_11 {strides = array<i32>} : memref<128xi32, #tpu.memory_space<vmem>>, vector<16xi32>,
    %broadcast_in_dim3A_14 = arith.constant 0 : i32
    %broadcast_in_dim3A_15 = vector.broadcast %broadcast_in_dim3A_14 : i32 to vector<16xi32>
    %swap3A_16 = arith.constant 64 : index
    %swap3A_17 = tpu.vector_load %arg10[%swap3A_16] {strides = array<i32>} : memref<128xi32, #tpu.memory_space<vmem>>, vector<16xi32>,
    tpu.vector_store %arg10[%swap3A_16], %broadcast_in_dim3A_15 {strides = array<i32>} : memref<128xi32, #tpu.memory_space<vmem>>, vector<16xi32>,
    %broadcast_in_dim3A_18 = arith.constant 0 : i32
    %broadcast_in_dim3A_19 = vector.broadcast %broadcast_in_dim3A_18 : i32 to vector<16xi32>
    %swap3A_20 = arith.constant 80 : index
    %swap3A_21 = tpu.vector_load %arg10[%swap3A_20] {strides = array<i32>} : memref<128xi32, #tpu.memory_space<vmem>>, vector<16xi32>,
    tpu.vector_store %arg10[%swap3A_20], %broadcast_in_dim3A_19 {strides = array<i32>} : memref<128xi32, #tpu.memory_space<vmem>>, vector<16xi32>,
    %broadcast_in_dim3A_22 = arith.constant 0 : i32
    %broadcast_in_dim3A_23 = vector.broadcast %broadcast_in_dim3A_22 : i32 to vector<16xi32>
    %swap3A_24 = arith.constant 96 : index
    %swap3A_25 = tpu.vector_load %arg10[%swap3A_24] {strides = array<i32>} : memref<128xi32, #tpu.memory_space<vmem>>, vector<16xi32>,
    tpu.vector_store %arg10[%swap3A_24], %broadcast_in_dim3A_23 {strides = array<i32>} : memref<128xi32, #tpu.memory_space<vmem>>, vector<16xi32>,
    %broadcast_in_dim3A_26 = arith.constant 0 : i32
    %broadcast_in_dim3A_27 = vector.broadcast %broadcast_in_dim3A_26 : i32 to vector<16xi32>
    %swap3A_28 = arith.constant 112 : index
    %swap3A_29 = tpu.vector_load %arg10[%swap3A_28] {strides = array<i32>} : memref<128xi32, #tpu.memory_space<vmem>>, vector<16xi32>,
    tpu.vector_store %arg10[%swap3A_28], %broadcast_in_dim3A_27 {strides = array<i32>} : memref<128xi32, #tpu.memory_space<vmem>>, vector<16xi32>,
    %scan3A = arith.constant 0 : i32
    %scan3A_30 = arith.constant 0 : i32
    %scan3A_31 = arith.constant 2 : i32
    %scan3A_32 = arith.addi %scan3A_30, %scan3A_31 : i32
    %scan3A_33 = arith.constant 1 : i32
    %scan3A_34 = scf.for %scan3A_36 = %scan3A_30 to %scan3A_32 step %scan3A_33 iter_args(%scan3A_37 = %scan3A) -> (i32)  : i32 {
      %mul3A = arith.constant 2 : i32
      %mul3A_38 = arith.muli %arg0, %mul3A : i32
      %add3A = arith.addi %mul3A_38, %scan3A_36 : i32
      %mul3A_39 = arith.constant 128 : i32
      %mul3A_40 = arith.muli %arg1, %mul3A_39 : i32
      "tpu.region"() ({
        %run_scoped3A_247 = tpu.sem_alloc : memref<!tpu.dma_semaphore, #tpu.memory_space<semaphore_mem>>
        %dma_start3A_248 = tpu.memref_slice %arg12[%mul3A_40] : memref<2112xi32, #tpu.memory_space<vmem_shared>> -> memref<128xi32, #tpu.memory_space<vmem_shared>>
        %dma_start3A_249 = tpu.memref_slice %arg12[%mul3A_40] : memref<2112xi32, #tpu.memory_space<vmem_shared>> -> memref<128xi32, #tpu.memory_space<vmem_shared>>
        tpu.enqueue_dma source(%arg10 : memref<128xi32, #tpu.memory_space<vmem>>) target(%dma_start3A_249 : memref<128xi32, #tpu.memory_space<vmem_shared>>) target_semaphore(%run_scoped3A_247 : memref<!tpu.dma_semaphore, #tpu.memory_space<semaphore_mem>>)
        %dma_wait3A_250 = tpu.memref_slice %arg12[%mul3A_40] : memref<2112xi32, #tpu.memory_space<vmem_shared>> -> memref<128xi32, #tpu.memory_space<vmem_shared>>
        %dma_wait3A_251 = tpu.memref_slice %arg12[%mul3A_40] : memref<2112xi32, #tpu.memory_space<vmem_shared>> -> memref<128xi32, #tpu.memory_space<vmem_shared>>
        tpu.wait_dma2 semaphore(%run_scoped3A_247 : memref<!tpu.dma_semaphore, #tpu.memory_space<semaphore_mem>>) src(%arg10 : memref<128xi32, #tpu.memory_space<vmem>>) dst(%dma_wait3A_251 : memref<128xi32, #tpu.memory_space<vmem_shared>>)
        tpu.yield
      }) : () -> ()
      %eq3A = arith.constant 0 : i32
      %eq3A_41 = arith.cmpi eq, %arg1, %eq3A : i32
      %convert_element_type3A = arith.extui %eq3A_41 : i1 to i32
      %cond3A = arith.constant 0 : i32
      %cond3A_42 = arith.cmpi ne, %convert_element_type3A, %cond3A : i32
      scf.if %cond3A_42 {
        "tpu.region"() ({
          %run_scoped3A_247 = tpu.sem_alloc : memref<!tpu.dma_semaphore, #tpu.memory_space<semaphore_mem>>
          %dma_start3A_248 = arith.constant 0 : i32
          %dma_start3A_249 = tpu.memref_slice %arg10[%dma_start3A_248] : memref<128xi32, #tpu.memory_space<vmem>> -> memref<64xi32, #tpu.memory_space<vmem>>
          %dma_start3A_250 = arith.constant 2048 : i32
          %dma_start3A_251 = tpu.memref_slice %arg12[%dma_start3A_250] : memref<2112xi32, #tpu.memory_space<vmem_shared>> -> memref<64xi32, #tpu.memory_space<vmem_shared>>
          %dma_start3A_252 = arith.constant 2048 : i32
          %dma_start3A_253 = tpu.memref_slice %arg12[%dma_start3A_252] : memref<2112xi32, #tpu.memory_space<vmem_shared>> -> memref<64xi32, #tpu.memory_space<vmem_shared>>
          %dma_start3A_254 = arith.constant 0 : i32
          %dma_start3A_255 = tpu.memref_slice %arg10[%dma_start3A_254] : memref<128xi32, #tpu.memory_space<vmem>> -> memref<64xi32, #tpu.memory_space<vmem>>
          tpu.enqueue_dma source(%dma_start3A_255 : memref<64xi32, #tpu.memory_space<vmem>>) target(%dma_start3A_253 : memref<64xi32, #tpu.memory_space<vmem_shared>>) target_semaphore(%run_scoped3A_247 : memref<!tpu.dma_semaphore, #tpu.memory_space<semaphore_mem>>)
          %dma_wait3A_256 = arith.constant 0 : i32
          %dma_wait3A_257 = tpu.memref_slice %arg10[%dma_wait3A_256] : memref<128xi32, #tpu.memory_space<vmem>> -> memref<64xi32, #tpu.memory_space<vmem>>
          %dma_wait3A_258 = arith.constant 2048 : i32
          %dma_wait3A_259 = tpu.memref_slice %arg12[%dma_wait3A_258] : memref<2112xi32, #tpu.memory_space<vmem_shared>> -> memref<64xi32, #tpu.memory_space<vmem_shared>>
          %dma_wait3A_260 = arith.constant 2048 : i32
          %dma_wait3A_261 = tpu.memref_slice %arg12[%dma_wait3A_260] : memref<2112xi32, #tpu.memory_space<vmem_shared>> -> memref<64xi32, #tpu.memory_space<vmem_shared>>
          %dma_wait3A_262 = arith.constant 0 : i32
          %dma_wait3A_263 = tpu.memref_slice %arg10[%dma_wait3A_262] : memref<128xi32, #tpu.memory_space<vmem>> -> memref<64xi32, #tpu.memory_space<vmem>>
          tpu.wait_dma2 semaphore(%run_scoped3A_247 : memref<!tpu.dma_semaphore, #tpu.memory_space<semaphore_mem>>) src(%dma_wait3A_263 : memref<64xi32, #tpu.memory_space<vmem>>) dst(%dma_wait3A_261 : memref<64xi32, #tpu.memory_space<vmem_shared>>)
          tpu.yield
        }) : () -> ()
      } else {
      }
      %mul3A_43 = arith.constant 256 : i32
      %mul3A_44 = arith.muli %arg1, %mul3A_43 : i32
      "tpu.region"() ({
        %run_scoped3A_247 = tpu.sem_alloc : memref<!tpu.dma_semaphore, #tpu.memory_space<semaphore_mem>>
        %dma_start3A_248 = tpu.memref_slice %arg2[%add3A, %mul3A_44] : memref<4x4096xi32, #tpu.memory_space<hbm>> -> memref<1x256xi32, #tpu.memory_space<hbm>>
        %dma_start3A_249 = tpu.memref_squeeze %dma_start3A_248 : memref<1x256xi32, #tpu.memory_space<hbm>> -> memref<256xi32, #tpu.memory_space<hbm>>
        %dma_start3A_250 = tpu.memref_slice %arg2[%add3A, %mul3A_44] : memref<4x4096xi32, #tpu.memory_space<hbm>> -> memref<1x256xi32, #tpu.memory_space<hbm>>
        %dma_start3A_251 = tpu.memref_squeeze %dma_start3A_250 : memref<1x256xi32, #tpu.memory_space<hbm>> -> memref<256xi32, #tpu.memory_space<hbm>>
        tpu.enqueue_dma source(%dma_start3A_251 : memref<256xi32, #tpu.memory_space<hbm>>) target(%arg6 : memref<256xi32, #tpu.memory_space<vmem>>) target_semaphore(%run_scoped3A_247 : memref<!tpu.dma_semaphore, #tpu.memory_space<semaphore_mem>>)
        %dma_wait3A_252 = tpu.memref_slice %arg2[%add3A, %mul3A_44] : memref<4x4096xi32, #tpu.memory_space<hbm>> -> memref<1x256xi32, #tpu.memory_space<hbm>>
        %dma_wait3A_253 = tpu.memref_squeeze %dma_wait3A_252 : memref<1x256xi32, #tpu.memory_space<hbm>> -> memref<256xi32, #tpu.memory_space<hbm>>
        %dma_wait3A_254 = tpu.memref_slice %arg2[%add3A, %mul3A_44] : memref<4x4096xi32, #tpu.memory_space<hbm>> -> memref<1x256xi32, #tpu.memory_space<hbm>>
        %dma_wait3A_255 = tpu.memref_squeeze %dma_wait3A_254 : memref<1x256xi32, #tpu.memory_space<hbm>> -> memref<256xi32, #tpu.memory_space<hbm>>
        tpu.wait_dma2 semaphore(%run_scoped3A_247 : memref<!tpu.dma_semaphore, #tpu.memory_space<semaphore_mem>>) src(%dma_wait3A_255 : memref<256xi32, #tpu.memory_space<hbm>>) dst(%arg6 : memref<256xi32, #tpu.memory_space<vmem>>)
        tpu.yield
      }) : () -> ()
      %mul3A_45 = arith.constant 256 : i32
      %mul3A_46 = arith.muli %arg1, %mul3A_45 : i32
      "tpu.region"() ({
        %run_scoped3A_247 = tpu.sem_alloc : memref<!tpu.dma_semaphore, #tpu.memory_space<semaphore_mem>>
        %dma_start3A_248 = tpu.memref_slice %arg3[%add3A, %mul3A_46] : memref<4x4096xi32, #tpu.memory_space<hbm>> -> memref<1x256xi32, #tpu.memory_space<hbm>>
        %dma_start3A_249 = tpu.memref_squeeze %dma_start3A_248 : memref<1x256xi32, #tpu.memory_space<hbm>> -> memref<256xi32, #tpu.memory_space<hbm>>
        %dma_start3A_250 = tpu.memref_slice %arg3[%add3A, %mul3A_46] : memref<4x4096xi32, #tpu.memory_space<hbm>> -> memref<1x256xi32, #tpu.memory_space<hbm>>
        %dma_start3A_251 = tpu.memref_squeeze %dma_start3A_250 : memref<1x256xi32, #tpu.memory_space<hbm>> -> memref<256xi32, #tpu.memory_space<hbm>>
        tpu.enqueue_dma source(%dma_start3A_251 : memref<256xi32, #tpu.memory_space<hbm>>) target(%arg7 : memref<256xi32, #tpu.memory_space<vmem>>) target_semaphore(%run_scoped3A_247 : memref<!tpu.dma_semaphore, #tpu.memory_space<semaphore_mem>>)
        %dma_wait3A_252 = tpu.memref_slice %arg3[%add3A, %mul3A_46] : memref<4x4096xi32, #tpu.memory_space<hbm>> -> memref<1x256xi32, #tpu.memory_space<hbm>>
        %dma_wait3A_253 = tpu.memref_squeeze %dma_wait3A_252 : memref<1x256xi32, #tpu.memory_space<hbm>> -> memref<256xi32, #tpu.memory_space<hbm>>
        %dma_wait3A_254 = tpu.memref_slice %arg3[%add3A, %mul3A_46] : memref<4x4096xi32, #tpu.memory_space<hbm>> -> memref<1x256xi32, #tpu.memory_space<hbm>>
        %dma_wait3A_255 = tpu.memref_squeeze %dma_wait3A_254 : memref<1x256xi32, #tpu.memory_space<hbm>> -> memref<256xi32, #tpu.memory_space<hbm>>
        tpu.wait_dma2 semaphore(%run_scoped3A_247 : memref<!tpu.dma_semaphore, #tpu.memory_space<semaphore_mem>>) src(%dma_wait3A_255 : memref<256xi32, #tpu.memory_space<hbm>>) dst(%arg7 : memref<256xi32, #tpu.memory_space<vmem>>)
        tpu.yield
      }) : () -> ()
      %get3A = arith.constant 0 : index
      %get3A_47 = tpu.vector_load %arg7[%get3A] {strides = array<i32>} : memref<256xi32, #tpu.memory_space<vmem>>, vector<16xi32>,
      %lt3A = arith.constant 2048 : i32
      %lt3A_48 = vector.broadcast %lt3A : i32 to vector<16xi32>
      %lt3A_49 = arith.cmpi slt, %get3A_47, %lt3A_48 : vector<16xi32>
      %jit3A = arith.constant 2048 : i32
      %broadcast_in_dim3A_50 = vector.broadcast %jit3A : i32 to vector<16xi32>
      %select_n3A = arith.select %lt3A_49, %get3A_47, %broadcast_in_dim3A_50 : vector<16xi1>, vector<16xi32>
      %swap3A_51 = arith.constant 0 : i32
      %swap3A_52 = arith.index_cast %swap3A_51 : i32 to index
      %swap3A_53 = arith.constant 0 : index
      %swap3A_54 = tpu.vector_load %arg8[%swap3A_52, %swap3A_53] {strides = array<i32>} : memref<2x128xi32, #tpu.memory_space<vmem>>, vector<16xi32>,
      tpu.vector_store %arg8[%swap3A_52, %swap3A_53], %select_n3A {strides = array<i32>} : memref<2x128xi32, #tpu.memory_space<vmem>>, vector<16xi32>,
      %get3A_55 = arith.constant 16 : index
      %get3A_56 = tpu.vector_load %arg7[%get3A_55] {strides = array<i32>} : memref<256xi32, #tpu.memory_space<vmem>>, vector<16xi32>,
      %lt3A_57 = arith.constant 2048 : i32
      %lt3A_58 = vector.broadcast %lt3A_57 : i32 to vector<16xi32>
      %lt3A_59 = arith.cmpi slt, %get3A_56, %lt3A_58 : vector<16xi32>
      %jit3A_60 = arith.constant 2048 : i32
      %broadcast_in_dim3A_61 = vector.broadcast %jit3A_60 : i32 to vector<16xi32>
      %select_n3A_62 = arith.select %lt3A_59, %get3A_56, %broadcast_in_dim3A_61 : vector<16xi1>, vector<16xi32>
      %swap3A_63 = arith.constant 0 : i32
      %swap3A_64 = arith.index_cast %swap3A_63 : i32 to index
      %swap3A_65 = arith.constant 16 : index
      %swap3A_66 = tpu.vector_load %arg8[%swap3A_64, %swap3A_65] {strides = array<i32>} : memref<2x128xi32, #tpu.memory_space<vmem>>, vector<16xi32>,
      tpu.vector_store %arg8[%swap3A_64, %swap3A_65], %select_n3A_62 {strides = array<i32>} : memref<2x128xi32, #tpu.memory_space<vmem>>, vector<16xi32>,
      %get3A_67 = arith.constant 32 : index
      %get3A_68 = tpu.vector_load %arg7[%get3A_67] {strides = array<i32>} : memref<256xi32, #tpu.memory_space<vmem>>, vector<16xi32>,
      %lt3A_69 = arith.constant 2048 : i32
      %lt3A_70 = vector.broadcast %lt3A_69 : i32 to vector<16xi32>
      %lt3A_71 = arith.cmpi slt, %get3A_68, %lt3A_70 : vector<16xi32>
      %jit3A_72 = arith.constant 2048 : i32
      %broadcast_in_dim3A_73 = vector.broadcast %jit3A_72 : i32 to vector<16xi32>
      %select_n3A_74 = arith.select %lt3A_71, %get3A_68, %broadcast_in_dim3A_73 : vector<16xi1>, vector<16xi32>
      %swap3A_75 = arith.constant 0 : i32
      %swap3A_76 = arith.index_cast %swap3A_75 : i32 to index
      %swap3A_77 = arith.constant 32 : index
      %swap3A_78 = tpu.vector_load %arg8[%swap3A_76, %swap3A_77] {strides = array<i32>} : memref<2x128xi32, #tpu.memory_space<vmem>>, vector<16xi32>,
      tpu.vector_store %arg8[%swap3A_76, %swap3A_77], %select_n3A_74 {strides = array<i32>} : memref<2x128xi32, #tpu.memory_space<vmem>>, vector<16xi32>,
      %get3A_79 = arith.constant 48 : index
      %get3A_80 = tpu.vector_load %arg7[%get3A_79] {strides = array<i32>} : memref<256xi32, #tpu.memory_space<vmem>>, vector<16xi32>,
      %lt3A_81 = arith.constant 2048 : i32
      %lt3A_82 = vector.broadcast %lt3A_81 : i32 to vector<16xi32>
      %lt3A_83 = arith.cmpi slt, %get3A_80, %lt3A_82 : vector<16xi32>
      %jit3A_84 = arith.constant 2048 : i32
      %broadcast_in_dim3A_85 = vector.broadcast %jit3A_84 : i32 to vector<16xi32>
      %select_n3A_86 = arith.select %lt3A_83, %get3A_80, %broadcast_in_dim3A_85 : vector<16xi1>, vector<16xi32>
      %swap3A_87 = arith.constant 0 : i32
      %swap3A_88 = arith.index_cast %swap3A_87 : i32 to index
      %swap3A_89 = arith.constant 48 : index
      %swap3A_90 = tpu.vector_load %arg8[%swap3A_88, %swap3A_89] {strides = array<i32>} : memref<2x128xi32, #tpu.memory_space<vmem>>, vector<16xi32>,
      tpu.vector_store %arg8[%swap3A_88, %swap3A_89], %select_n3A_86 {strides = array<i32>} : memref<2x128xi32, #tpu.memory_space<vmem>>, vector<16xi32>,
      %get3A_91 = arith.constant 64 : index
      %get3A_92 = tpu.vector_load %arg7[%get3A_91] {strides = array<i32>} : memref<256xi32, #tpu.memory_space<vmem>>, vector<16xi32>,
      %lt3A_93 = arith.constant 2048 : i32
      %lt3A_94 = vector.broadcast %lt3A_93 : i32 to vector<16xi32>
      %lt3A_95 = arith.cmpi slt, %get3A_92, %lt3A_94 : vector<16xi32>
      %jit3A_96 = arith.constant 2048 : i32
      %broadcast_in_dim3A_97 = vector.broadcast %jit3A_96 : i32 to vector<16xi32>
      %select_n3A_98 = arith.select %lt3A_95, %get3A_92, %broadcast_in_dim3A_97 : vector<16xi1>, vector<16xi32>
      %swap3A_99 = arith.constant 0 : i32
      %swap3A_100 = arith.index_cast %swap3A_99 : i32 to index
      %swap3A_101 = arith.constant 64 : index
      %swap3A_102 = tpu.vector_load %arg8[%swap3A_100, %swap3A_101] {strides = array<i32>} : memref<2x128xi32, #tpu.memory_space<vmem>>, vector<16xi32>,
      tpu.vector_store %arg8[%swap3A_100, %swap3A_101], %select_n3A_98 {strides = array<i32>} : memref<2x128xi32, #tpu.memory_space<vmem>>, vector<16xi32>,
      %get3A_103 = arith.constant 80 : index
      %get3A_104 = tpu.vector_load %arg7[%get3A_103] {strides = array<i32>} : memref<256xi32, #tpu.memory_space<vmem>>, vector<16xi32>,
      %lt3A_105 = arith.constant 2048 : i32
      %lt3A_106 = vector.broadcast %lt3A_105 : i32 to vector<16xi32>
      %lt3A_107 = arith.cmpi slt, %get3A_104, %lt3A_106 : vector<16xi32>
      %jit3A_108 = arith.constant 2048 : i32
      %broadcast_in_dim3A_109 = vector.broadcast %jit3A_108 : i32 to vector<16xi32>
      %select_n3A_110 = arith.select %lt3A_107, %get3A_104, %broadcast_in_dim3A_109 : vector<16xi1>, vector<16xi32>
      %swap3A_111 = arith.constant 0 : i32
      %swap3A_112 = arith.index_cast %swap3A_111 : i32 to index
      %swap3A_113 = arith.constant 80 : index
      %swap3A_114 = tpu.vector_load %arg8[%swap3A_112, %swap3A_113] {strides = array<i32>} : memref<2x128xi32, #tpu.memory_space<vmem>>, vector<16xi32>,
      tpu.vector_store %arg8[%swap3A_112, %swap3A_113], %select_n3A_110 {strides = array<i32>} : memref<2x128xi32, #tpu.memory_space<vmem>>, vector<16xi32>,
      %get3A_115 = arith.constant 96 : index
      %get3A_116 = tpu.vector_load %arg7[%get3A_115] {strides = array<i32>} : memref<256xi32, #tpu.memory_space<vmem>>, vector<16xi32>,
      %lt3A_117 = arith.constant 2048 : i32
      %lt3A_118 = vector.broadcast %lt3A_117 : i32 to vector<16xi32>
      %lt3A_119 = arith.cmpi slt, %get3A_116, %lt3A_118 : vector<16xi32>
      %jit3A_120 = arith.constant 2048 : i32
      %broadcast_in_dim3A_121 = vector.broadcast %jit3A_120 : i32 to vector<16xi32>
      %select_n3A_122 = arith.select %lt3A_119, %get3A_116, %broadcast_in_dim3A_121 : vector<16xi1>, vector<16xi32>
      %swap3A_123 = arith.constant 0 : i32
      %swap3A_124 = arith.index_cast %swap3A_123 : i32 to index
      %swap3A_125 = arith.constant 96 : index
      %swap3A_126 = tpu.vector_load %arg8[%swap3A_124, %swap3A_125] {strides = array<i32>} : memref<2x128xi32, #tpu.memory_space<vmem>>, vector<16xi32>,
      tpu.vector_store %arg8[%swap3A_124, %swap3A_125], %select_n3A_122 {strides = array<i32>} : memref<2x128xi32, #tpu.memory_space<vmem>>, vector<16xi32>,
      %get3A_127 = arith.constant 112 : index
      %get3A_128 = tpu.vector_load %arg7[%get3A_127] {strides = array<i32>} : memref<256xi32, #tpu.memory_space<vmem>>, vector<16xi32>,
      %lt3A_129 = arith.constant 2048 : i32
      %lt3A_130 = vector.broadcast %lt3A_129 : i32 to vector<16xi32>
      %lt3A_131 = arith.cmpi slt, %get3A_128, %lt3A_130 : vector<16xi32>
      %jit3A_132 = arith.constant 2048 : i32
      %broadcast_in_dim3A_133 = vector.broadcast %jit3A_132 : i32 to vector<16xi32>
      %select_n3A_134 = arith.select %lt3A_131, %get3A_128, %broadcast_in_dim3A_133 : vector<16xi1>, vector<16xi32>
      %swap3A_135 = arith.constant 0 : i32
      %swap3A_136 = arith.index_cast %swap3A_135 : i32 to index
      %swap3A_137 = arith.constant 112 : index
      %swap3A_138 = tpu.vector_load %arg8[%swap3A_136, %swap3A_137] {strides = array<i32>} : memref<2x128xi32, #tpu.memory_space<vmem>>, vector<16xi32>,
      tpu.vector_store %arg8[%swap3A_136, %swap3A_137], %select_n3A_134 {strides = array<i32>} : memref<2x128xi32, #tpu.memory_space<vmem>>, vector<16xi32>,
      %get3A_139 = arith.constant 128 : index
      %get3A_140 = tpu.vector_load %arg7[%get3A_139] {strides = array<i32>} : memref<256xi32, #tpu.memory_space<vmem>>, vector<16xi32>,
      %lt3A_141 = arith.constant 2048 : i32
      %lt3A_142 = vector.broadcast %lt3A_141 : i32 to vector<16xi32>
      %lt3A_143 = arith.cmpi slt, %get3A_140, %lt3A_142 : vector<16xi32>
      %jit3A_144 = arith.constant 2048 : i32
      %broadcast_in_dim3A_145 = vector.broadcast %jit3A_144 : i32 to vector<16xi32>
      %select_n3A_146 = arith.select %lt3A_143, %get3A_140, %broadcast_in_dim3A_145 : vector<16xi1>, vector<16xi32>
      %swap3A_147 = arith.constant 1 : i32
      %swap3A_148 = arith.index_cast %swap3A_147 : i32 to index
      %swap3A_149 = arith.constant 0 : index
      %swap3A_150 = tpu.vector_load %arg8[%swap3A_148, %swap3A_149] {strides = array<i32>} : memref<2x128xi32, #tpu.memory_space<vmem>>, vector<16xi32>,
      tpu.vector_store %arg8[%swap3A_148, %swap3A_149], %select_n3A_146 {strides = array<i32>} : memref<2x128xi32, #tpu.memory_space<vmem>>, vector<16xi32>,
      %get3A_151 = arith.constant 144 : index
      %get3A_152 = tpu.vector_load %arg7[%get3A_151] {strides = array<i32>} : memref<256xi32, #tpu.memory_space<vmem>>, vector<16xi32>,
      %lt3A_153 = arith.constant 2048 : i32
      %lt3A_154 = vector.broadcast %lt3A_153 : i32 to vector<16xi32>
      %lt3A_155 = arith.cmpi slt, %get3A_152, %lt3A_154 : vector<16xi32>
      %jit3A_156 = arith.constant 2048 : i32
      %broadcast_in_dim3A_157 = vector.broadcast %jit3A_156 : i32 to vector<16xi32>
      %select_n3A_158 = arith.select %lt3A_155, %get3A_152, %broadcast_in_dim3A_157 : vector<16xi1>, vector<16xi32>
      %swap3A_159 = arith.constant 1 : i32
      %swap3A_160 = arith.index_cast %swap3A_159 : i32 to index
      %swap3A_161 = arith.constant 16 : index
      %swap3A_162 = tpu.vector_load %arg8[%swap3A_160, %swap3A_161] {strides = array<i32>} : memref<2x128xi32, #tpu.memory_space<vmem>>, vector<16xi32>,
      tpu.vector_store %arg8[%swap3A_160, %swap3A_161], %select_n3A_158 {strides = array<i32>} : memref<2x128xi32, #tpu.memory_space<vmem>>, vector<16xi32>,
      %get3A_163 = arith.constant 160 : index
      %get3A_164 = tpu.vector_load %arg7[%get3A_163] {strides = array<i32>} : memref<256xi32, #tpu.memory_space<vmem>>, vector<16xi32>,
      %lt3A_165 = arith.constant 2048 : i32
      %lt3A_166 = vector.broadcast %lt3A_165 : i32 to vector<16xi32>
      %lt3A_167 = arith.cmpi slt, %get3A_164, %lt3A_166 : vector<16xi32>
      %jit3A_168 = arith.constant 2048 : i32
      %broadcast_in_dim3A_169 = vector.broadcast %jit3A_168 : i32 to vector<16xi32>
      %select_n3A_170 = arith.select %lt3A_167, %get3A_164, %broadcast_in_dim3A_169 : vector<16xi1>, vector<16xi32>
      %swap3A_171 = arith.constant 1 : i32
      %swap3A_172 = arith.index_cast %swap3A_171 : i32 to index
      %swap3A_173 = arith.constant 32 : index
      %swap3A_174 = tpu.vector_load %arg8[%swap3A_172, %swap3A_173] {strides = array<i32>} : memref<2x128xi32, #tpu.memory_space<vmem>>, vector<16xi32>,
      tpu.vector_store %arg8[%swap3A_172, %swap3A_173], %select_n3A_170 {strides = array<i32>} : memref<2x128xi32, #tpu.memory_space<vmem>>, vector<16xi32>,
      %get3A_175 = arith.constant 176 : index
      %get3A_176 = tpu.vector_load %arg7[%get3A_175] {strides = array<i32>} : memref<256xi32, #tpu.memory_space<vmem>>, vector<16xi32>,
      %lt3A_177 = arith.constant 2048 : i32
      %lt3A_178 = vector.broadcast %lt3A_177 : i32 to vector<16xi32>
      %lt3A_179 = arith.cmpi slt, %get3A_176, %lt3A_178 : vector<16xi32>
      %jit3A_180 = arith.constant 2048 : i32
      %broadcast_in_dim3A_181 = vector.broadcast %jit3A_180 : i32 to vector<16xi32>
      %select_n3A_182 = arith.select %lt3A_179, %get3A_176, %broadcast_in_dim3A_181 : vector<16xi1>, vector<16xi32>
      %swap3A_183 = arith.constant 1 : i32
      %swap3A_184 = arith.index_cast %swap3A_183 : i32 to index
      %swap3A_185 = arith.constant 48 : index
      %swap3A_186 = tpu.vector_load %arg8[%swap3A_184, %swap3A_185] {strides = array<i32>} : memref<2x128xi32, #tpu.memory_space<vmem>>, vector<16xi32>,
      tpu.vector_store %arg8[%swap3A_184, %swap3A_185], %select_n3A_182 {strides = array<i32>} : memref<2x128xi32, #tpu.memory_space<vmem>>, vector<16xi32>,
      %get3A_187 = arith.constant 192 : index
      %get3A_188 = tpu.vector_load %arg7[%get3A_187] {strides = array<i32>} : memref<256xi32, #tpu.memory_space<vmem>>, vector<16xi32>,
      %lt3A_189 = arith.constant 2048 : i32
      %lt3A_190 = vector.broadcast %lt3A_189 : i32 to vector<16xi32>
      %lt3A_191 = arith.cmpi slt, %get3A_188, %lt3A_190 : vector<16xi32>
      %jit3A_192 = arith.constant 2048 : i32
      %broadcast_in_dim3A_193 = vector.broadcast %jit3A_192 : i32 to vector<16xi32>
      %select_n3A_194 = arith.select %lt3A_191, %get3A_188, %broadcast_in_dim3A_193 : vector<16xi1>, vector<16xi32>
      %swap3A_195 = arith.constant 1 : i32
      %swap3A_196 = arith.index_cast %swap3A_195 : i32 to index
      %swap3A_197 = arith.constant 64 : index
      %swap3A_198 = tpu.vector_load %arg8[%swap3A_196, %swap3A_197] {strides = array<i32>} : memref<2x128xi32, #tpu.memory_space<vmem>>, vector<16xi32>,
      tpu.vector_store %arg8[%swap3A_196, %swap3A_197], %select_n3A_194 {strides = array<i32>} : memref<2x128xi32, #tpu.memory_space<vmem>>, vector<16xi32>,
      %get3A_199 = arith.constant 208 : index
      %get3A_200 = tpu.vector_load %arg7[%get3A_199] {strides = array<i32>} : memref<256xi32, #tpu.memory_space<vmem>>, vector<16xi32>,
      %lt3A_201 = arith.constant 2048 : i32
      %lt3A_202 = vector.broadcast %lt3A_201 : i32 to vector<16xi32>
      %lt3A_203 = arith.cmpi slt, %get3A_200, %lt3A_202 : vector<16xi32>
      %jit3A_204 = arith.constant 2048 : i32
      %broadcast_in_dim3A_205 = vector.broadcast %jit3A_204 : i32 to vector<16xi32>
      %select_n3A_206 = arith.select %lt3A_203, %get3A_200, %broadcast_in_dim3A_205 : vector<16xi1>, vector<16xi32>
      %swap3A_207 = arith.constant 1 : i32
      %swap3A_208 = arith.index_cast %swap3A_207 : i32 to index
      %swap3A_209 = arith.constant 80 : index
      %swap3A_210 = tpu.vector_load %arg8[%swap3A_208, %swap3A_209] {strides = array<i32>} : memref<2x128xi32, #tpu.memory_space<vmem>>, vector<16xi32>,
      tpu.vector_store %arg8[%swap3A_208, %swap3A_209], %select_n3A_206 {strides = array<i32>} : memref<2x128xi32, #tpu.memory_space<vmem>>, vector<16xi32>,
      %get3A_211 = arith.constant 224 : index
      %get3A_212 = tpu.vector_load %arg7[%get3A_211] {strides = array<i32>} : memref<256xi32, #tpu.memory_space<vmem>>, vector<16xi32>,
      %lt3A_213 = arith.constant 2048 : i32
      %lt3A_214 = vector.broadcast %lt3A_213 : i32 to vector<16xi32>
      %lt3A_215 = arith.cmpi slt, %get3A_212, %lt3A_214 : vector<16xi32>
      %jit3A_216 = arith.constant 2048 : i32
      %broadcast_in_dim3A_217 = vector.broadcast %jit3A_216 : i32 to vector<16xi32>
      %select_n3A_218 = arith.select %lt3A_215, %get3A_212, %broadcast_in_dim3A_217 : vector<16xi1>, vector<16xi32>
      %swap3A_219 = arith.constant 1 : i32
      %swap3A_220 = arith.index_cast %swap3A_219 : i32 to index
      %swap3A_221 = arith.constant 96 : index
      %swap3A_222 = tpu.vector_load %arg8[%swap3A_220, %swap3A_221] {strides = array<i32>} : memref<2x128xi32, #tpu.memory_space<vmem>>, vector<16xi32>,
      tpu.vector_store %arg8[%swap3A_220, %swap3A_221], %select_n3A_218 {strides = array<i32>} : memref<2x128xi32, #tpu.memory_space<vmem>>, vector<16xi32>,
      %get3A_223 = arith.constant 240 : index
      %get3A_224 = tpu.vector_load %arg7[%get3A_223] {strides = array<i32>} : memref<256xi32, #tpu.memory_space<vmem>>, vector<16xi32>,
      %lt3A_225 = arith.constant 2048 : i32
      %lt3A_226 = vector.broadcast %lt3A_225 : i32 to vector<16xi32>
      %lt3A_227 = arith.cmpi slt, %get3A_224, %lt3A_226 : vector<16xi32>
      %jit3A_228 = arith.constant 2048 : i32
      %broadcast_in_dim3A_229 = vector.broadcast %jit3A_228 : i32 to vector<16xi32>
      %select_n3A_230 = arith.select %lt3A_227, %get3A_224, %broadcast_in_dim3A_229 : vector<16xi1>, vector<16xi32>
      %swap3A_231 = arith.constant 1 : i32
      %swap3A_232 = arith.index_cast %swap3A_231 : i32 to index
      %swap3A_233 = arith.constant 112 : index
      %swap3A_234 = tpu.vector_load %arg8[%swap3A_232, %swap3A_233] {strides = array<i32>} : memref<2x128xi32, #tpu.memory_space<vmem>>, vector<16xi32>,
      tpu.vector_store %arg8[%swap3A_232, %swap3A_233], %select_n3A_230 {strides = array<i32>} : memref<2x128xi32, #tpu.memory_space<vmem>>, vector<16xi32>,
      %barrier3A = arith.constant 0 : index
      tpu.barrier barrier_id(%barrier3A)
      %run_scoped3A = arith.constant 0 : i32
      "tpu.region"() ({
        %run_scoped3A_247 = tpu.sem_alloc : memref<!tpu.dma_semaphore, #tpu.memory_space<semaphore_mem>>
        %dma_start3A_248 = arith.constant 0 : i32
        %dma_start3A_249 = tpu.memref_slice %arg6[%dma_start3A_248] : memref<256xi32, #tpu.memory_space<vmem>> -> memref<128xi32, #tpu.memory_space<vmem>>
        %dma_start3A_250 = arith.constant 0 : i32
        %dma_start3A_251 = tpu.memref_slice %arg8[%run_scoped3A, %dma_start3A_250] : memref<2x128xi32, #tpu.memory_space<vmem>> -> memref<1x128xi32, #tpu.memory_space<vmem>>
        %dma_start3A_252 = tpu.memref_squeeze %dma_start3A_251 : memref<1x128xi32, #tpu.memory_space<vmem>> -> memref<128xi32, #tpu.memory_space<vmem>>
        %dma_start3A_253 = arith.constant 0 : i32
        %dma_start3A_254 = tpu.memref_slice %arg12[%dma_start3A_253] : memref<2112xi32, #tpu.memory_space<vmem_shared>> -> memref<2112xi32, #tpu.memory_space<vmem_shared>>
        tpu.enqueue_indirect_dma source(%dma_start3A_249 : memref<128xi32, #tpu.memory_space<vmem>>) target(%dma_start3A_254 : memref<2112xi32, #tpu.memory_space<vmem_shared>>) offsets(%dma_start3A_252 : memref<128xi32, #tpu.memory_space<vmem>>) semaphore(%run_scoped3A_247 : memref<!tpu.dma_semaphore, #tpu.memory_space<semaphore_mem>>)
        %dma_wait3A_255 = arith.constant 0 : i32
        %dma_wait3A_256 = tpu.memref_slice %arg6[%dma_wait3A_255] : memref<256xi32, #tpu.memory_space<vmem>> -> memref<128xi32, #tpu.memory_space<vmem>>
        %dma_wait3A_257 = arith.constant 0 : i32
        %dma_wait3A_258 = tpu.memref_slice %arg8[%run_scoped3A, %dma_wait3A_257] : memref<2x128xi32, #tpu.memory_space<vmem>> -> memref<1x128xi32, #tpu.memory_space<vmem>>
        %dma_wait3A_259 = tpu.memref_squeeze %dma_wait3A_258 : memref<1x128xi32, #tpu.memory_space<vmem>> -> memref<128xi32, #tpu.memory_space<vmem>>
        %dma_wait3A_260 = arith.constant 0 : i32
        %dma_wait3A_261 = tpu.memref_slice %arg12[%dma_wait3A_260] : memref<2112xi32, #tpu.memory_space<vmem_shared>> -> memref<2112xi32, #tpu.memory_space<vmem_shared>>
        tpu.wait_indirect_dma semaphore(%run_scoped3A_247 : memref<!tpu.dma_semaphore, #tpu.memory_space<semaphore_mem>>) src(%dma_wait3A_256 : memref<128xi32, #tpu.memory_space<vmem>>) dst(%dma_wait3A_261 : memref<2112xi32, #tpu.memory_space<vmem_shared>>)
        tpu.yield
      }) : () -> ()
      %run_scoped3A_235 = arith.constant 1 : i32
      "tpu.region"() ({
        %run_scoped3A_247 = tpu.sem_alloc : memref<!tpu.dma_semaphore, #tpu.memory_space<semaphore_mem>>
        %dma_start3A_248 = arith.constant 128 : i32
        %dma_start3A_249 = tpu.memref_slice %arg6[%dma_start3A_248] : memref<256xi32, #tpu.memory_space<vmem>> -> memref<128xi32, #tpu.memory_space<vmem>>
        %dma_start3A_250 = arith.constant 0 : i32
        %dma_start3A_251 = tpu.memref_slice %arg8[%run_scoped3A_235, %dma_start3A_250] : memref<2x128xi32, #tpu.memory_space<vmem>> -> memref<1x128xi32, #tpu.memory_space<vmem>>
        %dma_start3A_252 = tpu.memref_squeeze %dma_start3A_251 : memref<1x128xi32, #tpu.memory_space<vmem>> -> memref<128xi32, #tpu.memory_space<vmem>>
        %dma_start3A_253 = arith.constant 0 : i32
        %dma_start3A_254 = tpu.memref_slice %arg12[%dma_start3A_253] : memref<2112xi32, #tpu.memory_space<vmem_shared>> -> memref<2112xi32, #tpu.memory_space<vmem_shared>>
        tpu.enqueue_indirect_dma source(%dma_start3A_249 : memref<128xi32, #tpu.memory_space<vmem>>) target(%dma_start3A_254 : memref<2112xi32, #tpu.memory_space<vmem_shared>>) offsets(%dma_start3A_252 : memref<128xi32, #tpu.memory_space<vmem>>) semaphore(%run_scoped3A_247 : memref<!tpu.dma_semaphore, #tpu.memory_space<semaphore_mem>>)
        %dma_wait3A_255 = arith.constant 128 : i32
        %dma_wait3A_256 = tpu.memref_slice %arg6[%dma_wait3A_255] : memref<256xi32, #tpu.memory_space<vmem>> -> memref<128xi32, #tpu.memory_space<vmem>>
        %dma_wait3A_257 = arith.constant 0 : i32
        %dma_wait3A_258 = tpu.memref_slice %arg8[%run_scoped3A_235, %dma_wait3A_257] : memref<2x128xi32, #tpu.memory_space<vmem>> -> memref<1x128xi32, #tpu.memory_space<vmem>>
        %dma_wait3A_259 = tpu.memref_squeeze %dma_wait3A_258 : memref<1x128xi32, #tpu.memory_space<vmem>> -> memref<128xi32, #tpu.memory_space<vmem>>
        %dma_wait3A_260 = arith.constant 0 : i32
        %dma_wait3A_261 = tpu.memref_slice %arg12[%dma_wait3A_260] : memref<2112xi32, #tpu.memory_space<vmem_shared>> -> memref<2112xi32, #tpu.memory_space<vmem_shared>>
        tpu.wait_indirect_dma semaphore(%run_scoped3A_247 : memref<!tpu.dma_semaphore, #tpu.memory_space<semaphore_mem>>) src(%dma_wait3A_256 : memref<128xi32, #tpu.memory_space<vmem>>) dst(%dma_wait3A_261 : memref<2112xi32, #tpu.memory_space<vmem_shared>>)
        tpu.yield
      }) : () -> ()
      %barrier3A_236 = arith.constant 0 : index
      tpu.barrier barrier_id(%barrier3A_236)
      %mul3A_237 = arith.constant 128 : i32
      %mul3A_238 = arith.muli %arg1, %mul3A_237 : i32
      "tpu.region"() ({
        %run_scoped3A_247 = tpu.sem_alloc : memref<!tpu.dma_semaphore, #tpu.memory_space<semaphore_mem>>
        %dma_start3A_248 = tpu.memref_slice %arg12[%mul3A_238] : memref<2112xi32, #tpu.memory_space<vmem_shared>> -> memref<128xi32, #tpu.memory_space<vmem_shared>>
        %dma_start3A_249 = tpu.memref_slice %arg12[%mul3A_238] : memref<2112xi32, #tpu.memory_space<vmem_shared>> -> memref<128xi32, #tpu.memory_space<vmem_shared>>
        tpu.enqueue_dma source(%dma_start3A_249 : memref<128xi32, #tpu.memory_space<vmem_shared>>) target(%arg9 : memref<128xi32, #tpu.memory_space<vmem>>) target_semaphore(%run_scoped3A_247 : memref<!tpu.dma_semaphore, #tpu.memory_space<semaphore_mem>>)
        %dma_wait3A_250 = tpu.memref_slice %arg12[%mul3A_238] : memref<2112xi32, #tpu.memory_space<vmem_shared>> -> memref<128xi32, #tpu.memory_space<vmem_shared>>
        %dma_wait3A_251 = tpu.memref_slice %arg12[%mul3A_238] : memref<2112xi32, #tpu.memory_space<vmem_shared>> -> memref<128xi32, #tpu.memory_space<vmem_shared>>
        tpu.wait_dma2 semaphore(%run_scoped3A_247 : memref<!tpu.dma_semaphore, #tpu.memory_space<semaphore_mem>>) src(%dma_wait3A_251 : memref<128xi32, #tpu.memory_space<vmem_shared>>) dst(%arg9 : memref<128xi32, #tpu.memory_space<vmem>>)
        tpu.yield
      }) : () -> ()
      %dma_start3A = arith.constant 0 : i32
      %dma_start3A_239 = arith.constant 0 : i32
      %dma_start3A_240 = tpu.memref_slice %arg4[%dma_start3A, %dma_start3A_239] : memref<589824x96xf32, #tpu.memory_space<hbm>> -> memref<589824x96xf32, #tpu.memory_space<hbm>>
      tpu.enqueue_indirect_dma source(%dma_start3A_240 : memref<589824x96xf32, #tpu.memory_space<hbm>>) target(%arg11 : memref<128x96xf32, #tpu.memory_space<vmem>>) offsets(%arg9 : memref<128xi32, #tpu.memory_space<vmem>>) semaphore(%arg13 : memref<!tpu.dma_semaphore, #tpu.memory_space<semaphore_mem>>)
      %dma_wait3A = arith.constant 0 : i32
      %dma_wait3A_241 = arith.constant 0 : i32
      %dma_wait3A_242 = tpu.memref_slice %arg4[%dma_wait3A, %dma_wait3A_241] : memref<589824x96xf32, #tpu.memory_space<hbm>> -> memref<589824x96xf32, #tpu.memory_space<hbm>>
      tpu.wait_indirect_dma semaphore(%arg13 : memref<!tpu.dma_semaphore, #tpu.memory_space<semaphore_mem>>) src(%dma_wait3A_242 : memref<589824x96xf32, #tpu.memory_space<hbm>>) dst(%arg11 : memref<128x96xf32, #tpu.memory_space<vmem>>)
      %mul3A_243 = arith.constant 128 : i32
      %mul3A_244 = arith.muli %arg1, %mul3A_243 : i32
      "tpu.region"() ({
        %run_scoped3A_247 = tpu.sem_alloc : memref<!tpu.dma_semaphore, #tpu.memory_space<semaphore_mem>>
        %dma_start3A_248 = arith.constant 0 : i32
        %dma_start3A_249 = tpu.memref_slice %arg5[%add3A, %mul3A_244, %dma_start3A_248] : memref<4x2048x96xf32, #tpu.memory_space<hbm>> -> memref<1x128x96xf32, #tpu.memory_space<hbm>>
        %dma_start3A_250 = tpu.memref_squeeze %dma_start3A_249 : memref<1x128x96xf32, #tpu.memory_space<hbm>> -> memref<128x96xf32, #tpu.memory_space<hbm>>
        %dma_start3A_251 = arith.constant 0 : i32
        %dma_start3A_252 = tpu.memref_slice %arg5[%add3A, %mul3A_244, %dma_start3A_251] : memref<4x2048x96xf32, #tpu.memory_space<hbm>> -> memref<1x128x96xf32, #tpu.memory_space<hbm>>
        %dma_start3A_253 = tpu.memref_squeeze %dma_start3A_252 : memref<1x128x96xf32, #tpu.memory_space<hbm>> -> memref<128x96xf32, #tpu.memory_space<hbm>>
        tpu.enqueue_dma source(%arg11 : memref<128x96xf32, #tpu.memory_space<vmem>>) target(%dma_start3A_253 : memref<128x96xf32, #tpu.memory_space<hbm>>) target_semaphore(%run_scoped3A_247 : memref<!tpu.dma_semaphore, #tpu.memory_space<semaphore_mem>>)
        %dma_wait3A_254 = arith.constant 0 : i32
        %dma_wait3A_255 = tpu.memref_slice %arg5[%add3A, %mul3A_244, %dma_wait3A_254] : memref<4x2048x96xf32, #tpu.memory_space<hbm>> -> memref<1x128x96xf32, #tpu.memory_space<hbm>>
        %dma_wait3A_256 = tpu.memref_squeeze %dma_wait3A_255 : memref<1x128x96xf32, #tpu.memory_space<hbm>> -> memref<128x96xf32, #tpu.memory_space<hbm>>
        %dma_wait3A_257 = arith.constant 0 : i32
        %dma_wait3A_258 = tpu.memref_slice %arg5[%add3A, %mul3A_244, %dma_wait3A_257] : memref<4x2048x96xf32, #tpu.memory_space<hbm>> -> memref<1x128x96xf32, #tpu.memory_space<hbm>>
        %dma_wait3A_259 = tpu.memref_squeeze %dma_wait3A_258 : memref<1x128x96xf32, #tpu.memory_space<hbm>> -> memref<128x96xf32, #tpu.memory_space<hbm>>
        tpu.wait_dma2 semaphore(%run_scoped3A_247 : memref<!tpu.dma_semaphore, #tpu.memory_space<semaphore_mem>>) src(%arg11 : memref<128x96xf32, #tpu.memory_space<vmem>>) dst(%dma_wait3A_259 : memref<128x96xf32, #tpu.memory_space<hbm>>)
        tpu.yield
      }) : () -> ()
      %barrier3A_245 = arith.constant 0 : index
      tpu.barrier barrier_id(%barrier3A_245)
      %scan3A_246 = arith.constant 0 : i32
      scf.yield %scan3A_246 : i32
    }
    %scan3A_35 = arith.constant 2 : i32
    return
  }
}

#map = affine_map<(d0, d1) -> (0, 0)>
#map1 = affine_map<(d0, d1) -> (0)>
module attributes {stable_mosaic.version = 14 : i64} {
  func.func @_select_body(%arg0: i32, %arg1: i32, %arg2: memref<4x147456xf32, #tpu.memory_space<hbm>>, %arg3: memref<147456xi32, #tpu.memory_space<hbm>>, %arg4: memref<4x4096xi32, #tpu.memory_space<hbm>>, %arg5: memref<4x4096xi32, #tpu.memory_space<hbm>>, %arg6: memref<4x4096xi32, #tpu.memory_space<hbm>>, %arg7: memref<9216xf32, #tpu.memory_space<vmem>>, %arg8: memref<9216xi32, #tpu.memory_space<vmem>>, %arg9: memref<9216xi32, #tpu.memory_space<vmem>>, %arg10: memref<4096xi32, #tpu.memory_space<vmem>>, %arg11: memref<16x256xi32, #tpu.memory_space<vmem>>, %arg12: memref<256xi32, #tpu.memory_space<vmem>>, %arg13: memref<4096xi32, #tpu.memory_space<vmem>>, %arg14: memref<256xi32, #tpu.memory_space<vmem>>, %arg15: memref<16x4096xi32, #tpu.memory_space<vmem_shared>>, %arg16: memref<4096xi32, #tpu.memory_space<vmem_shared>>, %arg17: memref<!tpu.dma_semaphore, #tpu.memory_space<semaphore_mem>>) attributes {dimension_semantics = [#tpu.dimension_semantics<core_parallel>, #tpu.dimension_semantics<subcore_parallel>], iteration_bounds = array<i64: 2, 16>, scalar_prefetch = 0 : i64, scratch_operands = 11 : i64, tpu.core_type = #tpu.core_type<sc_vector_subcore>, window_params = [{transform_indices = #map}, {transform_indices = #map1}, {transform_indices = #map}, {transform_indices = #map}, {transform_indices = #map}]} {
    %mul3A = arith.constant 9216 : i32
    %mul3A_0 = arith.muli %arg1, %mul3A : i32
    "tpu.region"() ({
      %run_scoped3A = tpu.sem_alloc : memref<!tpu.dma_semaphore, #tpu.memory_space<semaphore_mem>>
      %dma_start3A = tpu.memref_slice %arg3[%mul3A_0] : memref<147456xi32, #tpu.memory_space<hbm>> -> memref<9216xi32, #tpu.memory_space<hbm>>
      %dma_start3A_7 = tpu.memref_slice %arg3[%mul3A_0] : memref<147456xi32, #tpu.memory_space<hbm>> -> memref<9216xi32, #tpu.memory_space<hbm>>
      tpu.enqueue_dma source(%dma_start3A_7 : memref<9216xi32, #tpu.memory_space<hbm>>) target(%arg9 : memref<9216xi32, #tpu.memory_space<vmem>>) target_semaphore(%run_scoped3A : memref<!tpu.dma_semaphore, #tpu.memory_space<semaphore_mem>>)
      %dma_wait3A = tpu.memref_slice %arg3[%mul3A_0] : memref<147456xi32, #tpu.memory_space<hbm>> -> memref<9216xi32, #tpu.memory_space<hbm>>
      %dma_wait3A_8 = tpu.memref_slice %arg3[%mul3A_0] : memref<147456xi32, #tpu.memory_space<hbm>> -> memref<9216xi32, #tpu.memory_space<hbm>>
      tpu.wait_dma2 semaphore(%run_scoped3A : memref<!tpu.dma_semaphore, #tpu.memory_space<semaphore_mem>>) src(%dma_wait3A_8 : memref<9216xi32, #tpu.memory_space<hbm>>) dst(%arg9 : memref<9216xi32, #tpu.memory_space<vmem>>)
      tpu.yield
    }) : () -> ()
    %scan3A = arith.constant 0 : i32
    %scan3A_1 = arith.constant 0 : i32
    %scan3A_2 = arith.constant 2 : i32
    %scan3A_3 = arith.addi %scan3A_1, %scan3A_2 : i32
    %scan3A_4 = arith.constant 1 : i32
    %scan3A_5 = scf.for %scan3A_7 = %scan3A_1 to %scan3A_3 step %scan3A_4 iter_args(%scan3A_8 = %scan3A) -> (i32)  : i32 {
      %mul3A_9 = arith.constant 2 : i32
      %mul3A_10 = arith.muli %arg0, %mul3A_9 : i32
      %add3A = arith.addi %mul3A_10, %scan3A_7 : i32
      %mul3A_11 = arith.constant 9216 : i32
      %mul3A_12 = arith.muli %arg1, %mul3A_11 : i32
      "tpu.region"() ({
        %run_scoped3A = tpu.sem_alloc : memref<!tpu.dma_semaphore, #tpu.memory_space<semaphore_mem>>
        %dma_start3A = tpu.memref_slice %arg2[%add3A, %mul3A_12] : memref<4x147456xf32, #tpu.memory_space<hbm>> -> memref<1x9216xf32, #tpu.memory_space<hbm>>
        %dma_start3A_1198 = tpu.memref_squeeze %dma_start3A : memref<1x9216xf32, #tpu.memory_space<hbm>> -> memref<9216xf32, #tpu.memory_space<hbm>>
        %dma_start3A_1199 = tpu.memref_slice %arg2[%add3A, %mul3A_12] : memref<4x147456xf32, #tpu.memory_space<hbm>> -> memref<1x9216xf32, #tpu.memory_space<hbm>>
        %dma_start3A_1200 = tpu.memref_squeeze %dma_start3A_1199 : memref<1x9216xf32, #tpu.memory_space<hbm>> -> memref<9216xf32, #tpu.memory_space<hbm>>
        tpu.enqueue_dma source(%dma_start3A_1200 : memref<9216xf32, #tpu.memory_space<hbm>>) target(%arg7 : memref<9216xf32, #tpu.memory_space<vmem>>) target_semaphore(%run_scoped3A : memref<!tpu.dma_semaphore, #tpu.memory_space<semaphore_mem>>)
        %dma_wait3A = tpu.memref_slice %arg2[%add3A, %mul3A_12] : memref<4x147456xf32, #tpu.memory_space<hbm>> -> memref<1x9216xf32, #tpu.memory_space<hbm>>
        %dma_wait3A_1201 = tpu.memref_squeeze %dma_wait3A : memref<1x9216xf32, #tpu.memory_space<hbm>> -> memref<9216xf32, #tpu.memory_space<hbm>>
        %dma_wait3A_1202 = tpu.memref_slice %arg2[%add3A, %mul3A_12] : memref<4x147456xf32, #tpu.memory_space<hbm>> -> memref<1x9216xf32, #tpu.memory_space<hbm>>
        %dma_wait3A_1203 = tpu.memref_squeeze %dma_wait3A_1202 : memref<1x9216xf32, #tpu.memory_space<hbm>> -> memref<9216xf32, #tpu.memory_space<hbm>>
        tpu.wait_dma2 semaphore(%run_scoped3A : memref<!tpu.dma_semaphore, #tpu.memory_space<semaphore_mem>>) src(%dma_wait3A_1203 : memref<9216xf32, #tpu.memory_space<hbm>>) dst(%arg7 : memref<9216xf32, #tpu.memory_space<vmem>>)
        tpu.yield
      }) : () -> ()
      %scan3A_13 = arith.constant 0 : i32
      %scan3A_14 = arith.constant 0 : i32
      %scan3A_15 = arith.constant 576 : i32
      %scan3A_16 = arith.addi %scan3A_14, %scan3A_15 : i32
      %scan3A_17 = arith.constant 1 : i32
      %scan3A_18 = scf.for %scan3A_1198 = %scan3A_14 to %scan3A_16 step %scan3A_17 iter_args(%scan3A_1199 = %scan3A_13) -> (i32)  : i32 {
        %mul3A_1200 = arith.constant 16 : i32
        %mul3A_1201 = arith.muli %scan3A_1198, %mul3A_1200 : i32
        %get3A_1202 = arith.index_cast %mul3A_1201 : i32 to index
        %get3A_1203 = tpu.vector_load %arg7[%get3A_1202] {strides = array<i32>} : memref<9216xf32, #tpu.memory_space<vmem>>, vector<16xf32>,
        %bitcast_convert_type3A = tpu.bitcast %get3A_1203 : vector<16xf32> -> vector<16xi32>
        %shift_right_arithmetic3A = arith.constant 31 : i32
        %shift_right_arithmetic3A_1204 = vector.broadcast %shift_right_arithmetic3A : i32 to vector<16xi32>
        %shift_right_arithmetic3A_1205 = arith.shrsi %bitcast_convert_type3A, %shift_right_arithmetic3A_1204 : vector<16xi32>
        %or3A_1206 = arith.constant -2147483648 : i32
        %or3A_1207 = vector.broadcast %or3A_1206 : i32 to vector<16xi32>
        %or3A_1208 = arith.ori %shift_right_arithmetic3A_1205, %or3A_1207 : vector<16xi32>
        %xor3A_1209 = arith.xori %bitcast_convert_type3A, %or3A_1208 : vector<16xi32>
        %mul3A_1210 = arith.constant 16 : i32
        %mul3A_1211 = arith.muli %scan3A_1198, %mul3A_1210 : i32
        %swap3A_1212 = arith.index_cast %mul3A_1211 : i32 to index
        %swap3A_1213 = tpu.vector_load %arg8[%swap3A_1212] {strides = array<i32>} : memref<9216xi32, #tpu.memory_space<vmem>>, vector<16xi32>,
        tpu.vector_store %arg8[%swap3A_1212], %xor3A_1209 {strides = array<i32>} : memref<9216xi32, #tpu.memory_space<vmem>>, vector<16xi32>,
        %scan3A_1214 = arith.constant 0 : i32
        scf.yield %scan3A_1214 : i32
      }
      %scan3A_19 = arith.constant 576 : i32
      %scan3A_20 = arith.constant 0 : i32
      %scan3A_21 = arith.constant 0 : i32
      %scan3A_22 = arith.constant 256 : i32
      %scan3A_23 = arith.addi %scan3A_21, %scan3A_22 : i32
      %scan3A_24 = arith.constant 1 : i32
      %scan3A_25 = scf.for %scan3A_1198 = %scan3A_21 to %scan3A_23 step %scan3A_24 iter_args(%scan3A_1199 = %scan3A_20) -> (i32)  : i32 {
        %broadcast_in_dim3A_1200 = arith.constant 0 : i32
        %broadcast_in_dim3A_1201 = vector.broadcast %broadcast_in_dim3A_1200 : i32 to vector<16xi32>
        %mul3A_1202 = arith.constant 16 : i32
        %mul3A_1203 = arith.muli %scan3A_1198, %mul3A_1202 : i32
        %swap3A_1204 = arith.index_cast %mul3A_1203 : i32 to index
        %swap3A_1205 = tpu.vector_load %arg10[%swap3A_1204] {strides = array<i32>} : memref<4096xi32, #tpu.memory_space<vmem>>, vector<16xi32>,
        tpu.vector_store %arg10[%swap3A_1204], %broadcast_in_dim3A_1201 {strides = array<i32>} : memref<4096xi32, #tpu.memory_space<vmem>>, vector<16xi32>,
        %scan3A_1206 = arith.constant 0 : i32
        scf.yield %scan3A_1206 : i32
      }
      %scan3A_26 = arith.constant 256 : i32
      %scan3A_27 = arith.constant 0 : i32
      %scan3A_28 = arith.constant 0 : i32
      %scan3A_29 = arith.constant 576 : i32
      %scan3A_30 = arith.addi %scan3A_28, %scan3A_29 : i32
      %scan3A_31 = arith.constant 1 : i32
      scf.for %scan3A_1198 = %scan3A_28 to %scan3A_30 step %scan3A_31  : i32 {
        %mul3A_1199 = arith.constant 16 : i32
        %mul3A_1200 = arith.muli %scan3A_1198, %mul3A_1199 : i32
        %get3A_1201 = arith.index_cast %mul3A_1200 : i32 to index
        %get3A_1202 = tpu.vector_load %arg8[%get3A_1201] {strides = array<i32>} : memref<9216xi32, #tpu.memory_space<vmem>>, vector<16xi32>,
        %shift_right_logical3A = arith.constant 24 : i32
        %shift_right_logical3A_1203 = vector.broadcast %shift_right_logical3A : i32 to vector<16xi32>
        %shift_right_logical3A_1204 = arith.shrui %get3A_1202, %shift_right_logical3A_1203 : vector<16xi32>
        %and3A = arith.constant 255 : i32
        %and3A_1205 = vector.broadcast %and3A : i32 to vector<16xi32>
        %and3A_1206 = arith.andi %shift_right_logical3A_1204, %and3A_1205 : vector<16xi32>
        %broadcast_in_dim3A_1207 = arith.constant true
        %broadcast_in_dim3A_1208 = vector.broadcast %broadcast_in_dim3A_1207 : i1 to vector<16xi1>
        %mul3A_1209 = arith.constant 16 : i32
        %mul3A_1210 = vector.broadcast %mul3A_1209 : i32 to vector<16xi32>
        %mul3A_1211 = arith.muli %and3A_1206, %mul3A_1210 : vector<16xi32>
        %iota3A_1212 = tpu.iota {dimensions = array<i32: 0>} : vector<16xi32>
        %add3A_1213 = arith.addi %mul3A_1211, %iota3A_1212 : vector<16xi32>
        %jit3A_1214 = arith.constant 1 : i32
        %jit3A_1215 = arith.constant 0 : i32
        %broadcast_in_dim3A_1216 = vector.broadcast %jit3A_1214 : i32 to vector<16xi32>
        %broadcast_in_dim3A_1217 = vector.broadcast %jit3A_1215 : i32 to vector<16xi32>
        %select_n3A_1218 = arith.select %broadcast_in_dim3A_1208, %broadcast_in_dim3A_1216, %broadcast_in_dim3A_1217 : vector<16xi1>, vector<16xi32>
        tpu.vector_store_idx %arg10[%add3A_1213], %select_n3A_1218 {add = true} : memref<4096xi32, #tpu.memory_space<vmem>>[vector<16xi32>], vector<16xi32>,
      }
      %scan3A_32 = arith.constant 576 : i32
      "tpu.region"() ({
        %run_scoped3A = tpu.sem_alloc : memref<!tpu.dma_semaphore, #tpu.memory_space<semaphore_mem>>
        %dma_start3A = arith.constant 0 : i32
        %dma_start3A_1198 = tpu.memref_slice %arg15[%arg1, %dma_start3A] : memref<16x4096xi32, #tpu.memory_space<vmem_shared>> -> memref<1x4096xi32, #tpu.memory_space<vmem_shared>>
        %dma_start3A_1199 = tpu.memref_squeeze %dma_start3A_1198 : memref<1x4096xi32, #tpu.memory_space<vmem_shared>> -> memref<4096xi32, #tpu.memory_space<vmem_shared>>
        %dma_start3A_1200 = arith.constant 0 : i32
        %dma_start3A_1201 = tpu.memref_slice %arg15[%arg1, %dma_start3A_1200] : memref<16x4096xi32, #tpu.memory_space<vmem_shared>> -> memref<1x4096xi32, #tpu.memory_space<vmem_shared>>
        %dma_start3A_1202 = tpu.memref_squeeze %dma_start3A_1201 : memref<1x4096xi32, #tpu.memory_space<vmem_shared>> -> memref<4096xi32, #tpu.memory_space<vmem_shared>>
        tpu.enqueue_dma source(%arg10 : memref<4096xi32, #tpu.memory_space<vmem>>) target(%dma_start3A_1202 : memref<4096xi32, #tpu.memory_space<vmem_shared>>) target_semaphore(%run_scoped3A : memref<!tpu.dma_semaphore, #tpu.memory_space<semaphore_mem>>)
        %dma_wait3A = arith.constant 0 : i32
        %dma_wait3A_1203 = tpu.memref_slice %arg15[%arg1, %dma_wait3A] : memref<16x4096xi32, #tpu.memory_space<vmem_shared>> -> memref<1x4096xi32, #tpu.memory_space<vmem_shared>>
        %dma_wait3A_1204 = tpu.memref_squeeze %dma_wait3A_1203 : memref<1x4096xi32, #tpu.memory_space<vmem_shared>> -> memref<4096xi32, #tpu.memory_space<vmem_shared>>
        %dma_wait3A_1205 = arith.constant 0 : i32
        %dma_wait3A_1206 = tpu.memref_slice %arg15[%arg1, %dma_wait3A_1205] : memref<16x4096xi32, #tpu.memory_space<vmem_shared>> -> memref<1x4096xi32, #tpu.memory_space<vmem_shared>>
        %dma_wait3A_1207 = tpu.memref_squeeze %dma_wait3A_1206 : memref<1x4096xi32, #tpu.memory_space<vmem_shared>> -> memref<4096xi32, #tpu.memory_space<vmem_shared>>
        tpu.wait_dma2 semaphore(%run_scoped3A : memref<!tpu.dma_semaphore, #tpu.memory_space<semaphore_mem>>) src(%arg10 : memref<4096xi32, #tpu.memory_space<vmem>>) dst(%dma_wait3A_1207 : memref<4096xi32, #tpu.memory_space<vmem_shared>>)
        tpu.yield
      }) : () -> ()
      %barrier3A = arith.constant 0 : index
      tpu.barrier barrier_id(%barrier3A)
      %mul3A_33 = arith.constant 256 : i32
      %mul3A_34 = arith.muli %arg1, %mul3A_33 : i32
      "tpu.region"() ({
        %run_scoped3A = tpu.sem_alloc : memref<!tpu.dma_semaphore, #tpu.memory_space<semaphore_mem>>
        %dma_start3A = arith.constant 0 : i32
        %dma_start3A_1198 = tpu.memref_slice %arg15[%dma_start3A, %mul3A_34] : memref<16x4096xi32, #tpu.memory_space<vmem_shared>> -> memref<16x256xi32, #tpu.memory_space<vmem_shared>>
        %dma_start3A_1199 = arith.constant 0 : i32
        %dma_start3A_1200 = tpu.memref_slice %arg15[%dma_start3A_1199, %mul3A_34] : memref<16x4096xi32, #tpu.memory_space<vmem_shared>> -> memref<16x256xi32, #tpu.memory_space<vmem_shared>>
        tpu.enqueue_dma source(%dma_start3A_1200 : memref<16x256xi32, #tpu.memory_space<vmem_shared>>) target(%arg11 : memref<16x256xi32, #tpu.memory_space<vmem>>) target_semaphore(%run_scoped3A : memref<!tpu.dma_semaphore, #tpu.memory_space<semaphore_mem>>)
        %dma_wait3A = arith.constant 0 : i32
        %dma_wait3A_1201 = tpu.memref_slice %arg15[%dma_wait3A, %mul3A_34] : memref<16x4096xi32, #tpu.memory_space<vmem_shared>> -> memref<16x256xi32, #tpu.memory_space<vmem_shared>>
        %dma_wait3A_1202 = arith.constant 0 : i32
        %dma_wait3A_1203 = tpu.memref_slice %arg15[%dma_wait3A_1202, %mul3A_34] : memref<16x4096xi32, #tpu.memory_space<vmem_shared>> -> memref<16x256xi32, #tpu.memory_space<vmem_shared>>
        tpu.wait_dma2 semaphore(%run_scoped3A : memref<!tpu.dma_semaphore, #tpu.memory_space<semaphore_mem>>) src(%dma_wait3A_1203 : memref<16x256xi32, #tpu.memory_space<vmem_shared>>) dst(%arg11 : memref<16x256xi32, #tpu.memory_space<vmem>>)
        tpu.yield
      }) : () -> ()
      %broadcast_in_dim3A = arith.constant 0 : i32
      %broadcast_in_dim3A_35 = vector.broadcast %broadcast_in_dim3A : i32 to vector<16xi32>
      %scan3A_36 = arith.constant 0 : i32
      %scan3A_37 = arith.constant 16 : i32
      %scan3A_38 = arith.addi %scan3A_36, %scan3A_37 : i32
      %scan3A_39 = arith.constant 1 : i32
      %scan3A_40 = scf.for %scan3A_1198 = %scan3A_36 to %scan3A_38 step %scan3A_39 iter_args(%scan3A_1199 = %broadcast_in_dim3A_35) -> (vector<16xi32>)  : i32 {
        %get3A_1200 = arith.index_cast %scan3A_1198 : i32 to index
        %get3A_1201 = arith.constant 0 : index
        %get3A_1202 = tpu.vector_load %arg11[%get3A_1200, %get3A_1201] {strides = array<i32>} : memref<16x256xi32, #tpu.memory_space<vmem>>, vector<16xi32>,
        %add3A_1203 = arith.addi %scan3A_1199, %get3A_1202 : vector<16xi32>
        scf.yield %add3A_1203 : vector<16xi32>
      }
      %scan3A_41 = arith.constant 16 : i32
      %swap3A = arith.constant 0 : index
      %swap3A_42 = tpu.vector_load %arg12[%swap3A] {strides = array<i32>} : memref<256xi32, #tpu.memory_space<vmem>>, vector<16xi32>,
      tpu.vector_store %arg12[%swap3A], %scan3A_40 {strides = array<i32>} : memref<256xi32, #tpu.memory_space<vmem>>, vector<16xi32>,
      %broadcast_in_dim3A_43 = arith.constant 0 : i32
      %broadcast_in_dim3A_44 = vector.broadcast %broadcast_in_dim3A_43 : i32 to vector<16xi32>
      %scan3A_45 = arith.constant 0 : i32
      %scan3A_46 = arith.constant 16 : i32
      %scan3A_47 = arith.addi %scan3A_45, %scan3A_46 : i32
      %scan3A_48 = arith.constant 1 : i32
      %scan3A_49 = scf.for %scan3A_1198 = %scan3A_45 to %scan3A_47 step %scan3A_48 iter_args(%scan3A_1199 = %broadcast_in_dim3A_44) -> (vector<16xi32>)  : i32 {
        %get3A_1200 = arith.index_cast %scan3A_1198 : i32 to index
        %get3A_1201 = arith.constant 16 : index
        %get3A_1202 = tpu.vector_load %arg11[%get3A_1200, %get3A_1201] {strides = array<i32>} : memref<16x256xi32, #tpu.memory_space<vmem>>, vector<16xi32>,
        %add3A_1203 = arith.addi %scan3A_1199, %get3A_1202 : vector<16xi32>
        scf.yield %add3A_1203 : vector<16xi32>
      }
      %scan3A_50 = arith.constant 16 : i32
      %swap3A_51 = arith.constant 16 : index
      %swap3A_52 = tpu.vector_load %arg12[%swap3A_51] {strides = array<i32>} : memref<256xi32, #tpu.memory_space<vmem>>, vector<16xi32>,
      tpu.vector_store %arg12[%swap3A_51], %scan3A_49 {strides = array<i32>} : memref<256xi32, #tpu.memory_space<vmem>>, vector<16xi32>,
      %broadcast_in_dim3A_53 = arith.constant 0 : i32
      %broadcast_in_dim3A_54 = vector.broadcast %broadcast_in_dim3A_53 : i32 to vector<16xi32>
      %scan3A_55 = arith.constant 0 : i32
      %scan3A_56 = arith.constant 16 : i32
      %scan3A_57 = arith.addi %scan3A_55, %scan3A_56 : i32
      %scan3A_58 = arith.constant 1 : i32
      %scan3A_59 = scf.for %scan3A_1198 = %scan3A_55 to %scan3A_57 step %scan3A_58 iter_args(%scan3A_1199 = %broadcast_in_dim3A_54) -> (vector<16xi32>)  : i32 {
        %get3A_1200 = arith.index_cast %scan3A_1198 : i32 to index
        %get3A_1201 = arith.constant 32 : index
        %get3A_1202 = tpu.vector_load %arg11[%get3A_1200, %get3A_1201] {strides = array<i32>} : memref<16x256xi32, #tpu.memory_space<vmem>>, vector<16xi32>,
        %add3A_1203 = arith.addi %scan3A_1199, %get3A_1202 : vector<16xi32>
        scf.yield %add3A_1203 : vector<16xi32>
      }
      %scan3A_60 = arith.constant 16 : i32
      %swap3A_61 = arith.constant 32 : index
      %swap3A_62 = tpu.vector_load %arg12[%swap3A_61] {strides = array<i32>} : memref<256xi32, #tpu.memory_space<vmem>>, vector<16xi32>,
      tpu.vector_store %arg12[%swap3A_61], %scan3A_59 {strides = array<i32>} : memref<256xi32, #tpu.memory_space<vmem>>, vector<16xi32>,
      %broadcast_in_dim3A_63 = arith.constant 0 : i32
      %broadcast_in_dim3A_64 = vector.broadcast %broadcast_in_dim3A_63 : i32 to vector<16xi32>
      %scan3A_65 = arith.constant 0 : i32
      %scan3A_66 = arith.constant 16 : i32
      %scan3A_67 = arith.addi %scan3A_65, %scan3A_66 : i32
      %scan3A_68 = arith.constant 1 : i32
      %scan3A_69 = scf.for %scan3A_1198 = %scan3A_65 to %scan3A_67 step %scan3A_68 iter_args(%scan3A_1199 = %broadcast_in_dim3A_64) -> (vector<16xi32>)  : i32 {
        %get3A_1200 = arith.index_cast %scan3A_1198 : i32 to index
        %get3A_1201 = arith.constant 48 : index
        %get3A_1202 = tpu.vector_load %arg11[%get3A_1200, %get3A_1201] {strides = array<i32>} : memref<16x256xi32, #tpu.memory_space<vmem>>, vector<16xi32>,
        %add3A_1203 = arith.addi %scan3A_1199, %get3A_1202 : vector<16xi32>
        scf.yield %add3A_1203 : vector<16xi32>
      }
      %scan3A_70 = arith.constant 16 : i32
      %swap3A_71 = arith.constant 48 : index
      %swap3A_72 = tpu.vector_load %arg12[%swap3A_71] {strides = array<i32>} : memref<256xi32, #tpu.memory_space<vmem>>, vector<16xi32>,
      tpu.vector_store %arg12[%swap3A_71], %scan3A_69 {strides = array<i32>} : memref<256xi32, #tpu.memory_space<vmem>>, vector<16xi32>,
      %broadcast_in_dim3A_73 = arith.constant 0 : i32
      %broadcast_in_dim3A_74 = vector.broadcast %broadcast_in_dim3A_73 : i32 to vector<16xi32>
      %scan3A_75 = arith.constant 0 : i32
      %scan3A_76 = arith.constant 16 : i32
      %scan3A_77 = arith.addi %scan3A_75, %scan3A_76 : i32
      %scan3A_78 = arith.constant 1 : i32
      %scan3A_79 = scf.for %scan3A_1198 = %scan3A_75 to %scan3A_77 step %scan3A_78 iter_args(%scan3A_1199 = %broadcast_in_dim3A_74) -> (vector<16xi32>)  : i32 {
        %get3A_1200 = arith.index_cast %scan3A_1198 : i32 to index
        %get3A_1201 = arith.constant 64 : index
        %get3A_1202 = tpu.vector_load %arg11[%get3A_1200, %get3A_1201] {strides = array<i32>} : memref<16x256xi32, #tpu.memory_space<vmem>>, vector<16xi32>,
        %add3A_1203 = arith.addi %scan3A_1199, %get3A_1202 : vector<16xi32>
        scf.yield %add3A_1203 : vector<16xi32>
      }
      %scan3A_80 = arith.constant 16 : i32
      %swap3A_81 = arith.constant 64 : index
      %swap3A_82 = tpu.vector_load %arg12[%swap3A_81] {strides = array<i32>} : memref<256xi32, #tpu.memory_space<vmem>>, vector<16xi32>,
      tpu.vector_store %arg12[%swap3A_81], %scan3A_79 {strides = array<i32>} : memref<256xi32, #tpu.memory_space<vmem>>, vector<16xi32>,
      %broadcast_in_dim3A_83 = arith.constant 0 : i32
      %broadcast_in_dim3A_84 = vector.broadcast %broadcast_in_dim3A_83 : i32 to vector<16xi32>
      %scan3A_85 = arith.constant 0 : i32
      %scan3A_86 = arith.constant 16 : i32
      %scan3A_87 = arith.addi %scan3A_85, %scan3A_86 : i32
      %scan3A_88 = arith.constant 1 : i32
      %scan3A_89 = scf.for %scan3A_1198 = %scan3A_85 to %scan3A_87 step %scan3A_88 iter_args(%scan3A_1199 = %broadcast_in_dim3A_84) -> (vector<16xi32>)  : i32 {
        %get3A_1200 = arith.index_cast %scan3A_1198 : i32 to index
        %get3A_1201 = arith.constant 80 : index
        %get3A_1202 = tpu.vector_load %arg11[%get3A_1200, %get3A_1201] {strides = array<i32>} : memref<16x256xi32, #tpu.memory_space<vmem>>, vector<16xi32>,
        %add3A_1203 = arith.addi %scan3A_1199, %get3A_1202 : vector<16xi32>
        scf.yield %add3A_1203 : vector<16xi32>
      }
      %scan3A_90 = arith.constant 16 : i32
      %swap3A_91 = arith.constant 80 : index
      %swap3A_92 = tpu.vector_load %arg12[%swap3A_91] {strides = array<i32>} : memref<256xi32, #tpu.memory_space<vmem>>, vector<16xi32>,
      tpu.vector_store %arg12[%swap3A_91], %scan3A_89 {strides = array<i32>} : memref<256xi32, #tpu.memory_space<vmem>>, vector<16xi32>,
      %broadcast_in_dim3A_93 = arith.constant 0 : i32
      %broadcast_in_dim3A_94 = vector.broadcast %broadcast_in_dim3A_93 : i32 to vector<16xi32>
      %scan3A_95 = arith.constant 0 : i32
      %scan3A_96 = arith.constant 16 : i32
      %scan3A_97 = arith.addi %scan3A_95, %scan3A_96 : i32
      %scan3A_98 = arith.constant 1 : i32
      %scan3A_99 = scf.for %scan3A_1198 = %scan3A_95 to %scan3A_97 step %scan3A_98 iter_args(%scan3A_1199 = %broadcast_in_dim3A_94) -> (vector<16xi32>)  : i32 {
        %get3A_1200 = arith.index_cast %scan3A_1198 : i32 to index
        %get3A_1201 = arith.constant 96 : index
        %get3A_1202 = tpu.vector_load %arg11[%get3A_1200, %get3A_1201] {strides = array<i32>} : memref<16x256xi32, #tpu.memory_space<vmem>>, vector<16xi32>,
        %add3A_1203 = arith.addi %scan3A_1199, %get3A_1202 : vector<16xi32>
        scf.yield %add3A_1203 : vector<16xi32>
      }
      %scan3A_100 = arith.constant 16 : i32
      %swap3A_101 = arith.constant 96 : index
      %swap3A_102 = tpu.vector_load %arg12[%swap3A_101] {strides = array<i32>} : memref<256xi32, #tpu.memory_space<vmem>>, vector<16xi32>,
      tpu.vector_store %arg12[%swap3A_101], %scan3A_99 {strides = array<i32>} : memref<256xi32, #tpu.memory_space<vmem>>, vector<16xi32>,
      %broadcast_in_dim3A_103 = arith.constant 0 : i32
      %broadcast_in_dim3A_104 = vector.broadcast %broadcast_in_dim3A_103 : i32 to vector<16xi32>
      %scan3A_105 = arith.constant 0 : i32
      %scan3A_106 = arith.constant 16 : i32
      %scan3A_107 = arith.addi %scan3A_105, %scan3A_106 : i32
      %scan3A_108 = arith.constant 1 : i32
      %scan3A_109 = scf.for %scan3A_1198 = %scan3A_105 to %scan3A_107 step %scan3A_108 iter_args(%scan3A_1199 = %broadcast_in_dim3A_104) -> (vector<16xi32>)  : i32 {
        %get3A_1200 = arith.index_cast %scan3A_1198 : i32 to index
        %get3A_1201 = arith.constant 112 : index
        %get3A_1202 = tpu.vector_load %arg11[%get3A_1200, %get3A_1201] {strides = array<i32>} : memref<16x256xi32, #tpu.memory_space<vmem>>, vector<16xi32>,
        %add3A_1203 = arith.addi %scan3A_1199, %get3A_1202 : vector<16xi32>
        scf.yield %add3A_1203 : vector<16xi32>
      }
      %scan3A_110 = arith.constant 16 : i32
      %swap3A_111 = arith.constant 112 : index
      %swap3A_112 = tpu.vector_load %arg12[%swap3A_111] {strides = array<i32>} : memref<256xi32, #tpu.memory_space<vmem>>, vector<16xi32>,
      tpu.vector_store %arg12[%swap3A_111], %scan3A_109 {strides = array<i32>} : memref<256xi32, #tpu.memory_space<vmem>>, vector<16xi32>,
      %broadcast_in_dim3A_113 = arith.constant 0 : i32
      %broadcast_in_dim3A_114 = vector.broadcast %broadcast_in_dim3A_113 : i32 to vector<16xi32>
      %scan3A_115 = arith.constant 0 : i32
      %scan3A_116 = arith.constant 16 : i32
      %scan3A_117 = arith.addi %scan3A_115, %scan3A_116 : i32
      %scan3A_118 = arith.constant 1 : i32
      %scan3A_119 = scf.for %scan3A_1198 = %scan3A_115 to %scan3A_117 step %scan3A_118 iter_args(%scan3A_1199 = %broadcast_in_dim3A_114) -> (vector<16xi32>)  : i32 {
        %get3A_1200 = arith.index_cast %scan3A_1198 : i32 to index
        %get3A_1201 = arith.constant 128 : index
        %get3A_1202 = tpu.vector_load %arg11[%get3A_1200, %get3A_1201] {strides = array<i32>} : memref<16x256xi32, #tpu.memory_space<vmem>>, vector<16xi32>,
        %add3A_1203 = arith.addi %scan3A_1199, %get3A_1202 : vector<16xi32>
        scf.yield %add3A_1203 : vector<16xi32>
      }
      %scan3A_120 = arith.constant 16 : i32
      %swap3A_121 = arith.constant 128 : index
      %swap3A_122 = tpu.vector_load %arg12[%swap3A_121] {strides = array<i32>} : memref<256xi32, #tpu.memory_space<vmem>>, vector<16xi32>,
      tpu.vector_store %arg12[%swap3A_121], %scan3A_119 {strides = array<i32>} : memref<256xi32, #tpu.memory_space<vmem>>, vector<16xi32>,
      %broadcast_in_dim3A_123 = arith.constant 0 : i32
      %broadcast_in_dim3A_124 = vector.broadcast %broadcast_in_dim3A_123 : i32 to vector<16xi32>
      %scan3A_125 = arith.constant 0 : i32
      %scan3A_126 = arith.constant 16 : i32
      %scan3A_127 = arith.addi %scan3A_125, %scan3A_126 : i32
      %scan3A_128 = arith.constant 1 : i32
      %scan3A_129 = scf.for %scan3A_1198 = %scan3A_125 to %scan3A_127 step %scan3A_128 iter_args(%scan3A_1199 = %broadcast_in_dim3A_124) -> (vector<16xi32>)  : i32 {
        %get3A_1200 = arith.index_cast %scan3A_1198 : i32 to index
        %get3A_1201 = arith.constant 144 : index
        %get3A_1202 = tpu.vector_load %arg11[%get3A_1200, %get3A_1201] {strides = array<i32>} : memref<16x256xi32, #tpu.memory_space<vmem>>, vector<16xi32>,
        %add3A_1203 = arith.addi %scan3A_1199, %get3A_1202 : vector<16xi32>
        scf.yield %add3A_1203 : vector<16xi32>
      }
      %scan3A_130 = arith.constant 16 : i32
      %swap3A_131 = arith.constant 144 : index
      %swap3A_132 = tpu.vector_load %arg12[%swap3A_131] {strides = array<i32>} : memref<256xi32, #tpu.memory_space<vmem>>, vector<16xi32>,
      tpu.vector_store %arg12[%swap3A_131], %scan3A_129 {strides = array<i32>} : memref<256xi32, #tpu.memory_space<vmem>>, vector<16xi32>,
      %broadcast_in_dim3A_133 = arith.constant 0 : i32
      %broadcast_in_dim3A_134 = vector.broadcast %broadcast_in_dim3A_133 : i32 to vector<16xi32>
      %scan3A_135 = arith.constant 0 : i32
      %scan3A_136 = arith.constant 16 : i32
      %scan3A_137 = arith.addi %scan3A_135, %scan3A_136 : i32
      %scan3A_138 = arith.constant 1 : i32
      %scan3A_139 = scf.for %scan3A_1198 = %scan3A_135 to %scan3A_137 step %scan3A_138 iter_args(%scan3A_1199 = %broadcast_in_dim3A_134) -> (vector<16xi32>)  : i32 {
        %get3A_1200 = arith.index_cast %scan3A_1198 : i32 to index
        %get3A_1201 = arith.constant 160 : index
        %get3A_1202 = tpu.vector_load %arg11[%get3A_1200, %get3A_1201] {strides = array<i32>} : memref<16x256xi32, #tpu.memory_space<vmem>>, vector<16xi32>,
        %add3A_1203 = arith.addi %scan3A_1199, %get3A_1202 : vector<16xi32>
        scf.yield %add3A_1203 : vector<16xi32>
      }
      %scan3A_140 = arith.constant 16 : i32
      %swap3A_141 = arith.constant 160 : index
      %swap3A_142 = tpu.vector_load %arg12[%swap3A_141] {strides = array<i32>} : memref<256xi32, #tpu.memory_space<vmem>>, vector<16xi32>,
      tpu.vector_store %arg12[%swap3A_141], %scan3A_139 {strides = array<i32>} : memref<256xi32, #tpu.memory_space<vmem>>, vector<16xi32>,
      %broadcast_in_dim3A_143 = arith.constant 0 : i32
      %broadcast_in_dim3A_144 = vector.broadcast %broadcast_in_dim3A_143 : i32 to vector<16xi32>
      %scan3A_145 = arith.constant 0 : i32
      %scan3A_146 = arith.constant 16 : i32
      %scan3A_147 = arith.addi %scan3A_145, %scan3A_146 : i32
      %scan3A_148 = arith.constant 1 : i32
      %scan3A_149 = scf.for %scan3A_1198 = %scan3A_145 to %scan3A_147 step %scan3A_148 iter_args(%scan3A_1199 = %broadcast_in_dim3A_144) -> (vector<16xi32>)  : i32 {
        %get3A_1200 = arith.index_cast %scan3A_1198 : i32 to index
        %get3A_1201 = arith.constant 176 : index
        %get3A_1202 = tpu.vector_load %arg11[%get3A_1200, %get3A_1201] {strides = array<i32>} : memref<16x256xi32, #tpu.memory_space<vmem>>, vector<16xi32>,
        %add3A_1203 = arith.addi %scan3A_1199, %get3A_1202 : vector<16xi32>
        scf.yield %add3A_1203 : vector<16xi32>
      }
      %scan3A_150 = arith.constant 16 : i32
      %swap3A_151 = arith.constant 176 : index
      %swap3A_152 = tpu.vector_load %arg12[%swap3A_151] {strides = array<i32>} : memref<256xi32, #tpu.memory_space<vmem>>, vector<16xi32>,
      tpu.vector_store %arg12[%swap3A_151], %scan3A_149 {strides = array<i32>} : memref<256xi32, #tpu.memory_space<vmem>>, vector<16xi32>,
      %broadcast_in_dim3A_153 = arith.constant 0 : i32
      %broadcast_in_dim3A_154 = vector.broadcast %broadcast_in_dim3A_153 : i32 to vector<16xi32>
      %scan3A_155 = arith.constant 0 : i32
      %scan3A_156 = arith.constant 16 : i32
      %scan3A_157 = arith.addi %scan3A_155, %scan3A_156 : i32
      %scan3A_158 = arith.constant 1 : i32
      %scan3A_159 = scf.for %scan3A_1198 = %scan3A_155 to %scan3A_157 step %scan3A_158 iter_args(%scan3A_1199 = %broadcast_in_dim3A_154) -> (vector<16xi32>)  : i32 {
        %get3A_1200 = arith.index_cast %scan3A_1198 : i32 to index
        %get3A_1201 = arith.constant 192 : index
        %get3A_1202 = tpu.vector_load %arg11[%get3A_1200, %get3A_1201] {strides = array<i32>} : memref<16x256xi32, #tpu.memory_space<vmem>>, vector<16xi32>,
        %add3A_1203 = arith.addi %scan3A_1199, %get3A_1202 : vector<16xi32>
        scf.yield %add3A_1203 : vector<16xi32>
      }
      %scan3A_160 = arith.constant 16 : i32
      %swap3A_161 = arith.constant 192 : index
      %swap3A_162 = tpu.vector_load %arg12[%swap3A_161] {strides = array<i32>} : memref<256xi32, #tpu.memory_space<vmem>>, vector<16xi32>,
      tpu.vector_store %arg12[%swap3A_161], %scan3A_159 {strides = array<i32>} : memref<256xi32, #tpu.memory_space<vmem>>, vector<16xi32>,
      %broadcast_in_dim3A_163 = arith.constant 0 : i32
      %broadcast_in_dim3A_164 = vector.broadcast %broadcast_in_dim3A_163 : i32 to vector<16xi32>
      %scan3A_165 = arith.constant 0 : i32
      %scan3A_166 = arith.constant 16 : i32
      %scan3A_167 = arith.addi %scan3A_165, %scan3A_166 : i32
      %scan3A_168 = arith.constant 1 : i32
      %scan3A_169 = scf.for %scan3A_1198 = %scan3A_165 to %scan3A_167 step %scan3A_168 iter_args(%scan3A_1199 = %broadcast_in_dim3A_164) -> (vector<16xi32>)  : i32 {
        %get3A_1200 = arith.index_cast %scan3A_1198 : i32 to index
        %get3A_1201 = arith.constant 208 : index
        %get3A_1202 = tpu.vector_load %arg11[%get3A_1200, %get3A_1201] {strides = array<i32>} : memref<16x256xi32, #tpu.memory_space<vmem>>, vector<16xi32>,
        %add3A_1203 = arith.addi %scan3A_1199, %get3A_1202 : vector<16xi32>
        scf.yield %add3A_1203 : vector<16xi32>
      }
      %scan3A_170 = arith.constant 16 : i32
      %swap3A_171 = arith.constant 208 : index
      %swap3A_172 = tpu.vector_load %arg12[%swap3A_171] {strides = array<i32>} : memref<256xi32, #tpu.memory_space<vmem>>, vector<16xi32>,
      tpu.vector_store %arg12[%swap3A_171], %scan3A_169 {strides = array<i32>} : memref<256xi32, #tpu.memory_space<vmem>>, vector<16xi32>,
      %broadcast_in_dim3A_173 = arith.constant 0 : i32
      %broadcast_in_dim3A_174 = vector.broadcast %broadcast_in_dim3A_173 : i32 to vector<16xi32>
      %scan3A_175 = arith.constant 0 : i32
      %scan3A_176 = arith.constant 16 : i32
      %scan3A_177 = arith.addi %scan3A_175, %scan3A_176 : i32
      %scan3A_178 = arith.constant 1 : i32
      %scan3A_179 = scf.for %scan3A_1198 = %scan3A_175 to %scan3A_177 step %scan3A_178 iter_args(%scan3A_1199 = %broadcast_in_dim3A_174) -> (vector<16xi32>)  : i32 {
        %get3A_1200 = arith.index_cast %scan3A_1198 : i32 to index
        %get3A_1201 = arith.constant 224 : index
        %get3A_1202 = tpu.vector_load %arg11[%get3A_1200, %get3A_1201] {strides = array<i32>} : memref<16x256xi32, #tpu.memory_space<vmem>>, vector<16xi32>,
        %add3A_1203 = arith.addi %scan3A_1199, %get3A_1202 : vector<16xi32>
        scf.yield %add3A_1203 : vector<16xi32>
      }
      %scan3A_180 = arith.constant 16 : i32
      %swap3A_181 = arith.constant 224 : index
      %swap3A_182 = tpu.vector_load %arg12[%swap3A_181] {strides = array<i32>} : memref<256xi32, #tpu.memory_space<vmem>>, vector<16xi32>,
      tpu.vector_store %arg12[%swap3A_181], %scan3A_179 {strides = array<i32>} : memref<256xi32, #tpu.memory_space<vmem>>, vector<16xi32>,
      %broadcast_in_dim3A_183 = arith.constant 0 : i32
      %broadcast_in_dim3A_184 = vector.broadcast %broadcast_in_dim3A_183 : i32 to vector<16xi32>
      %scan3A_185 = arith.constant 0 : i32
      %scan3A_186 = arith.constant 16 : i32
      %scan3A_187 = arith.addi %scan3A_185, %scan3A_186 : i32
      %scan3A_188 = arith.constant 1 : i32
      %scan3A_189 = scf.for %scan3A_1198 = %scan3A_185 to %scan3A_187 step %scan3A_188 iter_args(%scan3A_1199 = %broadcast_in_dim3A_184) -> (vector<16xi32>)  : i32 {
        %get3A_1200 = arith.index_cast %scan3A_1198 : i32 to index
        %get3A_1201 = arith.constant 240 : index
        %get3A_1202 = tpu.vector_load %arg11[%get3A_1200, %get3A_1201] {strides = array<i32>} : memref<16x256xi32, #tpu.memory_space<vmem>>, vector<16xi32>,
        %add3A_1203 = arith.addi %scan3A_1199, %get3A_1202 : vector<16xi32>
        scf.yield %add3A_1203 : vector<16xi32>
      }
      %scan3A_190 = arith.constant 16 : i32
      %swap3A_191 = arith.constant 240 : index
      %swap3A_192 = tpu.vector_load %arg12[%swap3A_191] {strides = array<i32>} : memref<256xi32, #tpu.memory_space<vmem>>, vector<16xi32>,
      tpu.vector_store %arg12[%swap3A_191], %scan3A_189 {strides = array<i32>} : memref<256xi32, #tpu.memory_space<vmem>>, vector<16xi32>,
      %mul3A_193 = arith.constant 256 : i32
      %mul3A_194 = arith.muli %arg1, %mul3A_193 : i32
      "tpu.region"() ({
        %run_scoped3A = tpu.sem_alloc : memref<!tpu.dma_semaphore, #tpu.memory_space<semaphore_mem>>
        %dma_start3A = tpu.memref_slice %arg16[%mul3A_194] : memref<4096xi32, #tpu.memory_space<vmem_shared>> -> memref<256xi32, #tpu.memory_space<vmem_shared>>
        %dma_start3A_1198 = tpu.memref_slice %arg16[%mul3A_194] : memref<4096xi32, #tpu.memory_space<vmem_shared>> -> memref<256xi32, #tpu.memory_space<vmem_shared>>
        tpu.enqueue_dma source(%arg12 : memref<256xi32, #tpu.memory_space<vmem>>) target(%dma_start3A_1198 : memref<256xi32, #tpu.memory_space<vmem_shared>>) target_semaphore(%run_scoped3A : memref<!tpu.dma_semaphore, #tpu.memory_space<semaphore_mem>>)
        %dma_wait3A = tpu.memref_slice %arg16[%mul3A_194] : memref<4096xi32, #tpu.memory_space<vmem_shared>> -> memref<256xi32, #tpu.memory_space<vmem_shared>>
        %dma_wait3A_1199 = tpu.memref_slice %arg16[%mul3A_194] : memref<4096xi32, #tpu.memory_space<vmem_shared>> -> memref<256xi32, #tpu.memory_space<vmem_shared>>
        tpu.wait_dma2 semaphore(%run_scoped3A : memref<!tpu.dma_semaphore, #tpu.memory_space<semaphore_mem>>) src(%arg12 : memref<256xi32, #tpu.memory_space<vmem>>) dst(%dma_wait3A_1199 : memref<256xi32, #tpu.memory_space<vmem_shared>>)
        tpu.yield
      }) : () -> ()
      %barrier3A_195 = arith.constant 0 : index
      tpu.barrier barrier_id(%barrier3A_195)
      "tpu.region"() ({
        %run_scoped3A = tpu.sem_alloc : memref<!tpu.dma_semaphore, #tpu.memory_space<semaphore_mem>>
        tpu.enqueue_dma source(%arg16 : memref<4096xi32, #tpu.memory_space<vmem_shared>>) target(%arg13 : memref<4096xi32, #tpu.memory_space<vmem>>) target_semaphore(%run_scoped3A : memref<!tpu.dma_semaphore, #tpu.memory_space<semaphore_mem>>)
        tpu.wait_dma2 semaphore(%run_scoped3A : memref<!tpu.dma_semaphore, #tpu.memory_space<semaphore_mem>>) src(%arg16 : memref<4096xi32, #tpu.memory_space<vmem_shared>>) dst(%arg13 : memref<4096xi32, #tpu.memory_space<vmem>>)
        tpu.yield
      }) : () -> ()
      %scan3A_196 = arith.constant 0 : i32
      %scan3A_197 = arith.constant 0 : i32
      %scan3A_198 = arith.constant 16 : i32
      %scan3A_199 = arith.addi %scan3A_197, %scan3A_198 : i32
      %scan3A_200 = arith.constant 1 : i32
      %scan3A_201 = scf.for %scan3A_1198 = %scan3A_197 to %scan3A_199 step %scan3A_200 iter_args(%scan3A_1199 = %scan3A_196) -> (i32)  : i32 {
        %broadcast_in_dim3A_1200 = arith.constant 0 : i32
        %broadcast_in_dim3A_1201 = vector.broadcast %broadcast_in_dim3A_1200 : i32 to vector<16xi32>
        %scan3A_1202 = arith.constant 0 : i32
        %scan3A_1203 = arith.constant 16 : i32
        %scan3A_1204 = arith.addi %scan3A_1202, %scan3A_1203 : i32
        %scan3A_1205 = arith.constant 1 : i32
        %scan3A_1206 = scf.for %scan3A_1213 = %scan3A_1202 to %scan3A_1204 step %scan3A_1205 iter_args(%scan3A_1214 = %broadcast_in_dim3A_1201) -> (vector<16xi32>)  : i32 {
          %mul3A_1215 = arith.constant 16 : i32
          %mul3A_1216 = arith.muli %scan3A_1198, %mul3A_1215 : i32
          %iota3A_1217 = tpu.iota {dimensions = array<i32: 0>} : vector<16xi32>
          %add3A_1218 = vector.broadcast %mul3A_1216 : i32 to vector<16xi32>
          %add3A_1219 = arith.addi %add3A_1218, %iota3A_1217 : vector<16xi32>
          %mul3A_1220 = arith.constant 16 : i32
          %mul3A_1221 = vector.broadcast %mul3A_1220 : i32 to vector<16xi32>
          %mul3A_1222 = arith.muli %add3A_1219, %mul3A_1221 : vector<16xi32>
          %add3A_1223 = vector.broadcast %scan3A_1213 : i32 to vector<16xi32>
          %add3A_1224 = arith.addi %mul3A_1222, %add3A_1223 : vector<16xi32>
          %gather3A = tpu.vector_load_idx %arg13[%add3A_1224] : memref<4096xi32, #tpu.memory_space<vmem>>[vector<16xi32>], vector<16xi32>,
          %add3A_1225 = arith.addi %scan3A_1214, %gather3A : vector<16xi32>
          scf.yield %add3A_1225 : vector<16xi32>
        }
        %scan3A_1207 = arith.constant 16 : i32
        %mul3A_1208 = arith.constant 16 : i32
        %mul3A_1209 = arith.muli %scan3A_1198, %mul3A_1208 : i32
        %swap3A_1210 = arith.index_cast %mul3A_1209 : i32 to index
        %swap3A_1211 = tpu.vector_load %arg14[%swap3A_1210] {strides = array<i32>} : memref<256xi32, #tpu.memory_space<vmem>>, vector<16xi32>,
        tpu.vector_store %arg14[%swap3A_1210], %scan3A_1206 {strides = array<i32>} : memref<256xi32, #tpu.memory_space<vmem>>, vector<16xi32>,
        %scan3A_1212 = arith.constant 0 : i32
        scf.yield %scan3A_1212 : i32
      }
      %scan3A_202 = arith.constant 16 : i32
      %broadcast_in_dim3A_203 = arith.constant 0 : i32
      %broadcast_in_dim3A_204 = vector.broadcast %broadcast_in_dim3A_203 : i32 to vector<16xi32>
      %scan3A_205 = arith.constant 0 : i32
      %scan3A_206 = arith.constant 16 : i32
      %scan3A_207 = arith.addi %scan3A_205, %scan3A_206 : i32
      %scan3A_208 = arith.constant 1 : i32
      %scan3A_209 = scf.for %scan3A_1198 = %scan3A_205 to %scan3A_207 step %scan3A_208 iter_args(%scan3A_1199 = %broadcast_in_dim3A_204) -> (vector<16xi32>)  : i32 {
        %iota3A_1200 = tpu.iota {dimensions = array<i32: 0>} : vector<16xi32>
        %mul3A_1201 = arith.constant 16 : i32
        %mul3A_1202 = vector.broadcast %mul3A_1201 : i32 to vector<16xi32>
        %mul3A_1203 = arith.muli %iota3A_1200, %mul3A_1202 : vector<16xi32>
        %add3A_1204 = vector.broadcast %scan3A_1198 : i32 to vector<16xi32>
        %add3A_1205 = arith.addi %mul3A_1203, %add3A_1204 : vector<16xi32>
        %gather3A = tpu.vector_load_idx %arg14[%add3A_1205] : memref<256xi32, #tpu.memory_space<vmem>>[vector<16xi32>], vector<16xi32>,
        %add3A_1206 = arith.addi %scan3A_1199, %gather3A : vector<16xi32>
        scf.yield %add3A_1206 : vector<16xi32>
      }
      %scan3A_210 = arith.constant 16 : i32
      %rev3A = arith.constant 15 : i32
      %rev3A_211 = vector.broadcast %rev3A : i32 to vector<16xi32>
      %rev3A_212 = tpu.iota {dimensions = array<i32: 0>} : vector<16xi32>
      %rev3A_213 = arith.subi %rev3A_211, %rev3A_212 : vector<16xi32>
      %rev3A_214 = tpu.dynamic_gather %scan3A_209[%rev3A_213] in [0] : vector<16xi32>, vector<16xi32> -> vector<16xi32>
      %broadcast_in_dim3A_215 = arith.constant true
      %broadcast_in_dim3A_216 = vector.broadcast %broadcast_in_dim3A_215 : i1 to vector<16xi1>
      %masked_cumsum3A = tpu.scan <sum>, %rev3A_214 masked %broadcast_in_dim3A_216 : vector<16xi32>, vector<16xi1> -> vector<16xi32>
      %rev3A_217 = arith.constant 15 : i32
      %rev3A_218 = vector.broadcast %rev3A_217 : i32 to vector<16xi32>
      %rev3A_219 = tpu.iota {dimensions = array<i32: 0>} : vector<16xi32>
      %rev3A_220 = arith.subi %rev3A_218, %rev3A_219 : vector<16xi32>
      %rev3A_221 = tpu.dynamic_gather %masked_cumsum3A[%rev3A_220] in [0] : vector<16xi32>, vector<16xi32> -> vector<16xi32>
      %ge3A = arith.constant 2048 : i32
      %ge3A_222 = vector.broadcast %ge3A : i32 to vector<16xi32>
      %ge3A_223 = arith.cmpi sge, %rev3A_221, %ge3A_222 : vector<16xi32>
      %all_reduce_population_count3A = tpu.all_reduce %ge3A_223 {dim = 0 : i64, kind = #tpu.reduction_kind<sum>} : vector<16xi1> -> vector<16xi32>
      %reduce_max3A = arith.constant true
      %reduce_max3A_224 = vector.broadcast %reduce_max3A : i1 to vector<16xi1>
      %reduce_max3A_225 = arith.constant -2147483648 : i32
      %reduce_max3A_226 = vector.broadcast %reduce_max3A_225 : i32 to vector<16xi32>
      %reduce_max3A_227 = arith.xori %all_reduce_population_count3A, %reduce_max3A_226 : vector<16xi32>
      %reduce_max3A_228 = tpu.scan <max>, %reduce_max3A_227 masked %reduce_max3A_224 : vector<16xi32>, vector<16xi1> -> vector<16xi32>
      %reduce_max3A_229 = arith.xori %reduce_max3A_228, %reduce_max3A_226 : vector<16xi32>
      %reduce_max3A_230 = vector.extract %reduce_max3A_229[15] : i32 from vector<16xi32>
      %sub3A = arith.constant 1 : i32
      %sub3A_231 = arith.subi %reduce_max3A_230, %sub3A : i32
      %ge3A_232 = arith.constant 15 : i32
      %ge3A_233 = arith.cmpi sge, %sub3A_231, %ge3A_232 : i32
      %add3A_234 = arith.constant 1 : i32
      %add3A_235 = arith.addi %sub3A_231, %add3A_234 : i32
      %min3A = arith.constant 15 : i32
      %min3A_236 = arith.minsi %add3A_235, %min3A : i32
      %iota3A = tpu.iota {dimensions = array<i32: 0>} : vector<16xi32>
      %eq3A = vector.broadcast %min3A_236 : i32 to vector<16xi32>
      %eq3A_237 = arith.cmpi eq, %iota3A, %eq3A : vector<16xi32>
      %jit3A = arith.constant 0 : i32
      %broadcast_in_dim3A_238 = vector.broadcast %jit3A : i32 to vector<16xi32>
      %select_n3A = arith.select %eq3A_237, %rev3A_221, %broadcast_in_dim3A_238 : vector<16xi1>, vector<16xi32>
      %reduce_sum3A = arith.constant true
      %reduce_sum3A_239 = vector.broadcast %reduce_sum3A : i1 to vector<16xi1>
      %reduce_sum3A_240 = tpu.scan <sum>, %select_n3A masked %reduce_sum3A_239 : vector<16xi32>, vector<16xi1> -> vector<16xi32>
      %reduce_sum3A_241 = vector.extract %reduce_sum3A_240[15] : i32 from vector<16xi32>
      %jit3A_242 = arith.constant 0 : i32
      %select_n3A_243 = arith.select %ge3A_233, %jit3A_242, %reduce_sum3A_241 : i32
      %mul3A_244 = arith.constant 16 : i32
      %mul3A_245 = arith.muli %sub3A_231, %mul3A_244 : i32
      %get3A = arith.index_cast %mul3A_245 : i32 to index
      %get3A_246 = tpu.vector_load %arg14[%get3A] {strides = array<i32>} : memref<256xi32, #tpu.memory_space<vmem>>, vector<16xi32>,
      %rev3A_247 = arith.constant 15 : i32
      %rev3A_248 = vector.broadcast %rev3A_247 : i32 to vector<16xi32>
      %rev3A_249 = tpu.iota {dimensions = array<i32: 0>} : vector<16xi32>
      %rev3A_250 = arith.subi %rev3A_248, %rev3A_249 : vector<16xi32>
      %rev3A_251 = tpu.dynamic_gather %get3A_246[%rev3A_250] in [0] : vector<16xi32>, vector<16xi32> -> vector<16xi32>
      %broadcast_in_dim3A_252 = arith.constant true
      %broadcast_in_dim3A_253 = vector.broadcast %broadcast_in_dim3A_252 : i1 to vector<16xi1>
      %masked_cumsum3A_254 = tpu.scan <sum>, %rev3A_251 masked %broadcast_in_dim3A_253 : vector<16xi32>, vector<16xi1> -> vector<16xi32>
      %rev3A_255 = arith.constant 15 : i32
      %rev3A_256 = vector.broadcast %rev3A_255 : i32 to vector<16xi32>
      %rev3A_257 = tpu.iota {dimensions = array<i32: 0>} : vector<16xi32>
      %rev3A_258 = arith.subi %rev3A_256, %rev3A_257 : vector<16xi32>
      %rev3A_259 = tpu.dynamic_gather %masked_cumsum3A_254[%rev3A_258] in [0] : vector<16xi32>, vector<16xi32> -> vector<16xi32>
      %add3A_260 = vector.broadcast %select_n3A_243 : i32 to vector<16xi32>
      %add3A_261 = arith.addi %rev3A_259, %add3A_260 : vector<16xi32>
      %ge3A_262 = arith.constant 2048 : i32
      %ge3A_263 = vector.broadcast %ge3A_262 : i32 to vector<16xi32>
      %ge3A_264 = arith.cmpi sge, %add3A_261, %ge3A_263 : vector<16xi32>
      %all_reduce_population_count3A_265 = tpu.all_reduce %ge3A_264 {dim = 0 : i64, kind = #tpu.reduction_kind<sum>} : vector<16xi1> -> vector<16xi32>
      %reduce_max3A_266 = arith.constant true
      %reduce_max3A_267 = vector.broadcast %reduce_max3A_266 : i1 to vector<16xi1>
      %reduce_max3A_268 = arith.constant -2147483648 : i32
      %reduce_max3A_269 = vector.broadcast %reduce_max3A_268 : i32 to vector<16xi32>
      %reduce_max3A_270 = arith.xori %all_reduce_population_count3A_265, %reduce_max3A_269 : vector<16xi32>
      %reduce_max3A_271 = tpu.scan <max>, %reduce_max3A_270 masked %reduce_max3A_267 : vector<16xi32>, vector<16xi1> -> vector<16xi32>
      %reduce_max3A_272 = arith.xori %reduce_max3A_271, %reduce_max3A_269 : vector<16xi32>
      %reduce_max3A_273 = vector.extract %reduce_max3A_272[15] : i32 from vector<16xi32>
      %mul3A_274 = arith.constant 16 : i32
      %mul3A_275 = arith.muli %sub3A_231, %mul3A_274 : i32
      %sub3A_276 = arith.constant 1 : i32
      %sub3A_277 = arith.subi %reduce_max3A_273, %sub3A_276 : i32
      %add3A_278 = arith.addi %mul3A_275, %sub3A_277 : i32
      %ge3A_279 = arith.constant 16 : i32
      %ge3A_280 = arith.cmpi sge, %reduce_max3A_273, %ge3A_279 : i32
      %min3A_281 = arith.constant 15 : i32
      %min3A_282 = arith.minsi %reduce_max3A_273, %min3A_281 : i32
      %iota3A_283 = tpu.iota {dimensions = array<i32: 0>} : vector<16xi32>
      %eq3A_284 = vector.broadcast %min3A_282 : i32 to vector<16xi32>
      %eq3A_285 = arith.cmpi eq, %iota3A_283, %eq3A_284 : vector<16xi32>
      %jit3A_286 = arith.constant 0 : i32
      %broadcast_in_dim3A_287 = vector.broadcast %jit3A_286 : i32 to vector<16xi32>
      %select_n3A_288 = arith.select %eq3A_285, %add3A_261, %broadcast_in_dim3A_287 : vector<16xi1>, vector<16xi32>
      %reduce_sum3A_289 = arith.constant true
      %reduce_sum3A_290 = vector.broadcast %reduce_sum3A_289 : i1 to vector<16xi1>
      %reduce_sum3A_291 = tpu.scan <sum>, %select_n3A_288 masked %reduce_sum3A_290 : vector<16xi32>, vector<16xi1> -> vector<16xi32>
      %reduce_sum3A_292 = vector.extract %reduce_sum3A_291[15] : i32 from vector<16xi32>
      %select_n3A_293 = arith.select %ge3A_280, %select_n3A_243, %reduce_sum3A_292 : i32
      %sub3A_294 = arith.constant 2048 : i32
      %sub3A_295 = arith.subi %sub3A_294, %select_n3A_293 : i32
      %shift_left3A = arith.constant 0 : i32
      %shift_left3A_296 = arith.constant 8 : i32
      %shift_left3A_297 = arith.shli %shift_left3A, %shift_left3A_296 : i32
      %or3A = arith.ori %shift_left3A_297, %add3A_278 : i32
      %barrier3A_298 = arith.constant 0 : index
      tpu.barrier barrier_id(%barrier3A_298)
      %scan3A_299 = arith.constant 0 : i32
      %scan3A_300 = arith.constant 0 : i32
      %scan3A_301 = arith.constant 256 : i32
      %scan3A_302 = arith.addi %scan3A_300, %scan3A_301 : i32
      %scan3A_303 = arith.constant 1 : i32
      %scan3A_304 = scf.for %scan3A_1198 = %scan3A_300 to %scan3A_302 step %scan3A_303 iter_args(%scan3A_1199 = %scan3A_299) -> (i32)  : i32 {
        %broadcast_in_dim3A_1200 = arith.constant 0 : i32
        %broadcast_in_dim3A_1201 = vector.broadcast %broadcast_in_dim3A_1200 : i32 to vector<16xi32>
        %mul3A_1202 = arith.constant 16 : i32
        %mul3A_1203 = arith.muli %scan3A_1198, %mul3A_1202 : i32
        %swap3A_1204 = arith.index_cast %mul3A_1203 : i32 to index
        %swap3A_1205 = tpu.vector_load %arg10[%swap3A_1204] {strides = array<i32>} : memref<4096xi32, #tpu.memory_space<vmem>>, vector<16xi32>,
        tpu.vector_store %arg10[%swap3A_1204], %broadcast_in_dim3A_1201 {strides = array<i32>} : memref<4096xi32, #tpu.memory_space<vmem>>, vector<16xi32>,
        %scan3A_1206 = arith.constant 0 : i32
        scf.yield %scan3A_1206 : i32
      }
      %scan3A_305 = arith.constant 256 : i32
      %scan3A_306 = arith.constant 0 : i32
      %scan3A_307 = arith.constant 576 : i32
      %scan3A_308 = arith.addi %scan3A_306, %scan3A_307 : i32
      %scan3A_309 = arith.constant 1 : i32
      scf.for %scan3A_1198 = %scan3A_306 to %scan3A_308 step %scan3A_309  : i32 {
        %mul3A_1199 = arith.constant 16 : i32
        %mul3A_1200 = arith.muli %scan3A_1198, %mul3A_1199 : i32
        %get3A_1201 = arith.index_cast %mul3A_1200 : i32 to index
        %get3A_1202 = tpu.vector_load %arg8[%get3A_1201] {strides = array<i32>} : memref<9216xi32, #tpu.memory_space<vmem>>, vector<16xi32>,
        %shift_right_logical3A = arith.constant 16 : i32
        %shift_right_logical3A_1203 = vector.broadcast %shift_right_logical3A : i32 to vector<16xi32>
        %shift_right_logical3A_1204 = arith.shrui %get3A_1202, %shift_right_logical3A_1203 : vector<16xi32>
        %and3A = arith.constant 255 : i32
        %and3A_1205 = vector.broadcast %and3A : i32 to vector<16xi32>
        %and3A_1206 = arith.andi %shift_right_logical3A_1204, %and3A_1205 : vector<16xi32>
        %shift_right_logical3A_1207 = arith.constant 24 : i32
        %shift_right_logical3A_1208 = vector.broadcast %shift_right_logical3A_1207 : i32 to vector<16xi32>
        %shift_right_logical3A_1209 = arith.shrui %get3A_1202, %shift_right_logical3A_1208 : vector<16xi32>
        %eq3A_1210 = vector.broadcast %or3A : i32 to vector<16xi32>
        %eq3A_1211 = arith.cmpi eq, %shift_right_logical3A_1209, %eq3A_1210 : vector<16xi32>
        %mul3A_1212 = arith.constant 16 : i32
        %mul3A_1213 = vector.broadcast %mul3A_1212 : i32 to vector<16xi32>
        %mul3A_1214 = arith.muli %and3A_1206, %mul3A_1213 : vector<16xi32>
        %iota3A_1215 = tpu.iota {dimensions = array<i32: 0>} : vector<16xi32>
        %add3A_1216 = arith.addi %mul3A_1214, %iota3A_1215 : vector<16xi32>
        %jit3A_1217 = arith.constant 1 : i32
        %jit3A_1218 = arith.constant 0 : i32
        %broadcast_in_dim3A_1219 = vector.broadcast %jit3A_1217 : i32 to vector<16xi32>
        %broadcast_in_dim3A_1220 = vector.broadcast %jit3A_1218 : i32 to vector<16xi32>
        %select_n3A_1221 = arith.select %eq3A_1211, %broadcast_in_dim3A_1219, %broadcast_in_dim3A_1220 : vector<16xi1>, vector<16xi32>
        tpu.vector_store_idx %arg10[%add3A_1216], %select_n3A_1221 {add = true} : memref<4096xi32, #tpu.memory_space<vmem>>[vector<16xi32>], vector<16xi32>,
      }
      %scan3A_310 = arith.constant 576 : i32
      "tpu.region"() ({
        %run_scoped3A = tpu.sem_alloc : memref<!tpu.dma_semaphore, #tpu.memory_space<semaphore_mem>>
        %dma_start3A = arith.constant 0 : i32
        %dma_start3A_1198 = tpu.memref_slice %arg15[%arg1, %dma_start3A] : memref<16x4096xi32, #tpu.memory_space<vmem_shared>> -> memref<1x4096xi32, #tpu.memory_space<vmem_shared>>
        %dma_start3A_1199 = tpu.memref_squeeze %dma_start3A_1198 : memref<1x4096xi32, #tpu.memory_space<vmem_shared>> -> memref<4096xi32, #tpu.memory_space<vmem_shared>>
        %dma_start3A_1200 = arith.constant 0 : i32
        %dma_start3A_1201 = tpu.memref_slice %arg15[%arg1, %dma_start3A_1200] : memref<16x4096xi32, #tpu.memory_space<vmem_shared>> -> memref<1x4096xi32, #tpu.memory_space<vmem_shared>>
        %dma_start3A_1202 = tpu.memref_squeeze %dma_start3A_1201 : memref<1x4096xi32, #tpu.memory_space<vmem_shared>> -> memref<4096xi32, #tpu.memory_space<vmem_shared>>
        tpu.enqueue_dma source(%arg10 : memref<4096xi32, #tpu.memory_space<vmem>>) target(%dma_start3A_1202 : memref<4096xi32, #tpu.memory_space<vmem_shared>>) target_semaphore(%run_scoped3A : memref<!tpu.dma_semaphore, #tpu.memory_space<semaphore_mem>>)
        %dma_wait3A = arith.constant 0 : i32
        %dma_wait3A_1203 = tpu.memref_slice %arg15[%arg1, %dma_wait3A] : memref<16x4096xi32, #tpu.memory_space<vmem_shared>> -> memref<1x4096xi32, #tpu.memory_space<vmem_shared>>
        %dma_wait3A_1204 = tpu.memref_squeeze %dma_wait3A_1203 : memref<1x4096xi32, #tpu.memory_space<vmem_shared>> -> memref<4096xi32, #tpu.memory_space<vmem_shared>>
        %dma_wait3A_1205 = arith.constant 0 : i32
        %dma_wait3A_1206 = tpu.memref_slice %arg15[%arg1, %dma_wait3A_1205] : memref<16x4096xi32, #tpu.memory_space<vmem_shared>> -> memref<1x4096xi32, #tpu.memory_space<vmem_shared>>
        %dma_wait3A_1207 = tpu.memref_squeeze %dma_wait3A_1206 : memref<1x4096xi32, #tpu.memory_space<vmem_shared>> -> memref<4096xi32, #tpu.memory_space<vmem_shared>>
        tpu.wait_dma2 semaphore(%run_scoped3A : memref<!tpu.dma_semaphore, #tpu.memory_space<semaphore_mem>>) src(%arg10 : memref<4096xi32, #tpu.memory_space<vmem>>) dst(%dma_wait3A_1207 : memref<4096xi32, #tpu.memory_space<vmem_shared>>)
        tpu.yield
      }) : () -> ()
      %barrier3A_311 = arith.constant 0 : index
      tpu.barrier barrier_id(%barrier3A_311)
      %mul3A_312 = arith.constant 256 : i32
      %mul3A_313 = arith.muli %arg1, %mul3A_312 : i32
      "tpu.region"() ({
        %run_scoped3A = tpu.sem_alloc : memref<!tpu.dma_semaphore, #tpu.memory_space<semaphore_mem>>
        %dma_start3A = arith.constant 0 : i32
        %dma_start3A_1198 = tpu.memref_slice %arg15[%dma_start3A, %mul3A_313] : memref<16x4096xi32, #tpu.memory_space<vmem_shared>> -> memref<16x256xi32, #tpu.memory_space<vmem_shared>>
        %dma_start3A_1199 = arith.constant 0 : i32
        %dma_start3A_1200 = tpu.memref_slice %arg15[%dma_start3A_1199, %mul3A_313] : memref<16x4096xi32, #tpu.memory_space<vmem_shared>> -> memref<16x256xi32, #tpu.memory_space<vmem_shared>>
        tpu.enqueue_dma source(%dma_start3A_1200 : memref<16x256xi32, #tpu.memory_space<vmem_shared>>) target(%arg11 : memref<16x256xi32, #tpu.memory_space<vmem>>) target_semaphore(%run_scoped3A : memref<!tpu.dma_semaphore, #tpu.memory_space<semaphore_mem>>)
        %dma_wait3A = arith.constant 0 : i32
        %dma_wait3A_1201 = tpu.memref_slice %arg15[%dma_wait3A, %mul3A_313] : memref<16x4096xi32, #tpu.memory_space<vmem_shared>> -> memref<16x256xi32, #tpu.memory_space<vmem_shared>>
        %dma_wait3A_1202 = arith.constant 0 : i32
        %dma_wait3A_1203 = tpu.memref_slice %arg15[%dma_wait3A_1202, %mul3A_313] : memref<16x4096xi32, #tpu.memory_space<vmem_shared>> -> memref<16x256xi32, #tpu.memory_space<vmem_shared>>
        tpu.wait_dma2 semaphore(%run_scoped3A : memref<!tpu.dma_semaphore, #tpu.memory_space<semaphore_mem>>) src(%dma_wait3A_1203 : memref<16x256xi32, #tpu.memory_space<vmem_shared>>) dst(%arg11 : memref<16x256xi32, #tpu.memory_space<vmem>>)
        tpu.yield
      }) : () -> ()
      %broadcast_in_dim3A_314 = arith.constant 0 : i32
      %broadcast_in_dim3A_315 = vector.broadcast %broadcast_in_dim3A_314 : i32 to vector<16xi32>
      %scan3A_316 = arith.constant 0 : i32
      %scan3A_317 = arith.constant 16 : i32
      %scan3A_318 = arith.addi %scan3A_316, %scan3A_317 : i32
      %scan3A_319 = arith.constant 1 : i32
      %scan3A_320 = scf.for %scan3A_1198 = %scan3A_316 to %scan3A_318 step %scan3A_319 iter_args(%scan3A_1199 = %broadcast_in_dim3A_315) -> (vector<16xi32>)  : i32 {
        %get3A_1200 = arith.index_cast %scan3A_1198 : i32 to index
        %get3A_1201 = arith.constant 0 : index
        %get3A_1202 = tpu.vector_load %arg11[%get3A_1200, %get3A_1201] {strides = array<i32>} : memref<16x256xi32, #tpu.memory_space<vmem>>, vector<16xi32>,
        %add3A_1203 = arith.addi %scan3A_1199, %get3A_1202 : vector<16xi32>
        scf.yield %add3A_1203 : vector<16xi32>
      }
      %scan3A_321 = arith.constant 16 : i32
      %swap3A_322 = arith.constant 0 : index
      %swap3A_323 = tpu.vector_load %arg12[%swap3A_322] {strides = array<i32>} : memref<256xi32, #tpu.memory_space<vmem>>, vector<16xi32>,
      tpu.vector_store %arg12[%swap3A_322], %scan3A_320 {strides = array<i32>} : memref<256xi32, #tpu.memory_space<vmem>>, vector<16xi32>,
      %broadcast_in_dim3A_324 = arith.constant 0 : i32
      %broadcast_in_dim3A_325 = vector.broadcast %broadcast_in_dim3A_324 : i32 to vector<16xi32>
      %scan3A_326 = arith.constant 0 : i32
      %scan3A_327 = arith.constant 16 : i32
      %scan3A_328 = arith.addi %scan3A_326, %scan3A_327 : i32
      %scan3A_329 = arith.constant 1 : i32
      %scan3A_330 = scf.for %scan3A_1198 = %scan3A_326 to %scan3A_328 step %scan3A_329 iter_args(%scan3A_1199 = %broadcast_in_dim3A_325) -> (vector<16xi32>)  : i32 {
        %get3A_1200 = arith.index_cast %scan3A_1198 : i32 to index
        %get3A_1201 = arith.constant 16 : index
        %get3A_1202 = tpu.vector_load %arg11[%get3A_1200, %get3A_1201] {strides = array<i32>} : memref<16x256xi32, #tpu.memory_space<vmem>>, vector<16xi32>,
        %add3A_1203 = arith.addi %scan3A_1199, %get3A_1202 : vector<16xi32>
        scf.yield %add3A_1203 : vector<16xi32>
      }
      %scan3A_331 = arith.constant 16 : i32
      %swap3A_332 = arith.constant 16 : index
      %swap3A_333 = tpu.vector_load %arg12[%swap3A_332] {strides = array<i32>} : memref<256xi32, #tpu.memory_space<vmem>>, vector<16xi32>,
      tpu.vector_store %arg12[%swap3A_332], %scan3A_330 {strides = array<i32>} : memref<256xi32, #tpu.memory_space<vmem>>, vector<16xi32>,
      %broadcast_in_dim3A_334 = arith.constant 0 : i32
      %broadcast_in_dim3A_335 = vector.broadcast %broadcast_in_dim3A_334 : i32 to vector<16xi32>
      %scan3A_336 = arith.constant 0 : i32
      %scan3A_337 = arith.constant 16 : i32
      %scan3A_338 = arith.addi %scan3A_336, %scan3A_337 : i32
      %scan3A_339 = arith.constant 1 : i32
      %scan3A_340 = scf.for %scan3A_1198 = %scan3A_336 to %scan3A_338 step %scan3A_339 iter_args(%scan3A_1199 = %broadcast_in_dim3A_335) -> (vector<16xi32>)  : i32 {
        %get3A_1200 = arith.index_cast %scan3A_1198 : i32 to index
        %get3A_1201 = arith.constant 32 : index
        %get3A_1202 = tpu.vector_load %arg11[%get3A_1200, %get3A_1201] {strides = array<i32>} : memref<16x256xi32, #tpu.memory_space<vmem>>, vector<16xi32>,
        %add3A_1203 = arith.addi %scan3A_1199, %get3A_1202 : vector<16xi32>
        scf.yield %add3A_1203 : vector<16xi32>
      }
      %scan3A_341 = arith.constant 16 : i32
      %swap3A_342 = arith.constant 32 : index
      %swap3A_343 = tpu.vector_load %arg12[%swap3A_342] {strides = array<i32>} : memref<256xi32, #tpu.memory_space<vmem>>, vector<16xi32>,
      tpu.vector_store %arg12[%swap3A_342], %scan3A_340 {strides = array<i32>} : memref<256xi32, #tpu.memory_space<vmem>>, vector<16xi32>,
      %broadcast_in_dim3A_344 = arith.constant 0 : i32
      %broadcast_in_dim3A_345 = vector.broadcast %broadcast_in_dim3A_344 : i32 to vector<16xi32>
      %scan3A_346 = arith.constant 0 : i32
      %scan3A_347 = arith.constant 16 : i32
      %scan3A_348 = arith.addi %scan3A_346, %scan3A_347 : i32
      %scan3A_349 = arith.constant 1 : i32
      %scan3A_350 = scf.for %scan3A_1198 = %scan3A_346 to %scan3A_348 step %scan3A_349 iter_args(%scan3A_1199 = %broadcast_in_dim3A_345) -> (vector<16xi32>)  : i32 {
        %get3A_1200 = arith.index_cast %scan3A_1198 : i32 to index
        %get3A_1201 = arith.constant 48 : index
        %get3A_1202 = tpu.vector_load %arg11[%get3A_1200, %get3A_1201] {strides = array<i32>} : memref<16x256xi32, #tpu.memory_space<vmem>>, vector<16xi32>,
        %add3A_1203 = arith.addi %scan3A_1199, %get3A_1202 : vector<16xi32>
        scf.yield %add3A_1203 : vector<16xi32>
      }
      %scan3A_351 = arith.constant 16 : i32
      %swap3A_352 = arith.constant 48 : index
      %swap3A_353 = tpu.vector_load %arg12[%swap3A_352] {strides = array<i32>} : memref<256xi32, #tpu.memory_space<vmem>>, vector<16xi32>,
      tpu.vector_store %arg12[%swap3A_352], %scan3A_350 {strides = array<i32>} : memref<256xi32, #tpu.memory_space<vmem>>, vector<16xi32>,
      %broadcast_in_dim3A_354 = arith.constant 0 : i32
      %broadcast_in_dim3A_355 = vector.broadcast %broadcast_in_dim3A_354 : i32 to vector<16xi32>
      %scan3A_356 = arith.constant 0 : i32
      %scan3A_357 = arith.constant 16 : i32
      %scan3A_358 = arith.addi %scan3A_356, %scan3A_357 : i32
      %scan3A_359 = arith.constant 1 : i32
      %scan3A_360 = scf.for %scan3A_1198 = %scan3A_356 to %scan3A_358 step %scan3A_359 iter_args(%scan3A_1199 = %broadcast_in_dim3A_355) -> (vector<16xi32>)  : i32 {
        %get3A_1200 = arith.index_cast %scan3A_1198 : i32 to index
        %get3A_1201 = arith.constant 64 : index
        %get3A_1202 = tpu.vector_load %arg11[%get3A_1200, %get3A_1201] {strides = array<i32>} : memref<16x256xi32, #tpu.memory_space<vmem>>, vector<16xi32>,
        %add3A_1203 = arith.addi %scan3A_1199, %get3A_1202 : vector<16xi32>
        scf.yield %add3A_1203 : vector<16xi32>
      }
      %scan3A_361 = arith.constant 16 : i32
      %swap3A_362 = arith.constant 64 : index
      %swap3A_363 = tpu.vector_load %arg12[%swap3A_362] {strides = array<i32>} : memref<256xi32, #tpu.memory_space<vmem>>, vector<16xi32>,
      tpu.vector_store %arg12[%swap3A_362], %scan3A_360 {strides = array<i32>} : memref<256xi32, #tpu.memory_space<vmem>>, vector<16xi32>,
      %broadcast_in_dim3A_364 = arith.constant 0 : i32
      %broadcast_in_dim3A_365 = vector.broadcast %broadcast_in_dim3A_364 : i32 to vector<16xi32>
      %scan3A_366 = arith.constant 0 : i32
      %scan3A_367 = arith.constant 16 : i32
      %scan3A_368 = arith.addi %scan3A_366, %scan3A_367 : i32
      %scan3A_369 = arith.constant 1 : i32
      %scan3A_370 = scf.for %scan3A_1198 = %scan3A_366 to %scan3A_368 step %scan3A_369 iter_args(%scan3A_1199 = %broadcast_in_dim3A_365) -> (vector<16xi32>)  : i32 {
        %get3A_1200 = arith.index_cast %scan3A_1198 : i32 to index
        %get3A_1201 = arith.constant 80 : index
        %get3A_1202 = tpu.vector_load %arg11[%get3A_1200, %get3A_1201] {strides = array<i32>} : memref<16x256xi32, #tpu.memory_space<vmem>>, vector<16xi32>,
        %add3A_1203 = arith.addi %scan3A_1199, %get3A_1202 : vector<16xi32>
        scf.yield %add3A_1203 : vector<16xi32>
      }
      %scan3A_371 = arith.constant 16 : i32
      %swap3A_372 = arith.constant 80 : index
      %swap3A_373 = tpu.vector_load %arg12[%swap3A_372] {strides = array<i32>} : memref<256xi32, #tpu.memory_space<vmem>>, vector<16xi32>,
      tpu.vector_store %arg12[%swap3A_372], %scan3A_370 {strides = array<i32>} : memref<256xi32, #tpu.memory_space<vmem>>, vector<16xi32>,
      %broadcast_in_dim3A_374 = arith.constant 0 : i32
      %broadcast_in_dim3A_375 = vector.broadcast %broadcast_in_dim3A_374 : i32 to vector<16xi32>
      %scan3A_376 = arith.constant 0 : i32
      %scan3A_377 = arith.constant 16 : i32
      %scan3A_378 = arith.addi %scan3A_376, %scan3A_377 : i32
      %scan3A_379 = arith.constant 1 : i32
      %scan3A_380 = scf.for %scan3A_1198 = %scan3A_376 to %scan3A_378 step %scan3A_379 iter_args(%scan3A_1199 = %broadcast_in_dim3A_375) -> (vector<16xi32>)  : i32 {
        %get3A_1200 = arith.index_cast %scan3A_1198 : i32 to index
        %get3A_1201 = arith.constant 96 : index
        %get3A_1202 = tpu.vector_load %arg11[%get3A_1200, %get3A_1201] {strides = array<i32>} : memref<16x256xi32, #tpu.memory_space<vmem>>, vector<16xi32>,
        %add3A_1203 = arith.addi %scan3A_1199, %get3A_1202 : vector<16xi32>
        scf.yield %add3A_1203 : vector<16xi32>
      }
      %scan3A_381 = arith.constant 16 : i32
      %swap3A_382 = arith.constant 96 : index
      %swap3A_383 = tpu.vector_load %arg12[%swap3A_382] {strides = array<i32>} : memref<256xi32, #tpu.memory_space<vmem>>, vector<16xi32>,
      tpu.vector_store %arg12[%swap3A_382], %scan3A_380 {strides = array<i32>} : memref<256xi32, #tpu.memory_space<vmem>>, vector<16xi32>,
      %broadcast_in_dim3A_384 = arith.constant 0 : i32
      %broadcast_in_dim3A_385 = vector.broadcast %broadcast_in_dim3A_384 : i32 to vector<16xi32>
      %scan3A_386 = arith.constant 0 : i32
      %scan3A_387 = arith.constant 16 : i32
      %scan3A_388 = arith.addi %scan3A_386, %scan3A_387 : i32
      %scan3A_389 = arith.constant 1 : i32
      %scan3A_390 = scf.for %scan3A_1198 = %scan3A_386 to %scan3A_388 step %scan3A_389 iter_args(%scan3A_1199 = %broadcast_in_dim3A_385) -> (vector<16xi32>)  : i32 {
        %get3A_1200 = arith.index_cast %scan3A_1198 : i32 to index
        %get3A_1201 = arith.constant 112 : index
        %get3A_1202 = tpu.vector_load %arg11[%get3A_1200, %get3A_1201] {strides = array<i32>} : memref<16x256xi32, #tpu.memory_space<vmem>>, vector<16xi32>,
        %add3A_1203 = arith.addi %scan3A_1199, %get3A_1202 : vector<16xi32>
        scf.yield %add3A_1203 : vector<16xi32>
      }
      %scan3A_391 = arith.constant 16 : i32
      %swap3A_392 = arith.constant 112 : index
      %swap3A_393 = tpu.vector_load %arg12[%swap3A_392] {strides = array<i32>} : memref<256xi32, #tpu.memory_space<vmem>>, vector<16xi32>,
      tpu.vector_store %arg12[%swap3A_392], %scan3A_390 {strides = array<i32>} : memref<256xi32, #tpu.memory_space<vmem>>, vector<16xi32>,
      %broadcast_in_dim3A_394 = arith.constant 0 : i32
      %broadcast_in_dim3A_395 = vector.broadcast %broadcast_in_dim3A_394 : i32 to vector<16xi32>
      %scan3A_396 = arith.constant 0 : i32
      %scan3A_397 = arith.constant 16 : i32
      %scan3A_398 = arith.addi %scan3A_396, %scan3A_397 : i32
      %scan3A_399 = arith.constant 1 : i32
      %scan3A_400 = scf.for %scan3A_1198 = %scan3A_396 to %scan3A_398 step %scan3A_399 iter_args(%scan3A_1199 = %broadcast_in_dim3A_395) -> (vector<16xi32>)  : i32 {
        %get3A_1200 = arith.index_cast %scan3A_1198 : i32 to index
        %get3A_1201 = arith.constant 128 : index
        %get3A_1202 = tpu.vector_load %arg11[%get3A_1200, %get3A_1201] {strides = array<i32>} : memref<16x256xi32, #tpu.memory_space<vmem>>, vector<16xi32>,
        %add3A_1203 = arith.addi %scan3A_1199, %get3A_1202 : vector<16xi32>
        scf.yield %add3A_1203 : vector<16xi32>
      }
      %scan3A_401 = arith.constant 16 : i32
      %swap3A_402 = arith.constant 128 : index
      %swap3A_403 = tpu.vector_load %arg12[%swap3A_402] {strides = array<i32>} : memref<256xi32, #tpu.memory_space<vmem>>, vector<16xi32>,
      tpu.vector_store %arg12[%swap3A_402], %scan3A_400 {strides = array<i32>} : memref<256xi32, #tpu.memory_space<vmem>>, vector<16xi32>,
      %broadcast_in_dim3A_404 = arith.constant 0 : i32
      %broadcast_in_dim3A_405 = vector.broadcast %broadcast_in_dim3A_404 : i32 to vector<16xi32>
      %scan3A_406 = arith.constant 0 : i32
      %scan3A_407 = arith.constant 16 : i32
      %scan3A_408 = arith.addi %scan3A_406, %scan3A_407 : i32
      %scan3A_409 = arith.constant 1 : i32
      %scan3A_410 = scf.for %scan3A_1198 = %scan3A_406 to %scan3A_408 step %scan3A_409 iter_args(%scan3A_1199 = %broadcast_in_dim3A_405) -> (vector<16xi32>)  : i32 {
        %get3A_1200 = arith.index_cast %scan3A_1198 : i32 to index
        %get3A_1201 = arith.constant 144 : index
        %get3A_1202 = tpu.vector_load %arg11[%get3A_1200, %get3A_1201] {strides = array<i32>} : memref<16x256xi32, #tpu.memory_space<vmem>>, vector<16xi32>,
        %add3A_1203 = arith.addi %scan3A_1199, %get3A_1202 : vector<16xi32>
        scf.yield %add3A_1203 : vector<16xi32>
      }
      %scan3A_411 = arith.constant 16 : i32
      %swap3A_412 = arith.constant 144 : index
      %swap3A_413 = tpu.vector_load %arg12[%swap3A_412] {strides = array<i32>} : memref<256xi32, #tpu.memory_space<vmem>>, vector<16xi32>,
      tpu.vector_store %arg12[%swap3A_412], %scan3A_410 {strides = array<i32>} : memref<256xi32, #tpu.memory_space<vmem>>, vector<16xi32>,
      %broadcast_in_dim3A_414 = arith.constant 0 : i32
      %broadcast_in_dim3A_415 = vector.broadcast %broadcast_in_dim3A_414 : i32 to vector<16xi32>
      %scan3A_416 = arith.constant 0 : i32
      %scan3A_417 = arith.constant 16 : i32
      %scan3A_418 = arith.addi %scan3A_416, %scan3A_417 : i32
      %scan3A_419 = arith.constant 1 : i32
      %scan3A_420 = scf.for %scan3A_1198 = %scan3A_416 to %scan3A_418 step %scan3A_419 iter_args(%scan3A_1199 = %broadcast_in_dim3A_415) -> (vector<16xi32>)  : i32 {
        %get3A_1200 = arith.index_cast %scan3A_1198 : i32 to index
        %get3A_1201 = arith.constant 160 : index
        %get3A_1202 = tpu.vector_load %arg11[%get3A_1200, %get3A_1201] {strides = array<i32>} : memref<16x256xi32, #tpu.memory_space<vmem>>, vector<16xi32>,
        %add3A_1203 = arith.addi %scan3A_1199, %get3A_1202 : vector<16xi32>
        scf.yield %add3A_1203 : vector<16xi32>
      }
      %scan3A_421 = arith.constant 16 : i32
      %swap3A_422 = arith.constant 160 : index
      %swap3A_423 = tpu.vector_load %arg12[%swap3A_422] {strides = array<i32>} : memref<256xi32, #tpu.memory_space<vmem>>, vector<16xi32>,
      tpu.vector_store %arg12[%swap3A_422], %scan3A_420 {strides = array<i32>} : memref<256xi32, #tpu.memory_space<vmem>>, vector<16xi32>,
      %broadcast_in_dim3A_424 = arith.constant 0 : i32
      %broadcast_in_dim3A_425 = vector.broadcast %broadcast_in_dim3A_424 : i32 to vector<16xi32>
      %scan3A_426 = arith.constant 0 : i32
      %scan3A_427 = arith.constant 16 : i32
      %scan3A_428 = arith.addi %scan3A_426, %scan3A_427 : i32
      %scan3A_429 = arith.constant 1 : i32
      %scan3A_430 = scf.for %scan3A_1198 = %scan3A_426 to %scan3A_428 step %scan3A_429 iter_args(%scan3A_1199 = %broadcast_in_dim3A_425) -> (vector<16xi32>)  : i32 {
        %get3A_1200 = arith.index_cast %scan3A_1198 : i32 to index
        %get3A_1201 = arith.constant 176 : index
        %get3A_1202 = tpu.vector_load %arg11[%get3A_1200, %get3A_1201] {strides = array<i32>} : memref<16x256xi32, #tpu.memory_space<vmem>>, vector<16xi32>,
        %add3A_1203 = arith.addi %scan3A_1199, %get3A_1202 : vector<16xi32>
        scf.yield %add3A_1203 : vector<16xi32>
      }
      %scan3A_431 = arith.constant 16 : i32
      %swap3A_432 = arith.constant 176 : index
      %swap3A_433 = tpu.vector_load %arg12[%swap3A_432] {strides = array<i32>} : memref<256xi32, #tpu.memory_space<vmem>>, vector<16xi32>,
      tpu.vector_store %arg12[%swap3A_432], %scan3A_430 {strides = array<i32>} : memref<256xi32, #tpu.memory_space<vmem>>, vector<16xi32>,
      %broadcast_in_dim3A_434 = arith.constant 0 : i32
      %broadcast_in_dim3A_435 = vector.broadcast %broadcast_in_dim3A_434 : i32 to vector<16xi32>
      %scan3A_436 = arith.constant 0 : i32
      %scan3A_437 = arith.constant 16 : i32
      %scan3A_438 = arith.addi %scan3A_436, %scan3A_437 : i32
      %scan3A_439 = arith.constant 1 : i32
      %scan3A_440 = scf.for %scan3A_1198 = %scan3A_436 to %scan3A_438 step %scan3A_439 iter_args(%scan3A_1199 = %broadcast_in_dim3A_435) -> (vector<16xi32>)  : i32 {
        %get3A_1200 = arith.index_cast %scan3A_1198 : i32 to index
        %get3A_1201 = arith.constant 192 : index
        %get3A_1202 = tpu.vector_load %arg11[%get3A_1200, %get3A_1201] {strides = array<i32>} : memref<16x256xi32, #tpu.memory_space<vmem>>, vector<16xi32>,
        %add3A_1203 = arith.addi %scan3A_1199, %get3A_1202 : vector<16xi32>
        scf.yield %add3A_1203 : vector<16xi32>
      }
      %scan3A_441 = arith.constant 16 : i32
      %swap3A_442 = arith.constant 192 : index
      %swap3A_443 = tpu.vector_load %arg12[%swap3A_442] {strides = array<i32>} : memref<256xi32, #tpu.memory_space<vmem>>, vector<16xi32>,
      tpu.vector_store %arg12[%swap3A_442], %scan3A_440 {strides = array<i32>} : memref<256xi32, #tpu.memory_space<vmem>>, vector<16xi32>,
      %broadcast_in_dim3A_444 = arith.constant 0 : i32
      %broadcast_in_dim3A_445 = vector.broadcast %broadcast_in_dim3A_444 : i32 to vector<16xi32>
      %scan3A_446 = arith.constant 0 : i32
      %scan3A_447 = arith.constant 16 : i32
      %scan3A_448 = arith.addi %scan3A_446, %scan3A_447 : i32
      %scan3A_449 = arith.constant 1 : i32
      %scan3A_450 = scf.for %scan3A_1198 = %scan3A_446 to %scan3A_448 step %scan3A_449 iter_args(%scan3A_1199 = %broadcast_in_dim3A_445) -> (vector<16xi32>)  : i32 {
        %get3A_1200 = arith.index_cast %scan3A_1198 : i32 to index
        %get3A_1201 = arith.constant 208 : index
        %get3A_1202 = tpu.vector_load %arg11[%get3A_1200, %get3A_1201] {strides = array<i32>} : memref<16x256xi32, #tpu.memory_space<vmem>>, vector<16xi32>,
        %add3A_1203 = arith.addi %scan3A_1199, %get3A_1202 : vector<16xi32>
        scf.yield %add3A_1203 : vector<16xi32>
      }
      %scan3A_451 = arith.constant 16 : i32
      %swap3A_452 = arith.constant 208 : index
      %swap3A_453 = tpu.vector_load %arg12[%swap3A_452] {strides = array<i32>} : memref<256xi32, #tpu.memory_space<vmem>>, vector<16xi32>,
      tpu.vector_store %arg12[%swap3A_452], %scan3A_450 {strides = array<i32>} : memref<256xi32, #tpu.memory_space<vmem>>, vector<16xi32>,
      %broadcast_in_dim3A_454 = arith.constant 0 : i32
      %broadcast_in_dim3A_455 = vector.broadcast %broadcast_in_dim3A_454 : i32 to vector<16xi32>
      %scan3A_456 = arith.constant 0 : i32
      %scan3A_457 = arith.constant 16 : i32
      %scan3A_458 = arith.addi %scan3A_456, %scan3A_457 : i32
      %scan3A_459 = arith.constant 1 : i32
      %scan3A_460 = scf.for %scan3A_1198 = %scan3A_456 to %scan3A_458 step %scan3A_459 iter_args(%scan3A_1199 = %broadcast_in_dim3A_455) -> (vector<16xi32>)  : i32 {
        %get3A_1200 = arith.index_cast %scan3A_1198 : i32 to index
        %get3A_1201 = arith.constant 224 : index
        %get3A_1202 = tpu.vector_load %arg11[%get3A_1200, %get3A_1201] {strides = array<i32>} : memref<16x256xi32, #tpu.memory_space<vmem>>, vector<16xi32>,
        %add3A_1203 = arith.addi %scan3A_1199, %get3A_1202 : vector<16xi32>
        scf.yield %add3A_1203 : vector<16xi32>
      }
      %scan3A_461 = arith.constant 16 : i32
      %swap3A_462 = arith.constant 224 : index
      %swap3A_463 = tpu.vector_load %arg12[%swap3A_462] {strides = array<i32>} : memref<256xi32, #tpu.memory_space<vmem>>, vector<16xi32>,
      tpu.vector_store %arg12[%swap3A_462], %scan3A_460 {strides = array<i32>} : memref<256xi32, #tpu.memory_space<vmem>>, vector<16xi32>,
      %broadcast_in_dim3A_464 = arith.constant 0 : i32
      %broadcast_in_dim3A_465 = vector.broadcast %broadcast_in_dim3A_464 : i32 to vector<16xi32>
      %scan3A_466 = arith.constant 0 : i32
      %scan3A_467 = arith.constant 16 : i32
      %scan3A_468 = arith.addi %scan3A_466, %scan3A_467 : i32
      %scan3A_469 = arith.constant 1 : i32
      %scan3A_470 = scf.for %scan3A_1198 = %scan3A_466 to %scan3A_468 step %scan3A_469 iter_args(%scan3A_1199 = %broadcast_in_dim3A_465) -> (vector<16xi32>)  : i32 {
        %get3A_1200 = arith.index_cast %scan3A_1198 : i32 to index
        %get3A_1201 = arith.constant 240 : index
        %get3A_1202 = tpu.vector_load %arg11[%get3A_1200, %get3A_1201] {strides = array<i32>} : memref<16x256xi32, #tpu.memory_space<vmem>>, vector<16xi32>,
        %add3A_1203 = arith.addi %scan3A_1199, %get3A_1202 : vector<16xi32>
        scf.yield %add3A_1203 : vector<16xi32>
      }
      %scan3A_471 = arith.constant 16 : i32
      %swap3A_472 = arith.constant 240 : index
      %swap3A_473 = tpu.vector_load %arg12[%swap3A_472] {strides = array<i32>} : memref<256xi32, #tpu.memory_space<vmem>>, vector<16xi32>,
      tpu.vector_store %arg12[%swap3A_472], %scan3A_470 {strides = array<i32>} : memref<256xi32, #tpu.memory_space<vmem>>, vector<16xi32>,
      %mul3A_474 = arith.constant 256 : i32
      %mul3A_475 = arith.muli %arg1, %mul3A_474 : i32
      "tpu.region"() ({
        %run_scoped3A = tpu.sem_alloc : memref<!tpu.dma_semaphore, #tpu.memory_space<semaphore_mem>>
        %dma_start3A = tpu.memref_slice %arg16[%mul3A_475] : memref<4096xi32, #tpu.memory_space<vmem_shared>> -> memref<256xi32, #tpu.memory_space<vmem_shared>>
        %dma_start3A_1198 = tpu.memref_slice %arg16[%mul3A_475] : memref<4096xi32, #tpu.memory_space<vmem_shared>> -> memref<256xi32, #tpu.memory_space<vmem_shared>>
        tpu.enqueue_dma source(%arg12 : memref<256xi32, #tpu.memory_space<vmem>>) target(%dma_start3A_1198 : memref<256xi32, #tpu.memory_space<vmem_shared>>) target_semaphore(%run_scoped3A : memref<!tpu.dma_semaphore, #tpu.memory_space<semaphore_mem>>)
        %dma_wait3A = tpu.memref_slice %arg16[%mul3A_475] : memref<4096xi32, #tpu.memory_space<vmem_shared>> -> memref<256xi32, #tpu.memory_space<vmem_shared>>
        %dma_wait3A_1199 = tpu.memref_slice %arg16[%mul3A_475] : memref<4096xi32, #tpu.memory_space<vmem_shared>> -> memref<256xi32, #tpu.memory_space<vmem_shared>>
        tpu.wait_dma2 semaphore(%run_scoped3A : memref<!tpu.dma_semaphore, #tpu.memory_space<semaphore_mem>>) src(%arg12 : memref<256xi32, #tpu.memory_space<vmem>>) dst(%dma_wait3A_1199 : memref<256xi32, #tpu.memory_space<vmem_shared>>)
        tpu.yield
      }) : () -> ()
      %barrier3A_476 = arith.constant 0 : index
      tpu.barrier barrier_id(%barrier3A_476)
      "tpu.region"() ({
        %run_scoped3A = tpu.sem_alloc : memref<!tpu.dma_semaphore, #tpu.memory_space<semaphore_mem>>
        tpu.enqueue_dma source(%arg16 : memref<4096xi32, #tpu.memory_space<vmem_shared>>) target(%arg13 : memref<4096xi32, #tpu.memory_space<vmem>>) target_semaphore(%run_scoped3A : memref<!tpu.dma_semaphore, #tpu.memory_space<semaphore_mem>>)
        tpu.wait_dma2 semaphore(%run_scoped3A : memref<!tpu.dma_semaphore, #tpu.memory_space<semaphore_mem>>) src(%arg16 : memref<4096xi32, #tpu.memory_space<vmem_shared>>) dst(%arg13 : memref<4096xi32, #tpu.memory_space<vmem>>)
        tpu.yield
      }) : () -> ()
      %scan3A_477 = arith.constant 0 : i32
      %scan3A_478 = arith.constant 0 : i32
      %scan3A_479 = arith.constant 16 : i32
      %scan3A_480 = arith.addi %scan3A_478, %scan3A_479 : i32
      %scan3A_481 = arith.constant 1 : i32
      %scan3A_482 = scf.for %scan3A_1198 = %scan3A_478 to %scan3A_480 step %scan3A_481 iter_args(%scan3A_1199 = %scan3A_477) -> (i32)  : i32 {
        %broadcast_in_dim3A_1200 = arith.constant 0 : i32
        %broadcast_in_dim3A_1201 = vector.broadcast %broadcast_in_dim3A_1200 : i32 to vector<16xi32>
        %scan3A_1202 = arith.constant 0 : i32
        %scan3A_1203 = arith.constant 16 : i32
        %scan3A_1204 = arith.addi %scan3A_1202, %scan3A_1203 : i32
        %scan3A_1205 = arith.constant 1 : i32
        %scan3A_1206 = scf.for %scan3A_1213 = %scan3A_1202 to %scan3A_1204 step %scan3A_1205 iter_args(%scan3A_1214 = %broadcast_in_dim3A_1201) -> (vector<16xi32>)  : i32 {
          %mul3A_1215 = arith.constant 16 : i32
          %mul3A_1216 = arith.muli %scan3A_1198, %mul3A_1215 : i32
          %iota3A_1217 = tpu.iota {dimensions = array<i32: 0>} : vector<16xi32>
          %add3A_1218 = vector.broadcast %mul3A_1216 : i32 to vector<16xi32>
          %add3A_1219 = arith.addi %add3A_1218, %iota3A_1217 : vector<16xi32>
          %mul3A_1220 = arith.constant 16 : i32
          %mul3A_1221 = vector.broadcast %mul3A_1220 : i32 to vector<16xi32>
          %mul3A_1222 = arith.muli %add3A_1219, %mul3A_1221 : vector<16xi32>
          %add3A_1223 = vector.broadcast %scan3A_1213 : i32 to vector<16xi32>
          %add3A_1224 = arith.addi %mul3A_1222, %add3A_1223 : vector<16xi32>
          %gather3A = tpu.vector_load_idx %arg13[%add3A_1224] : memref<4096xi32, #tpu.memory_space<vmem>>[vector<16xi32>], vector<16xi32>,
          %add3A_1225 = arith.addi %scan3A_1214, %gather3A : vector<16xi32>
          scf.yield %add3A_1225 : vector<16xi32>
        }
        %scan3A_1207 = arith.constant 16 : i32
        %mul3A_1208 = arith.constant 16 : i32
        %mul3A_1209 = arith.muli %scan3A_1198, %mul3A_1208 : i32
        %swap3A_1210 = arith.index_cast %mul3A_1209 : i32 to index
        %swap3A_1211 = tpu.vector_load %arg14[%swap3A_1210] {strides = array<i32>} : memref<256xi32, #tpu.memory_space<vmem>>, vector<16xi32>,
        tpu.vector_store %arg14[%swap3A_1210], %scan3A_1206 {strides = array<i32>} : memref<256xi32, #tpu.memory_space<vmem>>, vector<16xi32>,
        %scan3A_1212 = arith.constant 0 : i32
        scf.yield %scan3A_1212 : i32
      }
      %scan3A_483 = arith.constant 16 : i32
      %broadcast_in_dim3A_484 = arith.constant 0 : i32
      %broadcast_in_dim3A_485 = vector.broadcast %broadcast_in_dim3A_484 : i32 to vector<16xi32>
      %scan3A_486 = arith.constant 0 : i32
      %scan3A_487 = arith.constant 16 : i32
      %scan3A_488 = arith.addi %scan3A_486, %scan3A_487 : i32
      %scan3A_489 = arith.constant 1 : i32
      %scan3A_490 = scf.for %scan3A_1198 = %scan3A_486 to %scan3A_488 step %scan3A_489 iter_args(%scan3A_1199 = %broadcast_in_dim3A_485) -> (vector<16xi32>)  : i32 {
        %iota3A_1200 = tpu.iota {dimensions = array<i32: 0>} : vector<16xi32>
        %mul3A_1201 = arith.constant 16 : i32
        %mul3A_1202 = vector.broadcast %mul3A_1201 : i32 to vector<16xi32>
        %mul3A_1203 = arith.muli %iota3A_1200, %mul3A_1202 : vector<16xi32>
        %add3A_1204 = vector.broadcast %scan3A_1198 : i32 to vector<16xi32>
        %add3A_1205 = arith.addi %mul3A_1203, %add3A_1204 : vector<16xi32>
        %gather3A = tpu.vector_load_idx %arg14[%add3A_1205] : memref<256xi32, #tpu.memory_space<vmem>>[vector<16xi32>], vector<16xi32>,
        %add3A_1206 = arith.addi %scan3A_1199, %gather3A : vector<16xi32>
        scf.yield %add3A_1206 : vector<16xi32>
      }
      %scan3A_491 = arith.constant 16 : i32
      %rev3A_492 = arith.constant 15 : i32
      %rev3A_493 = vector.broadcast %rev3A_492 : i32 to vector<16xi32>
      %rev3A_494 = tpu.iota {dimensions = array<i32: 0>} : vector<16xi32>
      %rev3A_495 = arith.subi %rev3A_493, %rev3A_494 : vector<16xi32>
      %rev3A_496 = tpu.dynamic_gather %scan3A_490[%rev3A_495] in [0] : vector<16xi32>, vector<16xi32> -> vector<16xi32>
      %broadcast_in_dim3A_497 = arith.constant true
      %broadcast_in_dim3A_498 = vector.broadcast %broadcast_in_dim3A_497 : i1 to vector<16xi1>
      %masked_cumsum3A_499 = tpu.scan <sum>, %rev3A_496 masked %broadcast_in_dim3A_498 : vector<16xi32>, vector<16xi1> -> vector<16xi32>
      %rev3A_500 = arith.constant 15 : i32
      %rev3A_501 = vector.broadcast %rev3A_500 : i32 to vector<16xi32>
      %rev3A_502 = tpu.iota {dimensions = array<i32: 0>} : vector<16xi32>
      %rev3A_503 = arith.subi %rev3A_501, %rev3A_502 : vector<16xi32>
      %rev3A_504 = tpu.dynamic_gather %masked_cumsum3A_499[%rev3A_503] in [0] : vector<16xi32>, vector<16xi32> -> vector<16xi32>
      %ge3A_505 = vector.broadcast %sub3A_295 : i32 to vector<16xi32>
      %ge3A_506 = arith.cmpi sge, %rev3A_504, %ge3A_505 : vector<16xi32>
      %all_reduce_population_count3A_507 = tpu.all_reduce %ge3A_506 {dim = 0 : i64, kind = #tpu.reduction_kind<sum>} : vector<16xi1> -> vector<16xi32>
      %reduce_max3A_508 = arith.constant true
      %reduce_max3A_509 = vector.broadcast %reduce_max3A_508 : i1 to vector<16xi1>
      %reduce_max3A_510 = arith.constant -2147483648 : i32
      %reduce_max3A_511 = vector.broadcast %reduce_max3A_510 : i32 to vector<16xi32>
      %reduce_max3A_512 = arith.xori %all_reduce_population_count3A_507, %reduce_max3A_511 : vector<16xi32>
      %reduce_max3A_513 = tpu.scan <max>, %reduce_max3A_512 masked %reduce_max3A_509 : vector<16xi32>, vector<16xi1> -> vector<16xi32>
      %reduce_max3A_514 = arith.xori %reduce_max3A_513, %reduce_max3A_511 : vector<16xi32>
      %reduce_max3A_515 = vector.extract %reduce_max3A_514[15] : i32 from vector<16xi32>
      %sub3A_516 = arith.constant 1 : i32
      %sub3A_517 = arith.subi %reduce_max3A_515, %sub3A_516 : i32
      %ge3A_518 = arith.constant 15 : i32
      %ge3A_519 = arith.cmpi sge, %sub3A_517, %ge3A_518 : i32
      %add3A_520 = arith.constant 1 : i32
      %add3A_521 = arith.addi %sub3A_517, %add3A_520 : i32
      %min3A_522 = arith.constant 15 : i32
      %min3A_523 = arith.minsi %add3A_521, %min3A_522 : i32
      %iota3A_524 = tpu.iota {dimensions = array<i32: 0>} : vector<16xi32>
      %eq3A_525 = vector.broadcast %min3A_523 : i32 to vector<16xi32>
      %eq3A_526 = arith.cmpi eq, %iota3A_524, %eq3A_525 : vector<16xi32>
      %jit3A_527 = arith.constant 0 : i32
      %broadcast_in_dim3A_528 = vector.broadcast %jit3A_527 : i32 to vector<16xi32>
      %select_n3A_529 = arith.select %eq3A_526, %rev3A_504, %broadcast_in_dim3A_528 : vector<16xi1>, vector<16xi32>
      %reduce_sum3A_530 = arith.constant true
      %reduce_sum3A_531 = vector.broadcast %reduce_sum3A_530 : i1 to vector<16xi1>
      %reduce_sum3A_532 = tpu.scan <sum>, %select_n3A_529 masked %reduce_sum3A_531 : vector<16xi32>, vector<16xi1> -> vector<16xi32>
      %reduce_sum3A_533 = vector.extract %reduce_sum3A_532[15] : i32 from vector<16xi32>
      %jit3A_534 = arith.constant 0 : i32
      %select_n3A_535 = arith.select %ge3A_519, %jit3A_534, %reduce_sum3A_533 : i32
      %mul3A_536 = arith.constant 16 : i32
      %mul3A_537 = arith.muli %sub3A_517, %mul3A_536 : i32
      %get3A_538 = arith.index_cast %mul3A_537 : i32 to index
      %get3A_539 = tpu.vector_load %arg14[%get3A_538] {strides = array<i32>} : memref<256xi32, #tpu.memory_space<vmem>>, vector<16xi32>,
      %rev3A_540 = arith.constant 15 : i32
      %rev3A_541 = vector.broadcast %rev3A_540 : i32 to vector<16xi32>
      %rev3A_542 = tpu.iota {dimensions = array<i32: 0>} : vector<16xi32>
      %rev3A_543 = arith.subi %rev3A_541, %rev3A_542 : vector<16xi32>
      %rev3A_544 = tpu.dynamic_gather %get3A_539[%rev3A_543] in [0] : vector<16xi32>, vector<16xi32> -> vector<16xi32>
      %broadcast_in_dim3A_545 = arith.constant true
      %broadcast_in_dim3A_546 = vector.broadcast %broadcast_in_dim3A_545 : i1 to vector<16xi1>
      %masked_cumsum3A_547 = tpu.scan <sum>, %rev3A_544 masked %broadcast_in_dim3A_546 : vector<16xi32>, vector<16xi1> -> vector<16xi32>
      %rev3A_548 = arith.constant 15 : i32
      %rev3A_549 = vector.broadcast %rev3A_548 : i32 to vector<16xi32>
      %rev3A_550 = tpu.iota {dimensions = array<i32: 0>} : vector<16xi32>
      %rev3A_551 = arith.subi %rev3A_549, %rev3A_550 : vector<16xi32>
      %rev3A_552 = tpu.dynamic_gather %masked_cumsum3A_547[%rev3A_551] in [0] : vector<16xi32>, vector<16xi32> -> vector<16xi32>
      %add3A_553 = vector.broadcast %select_n3A_535 : i32 to vector<16xi32>
      %add3A_554 = arith.addi %rev3A_552, %add3A_553 : vector<16xi32>
      %ge3A_555 = vector.broadcast %sub3A_295 : i32 to vector<16xi32>
      %ge3A_556 = arith.cmpi sge, %add3A_554, %ge3A_555 : vector<16xi32>
      %all_reduce_population_count3A_557 = tpu.all_reduce %ge3A_556 {dim = 0 : i64, kind = #tpu.reduction_kind<sum>} : vector<16xi1> -> vector<16xi32>
      %reduce_max3A_558 = arith.constant true
      %reduce_max3A_559 = vector.broadcast %reduce_max3A_558 : i1 to vector<16xi1>
      %reduce_max3A_560 = arith.constant -2147483648 : i32
      %reduce_max3A_561 = vector.broadcast %reduce_max3A_560 : i32 to vector<16xi32>
      %reduce_max3A_562 = arith.xori %all_reduce_population_count3A_557, %reduce_max3A_561 : vector<16xi32>
      %reduce_max3A_563 = tpu.scan <max>, %reduce_max3A_562 masked %reduce_max3A_559 : vector<16xi32>, vector<16xi1> -> vector<16xi32>
      %reduce_max3A_564 = arith.xori %reduce_max3A_563, %reduce_max3A_561 : vector<16xi32>
      %reduce_max3A_565 = vector.extract %reduce_max3A_564[15] : i32 from vector<16xi32>
      %mul3A_566 = arith.constant 16 : i32
      %mul3A_567 = arith.muli %sub3A_517, %mul3A_566 : i32
      %sub3A_568 = arith.constant 1 : i32
      %sub3A_569 = arith.subi %reduce_max3A_565, %sub3A_568 : i32
      %add3A_570 = arith.addi %mul3A_567, %sub3A_569 : i32
      %ge3A_571 = arith.constant 16 : i32
      %ge3A_572 = arith.cmpi sge, %reduce_max3A_565, %ge3A_571 : i32
      %min3A_573 = arith.constant 15 : i32
      %min3A_574 = arith.minsi %reduce_max3A_565, %min3A_573 : i32
      %iota3A_575 = tpu.iota {dimensions = array<i32: 0>} : vector<16xi32>
      %eq3A_576 = vector.broadcast %min3A_574 : i32 to vector<16xi32>
      %eq3A_577 = arith.cmpi eq, %iota3A_575, %eq3A_576 : vector<16xi32>
      %jit3A_578 = arith.constant 0 : i32
      %broadcast_in_dim3A_579 = vector.broadcast %jit3A_578 : i32 to vector<16xi32>
      %select_n3A_580 = arith.select %eq3A_577, %add3A_554, %broadcast_in_dim3A_579 : vector<16xi1>, vector<16xi32>
      %reduce_sum3A_581 = arith.constant true
      %reduce_sum3A_582 = vector.broadcast %reduce_sum3A_581 : i1 to vector<16xi1>
      %reduce_sum3A_583 = tpu.scan <sum>, %select_n3A_580 masked %reduce_sum3A_582 : vector<16xi32>, vector<16xi1> -> vector<16xi32>
      %reduce_sum3A_584 = vector.extract %reduce_sum3A_583[15] : i32 from vector<16xi32>
      %select_n3A_585 = arith.select %ge3A_572, %select_n3A_535, %reduce_sum3A_584 : i32
      %sub3A_586 = arith.subi %sub3A_295, %select_n3A_585 : i32
      %shift_left3A_587 = arith.constant 8 : i32
      %shift_left3A_588 = arith.shli %or3A, %shift_left3A_587 : i32
      %or3A_589 = arith.ori %shift_left3A_588, %add3A_570 : i32
      %barrier3A_590 = arith.constant 0 : index
      tpu.barrier barrier_id(%barrier3A_590)
      %scan3A_591 = arith.constant 0 : i32
      %scan3A_592 = arith.constant 0 : i32
      %scan3A_593 = arith.constant 256 : i32
      %scan3A_594 = arith.addi %scan3A_592, %scan3A_593 : i32
      %scan3A_595 = arith.constant 1 : i32
      %scan3A_596 = scf.for %scan3A_1198 = %scan3A_592 to %scan3A_594 step %scan3A_595 iter_args(%scan3A_1199 = %scan3A_591) -> (i32)  : i32 {
        %broadcast_in_dim3A_1200 = arith.constant 0 : i32
        %broadcast_in_dim3A_1201 = vector.broadcast %broadcast_in_dim3A_1200 : i32 to vector<16xi32>
        %mul3A_1202 = arith.constant 16 : i32
        %mul3A_1203 = arith.muli %scan3A_1198, %mul3A_1202 : i32
        %swap3A_1204 = arith.index_cast %mul3A_1203 : i32 to index
        %swap3A_1205 = tpu.vector_load %arg10[%swap3A_1204] {strides = array<i32>} : memref<4096xi32, #tpu.memory_space<vmem>>, vector<16xi32>,
        tpu.vector_store %arg10[%swap3A_1204], %broadcast_in_dim3A_1201 {strides = array<i32>} : memref<4096xi32, #tpu.memory_space<vmem>>, vector<16xi32>,
        %scan3A_1206 = arith.constant 0 : i32
        scf.yield %scan3A_1206 : i32
      }
      %scan3A_597 = arith.constant 256 : i32
      %scan3A_598 = arith.constant 0 : i32
      %scan3A_599 = arith.constant 576 : i32
      %scan3A_600 = arith.addi %scan3A_598, %scan3A_599 : i32
      %scan3A_601 = arith.constant 1 : i32
      scf.for %scan3A_1198 = %scan3A_598 to %scan3A_600 step %scan3A_601  : i32 {
        %mul3A_1199 = arith.constant 16 : i32
        %mul3A_1200 = arith.muli %scan3A_1198, %mul3A_1199 : i32
        %get3A_1201 = arith.index_cast %mul3A_1200 : i32 to index
        %get3A_1202 = tpu.vector_load %arg8[%get3A_1201] {strides = array<i32>} : memref<9216xi32, #tpu.memory_space<vmem>>, vector<16xi32>,
        %shift_right_logical3A = arith.constant 8 : i32
        %shift_right_logical3A_1203 = vector.broadcast %shift_right_logical3A : i32 to vector<16xi32>
        %shift_right_logical3A_1204 = arith.shrui %get3A_1202, %shift_right_logical3A_1203 : vector<16xi32>
        %and3A = arith.constant 255 : i32
        %and3A_1205 = vector.broadcast %and3A : i32 to vector<16xi32>
        %and3A_1206 = arith.andi %shift_right_logical3A_1204, %and3A_1205 : vector<16xi32>
        %shift_right_logical3A_1207 = arith.constant 16 : i32
        %shift_right_logical3A_1208 = vector.broadcast %shift_right_logical3A_1207 : i32 to vector<16xi32>
        %shift_right_logical3A_1209 = arith.shrui %get3A_1202, %shift_right_logical3A_1208 : vector<16xi32>
        %eq3A_1210 = vector.broadcast %or3A_589 : i32 to vector<16xi32>
        %eq3A_1211 = arith.cmpi eq, %shift_right_logical3A_1209, %eq3A_1210 : vector<16xi32>
        %mul3A_1212 = arith.constant 16 : i32
        %mul3A_1213 = vector.broadcast %mul3A_1212 : i32 to vector<16xi32>
        %mul3A_1214 = arith.muli %and3A_1206, %mul3A_1213 : vector<16xi32>
        %iota3A_1215 = tpu.iota {dimensions = array<i32: 0>} : vector<16xi32>
        %add3A_1216 = arith.addi %mul3A_1214, %iota3A_1215 : vector<16xi32>
        %jit3A_1217 = arith.constant 1 : i32
        %jit3A_1218 = arith.constant 0 : i32
        %broadcast_in_dim3A_1219 = vector.broadcast %jit3A_1217 : i32 to vector<16xi32>
        %broadcast_in_dim3A_1220 = vector.broadcast %jit3A_1218 : i32 to vector<16xi32>
        %select_n3A_1221 = arith.select %eq3A_1211, %broadcast_in_dim3A_1219, %broadcast_in_dim3A_1220 : vector<16xi1>, vector<16xi32>
        tpu.vector_store_idx %arg10[%add3A_1216], %select_n3A_1221 {add = true} : memref<4096xi32, #tpu.memory_space<vmem>>[vector<16xi32>], vector<16xi32>,
      }
      %scan3A_602 = arith.constant 576 : i32
      "tpu.region"() ({
        %run_scoped3A = tpu.sem_alloc : memref<!tpu.dma_semaphore, #tpu.memory_space<semaphore_mem>>
        %dma_start3A = arith.constant 0 : i32
        %dma_start3A_1198 = tpu.memref_slice %arg15[%arg1, %dma_start3A] : memref<16x4096xi32, #tpu.memory_space<vmem_shared>> -> memref<1x4096xi32, #tpu.memory_space<vmem_shared>>
        %dma_start3A_1199 = tpu.memref_squeeze %dma_start3A_1198 : memref<1x4096xi32, #tpu.memory_space<vmem_shared>> -> memref<4096xi32, #tpu.memory_space<vmem_shared>>
        %dma_start3A_1200 = arith.constant 0 : i32
        %dma_start3A_1201 = tpu.memref_slice %arg15[%arg1, %dma_start3A_1200] : memref<16x4096xi32, #tpu.memory_space<vmem_shared>> -> memref<1x4096xi32, #tpu.memory_space<vmem_shared>>
        %dma_start3A_1202 = tpu.memref_squeeze %dma_start3A_1201 : memref<1x4096xi32, #tpu.memory_space<vmem_shared>> -> memref<4096xi32, #tpu.memory_space<vmem_shared>>
        tpu.enqueue_dma source(%arg10 : memref<4096xi32, #tpu.memory_space<vmem>>) target(%dma_start3A_1202 : memref<4096xi32, #tpu.memory_space<vmem_shared>>) target_semaphore(%run_scoped3A : memref<!tpu.dma_semaphore, #tpu.memory_space<semaphore_mem>>)
        %dma_wait3A = arith.constant 0 : i32
        %dma_wait3A_1203 = tpu.memref_slice %arg15[%arg1, %dma_wait3A] : memref<16x4096xi32, #tpu.memory_space<vmem_shared>> -> memref<1x4096xi32, #tpu.memory_space<vmem_shared>>
        %dma_wait3A_1204 = tpu.memref_squeeze %dma_wait3A_1203 : memref<1x4096xi32, #tpu.memory_space<vmem_shared>> -> memref<4096xi32, #tpu.memory_space<vmem_shared>>
        %dma_wait3A_1205 = arith.constant 0 : i32
        %dma_wait3A_1206 = tpu.memref_slice %arg15[%arg1, %dma_wait3A_1205] : memref<16x4096xi32, #tpu.memory_space<vmem_shared>> -> memref<1x4096xi32, #tpu.memory_space<vmem_shared>>
        %dma_wait3A_1207 = tpu.memref_squeeze %dma_wait3A_1206 : memref<1x4096xi32, #tpu.memory_space<vmem_shared>> -> memref<4096xi32, #tpu.memory_space<vmem_shared>>
        tpu.wait_dma2 semaphore(%run_scoped3A : memref<!tpu.dma_semaphore, #tpu.memory_space<semaphore_mem>>) src(%arg10 : memref<4096xi32, #tpu.memory_space<vmem>>) dst(%dma_wait3A_1207 : memref<4096xi32, #tpu.memory_space<vmem_shared>>)
        tpu.yield
      }) : () -> ()
      %barrier3A_603 = arith.constant 0 : index
      tpu.barrier barrier_id(%barrier3A_603)
      %mul3A_604 = arith.constant 256 : i32
      %mul3A_605 = arith.muli %arg1, %mul3A_604 : i32
      "tpu.region"() ({
        %run_scoped3A = tpu.sem_alloc : memref<!tpu.dma_semaphore, #tpu.memory_space<semaphore_mem>>
        %dma_start3A = arith.constant 0 : i32
        %dma_start3A_1198 = tpu.memref_slice %arg15[%dma_start3A, %mul3A_605] : memref<16x4096xi32, #tpu.memory_space<vmem_shared>> -> memref<16x256xi32, #tpu.memory_space<vmem_shared>>
        %dma_start3A_1199 = arith.constant 0 : i32
        %dma_start3A_1200 = tpu.memref_slice %arg15[%dma_start3A_1199, %mul3A_605] : memref<16x4096xi32, #tpu.memory_space<vmem_shared>> -> memref<16x256xi32, #tpu.memory_space<vmem_shared>>
        tpu.enqueue_dma source(%dma_start3A_1200 : memref<16x256xi32, #tpu.memory_space<vmem_shared>>) target(%arg11 : memref<16x256xi32, #tpu.memory_space<vmem>>) target_semaphore(%run_scoped3A : memref<!tpu.dma_semaphore, #tpu.memory_space<semaphore_mem>>)
        %dma_wait3A = arith.constant 0 : i32
        %dma_wait3A_1201 = tpu.memref_slice %arg15[%dma_wait3A, %mul3A_605] : memref<16x4096xi32, #tpu.memory_space<vmem_shared>> -> memref<16x256xi32, #tpu.memory_space<vmem_shared>>
        %dma_wait3A_1202 = arith.constant 0 : i32
        %dma_wait3A_1203 = tpu.memref_slice %arg15[%dma_wait3A_1202, %mul3A_605] : memref<16x4096xi32, #tpu.memory_space<vmem_shared>> -> memref<16x256xi32, #tpu.memory_space<vmem_shared>>
        tpu.wait_dma2 semaphore(%run_scoped3A : memref<!tpu.dma_semaphore, #tpu.memory_space<semaphore_mem>>) src(%dma_wait3A_1203 : memref<16x256xi32, #tpu.memory_space<vmem_shared>>) dst(%arg11 : memref<16x256xi32, #tpu.memory_space<vmem>>)
        tpu.yield
      }) : () -> ()
      %broadcast_in_dim3A_606 = arith.constant 0 : i32
      %broadcast_in_dim3A_607 = vector.broadcast %broadcast_in_dim3A_606 : i32 to vector<16xi32>
      %scan3A_608 = arith.constant 0 : i32
      %scan3A_609 = arith.constant 16 : i32
      %scan3A_610 = arith.addi %scan3A_608, %scan3A_609 : i32
      %scan3A_611 = arith.constant 1 : i32
      %scan3A_612 = scf.for %scan3A_1198 = %scan3A_608 to %scan3A_610 step %scan3A_611 iter_args(%scan3A_1199 = %broadcast_in_dim3A_607) -> (vector<16xi32>)  : i32 {
        %get3A_1200 = arith.index_cast %scan3A_1198 : i32 to index
        %get3A_1201 = arith.constant 0 : index
        %get3A_1202 = tpu.vector_load %arg11[%get3A_1200, %get3A_1201] {strides = array<i32>} : memref<16x256xi32, #tpu.memory_space<vmem>>, vector<16xi32>,
        %add3A_1203 = arith.addi %scan3A_1199, %get3A_1202 : vector<16xi32>
        scf.yield %add3A_1203 : vector<16xi32>
      }
      %scan3A_613 = arith.constant 16 : i32
      %swap3A_614 = arith.constant 0 : index
      %swap3A_615 = tpu.vector_load %arg12[%swap3A_614] {strides = array<i32>} : memref<256xi32, #tpu.memory_space<vmem>>, vector<16xi32>,
      tpu.vector_store %arg12[%swap3A_614], %scan3A_612 {strides = array<i32>} : memref<256xi32, #tpu.memory_space<vmem>>, vector<16xi32>,
      %broadcast_in_dim3A_616 = arith.constant 0 : i32
      %broadcast_in_dim3A_617 = vector.broadcast %broadcast_in_dim3A_616 : i32 to vector<16xi32>
      %scan3A_618 = arith.constant 0 : i32
      %scan3A_619 = arith.constant 16 : i32
      %scan3A_620 = arith.addi %scan3A_618, %scan3A_619 : i32
      %scan3A_621 = arith.constant 1 : i32
      %scan3A_622 = scf.for %scan3A_1198 = %scan3A_618 to %scan3A_620 step %scan3A_621 iter_args(%scan3A_1199 = %broadcast_in_dim3A_617) -> (vector<16xi32>)  : i32 {
        %get3A_1200 = arith.index_cast %scan3A_1198 : i32 to index
        %get3A_1201 = arith.constant 16 : index
        %get3A_1202 = tpu.vector_load %arg11[%get3A_1200, %get3A_1201] {strides = array<i32>} : memref<16x256xi32, #tpu.memory_space<vmem>>, vector<16xi32>,
        %add3A_1203 = arith.addi %scan3A_1199, %get3A_1202 : vector<16xi32>
        scf.yield %add3A_1203 : vector<16xi32>
      }
      %scan3A_623 = arith.constant 16 : i32
      %swap3A_624 = arith.constant 16 : index
      %swap3A_625 = tpu.vector_load %arg12[%swap3A_624] {strides = array<i32>} : memref<256xi32, #tpu.memory_space<vmem>>, vector<16xi32>,
      tpu.vector_store %arg12[%swap3A_624], %scan3A_622 {strides = array<i32>} : memref<256xi32, #tpu.memory_space<vmem>>, vector<16xi32>,
      %broadcast_in_dim3A_626 = arith.constant 0 : i32
      %broadcast_in_dim3A_627 = vector.broadcast %broadcast_in_dim3A_626 : i32 to vector<16xi32>
      %scan3A_628 = arith.constant 0 : i32
      %scan3A_629 = arith.constant 16 : i32
      %scan3A_630 = arith.addi %scan3A_628, %scan3A_629 : i32
      %scan3A_631 = arith.constant 1 : i32
      %scan3A_632 = scf.for %scan3A_1198 = %scan3A_628 to %scan3A_630 step %scan3A_631 iter_args(%scan3A_1199 = %broadcast_in_dim3A_627) -> (vector<16xi32>)  : i32 {
        %get3A_1200 = arith.index_cast %scan3A_1198 : i32 to index
        %get3A_1201 = arith.constant 32 : index
        %get3A_1202 = tpu.vector_load %arg11[%get3A_1200, %get3A_1201] {strides = array<i32>} : memref<16x256xi32, #tpu.memory_space<vmem>>, vector<16xi32>,
        %add3A_1203 = arith.addi %scan3A_1199, %get3A_1202 : vector<16xi32>
        scf.yield %add3A_1203 : vector<16xi32>
      }
      %scan3A_633 = arith.constant 16 : i32
      %swap3A_634 = arith.constant 32 : index
      %swap3A_635 = tpu.vector_load %arg12[%swap3A_634] {strides = array<i32>} : memref<256xi32, #tpu.memory_space<vmem>>, vector<16xi32>,
      tpu.vector_store %arg12[%swap3A_634], %scan3A_632 {strides = array<i32>} : memref<256xi32, #tpu.memory_space<vmem>>, vector<16xi32>,
      %broadcast_in_dim3A_636 = arith.constant 0 : i32
      %broadcast_in_dim3A_637 = vector.broadcast %broadcast_in_dim3A_636 : i32 to vector<16xi32>
      %scan3A_638 = arith.constant 0 : i32
      %scan3A_639 = arith.constant 16 : i32
      %scan3A_640 = arith.addi %scan3A_638, %scan3A_639 : i32
      %scan3A_641 = arith.constant 1 : i32
      %scan3A_642 = scf.for %scan3A_1198 = %scan3A_638 to %scan3A_640 step %scan3A_641 iter_args(%scan3A_1199 = %broadcast_in_dim3A_637) -> (vector<16xi32>)  : i32 {
        %get3A_1200 = arith.index_cast %scan3A_1198 : i32 to index
        %get3A_1201 = arith.constant 48 : index
        %get3A_1202 = tpu.vector_load %arg11[%get3A_1200, %get3A_1201] {strides = array<i32>} : memref<16x256xi32, #tpu.memory_space<vmem>>, vector<16xi32>,
        %add3A_1203 = arith.addi %scan3A_1199, %get3A_1202 : vector<16xi32>
        scf.yield %add3A_1203 : vector<16xi32>
      }
      %scan3A_643 = arith.constant 16 : i32
      %swap3A_644 = arith.constant 48 : index
      %swap3A_645 = tpu.vector_load %arg12[%swap3A_644] {strides = array<i32>} : memref<256xi32, #tpu.memory_space<vmem>>, vector<16xi32>,
      tpu.vector_store %arg12[%swap3A_644], %scan3A_642 {strides = array<i32>} : memref<256xi32, #tpu.memory_space<vmem>>, vector<16xi32>,
      %broadcast_in_dim3A_646 = arith.constant 0 : i32
      %broadcast_in_dim3A_647 = vector.broadcast %broadcast_in_dim3A_646 : i32 to vector<16xi32>
      %scan3A_648 = arith.constant 0 : i32
      %scan3A_649 = arith.constant 16 : i32
      %scan3A_650 = arith.addi %scan3A_648, %scan3A_649 : i32
      %scan3A_651 = arith.constant 1 : i32
      %scan3A_652 = scf.for %scan3A_1198 = %scan3A_648 to %scan3A_650 step %scan3A_651 iter_args(%scan3A_1199 = %broadcast_in_dim3A_647) -> (vector<16xi32>)  : i32 {
        %get3A_1200 = arith.index_cast %scan3A_1198 : i32 to index
        %get3A_1201 = arith.constant 64 : index
        %get3A_1202 = tpu.vector_load %arg11[%get3A_1200, %get3A_1201] {strides = array<i32>} : memref<16x256xi32, #tpu.memory_space<vmem>>, vector<16xi32>,
        %add3A_1203 = arith.addi %scan3A_1199, %get3A_1202 : vector<16xi32>
        scf.yield %add3A_1203 : vector<16xi32>
      }
      %scan3A_653 = arith.constant 16 : i32
      %swap3A_654 = arith.constant 64 : index
      %swap3A_655 = tpu.vector_load %arg12[%swap3A_654] {strides = array<i32>} : memref<256xi32, #tpu.memory_space<vmem>>, vector<16xi32>,
      tpu.vector_store %arg12[%swap3A_654], %scan3A_652 {strides = array<i32>} : memref<256xi32, #tpu.memory_space<vmem>>, vector<16xi32>,
      %broadcast_in_dim3A_656 = arith.constant 0 : i32
      %broadcast_in_dim3A_657 = vector.broadcast %broadcast_in_dim3A_656 : i32 to vector<16xi32>
      %scan3A_658 = arith.constant 0 : i32
      %scan3A_659 = arith.constant 16 : i32
      %scan3A_660 = arith.addi %scan3A_658, %scan3A_659 : i32
      %scan3A_661 = arith.constant 1 : i32
      %scan3A_662 = scf.for %scan3A_1198 = %scan3A_658 to %scan3A_660 step %scan3A_661 iter_args(%scan3A_1199 = %broadcast_in_dim3A_657) -> (vector<16xi32>)  : i32 {
        %get3A_1200 = arith.index_cast %scan3A_1198 : i32 to index
        %get3A_1201 = arith.constant 80 : index
        %get3A_1202 = tpu.vector_load %arg11[%get3A_1200, %get3A_1201] {strides = array<i32>} : memref<16x256xi32, #tpu.memory_space<vmem>>, vector<16xi32>,
        %add3A_1203 = arith.addi %scan3A_1199, %get3A_1202 : vector<16xi32>
        scf.yield %add3A_1203 : vector<16xi32>
      }
      %scan3A_663 = arith.constant 16 : i32
      %swap3A_664 = arith.constant 80 : index
      %swap3A_665 = tpu.vector_load %arg12[%swap3A_664] {strides = array<i32>} : memref<256xi32, #tpu.memory_space<vmem>>, vector<16xi32>,
      tpu.vector_store %arg12[%swap3A_664], %scan3A_662 {strides = array<i32>} : memref<256xi32, #tpu.memory_space<vmem>>, vector<16xi32>,
      %broadcast_in_dim3A_666 = arith.constant 0 : i32
      %broadcast_in_dim3A_667 = vector.broadcast %broadcast_in_dim3A_666 : i32 to vector<16xi32>
      %scan3A_668 = arith.constant 0 : i32
      %scan3A_669 = arith.constant 16 : i32
      %scan3A_670 = arith.addi %scan3A_668, %scan3A_669 : i32
      %scan3A_671 = arith.constant 1 : i32
      %scan3A_672 = scf.for %scan3A_1198 = %scan3A_668 to %scan3A_670 step %scan3A_671 iter_args(%scan3A_1199 = %broadcast_in_dim3A_667) -> (vector<16xi32>)  : i32 {
        %get3A_1200 = arith.index_cast %scan3A_1198 : i32 to index
        %get3A_1201 = arith.constant 96 : index
        %get3A_1202 = tpu.vector_load %arg11[%get3A_1200, %get3A_1201] {strides = array<i32>} : memref<16x256xi32, #tpu.memory_space<vmem>>, vector<16xi32>,
        %add3A_1203 = arith.addi %scan3A_1199, %get3A_1202 : vector<16xi32>
        scf.yield %add3A_1203 : vector<16xi32>
      }
      %scan3A_673 = arith.constant 16 : i32
      %swap3A_674 = arith.constant 96 : index
      %swap3A_675 = tpu.vector_load %arg12[%swap3A_674] {strides = array<i32>} : memref<256xi32, #tpu.memory_space<vmem>>, vector<16xi32>,
      tpu.vector_store %arg12[%swap3A_674], %scan3A_672 {strides = array<i32>} : memref<256xi32, #tpu.memory_space<vmem>>, vector<16xi32>,
      %broadcast_in_dim3A_676 = arith.constant 0 : i32
      %broadcast_in_dim3A_677 = vector.broadcast %broadcast_in_dim3A_676 : i32 to vector<16xi32>
      %scan3A_678 = arith.constant 0 : i32
      %scan3A_679 = arith.constant 16 : i32
      %scan3A_680 = arith.addi %scan3A_678, %scan3A_679 : i32
      %scan3A_681 = arith.constant 1 : i32
      %scan3A_682 = scf.for %scan3A_1198 = %scan3A_678 to %scan3A_680 step %scan3A_681 iter_args(%scan3A_1199 = %broadcast_in_dim3A_677) -> (vector<16xi32>)  : i32 {
        %get3A_1200 = arith.index_cast %scan3A_1198 : i32 to index
        %get3A_1201 = arith.constant 112 : index
        %get3A_1202 = tpu.vector_load %arg11[%get3A_1200, %get3A_1201] {strides = array<i32>} : memref<16x256xi32, #tpu.memory_space<vmem>>, vector<16xi32>,
        %add3A_1203 = arith.addi %scan3A_1199, %get3A_1202 : vector<16xi32>
        scf.yield %add3A_1203 : vector<16xi32>
      }
      %scan3A_683 = arith.constant 16 : i32
      %swap3A_684 = arith.constant 112 : index
      %swap3A_685 = tpu.vector_load %arg12[%swap3A_684] {strides = array<i32>} : memref<256xi32, #tpu.memory_space<vmem>>, vector<16xi32>,
      tpu.vector_store %arg12[%swap3A_684], %scan3A_682 {strides = array<i32>} : memref<256xi32, #tpu.memory_space<vmem>>, vector<16xi32>,
      %broadcast_in_dim3A_686 = arith.constant 0 : i32
      %broadcast_in_dim3A_687 = vector.broadcast %broadcast_in_dim3A_686 : i32 to vector<16xi32>
      %scan3A_688 = arith.constant 0 : i32
      %scan3A_689 = arith.constant 16 : i32
      %scan3A_690 = arith.addi %scan3A_688, %scan3A_689 : i32
      %scan3A_691 = arith.constant 1 : i32
      %scan3A_692 = scf.for %scan3A_1198 = %scan3A_688 to %scan3A_690 step %scan3A_691 iter_args(%scan3A_1199 = %broadcast_in_dim3A_687) -> (vector<16xi32>)  : i32 {
        %get3A_1200 = arith.index_cast %scan3A_1198 : i32 to index
        %get3A_1201 = arith.constant 128 : index
        %get3A_1202 = tpu.vector_load %arg11[%get3A_1200, %get3A_1201] {strides = array<i32>} : memref<16x256xi32, #tpu.memory_space<vmem>>, vector<16xi32>,
        %add3A_1203 = arith.addi %scan3A_1199, %get3A_1202 : vector<16xi32>
        scf.yield %add3A_1203 : vector<16xi32>
      }
      %scan3A_693 = arith.constant 16 : i32
      %swap3A_694 = arith.constant 128 : index
      %swap3A_695 = tpu.vector_load %arg12[%swap3A_694] {strides = array<i32>} : memref<256xi32, #tpu.memory_space<vmem>>, vector<16xi32>,
      tpu.vector_store %arg12[%swap3A_694], %scan3A_692 {strides = array<i32>} : memref<256xi32, #tpu.memory_space<vmem>>, vector<16xi32>,
      %broadcast_in_dim3A_696 = arith.constant 0 : i32
      %broadcast_in_dim3A_697 = vector.broadcast %broadcast_in_dim3A_696 : i32 to vector<16xi32>
      %scan3A_698 = arith.constant 0 : i32
      %scan3A_699 = arith.constant 16 : i32
      %scan3A_700 = arith.addi %scan3A_698, %scan3A_699 : i32
      %scan3A_701 = arith.constant 1 : i32
      %scan3A_702 = scf.for %scan3A_1198 = %scan3A_698 to %scan3A_700 step %scan3A_701 iter_args(%scan3A_1199 = %broadcast_in_dim3A_697) -> (vector<16xi32>)  : i32 {
        %get3A_1200 = arith.index_cast %scan3A_1198 : i32 to index
        %get3A_1201 = arith.constant 144 : index
        %get3A_1202 = tpu.vector_load %arg11[%get3A_1200, %get3A_1201] {strides = array<i32>} : memref<16x256xi32, #tpu.memory_space<vmem>>, vector<16xi32>,
        %add3A_1203 = arith.addi %scan3A_1199, %get3A_1202 : vector<16xi32>
        scf.yield %add3A_1203 : vector<16xi32>
      }
      %scan3A_703 = arith.constant 16 : i32
      %swap3A_704 = arith.constant 144 : index
      %swap3A_705 = tpu.vector_load %arg12[%swap3A_704] {strides = array<i32>} : memref<256xi32, #tpu.memory_space<vmem>>, vector<16xi32>,
      tpu.vector_store %arg12[%swap3A_704], %scan3A_702 {strides = array<i32>} : memref<256xi32, #tpu.memory_space<vmem>>, vector<16xi32>,
      %broadcast_in_dim3A_706 = arith.constant 0 : i32
      %broadcast_in_dim3A_707 = vector.broadcast %broadcast_in_dim3A_706 : i32 to vector<16xi32>
      %scan3A_708 = arith.constant 0 : i32
      %scan3A_709 = arith.constant 16 : i32
      %scan3A_710 = arith.addi %scan3A_708, %scan3A_709 : i32
      %scan3A_711 = arith.constant 1 : i32
      %scan3A_712 = scf.for %scan3A_1198 = %scan3A_708 to %scan3A_710 step %scan3A_711 iter_args(%scan3A_1199 = %broadcast_in_dim3A_707) -> (vector<16xi32>)  : i32 {
        %get3A_1200 = arith.index_cast %scan3A_1198 : i32 to index
        %get3A_1201 = arith.constant 160 : index
        %get3A_1202 = tpu.vector_load %arg11[%get3A_1200, %get3A_1201] {strides = array<i32>} : memref<16x256xi32, #tpu.memory_space<vmem>>, vector<16xi32>,
        %add3A_1203 = arith.addi %scan3A_1199, %get3A_1202 : vector<16xi32>
        scf.yield %add3A_1203 : vector<16xi32>
      }
      %scan3A_713 = arith.constant 16 : i32
      %swap3A_714 = arith.constant 160 : index
      %swap3A_715 = tpu.vector_load %arg12[%swap3A_714] {strides = array<i32>} : memref<256xi32, #tpu.memory_space<vmem>>, vector<16xi32>,
      tpu.vector_store %arg12[%swap3A_714], %scan3A_712 {strides = array<i32>} : memref<256xi32, #tpu.memory_space<vmem>>, vector<16xi32>,
      %broadcast_in_dim3A_716 = arith.constant 0 : i32
      %broadcast_in_dim3A_717 = vector.broadcast %broadcast_in_dim3A_716 : i32 to vector<16xi32>
      %scan3A_718 = arith.constant 0 : i32
      %scan3A_719 = arith.constant 16 : i32
      %scan3A_720 = arith.addi %scan3A_718, %scan3A_719 : i32
      %scan3A_721 = arith.constant 1 : i32
      %scan3A_722 = scf.for %scan3A_1198 = %scan3A_718 to %scan3A_720 step %scan3A_721 iter_args(%scan3A_1199 = %broadcast_in_dim3A_717) -> (vector<16xi32>)  : i32 {
        %get3A_1200 = arith.index_cast %scan3A_1198 : i32 to index
        %get3A_1201 = arith.constant 176 : index
        %get3A_1202 = tpu.vector_load %arg11[%get3A_1200, %get3A_1201] {strides = array<i32>} : memref<16x256xi32, #tpu.memory_space<vmem>>, vector<16xi32>,
        %add3A_1203 = arith.addi %scan3A_1199, %get3A_1202 : vector<16xi32>
        scf.yield %add3A_1203 : vector<16xi32>
      }
      %scan3A_723 = arith.constant 16 : i32
      %swap3A_724 = arith.constant 176 : index
      %swap3A_725 = tpu.vector_load %arg12[%swap3A_724] {strides = array<i32>} : memref<256xi32, #tpu.memory_space<vmem>>, vector<16xi32>,
      tpu.vector_store %arg12[%swap3A_724], %scan3A_722 {strides = array<i32>} : memref<256xi32, #tpu.memory_space<vmem>>, vector<16xi32>,
      %broadcast_in_dim3A_726 = arith.constant 0 : i32
      %broadcast_in_dim3A_727 = vector.broadcast %broadcast_in_dim3A_726 : i32 to vector<16xi32>
      %scan3A_728 = arith.constant 0 : i32
      %scan3A_729 = arith.constant 16 : i32
      %scan3A_730 = arith.addi %scan3A_728, %scan3A_729 : i32
      %scan3A_731 = arith.constant 1 : i32
      %scan3A_732 = scf.for %scan3A_1198 = %scan3A_728 to %scan3A_730 step %scan3A_731 iter_args(%scan3A_1199 = %broadcast_in_dim3A_727) -> (vector<16xi32>)  : i32 {
        %get3A_1200 = arith.index_cast %scan3A_1198 : i32 to index
        %get3A_1201 = arith.constant 192 : index
        %get3A_1202 = tpu.vector_load %arg11[%get3A_1200, %get3A_1201] {strides = array<i32>} : memref<16x256xi32, #tpu.memory_space<vmem>>, vector<16xi32>,
        %add3A_1203 = arith.addi %scan3A_1199, %get3A_1202 : vector<16xi32>
        scf.yield %add3A_1203 : vector<16xi32>
      }
      %scan3A_733 = arith.constant 16 : i32
      %swap3A_734 = arith.constant 192 : index
      %swap3A_735 = tpu.vector_load %arg12[%swap3A_734] {strides = array<i32>} : memref<256xi32, #tpu.memory_space<vmem>>, vector<16xi32>,
      tpu.vector_store %arg12[%swap3A_734], %scan3A_732 {strides = array<i32>} : memref<256xi32, #tpu.memory_space<vmem>>, vector<16xi32>,
      %broadcast_in_dim3A_736 = arith.constant 0 : i32
      %broadcast_in_dim3A_737 = vector.broadcast %broadcast_in_dim3A_736 : i32 to vector<16xi32>
      %scan3A_738 = arith.constant 0 : i32
      %scan3A_739 = arith.constant 16 : i32
      %scan3A_740 = arith.addi %scan3A_738, %scan3A_739 : i32
      %scan3A_741 = arith.constant 1 : i32
      %scan3A_742 = scf.for %scan3A_1198 = %scan3A_738 to %scan3A_740 step %scan3A_741 iter_args(%scan3A_1199 = %broadcast_in_dim3A_737) -> (vector<16xi32>)  : i32 {
        %get3A_1200 = arith.index_cast %scan3A_1198 : i32 to index
        %get3A_1201 = arith.constant 208 : index
        %get3A_1202 = tpu.vector_load %arg11[%get3A_1200, %get3A_1201] {strides = array<i32>} : memref<16x256xi32, #tpu.memory_space<vmem>>, vector<16xi32>,
        %add3A_1203 = arith.addi %scan3A_1199, %get3A_1202 : vector<16xi32>
        scf.yield %add3A_1203 : vector<16xi32>
      }
      %scan3A_743 = arith.constant 16 : i32
      %swap3A_744 = arith.constant 208 : index
      %swap3A_745 = tpu.vector_load %arg12[%swap3A_744] {strides = array<i32>} : memref<256xi32, #tpu.memory_space<vmem>>, vector<16xi32>,
      tpu.vector_store %arg12[%swap3A_744], %scan3A_742 {strides = array<i32>} : memref<256xi32, #tpu.memory_space<vmem>>, vector<16xi32>,
      %broadcast_in_dim3A_746 = arith.constant 0 : i32
      %broadcast_in_dim3A_747 = vector.broadcast %broadcast_in_dim3A_746 : i32 to vector<16xi32>
      %scan3A_748 = arith.constant 0 : i32
      %scan3A_749 = arith.constant 16 : i32
      %scan3A_750 = arith.addi %scan3A_748, %scan3A_749 : i32
      %scan3A_751 = arith.constant 1 : i32
      %scan3A_752 = scf.for %scan3A_1198 = %scan3A_748 to %scan3A_750 step %scan3A_751 iter_args(%scan3A_1199 = %broadcast_in_dim3A_747) -> (vector<16xi32>)  : i32 {
        %get3A_1200 = arith.index_cast %scan3A_1198 : i32 to index
        %get3A_1201 = arith.constant 224 : index
        %get3A_1202 = tpu.vector_load %arg11[%get3A_1200, %get3A_1201] {strides = array<i32>} : memref<16x256xi32, #tpu.memory_space<vmem>>, vector<16xi32>,
        %add3A_1203 = arith.addi %scan3A_1199, %get3A_1202 : vector<16xi32>
        scf.yield %add3A_1203 : vector<16xi32>
      }
      %scan3A_753 = arith.constant 16 : i32
      %swap3A_754 = arith.constant 224 : index
      %swap3A_755 = tpu.vector_load %arg12[%swap3A_754] {strides = array<i32>} : memref<256xi32, #tpu.memory_space<vmem>>, vector<16xi32>,
      tpu.vector_store %arg12[%swap3A_754], %scan3A_752 {strides = array<i32>} : memref<256xi32, #tpu.memory_space<vmem>>, vector<16xi32>,
      %broadcast_in_dim3A_756 = arith.constant 0 : i32
      %broadcast_in_dim3A_757 = vector.broadcast %broadcast_in_dim3A_756 : i32 to vector<16xi32>
      %scan3A_758 = arith.constant 0 : i32
      %scan3A_759 = arith.constant 16 : i32
      %scan3A_760 = arith.addi %scan3A_758, %scan3A_759 : i32
      %scan3A_761 = arith.constant 1 : i32
      %scan3A_762 = scf.for %scan3A_1198 = %scan3A_758 to %scan3A_760 step %scan3A_761 iter_args(%scan3A_1199 = %broadcast_in_dim3A_757) -> (vector<16xi32>)  : i32 {
        %get3A_1200 = arith.index_cast %scan3A_1198 : i32 to index
        %get3A_1201 = arith.constant 240 : index
        %get3A_1202 = tpu.vector_load %arg11[%get3A_1200, %get3A_1201] {strides = array<i32>} : memref<16x256xi32, #tpu.memory_space<vmem>>, vector<16xi32>,
        %add3A_1203 = arith.addi %scan3A_1199, %get3A_1202 : vector<16xi32>
        scf.yield %add3A_1203 : vector<16xi32>
      }
      %scan3A_763 = arith.constant 16 : i32
      %swap3A_764 = arith.constant 240 : index
      %swap3A_765 = tpu.vector_load %arg12[%swap3A_764] {strides = array<i32>} : memref<256xi32, #tpu.memory_space<vmem>>, vector<16xi32>,
      tpu.vector_store %arg12[%swap3A_764], %scan3A_762 {strides = array<i32>} : memref<256xi32, #tpu.memory_space<vmem>>, vector<16xi32>,
      %mul3A_766 = arith.constant 256 : i32
      %mul3A_767 = arith.muli %arg1, %mul3A_766 : i32
      "tpu.region"() ({
        %run_scoped3A = tpu.sem_alloc : memref<!tpu.dma_semaphore, #tpu.memory_space<semaphore_mem>>
        %dma_start3A = tpu.memref_slice %arg16[%mul3A_767] : memref<4096xi32, #tpu.memory_space<vmem_shared>> -> memref<256xi32, #tpu.memory_space<vmem_shared>>
        %dma_start3A_1198 = tpu.memref_slice %arg16[%mul3A_767] : memref<4096xi32, #tpu.memory_space<vmem_shared>> -> memref<256xi32, #tpu.memory_space<vmem_shared>>
        tpu.enqueue_dma source(%arg12 : memref<256xi32, #tpu.memory_space<vmem>>) target(%dma_start3A_1198 : memref<256xi32, #tpu.memory_space<vmem_shared>>) target_semaphore(%run_scoped3A : memref<!tpu.dma_semaphore, #tpu.memory_space<semaphore_mem>>)
        %dma_wait3A = tpu.memref_slice %arg16[%mul3A_767] : memref<4096xi32, #tpu.memory_space<vmem_shared>> -> memref<256xi32, #tpu.memory_space<vmem_shared>>
        %dma_wait3A_1199 = tpu.memref_slice %arg16[%mul3A_767] : memref<4096xi32, #tpu.memory_space<vmem_shared>> -> memref<256xi32, #tpu.memory_space<vmem_shared>>
        tpu.wait_dma2 semaphore(%run_scoped3A : memref<!tpu.dma_semaphore, #tpu.memory_space<semaphore_mem>>) src(%arg12 : memref<256xi32, #tpu.memory_space<vmem>>) dst(%dma_wait3A_1199 : memref<256xi32, #tpu.memory_space<vmem_shared>>)
        tpu.yield
      }) : () -> ()
      %barrier3A_768 = arith.constant 0 : index
      tpu.barrier barrier_id(%barrier3A_768)
      "tpu.region"() ({
        %run_scoped3A = tpu.sem_alloc : memref<!tpu.dma_semaphore, #tpu.memory_space<semaphore_mem>>
        tpu.enqueue_dma source(%arg16 : memref<4096xi32, #tpu.memory_space<vmem_shared>>) target(%arg13 : memref<4096xi32, #tpu.memory_space<vmem>>) target_semaphore(%run_scoped3A : memref<!tpu.dma_semaphore, #tpu.memory_space<semaphore_mem>>)
        tpu.wait_dma2 semaphore(%run_scoped3A : memref<!tpu.dma_semaphore, #tpu.memory_space<semaphore_mem>>) src(%arg16 : memref<4096xi32, #tpu.memory_space<vmem_shared>>) dst(%arg13 : memref<4096xi32, #tpu.memory_space<vmem>>)
        tpu.yield
      }) : () -> ()
      %scan3A_769 = arith.constant 0 : i32
      %scan3A_770 = arith.constant 0 : i32
      %scan3A_771 = arith.constant 16 : i32
      %scan3A_772 = arith.addi %scan3A_770, %scan3A_771 : i32
      %scan3A_773 = arith.constant 1 : i32
      %scan3A_774 = scf.for %scan3A_1198 = %scan3A_770 to %scan3A_772 step %scan3A_773 iter_args(%scan3A_1199 = %scan3A_769) -> (i32)  : i32 {
        %broadcast_in_dim3A_1200 = arith.constant 0 : i32
        %broadcast_in_dim3A_1201 = vector.broadcast %broadcast_in_dim3A_1200 : i32 to vector<16xi32>
        %scan3A_1202 = arith.constant 0 : i32
        %scan3A_1203 = arith.constant 16 : i32
        %scan3A_1204 = arith.addi %scan3A_1202, %scan3A_1203 : i32
        %scan3A_1205 = arith.constant 1 : i32
        %scan3A_1206 = scf.for %scan3A_1213 = %scan3A_1202 to %scan3A_1204 step %scan3A_1205 iter_args(%scan3A_1214 = %broadcast_in_dim3A_1201) -> (vector<16xi32>)  : i32 {
          %mul3A_1215 = arith.constant 16 : i32
          %mul3A_1216 = arith.muli %scan3A_1198, %mul3A_1215 : i32
          %iota3A_1217 = tpu.iota {dimensions = array<i32: 0>} : vector<16xi32>
          %add3A_1218 = vector.broadcast %mul3A_1216 : i32 to vector<16xi32>
          %add3A_1219 = arith.addi %add3A_1218, %iota3A_1217 : vector<16xi32>
          %mul3A_1220 = arith.constant 16 : i32
          %mul3A_1221 = vector.broadcast %mul3A_1220 : i32 to vector<16xi32>
          %mul3A_1222 = arith.muli %add3A_1219, %mul3A_1221 : vector<16xi32>
          %add3A_1223 = vector.broadcast %scan3A_1213 : i32 to vector<16xi32>
          %add3A_1224 = arith.addi %mul3A_1222, %add3A_1223 : vector<16xi32>
          %gather3A = tpu.vector_load_idx %arg13[%add3A_1224] : memref<4096xi32, #tpu.memory_space<vmem>>[vector<16xi32>], vector<16xi32>,
          %add3A_1225 = arith.addi %scan3A_1214, %gather3A : vector<16xi32>
          scf.yield %add3A_1225 : vector<16xi32>
        }
        %scan3A_1207 = arith.constant 16 : i32
        %mul3A_1208 = arith.constant 16 : i32
        %mul3A_1209 = arith.muli %scan3A_1198, %mul3A_1208 : i32
        %swap3A_1210 = arith.index_cast %mul3A_1209 : i32 to index
        %swap3A_1211 = tpu.vector_load %arg14[%swap3A_1210] {strides = array<i32>} : memref<256xi32, #tpu.memory_space<vmem>>, vector<16xi32>,
        tpu.vector_store %arg14[%swap3A_1210], %scan3A_1206 {strides = array<i32>} : memref<256xi32, #tpu.memory_space<vmem>>, vector<16xi32>,
        %scan3A_1212 = arith.constant 0 : i32
        scf.yield %scan3A_1212 : i32
      }
      %scan3A_775 = arith.constant 16 : i32
      %broadcast_in_dim3A_776 = arith.constant 0 : i32
      %broadcast_in_dim3A_777 = vector.broadcast %broadcast_in_dim3A_776 : i32 to vector<16xi32>
      %scan3A_778 = arith.constant 0 : i32
      %scan3A_779 = arith.constant 16 : i32
      %scan3A_780 = arith.addi %scan3A_778, %scan3A_779 : i32
      %scan3A_781 = arith.constant 1 : i32
      %scan3A_782 = scf.for %scan3A_1198 = %scan3A_778 to %scan3A_780 step %scan3A_781 iter_args(%scan3A_1199 = %broadcast_in_dim3A_777) -> (vector<16xi32>)  : i32 {
        %iota3A_1200 = tpu.iota {dimensions = array<i32: 0>} : vector<16xi32>
        %mul3A_1201 = arith.constant 16 : i32
        %mul3A_1202 = vector.broadcast %mul3A_1201 : i32 to vector<16xi32>
        %mul3A_1203 = arith.muli %iota3A_1200, %mul3A_1202 : vector<16xi32>
        %add3A_1204 = vector.broadcast %scan3A_1198 : i32 to vector<16xi32>
        %add3A_1205 = arith.addi %mul3A_1203, %add3A_1204 : vector<16xi32>
        %gather3A = tpu.vector_load_idx %arg14[%add3A_1205] : memref<256xi32, #tpu.memory_space<vmem>>[vector<16xi32>], vector<16xi32>,
        %add3A_1206 = arith.addi %scan3A_1199, %gather3A : vector<16xi32>
        scf.yield %add3A_1206 : vector<16xi32>
      }
      %scan3A_783 = arith.constant 16 : i32
      %rev3A_784 = arith.constant 15 : i32
      %rev3A_785 = vector.broadcast %rev3A_784 : i32 to vector<16xi32>
      %rev3A_786 = tpu.iota {dimensions = array<i32: 0>} : vector<16xi32>
      %rev3A_787 = arith.subi %rev3A_785, %rev3A_786 : vector<16xi32>
      %rev3A_788 = tpu.dynamic_gather %scan3A_782[%rev3A_787] in [0] : vector<16xi32>, vector<16xi32> -> vector<16xi32>
      %broadcast_in_dim3A_789 = arith.constant true
      %broadcast_in_dim3A_790 = vector.broadcast %broadcast_in_dim3A_789 : i1 to vector<16xi1>
      %masked_cumsum3A_791 = tpu.scan <sum>, %rev3A_788 masked %broadcast_in_dim3A_790 : vector<16xi32>, vector<16xi1> -> vector<16xi32>
      %rev3A_792 = arith.constant 15 : i32
      %rev3A_793 = vector.broadcast %rev3A_792 : i32 to vector<16xi32>
      %rev3A_794 = tpu.iota {dimensions = array<i32: 0>} : vector<16xi32>
      %rev3A_795 = arith.subi %rev3A_793, %rev3A_794 : vector<16xi32>
      %rev3A_796 = tpu.dynamic_gather %masked_cumsum3A_791[%rev3A_795] in [0] : vector<16xi32>, vector<16xi32> -> vector<16xi32>
      %ge3A_797 = vector.broadcast %sub3A_586 : i32 to vector<16xi32>
      %ge3A_798 = arith.cmpi sge, %rev3A_796, %ge3A_797 : vector<16xi32>
      %all_reduce_population_count3A_799 = tpu.all_reduce %ge3A_798 {dim = 0 : i64, kind = #tpu.reduction_kind<sum>} : vector<16xi1> -> vector<16xi32>
      %reduce_max3A_800 = arith.constant true
      %reduce_max3A_801 = vector.broadcast %reduce_max3A_800 : i1 to vector<16xi1>
      %reduce_max3A_802 = arith.constant -2147483648 : i32
      %reduce_max3A_803 = vector.broadcast %reduce_max3A_802 : i32 to vector<16xi32>
      %reduce_max3A_804 = arith.xori %all_reduce_population_count3A_799, %reduce_max3A_803 : vector<16xi32>
      %reduce_max3A_805 = tpu.scan <max>, %reduce_max3A_804 masked %reduce_max3A_801 : vector<16xi32>, vector<16xi1> -> vector<16xi32>
      %reduce_max3A_806 = arith.xori %reduce_max3A_805, %reduce_max3A_803 : vector<16xi32>
      %reduce_max3A_807 = vector.extract %reduce_max3A_806[15] : i32 from vector<16xi32>
      %sub3A_808 = arith.constant 1 : i32
      %sub3A_809 = arith.subi %reduce_max3A_807, %sub3A_808 : i32
      %ge3A_810 = arith.constant 15 : i32
      %ge3A_811 = arith.cmpi sge, %sub3A_809, %ge3A_810 : i32
      %add3A_812 = arith.constant 1 : i32
      %add3A_813 = arith.addi %sub3A_809, %add3A_812 : i32
      %min3A_814 = arith.constant 15 : i32
      %min3A_815 = arith.minsi %add3A_813, %min3A_814 : i32
      %iota3A_816 = tpu.iota {dimensions = array<i32: 0>} : vector<16xi32>
      %eq3A_817 = vector.broadcast %min3A_815 : i32 to vector<16xi32>
      %eq3A_818 = arith.cmpi eq, %iota3A_816, %eq3A_817 : vector<16xi32>
      %jit3A_819 = arith.constant 0 : i32
      %broadcast_in_dim3A_820 = vector.broadcast %jit3A_819 : i32 to vector<16xi32>
      %select_n3A_821 = arith.select %eq3A_818, %rev3A_796, %broadcast_in_dim3A_820 : vector<16xi1>, vector<16xi32>
      %reduce_sum3A_822 = arith.constant true
      %reduce_sum3A_823 = vector.broadcast %reduce_sum3A_822 : i1 to vector<16xi1>
      %reduce_sum3A_824 = tpu.scan <sum>, %select_n3A_821 masked %reduce_sum3A_823 : vector<16xi32>, vector<16xi1> -> vector<16xi32>
      %reduce_sum3A_825 = vector.extract %reduce_sum3A_824[15] : i32 from vector<16xi32>
      %jit3A_826 = arith.constant 0 : i32
      %select_n3A_827 = arith.select %ge3A_811, %jit3A_826, %reduce_sum3A_825 : i32
      %mul3A_828 = arith.constant 16 : i32
      %mul3A_829 = arith.muli %sub3A_809, %mul3A_828 : i32
      %get3A_830 = arith.index_cast %mul3A_829 : i32 to index
      %get3A_831 = tpu.vector_load %arg14[%get3A_830] {strides = array<i32>} : memref<256xi32, #tpu.memory_space<vmem>>, vector<16xi32>,
      %rev3A_832 = arith.constant 15 : i32
      %rev3A_833 = vector.broadcast %rev3A_832 : i32 to vector<16xi32>
      %rev3A_834 = tpu.iota {dimensions = array<i32: 0>} : vector<16xi32>
      %rev3A_835 = arith.subi %rev3A_833, %rev3A_834 : vector<16xi32>
      %rev3A_836 = tpu.dynamic_gather %get3A_831[%rev3A_835] in [0] : vector<16xi32>, vector<16xi32> -> vector<16xi32>
      %broadcast_in_dim3A_837 = arith.constant true
      %broadcast_in_dim3A_838 = vector.broadcast %broadcast_in_dim3A_837 : i1 to vector<16xi1>
      %masked_cumsum3A_839 = tpu.scan <sum>, %rev3A_836 masked %broadcast_in_dim3A_838 : vector<16xi32>, vector<16xi1> -> vector<16xi32>
      %rev3A_840 = arith.constant 15 : i32
      %rev3A_841 = vector.broadcast %rev3A_840 : i32 to vector<16xi32>
      %rev3A_842 = tpu.iota {dimensions = array<i32: 0>} : vector<16xi32>
      %rev3A_843 = arith.subi %rev3A_841, %rev3A_842 : vector<16xi32>
      %rev3A_844 = tpu.dynamic_gather %masked_cumsum3A_839[%rev3A_843] in [0] : vector<16xi32>, vector<16xi32> -> vector<16xi32>
      %add3A_845 = vector.broadcast %select_n3A_827 : i32 to vector<16xi32>
      %add3A_846 = arith.addi %rev3A_844, %add3A_845 : vector<16xi32>
      %ge3A_847 = vector.broadcast %sub3A_586 : i32 to vector<16xi32>
      %ge3A_848 = arith.cmpi sge, %add3A_846, %ge3A_847 : vector<16xi32>
      %all_reduce_population_count3A_849 = tpu.all_reduce %ge3A_848 {dim = 0 : i64, kind = #tpu.reduction_kind<sum>} : vector<16xi1> -> vector<16xi32>
      %reduce_max3A_850 = arith.constant true
      %reduce_max3A_851 = vector.broadcast %reduce_max3A_850 : i1 to vector<16xi1>
      %reduce_max3A_852 = arith.constant -2147483648 : i32
      %reduce_max3A_853 = vector.broadcast %reduce_max3A_852 : i32 to vector<16xi32>
      %reduce_max3A_854 = arith.xori %all_reduce_population_count3A_849, %reduce_max3A_853 : vector<16xi32>
      %reduce_max3A_855 = tpu.scan <max>, %reduce_max3A_854 masked %reduce_max3A_851 : vector<16xi32>, vector<16xi1> -> vector<16xi32>
      %reduce_max3A_856 = arith.xori %reduce_max3A_855, %reduce_max3A_853 : vector<16xi32>
      %reduce_max3A_857 = vector.extract %reduce_max3A_856[15] : i32 from vector<16xi32>
      %mul3A_858 = arith.constant 16 : i32
      %mul3A_859 = arith.muli %sub3A_809, %mul3A_858 : i32
      %sub3A_860 = arith.constant 1 : i32
      %sub3A_861 = arith.subi %reduce_max3A_857, %sub3A_860 : i32
      %add3A_862 = arith.addi %mul3A_859, %sub3A_861 : i32
      %ge3A_863 = arith.constant 16 : i32
      %ge3A_864 = arith.cmpi sge, %reduce_max3A_857, %ge3A_863 : i32
      %min3A_865 = arith.constant 15 : i32
      %min3A_866 = arith.minsi %reduce_max3A_857, %min3A_865 : i32
      %iota3A_867 = tpu.iota {dimensions = array<i32: 0>} : vector<16xi32>
      %eq3A_868 = vector.broadcast %min3A_866 : i32 to vector<16xi32>
      %eq3A_869 = arith.cmpi eq, %iota3A_867, %eq3A_868 : vector<16xi32>
      %jit3A_870 = arith.constant 0 : i32
      %broadcast_in_dim3A_871 = vector.broadcast %jit3A_870 : i32 to vector<16xi32>
      %select_n3A_872 = arith.select %eq3A_869, %add3A_846, %broadcast_in_dim3A_871 : vector<16xi1>, vector<16xi32>
      %reduce_sum3A_873 = arith.constant true
      %reduce_sum3A_874 = vector.broadcast %reduce_sum3A_873 : i1 to vector<16xi1>
      %reduce_sum3A_875 = tpu.scan <sum>, %select_n3A_872 masked %reduce_sum3A_874 : vector<16xi32>, vector<16xi1> -> vector<16xi32>
      %reduce_sum3A_876 = vector.extract %reduce_sum3A_875[15] : i32 from vector<16xi32>
      %select_n3A_877 = arith.select %ge3A_864, %select_n3A_827, %reduce_sum3A_876 : i32
      %sub3A_878 = arith.subi %sub3A_586, %select_n3A_877 : i32
      %shift_left3A_879 = arith.constant 8 : i32
      %shift_left3A_880 = arith.shli %or3A_589, %shift_left3A_879 : i32
      %or3A_881 = arith.ori %shift_left3A_880, %add3A_862 : i32
      %barrier3A_882 = arith.constant 0 : index
      tpu.barrier barrier_id(%barrier3A_882)
      %scan3A_883 = arith.constant 0 : i32
      %scan3A_884 = arith.constant 0 : i32
      %scan3A_885 = arith.constant 256 : i32
      %scan3A_886 = arith.addi %scan3A_884, %scan3A_885 : i32
      %scan3A_887 = arith.constant 1 : i32
      %scan3A_888 = scf.for %scan3A_1198 = %scan3A_884 to %scan3A_886 step %scan3A_887 iter_args(%scan3A_1199 = %scan3A_883) -> (i32)  : i32 {
        %broadcast_in_dim3A_1200 = arith.constant 0 : i32
        %broadcast_in_dim3A_1201 = vector.broadcast %broadcast_in_dim3A_1200 : i32 to vector<16xi32>
        %mul3A_1202 = arith.constant 16 : i32
        %mul3A_1203 = arith.muli %scan3A_1198, %mul3A_1202 : i32
        %swap3A_1204 = arith.index_cast %mul3A_1203 : i32 to index
        %swap3A_1205 = tpu.vector_load %arg10[%swap3A_1204] {strides = array<i32>} : memref<4096xi32, #tpu.memory_space<vmem>>, vector<16xi32>,
        tpu.vector_store %arg10[%swap3A_1204], %broadcast_in_dim3A_1201 {strides = array<i32>} : memref<4096xi32, #tpu.memory_space<vmem>>, vector<16xi32>,
        %scan3A_1206 = arith.constant 0 : i32
        scf.yield %scan3A_1206 : i32
      }
      %scan3A_889 = arith.constant 256 : i32
      %scan3A_890 = arith.constant 0 : i32
      %scan3A_891 = arith.constant 576 : i32
      %scan3A_892 = arith.addi %scan3A_890, %scan3A_891 : i32
      %scan3A_893 = arith.constant 1 : i32
      scf.for %scan3A_1198 = %scan3A_890 to %scan3A_892 step %scan3A_893  : i32 {
        %mul3A_1199 = arith.constant 16 : i32
        %mul3A_1200 = arith.muli %scan3A_1198, %mul3A_1199 : i32
        %get3A_1201 = arith.index_cast %mul3A_1200 : i32 to index
        %get3A_1202 = tpu.vector_load %arg8[%get3A_1201] {strides = array<i32>} : memref<9216xi32, #tpu.memory_space<vmem>>, vector<16xi32>,
        %shift_right_logical3A = arith.constant 0 : i32
        %shift_right_logical3A_1203 = vector.broadcast %shift_right_logical3A : i32 to vector<16xi32>
        %shift_right_logical3A_1204 = arith.shrui %get3A_1202, %shift_right_logical3A_1203 : vector<16xi32>
        %and3A = arith.constant 255 : i32
        %and3A_1205 = vector.broadcast %and3A : i32 to vector<16xi32>
        %and3A_1206 = arith.andi %shift_right_logical3A_1204, %and3A_1205 : vector<16xi32>
        %shift_right_logical3A_1207 = arith.constant 8 : i32
        %shift_right_logical3A_1208 = vector.broadcast %shift_right_logical3A_1207 : i32 to vector<16xi32>
        %shift_right_logical3A_1209 = arith.shrui %get3A_1202, %shift_right_logical3A_1208 : vector<16xi32>
        %eq3A_1210 = vector.broadcast %or3A_881 : i32 to vector<16xi32>
        %eq3A_1211 = arith.cmpi eq, %shift_right_logical3A_1209, %eq3A_1210 : vector<16xi32>
        %mul3A_1212 = arith.constant 16 : i32
        %mul3A_1213 = vector.broadcast %mul3A_1212 : i32 to vector<16xi32>
        %mul3A_1214 = arith.muli %and3A_1206, %mul3A_1213 : vector<16xi32>
        %iota3A_1215 = tpu.iota {dimensions = array<i32: 0>} : vector<16xi32>
        %add3A_1216 = arith.addi %mul3A_1214, %iota3A_1215 : vector<16xi32>
        %jit3A_1217 = arith.constant 1 : i32
        %jit3A_1218 = arith.constant 0 : i32
        %broadcast_in_dim3A_1219 = vector.broadcast %jit3A_1217 : i32 to vector<16xi32>
        %broadcast_in_dim3A_1220 = vector.broadcast %jit3A_1218 : i32 to vector<16xi32>
        %select_n3A_1221 = arith.select %eq3A_1211, %broadcast_in_dim3A_1219, %broadcast_in_dim3A_1220 : vector<16xi1>, vector<16xi32>
        tpu.vector_store_idx %arg10[%add3A_1216], %select_n3A_1221 {add = true} : memref<4096xi32, #tpu.memory_space<vmem>>[vector<16xi32>], vector<16xi32>,
      }
      %scan3A_894 = arith.constant 576 : i32
      "tpu.region"() ({
        %run_scoped3A = tpu.sem_alloc : memref<!tpu.dma_semaphore, #tpu.memory_space<semaphore_mem>>
        %dma_start3A = arith.constant 0 : i32
        %dma_start3A_1198 = tpu.memref_slice %arg15[%arg1, %dma_start3A] : memref<16x4096xi32, #tpu.memory_space<vmem_shared>> -> memref<1x4096xi32, #tpu.memory_space<vmem_shared>>
        %dma_start3A_1199 = tpu.memref_squeeze %dma_start3A_1198 : memref<1x4096xi32, #tpu.memory_space<vmem_shared>> -> memref<4096xi32, #tpu.memory_space<vmem_shared>>
        %dma_start3A_1200 = arith.constant 0 : i32
        %dma_start3A_1201 = tpu.memref_slice %arg15[%arg1, %dma_start3A_1200] : memref<16x4096xi32, #tpu.memory_space<vmem_shared>> -> memref<1x4096xi32, #tpu.memory_space<vmem_shared>>
        %dma_start3A_1202 = tpu.memref_squeeze %dma_start3A_1201 : memref<1x4096xi32, #tpu.memory_space<vmem_shared>> -> memref<4096xi32, #tpu.memory_space<vmem_shared>>
        tpu.enqueue_dma source(%arg10 : memref<4096xi32, #tpu.memory_space<vmem>>) target(%dma_start3A_1202 : memref<4096xi32, #tpu.memory_space<vmem_shared>>) target_semaphore(%run_scoped3A : memref<!tpu.dma_semaphore, #tpu.memory_space<semaphore_mem>>)
        %dma_wait3A = arith.constant 0 : i32
        %dma_wait3A_1203 = tpu.memref_slice %arg15[%arg1, %dma_wait3A] : memref<16x4096xi32, #tpu.memory_space<vmem_shared>> -> memref<1x4096xi32, #tpu.memory_space<vmem_shared>>
        %dma_wait3A_1204 = tpu.memref_squeeze %dma_wait3A_1203 : memref<1x4096xi32, #tpu.memory_space<vmem_shared>> -> memref<4096xi32, #tpu.memory_space<vmem_shared>>
        %dma_wait3A_1205 = arith.constant 0 : i32
        %dma_wait3A_1206 = tpu.memref_slice %arg15[%arg1, %dma_wait3A_1205] : memref<16x4096xi32, #tpu.memory_space<vmem_shared>> -> memref<1x4096xi32, #tpu.memory_space<vmem_shared>>
        %dma_wait3A_1207 = tpu.memref_squeeze %dma_wait3A_1206 : memref<1x4096xi32, #tpu.memory_space<vmem_shared>> -> memref<4096xi32, #tpu.memory_space<vmem_shared>>
        tpu.wait_dma2 semaphore(%run_scoped3A : memref<!tpu.dma_semaphore, #tpu.memory_space<semaphore_mem>>) src(%arg10 : memref<4096xi32, #tpu.memory_space<vmem>>) dst(%dma_wait3A_1207 : memref<4096xi32, #tpu.memory_space<vmem_shared>>)
        tpu.yield
      }) : () -> ()
      %barrier3A_895 = arith.constant 0 : index
      tpu.barrier barrier_id(%barrier3A_895)
      %mul3A_896 = arith.constant 256 : i32
      %mul3A_897 = arith.muli %arg1, %mul3A_896 : i32
      "tpu.region"() ({
        %run_scoped3A = tpu.sem_alloc : memref<!tpu.dma_semaphore, #tpu.memory_space<semaphore_mem>>
        %dma_start3A = arith.constant 0 : i32
        %dma_start3A_1198 = tpu.memref_slice %arg15[%dma_start3A, %mul3A_897] : memref<16x4096xi32, #tpu.memory_space<vmem_shared>> -> memref<16x256xi32, #tpu.memory_space<vmem_shared>>
        %dma_start3A_1199 = arith.constant 0 : i32
        %dma_start3A_1200 = tpu.memref_slice %arg15[%dma_start3A_1199, %mul3A_897] : memref<16x4096xi32, #tpu.memory_space<vmem_shared>> -> memref<16x256xi32, #tpu.memory_space<vmem_shared>>
        tpu.enqueue_dma source(%dma_start3A_1200 : memref<16x256xi32, #tpu.memory_space<vmem_shared>>) target(%arg11 : memref<16x256xi32, #tpu.memory_space<vmem>>) target_semaphore(%run_scoped3A : memref<!tpu.dma_semaphore, #tpu.memory_space<semaphore_mem>>)
        %dma_wait3A = arith.constant 0 : i32
        %dma_wait3A_1201 = tpu.memref_slice %arg15[%dma_wait3A, %mul3A_897] : memref<16x4096xi32, #tpu.memory_space<vmem_shared>> -> memref<16x256xi32, #tpu.memory_space<vmem_shared>>
        %dma_wait3A_1202 = arith.constant 0 : i32
        %dma_wait3A_1203 = tpu.memref_slice %arg15[%dma_wait3A_1202, %mul3A_897] : memref<16x4096xi32, #tpu.memory_space<vmem_shared>> -> memref<16x256xi32, #tpu.memory_space<vmem_shared>>
        tpu.wait_dma2 semaphore(%run_scoped3A : memref<!tpu.dma_semaphore, #tpu.memory_space<semaphore_mem>>) src(%dma_wait3A_1203 : memref<16x256xi32, #tpu.memory_space<vmem_shared>>) dst(%arg11 : memref<16x256xi32, #tpu.memory_space<vmem>>)
        tpu.yield
      }) : () -> ()
      %broadcast_in_dim3A_898 = arith.constant 0 : i32
      %broadcast_in_dim3A_899 = vector.broadcast %broadcast_in_dim3A_898 : i32 to vector<16xi32>
      %scan3A_900 = arith.constant 0 : i32
      %scan3A_901 = arith.constant 16 : i32
      %scan3A_902 = arith.addi %scan3A_900, %scan3A_901 : i32
      %scan3A_903 = arith.constant 1 : i32
      %scan3A_904 = scf.for %scan3A_1198 = %scan3A_900 to %scan3A_902 step %scan3A_903 iter_args(%scan3A_1199 = %broadcast_in_dim3A_899) -> (vector<16xi32>)  : i32 {
        %get3A_1200 = arith.index_cast %scan3A_1198 : i32 to index
        %get3A_1201 = arith.constant 0 : index
        %get3A_1202 = tpu.vector_load %arg11[%get3A_1200, %get3A_1201] {strides = array<i32>} : memref<16x256xi32, #tpu.memory_space<vmem>>, vector<16xi32>,
        %add3A_1203 = arith.addi %scan3A_1199, %get3A_1202 : vector<16xi32>
        scf.yield %add3A_1203 : vector<16xi32>
      }
      %scan3A_905 = arith.constant 16 : i32
      %swap3A_906 = arith.constant 0 : index
      %swap3A_907 = tpu.vector_load %arg12[%swap3A_906] {strides = array<i32>} : memref<256xi32, #tpu.memory_space<vmem>>, vector<16xi32>,
      tpu.vector_store %arg12[%swap3A_906], %scan3A_904 {strides = array<i32>} : memref<256xi32, #tpu.memory_space<vmem>>, vector<16xi32>,
      %broadcast_in_dim3A_908 = arith.constant 0 : i32
      %broadcast_in_dim3A_909 = vector.broadcast %broadcast_in_dim3A_908 : i32 to vector<16xi32>
      %scan3A_910 = arith.constant 0 : i32
      %scan3A_911 = arith.constant 16 : i32
      %scan3A_912 = arith.addi %scan3A_910, %scan3A_911 : i32
      %scan3A_913 = arith.constant 1 : i32
      %scan3A_914 = scf.for %scan3A_1198 = %scan3A_910 to %scan3A_912 step %scan3A_913 iter_args(%scan3A_1199 = %broadcast_in_dim3A_909) -> (vector<16xi32>)  : i32 {
        %get3A_1200 = arith.index_cast %scan3A_1198 : i32 to index
        %get3A_1201 = arith.constant 16 : index
        %get3A_1202 = tpu.vector_load %arg11[%get3A_1200, %get3A_1201] {strides = array<i32>} : memref<16x256xi32, #tpu.memory_space<vmem>>, vector<16xi32>,
        %add3A_1203 = arith.addi %scan3A_1199, %get3A_1202 : vector<16xi32>
        scf.yield %add3A_1203 : vector<16xi32>
      }
      %scan3A_915 = arith.constant 16 : i32
      %swap3A_916 = arith.constant 16 : index
      %swap3A_917 = tpu.vector_load %arg12[%swap3A_916] {strides = array<i32>} : memref<256xi32, #tpu.memory_space<vmem>>, vector<16xi32>,
      tpu.vector_store %arg12[%swap3A_916], %scan3A_914 {strides = array<i32>} : memref<256xi32, #tpu.memory_space<vmem>>, vector<16xi32>,
      %broadcast_in_dim3A_918 = arith.constant 0 : i32
      %broadcast_in_dim3A_919 = vector.broadcast %broadcast_in_dim3A_918 : i32 to vector<16xi32>
      %scan3A_920 = arith.constant 0 : i32
      %scan3A_921 = arith.constant 16 : i32
      %scan3A_922 = arith.addi %scan3A_920, %scan3A_921 : i32
      %scan3A_923 = arith.constant 1 : i32
      %scan3A_924 = scf.for %scan3A_1198 = %scan3A_920 to %scan3A_922 step %scan3A_923 iter_args(%scan3A_1199 = %broadcast_in_dim3A_919) -> (vector<16xi32>)  : i32 {
        %get3A_1200 = arith.index_cast %scan3A_1198 : i32 to index
        %get3A_1201 = arith.constant 32 : index
        %get3A_1202 = tpu.vector_load %arg11[%get3A_1200, %get3A_1201] {strides = array<i32>} : memref<16x256xi32, #tpu.memory_space<vmem>>, vector<16xi32>,
        %add3A_1203 = arith.addi %scan3A_1199, %get3A_1202 : vector<16xi32>
        scf.yield %add3A_1203 : vector<16xi32>
      }
      %scan3A_925 = arith.constant 16 : i32
      %swap3A_926 = arith.constant 32 : index
      %swap3A_927 = tpu.vector_load %arg12[%swap3A_926] {strides = array<i32>} : memref<256xi32, #tpu.memory_space<vmem>>, vector<16xi32>,
      tpu.vector_store %arg12[%swap3A_926], %scan3A_924 {strides = array<i32>} : memref<256xi32, #tpu.memory_space<vmem>>, vector<16xi32>,
      %broadcast_in_dim3A_928 = arith.constant 0 : i32
      %broadcast_in_dim3A_929 = vector.broadcast %broadcast_in_dim3A_928 : i32 to vector<16xi32>
      %scan3A_930 = arith.constant 0 : i32
      %scan3A_931 = arith.constant 16 : i32
      %scan3A_932 = arith.addi %scan3A_930, %scan3A_931 : i32
      %scan3A_933 = arith.constant 1 : i32
      %scan3A_934 = scf.for %scan3A_1198 = %scan3A_930 to %scan3A_932 step %scan3A_933 iter_args(%scan3A_1199 = %broadcast_in_dim3A_929) -> (vector<16xi32>)  : i32 {
        %get3A_1200 = arith.index_cast %scan3A_1198 : i32 to index
        %get3A_1201 = arith.constant 48 : index
        %get3A_1202 = tpu.vector_load %arg11[%get3A_1200, %get3A_1201] {strides = array<i32>} : memref<16x256xi32, #tpu.memory_space<vmem>>, vector<16xi32>,
        %add3A_1203 = arith.addi %scan3A_1199, %get3A_1202 : vector<16xi32>
        scf.yield %add3A_1203 : vector<16xi32>
      }
      %scan3A_935 = arith.constant 16 : i32
      %swap3A_936 = arith.constant 48 : index
      %swap3A_937 = tpu.vector_load %arg12[%swap3A_936] {strides = array<i32>} : memref<256xi32, #tpu.memory_space<vmem>>, vector<16xi32>,
      tpu.vector_store %arg12[%swap3A_936], %scan3A_934 {strides = array<i32>} : memref<256xi32, #tpu.memory_space<vmem>>, vector<16xi32>,
      %broadcast_in_dim3A_938 = arith.constant 0 : i32
      %broadcast_in_dim3A_939 = vector.broadcast %broadcast_in_dim3A_938 : i32 to vector<16xi32>
      %scan3A_940 = arith.constant 0 : i32
      %scan3A_941 = arith.constant 16 : i32
      %scan3A_942 = arith.addi %scan3A_940, %scan3A_941 : i32
      %scan3A_943 = arith.constant 1 : i32
      %scan3A_944 = scf.for %scan3A_1198 = %scan3A_940 to %scan3A_942 step %scan3A_943 iter_args(%scan3A_1199 = %broadcast_in_dim3A_939) -> (vector<16xi32>)  : i32 {
        %get3A_1200 = arith.index_cast %scan3A_1198 : i32 to index
        %get3A_1201 = arith.constant 64 : index
        %get3A_1202 = tpu.vector_load %arg11[%get3A_1200, %get3A_1201] {strides = array<i32>} : memref<16x256xi32, #tpu.memory_space<vmem>>, vector<16xi32>,
        %add3A_1203 = arith.addi %scan3A_1199, %get3A_1202 : vector<16xi32>
        scf.yield %add3A_1203 : vector<16xi32>
      }
      %scan3A_945 = arith.constant 16 : i32
      %swap3A_946 = arith.constant 64 : index
      %swap3A_947 = tpu.vector_load %arg12[%swap3A_946] {strides = array<i32>} : memref<256xi32, #tpu.memory_space<vmem>>, vector<16xi32>,
      tpu.vector_store %arg12[%swap3A_946], %scan3A_944 {strides = array<i32>} : memref<256xi32, #tpu.memory_space<vmem>>, vector<16xi32>,
      %broadcast_in_dim3A_948 = arith.constant 0 : i32
      %broadcast_in_dim3A_949 = vector.broadcast %broadcast_in_dim3A_948 : i32 to vector<16xi32>
      %scan3A_950 = arith.constant 0 : i32
      %scan3A_951 = arith.constant 16 : i32
      %scan3A_952 = arith.addi %scan3A_950, %scan3A_951 : i32
      %scan3A_953 = arith.constant 1 : i32
      %scan3A_954 = scf.for %scan3A_1198 = %scan3A_950 to %scan3A_952 step %scan3A_953 iter_args(%scan3A_1199 = %broadcast_in_dim3A_949) -> (vector<16xi32>)  : i32 {
        %get3A_1200 = arith.index_cast %scan3A_1198 : i32 to index
        %get3A_1201 = arith.constant 80 : index
        %get3A_1202 = tpu.vector_load %arg11[%get3A_1200, %get3A_1201] {strides = array<i32>} : memref<16x256xi32, #tpu.memory_space<vmem>>, vector<16xi32>,
        %add3A_1203 = arith.addi %scan3A_1199, %get3A_1202 : vector<16xi32>
        scf.yield %add3A_1203 : vector<16xi32>
      }
      %scan3A_955 = arith.constant 16 : i32
      %swap3A_956 = arith.constant 80 : index
      %swap3A_957 = tpu.vector_load %arg12[%swap3A_956] {strides = array<i32>} : memref<256xi32, #tpu.memory_space<vmem>>, vector<16xi32>,
      tpu.vector_store %arg12[%swap3A_956], %scan3A_954 {strides = array<i32>} : memref<256xi32, #tpu.memory_space<vmem>>, vector<16xi32>,
      %broadcast_in_dim3A_958 = arith.constant 0 : i32
      %broadcast_in_dim3A_959 = vector.broadcast %broadcast_in_dim3A_958 : i32 to vector<16xi32>
      %scan3A_960 = arith.constant 0 : i32
      %scan3A_961 = arith.constant 16 : i32
      %scan3A_962 = arith.addi %scan3A_960, %scan3A_961 : i32
      %scan3A_963 = arith.constant 1 : i32
      %scan3A_964 = scf.for %scan3A_1198 = %scan3A_960 to %scan3A_962 step %scan3A_963 iter_args(%scan3A_1199 = %broadcast_in_dim3A_959) -> (vector<16xi32>)  : i32 {
        %get3A_1200 = arith.index_cast %scan3A_1198 : i32 to index
        %get3A_1201 = arith.constant 96 : index
        %get3A_1202 = tpu.vector_load %arg11[%get3A_1200, %get3A_1201] {strides = array<i32>} : memref<16x256xi32, #tpu.memory_space<vmem>>, vector<16xi32>,
        %add3A_1203 = arith.addi %scan3A_1199, %get3A_1202 : vector<16xi32>
        scf.yield %add3A_1203 : vector<16xi32>
      }
      %scan3A_965 = arith.constant 16 : i32
      %swap3A_966 = arith.constant 96 : index
      %swap3A_967 = tpu.vector_load %arg12[%swap3A_966] {strides = array<i32>} : memref<256xi32, #tpu.memory_space<vmem>>, vector<16xi32>,
      tpu.vector_store %arg12[%swap3A_966], %scan3A_964 {strides = array<i32>} : memref<256xi32, #tpu.memory_space<vmem>>, vector<16xi32>,
      %broadcast_in_dim3A_968 = arith.constant 0 : i32
      %broadcast_in_dim3A_969 = vector.broadcast %broadcast_in_dim3A_968 : i32 to vector<16xi32>
      %scan3A_970 = arith.constant 0 : i32
      %scan3A_971 = arith.constant 16 : i32
      %scan3A_972 = arith.addi %scan3A_970, %scan3A_971 : i32
      %scan3A_973 = arith.constant 1 : i32
      %scan3A_974 = scf.for %scan3A_1198 = %scan3A_970 to %scan3A_972 step %scan3A_973 iter_args(%scan3A_1199 = %broadcast_in_dim3A_969) -> (vector<16xi32>)  : i32 {
        %get3A_1200 = arith.index_cast %scan3A_1198 : i32 to index
        %get3A_1201 = arith.constant 112 : index
        %get3A_1202 = tpu.vector_load %arg11[%get3A_1200, %get3A_1201] {strides = array<i32>} : memref<16x256xi32, #tpu.memory_space<vmem>>, vector<16xi32>,
        %add3A_1203 = arith.addi %scan3A_1199, %get3A_1202 : vector<16xi32>
        scf.yield %add3A_1203 : vector<16xi32>
      }
      %scan3A_975 = arith.constant 16 : i32
      %swap3A_976 = arith.constant 112 : index
      %swap3A_977 = tpu.vector_load %arg12[%swap3A_976] {strides = array<i32>} : memref<256xi32, #tpu.memory_space<vmem>>, vector<16xi32>,
      tpu.vector_store %arg12[%swap3A_976], %scan3A_974 {strides = array<i32>} : memref<256xi32, #tpu.memory_space<vmem>>, vector<16xi32>,
      %broadcast_in_dim3A_978 = arith.constant 0 : i32
      %broadcast_in_dim3A_979 = vector.broadcast %broadcast_in_dim3A_978 : i32 to vector<16xi32>
      %scan3A_980 = arith.constant 0 : i32
      %scan3A_981 = arith.constant 16 : i32
      %scan3A_982 = arith.addi %scan3A_980, %scan3A_981 : i32
      %scan3A_983 = arith.constant 1 : i32
      %scan3A_984 = scf.for %scan3A_1198 = %scan3A_980 to %scan3A_982 step %scan3A_983 iter_args(%scan3A_1199 = %broadcast_in_dim3A_979) -> (vector<16xi32>)  : i32 {
        %get3A_1200 = arith.index_cast %scan3A_1198 : i32 to index
        %get3A_1201 = arith.constant 128 : index
        %get3A_1202 = tpu.vector_load %arg11[%get3A_1200, %get3A_1201] {strides = array<i32>} : memref<16x256xi32, #tpu.memory_space<vmem>>, vector<16xi32>,
        %add3A_1203 = arith.addi %scan3A_1199, %get3A_1202 : vector<16xi32>
        scf.yield %add3A_1203 : vector<16xi32>
      }
      %scan3A_985 = arith.constant 16 : i32
      %swap3A_986 = arith.constant 128 : index
      %swap3A_987 = tpu.vector_load %arg12[%swap3A_986] {strides = array<i32>} : memref<256xi32, #tpu.memory_space<vmem>>, vector<16xi32>,
      tpu.vector_store %arg12[%swap3A_986], %scan3A_984 {strides = array<i32>} : memref<256xi32, #tpu.memory_space<vmem>>, vector<16xi32>,
      %broadcast_in_dim3A_988 = arith.constant 0 : i32
      %broadcast_in_dim3A_989 = vector.broadcast %broadcast_in_dim3A_988 : i32 to vector<16xi32>
      %scan3A_990 = arith.constant 0 : i32
      %scan3A_991 = arith.constant 16 : i32
      %scan3A_992 = arith.addi %scan3A_990, %scan3A_991 : i32
      %scan3A_993 = arith.constant 1 : i32
      %scan3A_994 = scf.for %scan3A_1198 = %scan3A_990 to %scan3A_992 step %scan3A_993 iter_args(%scan3A_1199 = %broadcast_in_dim3A_989) -> (vector<16xi32>)  : i32 {
        %get3A_1200 = arith.index_cast %scan3A_1198 : i32 to index
        %get3A_1201 = arith.constant 144 : index
        %get3A_1202 = tpu.vector_load %arg11[%get3A_1200, %get3A_1201] {strides = array<i32>} : memref<16x256xi32, #tpu.memory_space<vmem>>, vector<16xi32>,
        %add3A_1203 = arith.addi %scan3A_1199, %get3A_1202 : vector<16xi32>
        scf.yield %add3A_1203 : vector<16xi32>
      }
      %scan3A_995 = arith.constant 16 : i32
      %swap3A_996 = arith.constant 144 : index
      %swap3A_997 = tpu.vector_load %arg12[%swap3A_996] {strides = array<i32>} : memref<256xi32, #tpu.memory_space<vmem>>, vector<16xi32>,
      tpu.vector_store %arg12[%swap3A_996], %scan3A_994 {strides = array<i32>} : memref<256xi32, #tpu.memory_space<vmem>>, vector<16xi32>,
      %broadcast_in_dim3A_998 = arith.constant 0 : i32
      %broadcast_in_dim3A_999 = vector.broadcast %broadcast_in_dim3A_998 : i32 to vector<16xi32>
      %scan3A_1000 = arith.constant 0 : i32
      %scan3A_1001 = arith.constant 16 : i32
      %scan3A_1002 = arith.addi %scan3A_1000, %scan3A_1001 : i32
      %scan3A_1003 = arith.constant 1 : i32
      %scan3A_1004 = scf.for %scan3A_1198 = %scan3A_1000 to %scan3A_1002 step %scan3A_1003 iter_args(%scan3A_1199 = %broadcast_in_dim3A_999) -> (vector<16xi32>)  : i32 {
        %get3A_1200 = arith.index_cast %scan3A_1198 : i32 to index
        %get3A_1201 = arith.constant 160 : index
        %get3A_1202 = tpu.vector_load %arg11[%get3A_1200, %get3A_1201] {strides = array<i32>} : memref<16x256xi32, #tpu.memory_space<vmem>>, vector<16xi32>,
        %add3A_1203 = arith.addi %scan3A_1199, %get3A_1202 : vector<16xi32>
        scf.yield %add3A_1203 : vector<16xi32>
      }
      %scan3A_1005 = arith.constant 16 : i32
      %swap3A_1006 = arith.constant 160 : index
      %swap3A_1007 = tpu.vector_load %arg12[%swap3A_1006] {strides = array<i32>} : memref<256xi32, #tpu.memory_space<vmem>>, vector<16xi32>,
      tpu.vector_store %arg12[%swap3A_1006], %scan3A_1004 {strides = array<i32>} : memref<256xi32, #tpu.memory_space<vmem>>, vector<16xi32>,
      %broadcast_in_dim3A_1008 = arith.constant 0 : i32
      %broadcast_in_dim3A_1009 = vector.broadcast %broadcast_in_dim3A_1008 : i32 to vector<16xi32>
      %scan3A_1010 = arith.constant 0 : i32
      %scan3A_1011 = arith.constant 16 : i32
      %scan3A_1012 = arith.addi %scan3A_1010, %scan3A_1011 : i32
      %scan3A_1013 = arith.constant 1 : i32
      %scan3A_1014 = scf.for %scan3A_1198 = %scan3A_1010 to %scan3A_1012 step %scan3A_1013 iter_args(%scan3A_1199 = %broadcast_in_dim3A_1009) -> (vector<16xi32>)  : i32 {
        %get3A_1200 = arith.index_cast %scan3A_1198 : i32 to index
        %get3A_1201 = arith.constant 176 : index
        %get3A_1202 = tpu.vector_load %arg11[%get3A_1200, %get3A_1201] {strides = array<i32>} : memref<16x256xi32, #tpu.memory_space<vmem>>, vector<16xi32>,
        %add3A_1203 = arith.addi %scan3A_1199, %get3A_1202 : vector<16xi32>
        scf.yield %add3A_1203 : vector<16xi32>
      }
      %scan3A_1015 = arith.constant 16 : i32
      %swap3A_1016 = arith.constant 176 : index
      %swap3A_1017 = tpu.vector_load %arg12[%swap3A_1016] {strides = array<i32>} : memref<256xi32, #tpu.memory_space<vmem>>, vector<16xi32>,
      tpu.vector_store %arg12[%swap3A_1016], %scan3A_1014 {strides = array<i32>} : memref<256xi32, #tpu.memory_space<vmem>>, vector<16xi32>,
      %broadcast_in_dim3A_1018 = arith.constant 0 : i32
      %broadcast_in_dim3A_1019 = vector.broadcast %broadcast_in_dim3A_1018 : i32 to vector<16xi32>
      %scan3A_1020 = arith.constant 0 : i32
      %scan3A_1021 = arith.constant 16 : i32
      %scan3A_1022 = arith.addi %scan3A_1020, %scan3A_1021 : i32
      %scan3A_1023 = arith.constant 1 : i32
      %scan3A_1024 = scf.for %scan3A_1198 = %scan3A_1020 to %scan3A_1022 step %scan3A_1023 iter_args(%scan3A_1199 = %broadcast_in_dim3A_1019) -> (vector<16xi32>)  : i32 {
        %get3A_1200 = arith.index_cast %scan3A_1198 : i32 to index
        %get3A_1201 = arith.constant 192 : index
        %get3A_1202 = tpu.vector_load %arg11[%get3A_1200, %get3A_1201] {strides = array<i32>} : memref<16x256xi32, #tpu.memory_space<vmem>>, vector<16xi32>,
        %add3A_1203 = arith.addi %scan3A_1199, %get3A_1202 : vector<16xi32>
        scf.yield %add3A_1203 : vector<16xi32>
      }
      %scan3A_1025 = arith.constant 16 : i32
      %swap3A_1026 = arith.constant 192 : index
      %swap3A_1027 = tpu.vector_load %arg12[%swap3A_1026] {strides = array<i32>} : memref<256xi32, #tpu.memory_space<vmem>>, vector<16xi32>,
      tpu.vector_store %arg12[%swap3A_1026], %scan3A_1024 {strides = array<i32>} : memref<256xi32, #tpu.memory_space<vmem>>, vector<16xi32>,
      %broadcast_in_dim3A_1028 = arith.constant 0 : i32
      %broadcast_in_dim3A_1029 = vector.broadcast %broadcast_in_dim3A_1028 : i32 to vector<16xi32>
      %scan3A_1030 = arith.constant 0 : i32
      %scan3A_1031 = arith.constant 16 : i32
      %scan3A_1032 = arith.addi %scan3A_1030, %scan3A_1031 : i32
      %scan3A_1033 = arith.constant 1 : i32
      %scan3A_1034 = scf.for %scan3A_1198 = %scan3A_1030 to %scan3A_1032 step %scan3A_1033 iter_args(%scan3A_1199 = %broadcast_in_dim3A_1029) -> (vector<16xi32>)  : i32 {
        %get3A_1200 = arith.index_cast %scan3A_1198 : i32 to index
        %get3A_1201 = arith.constant 208 : index
        %get3A_1202 = tpu.vector_load %arg11[%get3A_1200, %get3A_1201] {strides = array<i32>} : memref<16x256xi32, #tpu.memory_space<vmem>>, vector<16xi32>,
        %add3A_1203 = arith.addi %scan3A_1199, %get3A_1202 : vector<16xi32>
        scf.yield %add3A_1203 : vector<16xi32>
      }
      %scan3A_1035 = arith.constant 16 : i32
      %swap3A_1036 = arith.constant 208 : index
      %swap3A_1037 = tpu.vector_load %arg12[%swap3A_1036] {strides = array<i32>} : memref<256xi32, #tpu.memory_space<vmem>>, vector<16xi32>,
      tpu.vector_store %arg12[%swap3A_1036], %scan3A_1034 {strides = array<i32>} : memref<256xi32, #tpu.memory_space<vmem>>, vector<16xi32>,
      %broadcast_in_dim3A_1038 = arith.constant 0 : i32
      %broadcast_in_dim3A_1039 = vector.broadcast %broadcast_in_dim3A_1038 : i32 to vector<16xi32>
      %scan3A_1040 = arith.constant 0 : i32
      %scan3A_1041 = arith.constant 16 : i32
      %scan3A_1042 = arith.addi %scan3A_1040, %scan3A_1041 : i32
      %scan3A_1043 = arith.constant 1 : i32
      %scan3A_1044 = scf.for %scan3A_1198 = %scan3A_1040 to %scan3A_1042 step %scan3A_1043 iter_args(%scan3A_1199 = %broadcast_in_dim3A_1039) -> (vector<16xi32>)  : i32 {
        %get3A_1200 = arith.index_cast %scan3A_1198 : i32 to index
        %get3A_1201 = arith.constant 224 : index
        %get3A_1202 = tpu.vector_load %arg11[%get3A_1200, %get3A_1201] {strides = array<i32>} : memref<16x256xi32, #tpu.memory_space<vmem>>, vector<16xi32>,
        %add3A_1203 = arith.addi %scan3A_1199, %get3A_1202 : vector<16xi32>
        scf.yield %add3A_1203 : vector<16xi32>
      }
      %scan3A_1045 = arith.constant 16 : i32
      %swap3A_1046 = arith.constant 224 : index
      %swap3A_1047 = tpu.vector_load %arg12[%swap3A_1046] {strides = array<i32>} : memref<256xi32, #tpu.memory_space<vmem>>, vector<16xi32>,
      tpu.vector_store %arg12[%swap3A_1046], %scan3A_1044 {strides = array<i32>} : memref<256xi32, #tpu.memory_space<vmem>>, vector<16xi32>,
      %broadcast_in_dim3A_1048 = arith.constant 0 : i32
      %broadcast_in_dim3A_1049 = vector.broadcast %broadcast_in_dim3A_1048 : i32 to vector<16xi32>
      %scan3A_1050 = arith.constant 0 : i32
      %scan3A_1051 = arith.constant 16 : i32
      %scan3A_1052 = arith.addi %scan3A_1050, %scan3A_1051 : i32
      %scan3A_1053 = arith.constant 1 : i32
      %scan3A_1054 = scf.for %scan3A_1198 = %scan3A_1050 to %scan3A_1052 step %scan3A_1053 iter_args(%scan3A_1199 = %broadcast_in_dim3A_1049) -> (vector<16xi32>)  : i32 {
        %get3A_1200 = arith.index_cast %scan3A_1198 : i32 to index
        %get3A_1201 = arith.constant 240 : index
        %get3A_1202 = tpu.vector_load %arg11[%get3A_1200, %get3A_1201] {strides = array<i32>} : memref<16x256xi32, #tpu.memory_space<vmem>>, vector<16xi32>,
        %add3A_1203 = arith.addi %scan3A_1199, %get3A_1202 : vector<16xi32>
        scf.yield %add3A_1203 : vector<16xi32>
      }
      %scan3A_1055 = arith.constant 16 : i32
      %swap3A_1056 = arith.constant 240 : index
      %swap3A_1057 = tpu.vector_load %arg12[%swap3A_1056] {strides = array<i32>} : memref<256xi32, #tpu.memory_space<vmem>>, vector<16xi32>,
      tpu.vector_store %arg12[%swap3A_1056], %scan3A_1054 {strides = array<i32>} : memref<256xi32, #tpu.memory_space<vmem>>, vector<16xi32>,
      %mul3A_1058 = arith.constant 256 : i32
      %mul3A_1059 = arith.muli %arg1, %mul3A_1058 : i32
      "tpu.region"() ({
        %run_scoped3A = tpu.sem_alloc : memref<!tpu.dma_semaphore, #tpu.memory_space<semaphore_mem>>
        %dma_start3A = tpu.memref_slice %arg16[%mul3A_1059] : memref<4096xi32, #tpu.memory_space<vmem_shared>> -> memref<256xi32, #tpu.memory_space<vmem_shared>>
        %dma_start3A_1198 = tpu.memref_slice %arg16[%mul3A_1059] : memref<4096xi32, #tpu.memory_space<vmem_shared>> -> memref<256xi32, #tpu.memory_space<vmem_shared>>
        tpu.enqueue_dma source(%arg12 : memref<256xi32, #tpu.memory_space<vmem>>) target(%dma_start3A_1198 : memref<256xi32, #tpu.memory_space<vmem_shared>>) target_semaphore(%run_scoped3A : memref<!tpu.dma_semaphore, #tpu.memory_space<semaphore_mem>>)
        %dma_wait3A = tpu.memref_slice %arg16[%mul3A_1059] : memref<4096xi32, #tpu.memory_space<vmem_shared>> -> memref<256xi32, #tpu.memory_space<vmem_shared>>
        %dma_wait3A_1199 = tpu.memref_slice %arg16[%mul3A_1059] : memref<4096xi32, #tpu.memory_space<vmem_shared>> -> memref<256xi32, #tpu.memory_space<vmem_shared>>
        tpu.wait_dma2 semaphore(%run_scoped3A : memref<!tpu.dma_semaphore, #tpu.memory_space<semaphore_mem>>) src(%arg12 : memref<256xi32, #tpu.memory_space<vmem>>) dst(%dma_wait3A_1199 : memref<256xi32, #tpu.memory_space<vmem_shared>>)
        tpu.yield
      }) : () -> ()
      %barrier3A_1060 = arith.constant 0 : index
      tpu.barrier barrier_id(%barrier3A_1060)
      "tpu.region"() ({
        %run_scoped3A = tpu.sem_alloc : memref<!tpu.dma_semaphore, #tpu.memory_space<semaphore_mem>>
        tpu.enqueue_dma source(%arg16 : memref<4096xi32, #tpu.memory_space<vmem_shared>>) target(%arg13 : memref<4096xi32, #tpu.memory_space<vmem>>) target_semaphore(%run_scoped3A : memref<!tpu.dma_semaphore, #tpu.memory_space<semaphore_mem>>)
        tpu.wait_dma2 semaphore(%run_scoped3A : memref<!tpu.dma_semaphore, #tpu.memory_space<semaphore_mem>>) src(%arg16 : memref<4096xi32, #tpu.memory_space<vmem_shared>>) dst(%arg13 : memref<4096xi32, #tpu.memory_space<vmem>>)
        tpu.yield
      }) : () -> ()
      %scan3A_1061 = arith.constant 0 : i32
      %scan3A_1062 = arith.constant 0 : i32
      %scan3A_1063 = arith.constant 16 : i32
      %scan3A_1064 = arith.addi %scan3A_1062, %scan3A_1063 : i32
      %scan3A_1065 = arith.constant 1 : i32
      %scan3A_1066 = scf.for %scan3A_1198 = %scan3A_1062 to %scan3A_1064 step %scan3A_1065 iter_args(%scan3A_1199 = %scan3A_1061) -> (i32)  : i32 {
        %broadcast_in_dim3A_1200 = arith.constant 0 : i32
        %broadcast_in_dim3A_1201 = vector.broadcast %broadcast_in_dim3A_1200 : i32 to vector<16xi32>
        %scan3A_1202 = arith.constant 0 : i32
        %scan3A_1203 = arith.constant 16 : i32
        %scan3A_1204 = arith.addi %scan3A_1202, %scan3A_1203 : i32
        %scan3A_1205 = arith.constant 1 : i32
        %scan3A_1206 = scf.for %scan3A_1213 = %scan3A_1202 to %scan3A_1204 step %scan3A_1205 iter_args(%scan3A_1214 = %broadcast_in_dim3A_1201) -> (vector<16xi32>)  : i32 {
          %mul3A_1215 = arith.constant 16 : i32
          %mul3A_1216 = arith.muli %scan3A_1198, %mul3A_1215 : i32
          %iota3A_1217 = tpu.iota {dimensions = array<i32: 0>} : vector<16xi32>
          %add3A_1218 = vector.broadcast %mul3A_1216 : i32 to vector<16xi32>
          %add3A_1219 = arith.addi %add3A_1218, %iota3A_1217 : vector<16xi32>
          %mul3A_1220 = arith.constant 16 : i32
          %mul3A_1221 = vector.broadcast %mul3A_1220 : i32 to vector<16xi32>
          %mul3A_1222 = arith.muli %add3A_1219, %mul3A_1221 : vector<16xi32>
          %add3A_1223 = vector.broadcast %scan3A_1213 : i32 to vector<16xi32>
          %add3A_1224 = arith.addi %mul3A_1222, %add3A_1223 : vector<16xi32>
          %gather3A = tpu.vector_load_idx %arg13[%add3A_1224] : memref<4096xi32, #tpu.memory_space<vmem>>[vector<16xi32>], vector<16xi32>,
          %add3A_1225 = arith.addi %scan3A_1214, %gather3A : vector<16xi32>
          scf.yield %add3A_1225 : vector<16xi32>
        }
        %scan3A_1207 = arith.constant 16 : i32
        %mul3A_1208 = arith.constant 16 : i32
        %mul3A_1209 = arith.muli %scan3A_1198, %mul3A_1208 : i32
        %swap3A_1210 = arith.index_cast %mul3A_1209 : i32 to index
        %swap3A_1211 = tpu.vector_load %arg14[%swap3A_1210] {strides = array<i32>} : memref<256xi32, #tpu.memory_space<vmem>>, vector<16xi32>,
        tpu.vector_store %arg14[%swap3A_1210], %scan3A_1206 {strides = array<i32>} : memref<256xi32, #tpu.memory_space<vmem>>, vector<16xi32>,
        %scan3A_1212 = arith.constant 0 : i32
        scf.yield %scan3A_1212 : i32
      }
      %scan3A_1067 = arith.constant 16 : i32
      %broadcast_in_dim3A_1068 = arith.constant 0 : i32
      %broadcast_in_dim3A_1069 = vector.broadcast %broadcast_in_dim3A_1068 : i32 to vector<16xi32>
      %scan3A_1070 = arith.constant 0 : i32
      %scan3A_1071 = arith.constant 16 : i32
      %scan3A_1072 = arith.addi %scan3A_1070, %scan3A_1071 : i32
      %scan3A_1073 = arith.constant 1 : i32
      %scan3A_1074 = scf.for %scan3A_1198 = %scan3A_1070 to %scan3A_1072 step %scan3A_1073 iter_args(%scan3A_1199 = %broadcast_in_dim3A_1069) -> (vector<16xi32>)  : i32 {
        %iota3A_1200 = tpu.iota {dimensions = array<i32: 0>} : vector<16xi32>
        %mul3A_1201 = arith.constant 16 : i32
        %mul3A_1202 = vector.broadcast %mul3A_1201 : i32 to vector<16xi32>
        %mul3A_1203 = arith.muli %iota3A_1200, %mul3A_1202 : vector<16xi32>
        %add3A_1204 = vector.broadcast %scan3A_1198 : i32 to vector<16xi32>
        %add3A_1205 = arith.addi %mul3A_1203, %add3A_1204 : vector<16xi32>
        %gather3A = tpu.vector_load_idx %arg14[%add3A_1205] : memref<256xi32, #tpu.memory_space<vmem>>[vector<16xi32>], vector<16xi32>,
        %add3A_1206 = arith.addi %scan3A_1199, %gather3A : vector<16xi32>
        scf.yield %add3A_1206 : vector<16xi32>
      }
      %scan3A_1075 = arith.constant 16 : i32
      %rev3A_1076 = arith.constant 15 : i32
      %rev3A_1077 = vector.broadcast %rev3A_1076 : i32 to vector<16xi32>
      %rev3A_1078 = tpu.iota {dimensions = array<i32: 0>} : vector<16xi32>
      %rev3A_1079 = arith.subi %rev3A_1077, %rev3A_1078 : vector<16xi32>
      %rev3A_1080 = tpu.dynamic_gather %scan3A_1074[%rev3A_1079] in [0] : vector<16xi32>, vector<16xi32> -> vector<16xi32>
      %broadcast_in_dim3A_1081 = arith.constant true
      %broadcast_in_dim3A_1082 = vector.broadcast %broadcast_in_dim3A_1081 : i1 to vector<16xi1>
      %masked_cumsum3A_1083 = tpu.scan <sum>, %rev3A_1080 masked %broadcast_in_dim3A_1082 : vector<16xi32>, vector<16xi1> -> vector<16xi32>
      %rev3A_1084 = arith.constant 15 : i32
      %rev3A_1085 = vector.broadcast %rev3A_1084 : i32 to vector<16xi32>
      %rev3A_1086 = tpu.iota {dimensions = array<i32: 0>} : vector<16xi32>
      %rev3A_1087 = arith.subi %rev3A_1085, %rev3A_1086 : vector<16xi32>
      %rev3A_1088 = tpu.dynamic_gather %masked_cumsum3A_1083[%rev3A_1087] in [0] : vector<16xi32>, vector<16xi32> -> vector<16xi32>
      %ge3A_1089 = vector.broadcast %sub3A_878 : i32 to vector<16xi32>
      %ge3A_1090 = arith.cmpi sge, %rev3A_1088, %ge3A_1089 : vector<16xi32>
      %all_reduce_population_count3A_1091 = tpu.all_reduce %ge3A_1090 {dim = 0 : i64, kind = #tpu.reduction_kind<sum>} : vector<16xi1> -> vector<16xi32>
      %reduce_max3A_1092 = arith.constant true
      %reduce_max3A_1093 = vector.broadcast %reduce_max3A_1092 : i1 to vector<16xi1>
      %reduce_max3A_1094 = arith.constant -2147483648 : i32
      %reduce_max3A_1095 = vector.broadcast %reduce_max3A_1094 : i32 to vector<16xi32>
      %reduce_max3A_1096 = arith.xori %all_reduce_population_count3A_1091, %reduce_max3A_1095 : vector<16xi32>
      %reduce_max3A_1097 = tpu.scan <max>, %reduce_max3A_1096 masked %reduce_max3A_1093 : vector<16xi32>, vector<16xi1> -> vector<16xi32>
      %reduce_max3A_1098 = arith.xori %reduce_max3A_1097, %reduce_max3A_1095 : vector<16xi32>
      %reduce_max3A_1099 = vector.extract %reduce_max3A_1098[15] : i32 from vector<16xi32>
      %sub3A_1100 = arith.constant 1 : i32
      %sub3A_1101 = arith.subi %reduce_max3A_1099, %sub3A_1100 : i32
      %ge3A_1102 = arith.constant 15 : i32
      %ge3A_1103 = arith.cmpi sge, %sub3A_1101, %ge3A_1102 : i32
      %add3A_1104 = arith.constant 1 : i32
      %add3A_1105 = arith.addi %sub3A_1101, %add3A_1104 : i32
      %min3A_1106 = arith.constant 15 : i32
      %min3A_1107 = arith.minsi %add3A_1105, %min3A_1106 : i32
      %iota3A_1108 = tpu.iota {dimensions = array<i32: 0>} : vector<16xi32>
      %eq3A_1109 = vector.broadcast %min3A_1107 : i32 to vector<16xi32>
      %eq3A_1110 = arith.cmpi eq, %iota3A_1108, %eq3A_1109 : vector<16xi32>
      %jit3A_1111 = arith.constant 0 : i32
      %broadcast_in_dim3A_1112 = vector.broadcast %jit3A_1111 : i32 to vector<16xi32>
      %select_n3A_1113 = arith.select %eq3A_1110, %rev3A_1088, %broadcast_in_dim3A_1112 : vector<16xi1>, vector<16xi32>
      %reduce_sum3A_1114 = arith.constant true
      %reduce_sum3A_1115 = vector.broadcast %reduce_sum3A_1114 : i1 to vector<16xi1>
      %reduce_sum3A_1116 = tpu.scan <sum>, %select_n3A_1113 masked %reduce_sum3A_1115 : vector<16xi32>, vector<16xi1> -> vector<16xi32>
      %reduce_sum3A_1117 = vector.extract %reduce_sum3A_1116[15] : i32 from vector<16xi32>
      %jit3A_1118 = arith.constant 0 : i32
      %select_n3A_1119 = arith.select %ge3A_1103, %jit3A_1118, %reduce_sum3A_1117 : i32
      %mul3A_1120 = arith.constant 16 : i32
      %mul3A_1121 = arith.muli %sub3A_1101, %mul3A_1120 : i32
      %get3A_1122 = arith.index_cast %mul3A_1121 : i32 to index
      %get3A_1123 = tpu.vector_load %arg14[%get3A_1122] {strides = array<i32>} : memref<256xi32, #tpu.memory_space<vmem>>, vector<16xi32>,
      %rev3A_1124 = arith.constant 15 : i32
      %rev3A_1125 = vector.broadcast %rev3A_1124 : i32 to vector<16xi32>
      %rev3A_1126 = tpu.iota {dimensions = array<i32: 0>} : vector<16xi32>
      %rev3A_1127 = arith.subi %rev3A_1125, %rev3A_1126 : vector<16xi32>
      %rev3A_1128 = tpu.dynamic_gather %get3A_1123[%rev3A_1127] in [0] : vector<16xi32>, vector<16xi32> -> vector<16xi32>
      %broadcast_in_dim3A_1129 = arith.constant true
      %broadcast_in_dim3A_1130 = vector.broadcast %broadcast_in_dim3A_1129 : i1 to vector<16xi1>
      %masked_cumsum3A_1131 = tpu.scan <sum>, %rev3A_1128 masked %broadcast_in_dim3A_1130 : vector<16xi32>, vector<16xi1> -> vector<16xi32>
      %rev3A_1132 = arith.constant 15 : i32
      %rev3A_1133 = vector.broadcast %rev3A_1132 : i32 to vector<16xi32>
      %rev3A_1134 = tpu.iota {dimensions = array<i32: 0>} : vector<16xi32>
      %rev3A_1135 = arith.subi %rev3A_1133, %rev3A_1134 : vector<16xi32>
      %rev3A_1136 = tpu.dynamic_gather %masked_cumsum3A_1131[%rev3A_1135] in [0] : vector<16xi32>, vector<16xi32> -> vector<16xi32>
      %add3A_1137 = vector.broadcast %select_n3A_1119 : i32 to vector<16xi32>
      %add3A_1138 = arith.addi %rev3A_1136, %add3A_1137 : vector<16xi32>
      %ge3A_1139 = vector.broadcast %sub3A_878 : i32 to vector<16xi32>
      %ge3A_1140 = arith.cmpi sge, %add3A_1138, %ge3A_1139 : vector<16xi32>
      %all_reduce_population_count3A_1141 = tpu.all_reduce %ge3A_1140 {dim = 0 : i64, kind = #tpu.reduction_kind<sum>} : vector<16xi1> -> vector<16xi32>
      %reduce_max3A_1142 = arith.constant true
      %reduce_max3A_1143 = vector.broadcast %reduce_max3A_1142 : i1 to vector<16xi1>
      %reduce_max3A_1144 = arith.constant -2147483648 : i32
      %reduce_max3A_1145 = vector.broadcast %reduce_max3A_1144 : i32 to vector<16xi32>
      %reduce_max3A_1146 = arith.xori %all_reduce_population_count3A_1141, %reduce_max3A_1145 : vector<16xi32>
      %reduce_max3A_1147 = tpu.scan <max>, %reduce_max3A_1146 masked %reduce_max3A_1143 : vector<16xi32>, vector<16xi1> -> vector<16xi32>
      %reduce_max3A_1148 = arith.xori %reduce_max3A_1147, %reduce_max3A_1145 : vector<16xi32>
      %reduce_max3A_1149 = vector.extract %reduce_max3A_1148[15] : i32 from vector<16xi32>
      %mul3A_1150 = arith.constant 16 : i32
      %mul3A_1151 = arith.muli %sub3A_1101, %mul3A_1150 : i32
      %sub3A_1152 = arith.constant 1 : i32
      %sub3A_1153 = arith.subi %reduce_max3A_1149, %sub3A_1152 : i32
      %add3A_1154 = arith.addi %mul3A_1151, %sub3A_1153 : i32
      %ge3A_1155 = arith.constant 16 : i32
      %ge3A_1156 = arith.cmpi sge, %reduce_max3A_1149, %ge3A_1155 : i32
      %min3A_1157 = arith.constant 15 : i32
      %min3A_1158 = arith.minsi %reduce_max3A_1149, %min3A_1157 : i32
      %iota3A_1159 = tpu.iota {dimensions = array<i32: 0>} : vector<16xi32>
      %eq3A_1160 = vector.broadcast %min3A_1158 : i32 to vector<16xi32>
      %eq3A_1161 = arith.cmpi eq, %iota3A_1159, %eq3A_1160 : vector<16xi32>
      %jit3A_1162 = arith.constant 0 : i32
      %broadcast_in_dim3A_1163 = vector.broadcast %jit3A_1162 : i32 to vector<16xi32>
      %select_n3A_1164 = arith.select %eq3A_1161, %add3A_1138, %broadcast_in_dim3A_1163 : vector<16xi1>, vector<16xi32>
      %reduce_sum3A_1165 = arith.constant true
      %reduce_sum3A_1166 = vector.broadcast %reduce_sum3A_1165 : i1 to vector<16xi1>
      %reduce_sum3A_1167 = tpu.scan <sum>, %select_n3A_1164 masked %reduce_sum3A_1166 : vector<16xi32>, vector<16xi1> -> vector<16xi32>
      %reduce_sum3A_1168 = vector.extract %reduce_sum3A_1167[15] : i32 from vector<16xi32>
      %select_n3A_1169 = arith.select %ge3A_1156, %select_n3A_1119, %reduce_sum3A_1168 : i32
      %sub3A_1170 = arith.subi %sub3A_878, %select_n3A_1169 : i32
      %shift_left3A_1171 = arith.constant 8 : i32
      %shift_left3A_1172 = arith.shli %or3A_881, %shift_left3A_1171 : i32
      %or3A_1173 = arith.ori %shift_left3A_1172, %add3A_1154 : i32
      %barrier3A_1174 = arith.constant 0 : index
      tpu.barrier barrier_id(%barrier3A_1174)
      %xor3A = arith.constant -2147483648 : i32
      %xor3A_1175 = arith.xori %or3A_1173, %xor3A : i32
      %scan3A_1176 = arith.constant 0 : i32
      %scan3A_1177 = arith.constant 0 : i32
      %scan3A_1178 = arith.constant 16 : i32
      %scan3A_1179 = arith.addi %scan3A_1177, %scan3A_1178 : i32
      %scan3A_1180 = arith.constant 1 : i32
      %scan3A_1181 = scf.for %scan3A_1198 = %scan3A_1177 to %scan3A_1179 step %scan3A_1180 iter_args(%scan3A_1199 = %scan3A_1176) -> (i32)  : i32 {
        %broadcast_in_dim3A_1200 = arith.constant -2147483648 : i32
        %broadcast_in_dim3A_1201 = vector.broadcast %broadcast_in_dim3A_1200 : i32 to vector<16xi32>
        %mul3A_1202 = arith.constant 16 : i32
        %mul3A_1203 = arith.muli %scan3A_1198, %mul3A_1202 : i32
        %swap3A_1204 = arith.index_cast %mul3A_1203 : i32 to index
        %swap3A_1205 = tpu.vector_load %arg10[%swap3A_1204] {strides = array<i32>} : memref<4096xi32, #tpu.memory_space<vmem>>, vector<16xi32>,
        tpu.vector_store %arg10[%swap3A_1204], %broadcast_in_dim3A_1201 {strides = array<i32>} : memref<4096xi32, #tpu.memory_space<vmem>>, vector<16xi32>,
        %broadcast_in_dim3A_1206 = arith.constant 2147483647 : i32
        %broadcast_in_dim3A_1207 = vector.broadcast %broadcast_in_dim3A_1206 : i32 to vector<16xi32>
        %mul3A_1208 = arith.constant 16 : i32
        %mul3A_1209 = arith.muli %scan3A_1198, %mul3A_1208 : i32
        %add3A_1210 = arith.constant 256 : i32
        %add3A_1211 = arith.addi %add3A_1210, %mul3A_1209 : i32
        %swap3A_1212 = arith.index_cast %add3A_1211 : i32 to index
        %swap3A_1213 = tpu.vector_load %arg10[%swap3A_1212] {strides = array<i32>} : memref<4096xi32, #tpu.memory_space<vmem>>, vector<16xi32>,
        tpu.vector_store %arg10[%swap3A_1212], %broadcast_in_dim3A_1207 {strides = array<i32>} : memref<4096xi32, #tpu.memory_space<vmem>>, vector<16xi32>,
        %broadcast_in_dim3A_1214 = arith.constant 0 : i32
        %broadcast_in_dim3A_1215 = vector.broadcast %broadcast_in_dim3A_1214 : i32 to vector<16xi32>
        %mul3A_1216 = arith.constant 16 : i32
        %mul3A_1217 = arith.muli %scan3A_1198, %mul3A_1216 : i32
        %add3A_1218 = arith.constant 512 : i32
        %add3A_1219 = arith.addi %add3A_1218, %mul3A_1217 : i32
        %swap3A_1220 = arith.index_cast %add3A_1219 : i32 to index
        %swap3A_1221 = tpu.vector_load %arg10[%swap3A_1220] {strides = array<i32>} : memref<4096xi32, #tpu.memory_space<vmem>>, vector<16xi32>,
        tpu.vector_store %arg10[%swap3A_1220], %broadcast_in_dim3A_1215 {strides = array<i32>} : memref<4096xi32, #tpu.memory_space<vmem>>, vector<16xi32>,
        %scan3A_1222 = arith.constant 0 : i32
        scf.yield %scan3A_1222 : i32
      }
      %scan3A_1182 = arith.constant 16 : i32
      %scan3A_1183 = arith.constant 0 : i32
      %scan3A_1184 = arith.constant 0 : i32
      %scan3A_1185 = arith.constant 576 : i32
      %scan3A_1186 = arith.addi %scan3A_1184, %scan3A_1185 : i32
      %scan3A_1187 = arith.constant 1 : i32
      %scan3A_1188 = scf.for %scan3A_1198 = %scan3A_1184 to %scan3A_1186 step %scan3A_1187 iter_args(%scan3A_1199 = %scan3A_1183) -> (i32)  : i32 {
        %mul3A_1200 = arith.constant 16 : i32
        %mul3A_1201 = arith.muli %scan3A_1198, %mul3A_1200 : i32
        %get3A_1202 = arith.index_cast %mul3A_1201 : i32 to index
        %get3A_1203 = tpu.vector_load %arg8[%get3A_1202] {strides = array<i32>} : memref<9216xi32, #tpu.memory_space<vmem>>, vector<16xi32>,
        %xor3A_1204 = arith.constant -2147483648 : i32
        %xor3A_1205 = vector.broadcast %xor3A_1204 : i32 to vector<16xi32>
        %xor3A_1206 = arith.xori %get3A_1203, %xor3A_1205 : vector<16xi32>
        %ge3A_1207 = vector.broadcast %xor3A_1175 : i32 to vector<16xi32>
        %ge3A_1208 = arith.cmpi sge, %xor3A_1206, %ge3A_1207 : vector<16xi32>
        %jit3A_1209 = arith.constant 1 : i32
        %jit3A_1210 = arith.constant 0 : i32
        %broadcast_in_dim3A_1211 = vector.broadcast %jit3A_1209 : i32 to vector<16xi32>
        %broadcast_in_dim3A_1212 = vector.broadcast %jit3A_1210 : i32 to vector<16xi32>
        %select_n3A_1213 = arith.select %ge3A_1208, %broadcast_in_dim3A_1211, %broadcast_in_dim3A_1212 : vector<16xi1>, vector<16xi32>
        %broadcast_in_dim3A_1214 = arith.constant true
        %broadcast_in_dim3A_1215 = vector.broadcast %broadcast_in_dim3A_1214 : i1 to vector<16xi1>
        %masked_cumsum3A_1216 = tpu.scan <sum>, %select_n3A_1213 masked %broadcast_in_dim3A_1215 : vector<16xi32>, vector<16xi1> -> vector<16xi32>
        %add3A_1217 = vector.broadcast %scan3A_1199 : i32 to vector<16xi32>
        %add3A_1218 = arith.addi %add3A_1217, %masked_cumsum3A_1216 : vector<16xi32>
        %sub3A_1219 = arith.constant 1 : i32
        %sub3A_1220 = vector.broadcast %sub3A_1219 : i32 to vector<16xi32>
        %sub3A_1221 = arith.subi %add3A_1218, %sub3A_1220 : vector<16xi32>
        %lt3A = arith.constant 256 : i32
        %lt3A_1222 = vector.broadcast %lt3A : i32 to vector<16xi32>
        %lt3A_1223 = arith.cmpi slt, %sub3A_1221, %lt3A_1222 : vector<16xi32>
        %and3A = arith.andi %ge3A_1208, %lt3A_1223 : vector<16xi1>
        %jit3A_1224 = arith.constant 0 : i32
        %jit3A_1225 = arith.constant 255 : i32
        %max3A = vector.broadcast %jit3A_1224 : i32 to vector<16xi32>
        %max3A_1226 = arith.maxsi %max3A, %sub3A_1221 : vector<16xi32>
        %min3A_1227 = vector.broadcast %jit3A_1225 : i32 to vector<16xi32>
        %min3A_1228 = arith.minsi %min3A_1227, %max3A_1226 : vector<16xi32>
        tpu.vector_store_idx %arg10[%min3A_1228], %xor3A_1206 masked %and3A : memref<4096xi32, #tpu.memory_space<vmem>>[vector<16xi32>], vector<16xi32>, vector<16xi1>
        %mul3A_1229 = arith.constant 9216 : i32
        %mul3A_1230 = arith.muli %arg1, %mul3A_1229 : i32
        %mul3A_1231 = arith.constant 16 : i32
        %mul3A_1232 = arith.muli %scan3A_1198, %mul3A_1231 : i32
        %add3A_1233 = arith.addi %mul3A_1230, %mul3A_1232 : i32
        %iota3A_1234 = tpu.iota {dimensions = array<i32: 0>} : vector<16xi32>
        %add3A_1235 = vector.broadcast %add3A_1233 : i32 to vector<16xi32>
        %add3A_1236 = arith.addi %add3A_1235, %iota3A_1234 : vector<16xi32>
        %add3A_1237 = arith.constant 256 : i32
        %add3A_1238 = vector.broadcast %add3A_1237 : i32 to vector<16xi32>
        %add3A_1239 = arith.addi %add3A_1238, %min3A_1228 : vector<16xi32>
        tpu.vector_store_idx %arg10[%add3A_1239], %add3A_1236 masked %and3A : memref<4096xi32, #tpu.memory_space<vmem>>[vector<16xi32>], vector<16xi32>, vector<16xi1>
        %mul3A_1240 = arith.constant 16 : i32
        %mul3A_1241 = arith.muli %scan3A_1198, %mul3A_1240 : i32
        %get3A_1242 = arith.index_cast %mul3A_1241 : i32 to index
        %get3A_1243 = tpu.vector_load %arg9[%get3A_1242] {strides = array<i32>} : memref<9216xi32, #tpu.memory_space<vmem>>, vector<16xi32>,
        %mul3A_1244 = arith.constant 147456 : i32
        %mul3A_1245 = arith.muli %add3A, %mul3A_1244 : i32
        %add3A_1246 = vector.broadcast %mul3A_1245 : i32 to vector<16xi32>
        %add3A_1247 = arith.addi %get3A_1243, %add3A_1246 : vector<16xi32>
        %add3A_1248 = arith.constant 512 : i32
        %add3A_1249 = vector.broadcast %add3A_1248 : i32 to vector<16xi32>
        %add3A_1250 = arith.addi %add3A_1249, %min3A_1228 : vector<16xi32>
        tpu.vector_store_idx %arg10[%add3A_1250], %add3A_1247 masked %and3A : memref<4096xi32, #tpu.memory_space<vmem>>[vector<16xi32>], vector<16xi32>, vector<16xi1>
        %all_reduce_population_count3A_1251 = tpu.all_reduce %ge3A_1208 {dim = 0 : i64, kind = #tpu.reduction_kind<sum>} : vector<16xi1> -> vector<16xi32>
        %reduce_max3A_1252 = arith.constant true
        %reduce_max3A_1253 = vector.broadcast %reduce_max3A_1252 : i1 to vector<16xi1>
        %reduce_max3A_1254 = arith.constant -2147483648 : i32
        %reduce_max3A_1255 = vector.broadcast %reduce_max3A_1254 : i32 to vector<16xi32>
        %reduce_max3A_1256 = arith.xori %all_reduce_population_count3A_1251, %reduce_max3A_1255 : vector<16xi32>
        %reduce_max3A_1257 = tpu.scan <max>, %reduce_max3A_1256 masked %reduce_max3A_1253 : vector<16xi32>, vector<16xi1> -> vector<16xi32>
        %reduce_max3A_1258 = arith.xori %reduce_max3A_1257, %reduce_max3A_1255 : vector<16xi32>
        %reduce_max3A_1259 = vector.extract %reduce_max3A_1258[15] : i32 from vector<16xi32>
        %add3A_1260 = arith.addi %scan3A_1199, %reduce_max3A_1259 : i32
        scf.yield %add3A_1260 : i32
      }
      %scan3A_1189 = arith.constant 576 : i32
      %mul3A_1190 = arith.constant 256 : i32
      %mul3A_1191 = arith.muli %arg1, %mul3A_1190 : i32
      "tpu.region"() ({
        %run_scoped3A = tpu.sem_alloc : memref<!tpu.dma_semaphore, #tpu.memory_space<semaphore_mem>>
        %dma_start3A = arith.constant 0 : i32
        %dma_start3A_1198 = tpu.memref_slice %arg10[%dma_start3A] : memref<4096xi32, #tpu.memory_space<vmem>> -> memref<256xi32, #tpu.memory_space<vmem>>
        %dma_start3A_1199 = tpu.memref_slice %arg4[%add3A, %mul3A_1191] : memref<4x4096xi32, #tpu.memory_space<hbm>> -> memref<1x256xi32, #tpu.memory_space<hbm>>
        %dma_start3A_1200 = tpu.memref_squeeze %dma_start3A_1199 : memref<1x256xi32, #tpu.memory_space<hbm>> -> memref<256xi32, #tpu.memory_space<hbm>>
        %dma_start3A_1201 = tpu.memref_slice %arg4[%add3A, %mul3A_1191] : memref<4x4096xi32, #tpu.memory_space<hbm>> -> memref<1x256xi32, #tpu.memory_space<hbm>>
        %dma_start3A_1202 = tpu.memref_squeeze %dma_start3A_1201 : memref<1x256xi32, #tpu.memory_space<hbm>> -> memref<256xi32, #tpu.memory_space<hbm>>
        %dma_start3A_1203 = arith.constant 0 : i32
        %dma_start3A_1204 = tpu.memref_slice %arg10[%dma_start3A_1203] : memref<4096xi32, #tpu.memory_space<vmem>> -> memref<256xi32, #tpu.memory_space<vmem>>
        tpu.enqueue_dma source(%dma_start3A_1204 : memref<256xi32, #tpu.memory_space<vmem>>) target(%dma_start3A_1202 : memref<256xi32, #tpu.memory_space<hbm>>) target_semaphore(%run_scoped3A : memref<!tpu.dma_semaphore, #tpu.memory_space<semaphore_mem>>)
        %dma_wait3A = arith.constant 0 : i32
        %dma_wait3A_1205 = tpu.memref_slice %arg10[%dma_wait3A] : memref<4096xi32, #tpu.memory_space<vmem>> -> memref<256xi32, #tpu.memory_space<vmem>>
        %dma_wait3A_1206 = tpu.memref_slice %arg4[%add3A, %mul3A_1191] : memref<4x4096xi32, #tpu.memory_space<hbm>> -> memref<1x256xi32, #tpu.memory_space<hbm>>
        %dma_wait3A_1207 = tpu.memref_squeeze %dma_wait3A_1206 : memref<1x256xi32, #tpu.memory_space<hbm>> -> memref<256xi32, #tpu.memory_space<hbm>>
        %dma_wait3A_1208 = tpu.memref_slice %arg4[%add3A, %mul3A_1191] : memref<4x4096xi32, #tpu.memory_space<hbm>> -> memref<1x256xi32, #tpu.memory_space<hbm>>
        %dma_wait3A_1209 = tpu.memref_squeeze %dma_wait3A_1208 : memref<1x256xi32, #tpu.memory_space<hbm>> -> memref<256xi32, #tpu.memory_space<hbm>>
        %dma_wait3A_1210 = arith.constant 0 : i32
        %dma_wait3A_1211 = tpu.memref_slice %arg10[%dma_wait3A_1210] : memref<4096xi32, #tpu.memory_space<vmem>> -> memref<256xi32, #tpu.memory_space<vmem>>
        tpu.wait_dma2 semaphore(%run_scoped3A : memref<!tpu.dma_semaphore, #tpu.memory_space<semaphore_mem>>) src(%dma_wait3A_1211 : memref<256xi32, #tpu.memory_space<vmem>>) dst(%dma_wait3A_1209 : memref<256xi32, #tpu.memory_space<hbm>>)
        tpu.yield
      }) : () -> ()
      %mul3A_1192 = arith.constant 256 : i32
      %mul3A_1193 = arith.muli %arg1, %mul3A_1192 : i32
      "tpu.region"() ({
        %run_scoped3A = tpu.sem_alloc : memref<!tpu.dma_semaphore, #tpu.memory_space<semaphore_mem>>
        %dma_start3A = arith.constant 256 : i32
        %dma_start3A_1198 = tpu.memref_slice %arg10[%dma_start3A] : memref<4096xi32, #tpu.memory_space<vmem>> -> memref<256xi32, #tpu.memory_space<vmem>>
        %dma_start3A_1199 = tpu.memref_slice %arg5[%add3A, %mul3A_1193] : memref<4x4096xi32, #tpu.memory_space<hbm>> -> memref<1x256xi32, #tpu.memory_space<hbm>>
        %dma_start3A_1200 = tpu.memref_squeeze %dma_start3A_1199 : memref<1x256xi32, #tpu.memory_space<hbm>> -> memref<256xi32, #tpu.memory_space<hbm>>
        %dma_start3A_1201 = tpu.memref_slice %arg5[%add3A, %mul3A_1193] : memref<4x4096xi32, #tpu.memory_space<hbm>> -> memref<1x256xi32, #tpu.memory_space<hbm>>
        %dma_start3A_1202 = tpu.memref_squeeze %dma_start3A_1201 : memref<1x256xi32, #tpu.memory_space<hbm>> -> memref<256xi32, #tpu.memory_space<hbm>>
        %dma_start3A_1203 = arith.constant 256 : i32
        %dma_start3A_1204 = tpu.memref_slice %arg10[%dma_start3A_1203] : memref<4096xi32, #tpu.memory_space<vmem>> -> memref<256xi32, #tpu.memory_space<vmem>>
        tpu.enqueue_dma source(%dma_start3A_1204 : memref<256xi32, #tpu.memory_space<vmem>>) target(%dma_start3A_1202 : memref<256xi32, #tpu.memory_space<hbm>>) target_semaphore(%run_scoped3A : memref<!tpu.dma_semaphore, #tpu.memory_space<semaphore_mem>>)
        %dma_wait3A = arith.constant 256 : i32
        %dma_wait3A_1205 = tpu.memref_slice %arg10[%dma_wait3A] : memref<4096xi32, #tpu.memory_space<vmem>> -> memref<256xi32, #tpu.memory_space<vmem>>
        %dma_wait3A_1206 = tpu.memref_slice %arg5[%add3A, %mul3A_1193] : memref<4x4096xi32, #tpu.memory_space<hbm>> -> memref<1x256xi32, #tpu.memory_space<hbm>>
        %dma_wait3A_1207 = tpu.memref_squeeze %dma_wait3A_1206 : memref<1x256xi32, #tpu.memory_space<hbm>> -> memref<256xi32, #tpu.memory_space<hbm>>
        %dma_wait3A_1208 = tpu.memref_slice %arg5[%add3A, %mul3A_1193] : memref<4x4096xi32, #tpu.memory_space<hbm>> -> memref<1x256xi32, #tpu.memory_space<hbm>>
        %dma_wait3A_1209 = tpu.memref_squeeze %dma_wait3A_1208 : memref<1x256xi32, #tpu.memory_space<hbm>> -> memref<256xi32, #tpu.memory_space<hbm>>
        %dma_wait3A_1210 = arith.constant 256 : i32
        %dma_wait3A_1211 = tpu.memref_slice %arg10[%dma_wait3A_1210] : memref<4096xi32, #tpu.memory_space<vmem>> -> memref<256xi32, #tpu.memory_space<vmem>>
        tpu.wait_dma2 semaphore(%run_scoped3A : memref<!tpu.dma_semaphore, #tpu.memory_space<semaphore_mem>>) src(%dma_wait3A_1211 : memref<256xi32, #tpu.memory_space<vmem>>) dst(%dma_wait3A_1209 : memref<256xi32, #tpu.memory_space<hbm>>)
        tpu.yield
      }) : () -> ()
      %mul3A_1194 = arith.constant 256 : i32
      %mul3A_1195 = arith.muli %arg1, %mul3A_1194 : i32
      "tpu.region"() ({
        %run_scoped3A = tpu.sem_alloc : memref<!tpu.dma_semaphore, #tpu.memory_space<semaphore_mem>>
        %dma_start3A = arith.constant 512 : i32
        %dma_start3A_1198 = tpu.memref_slice %arg10[%dma_start3A] : memref<4096xi32, #tpu.memory_space<vmem>> -> memref<256xi32, #tpu.memory_space<vmem>>
        %dma_start3A_1199 = tpu.memref_slice %arg6[%add3A, %mul3A_1195] : memref<4x4096xi32, #tpu.memory_space<hbm>> -> memref<1x256xi32, #tpu.memory_space<hbm>>
        %dma_start3A_1200 = tpu.memref_squeeze %dma_start3A_1199 : memref<1x256xi32, #tpu.memory_space<hbm>> -> memref<256xi32, #tpu.memory_space<hbm>>
        %dma_start3A_1201 = tpu.memref_slice %arg6[%add3A, %mul3A_1195] : memref<4x4096xi32, #tpu.memory_space<hbm>> -> memref<1x256xi32, #tpu.memory_space<hbm>>
        %dma_start3A_1202 = tpu.memref_squeeze %dma_start3A_1201 : memref<1x256xi32, #tpu.memory_space<hbm>> -> memref<256xi32, #tpu.memory_space<hbm>>
        %dma_start3A_1203 = arith.constant 512 : i32
        %dma_start3A_1204 = tpu.memref_slice %arg10[%dma_start3A_1203] : memref<4096xi32, #tpu.memory_space<vmem>> -> memref<256xi32, #tpu.memory_space<vmem>>
        tpu.enqueue_dma source(%dma_start3A_1204 : memref<256xi32, #tpu.memory_space<vmem>>) target(%dma_start3A_1202 : memref<256xi32, #tpu.memory_space<hbm>>) target_semaphore(%run_scoped3A : memref<!tpu.dma_semaphore, #tpu.memory_space<semaphore_mem>>)
        %dma_wait3A = arith.constant 512 : i32
        %dma_wait3A_1205 = tpu.memref_slice %arg10[%dma_wait3A] : memref<4096xi32, #tpu.memory_space<vmem>> -> memref<256xi32, #tpu.memory_space<vmem>>
        %dma_wait3A_1206 = tpu.memref_slice %arg6[%add3A, %mul3A_1195] : memref<4x4096xi32, #tpu.memory_space<hbm>> -> memref<1x256xi32, #tpu.memory_space<hbm>>
        %dma_wait3A_1207 = tpu.memref_squeeze %dma_wait3A_1206 : memref<1x256xi32, #tpu.memory_space<hbm>> -> memref<256xi32, #tpu.memory_space<hbm>>
        %dma_wait3A_1208 = tpu.memref_slice %arg6[%add3A, %mul3A_1195] : memref<4x4096xi32, #tpu.memory_space<hbm>> -> memref<1x256xi32, #tpu.memory_space<hbm>>
        %dma_wait3A_1209 = tpu.memref_squeeze %dma_wait3A_1208 : memref<1x256xi32, #tpu.memory_space<hbm>> -> memref<256xi32, #tpu.memory_space<hbm>>
        %dma_wait3A_1210 = arith.constant 512 : i32
        %dma_wait3A_1211 = tpu.memref_slice %arg10[%dma_wait3A_1210] : memref<4096xi32, #tpu.memory_space<vmem>> -> memref<256xi32, #tpu.memory_space<vmem>>
        tpu.wait_dma2 semaphore(%run_scoped3A : memref<!tpu.dma_semaphore, #tpu.memory_space<semaphore_mem>>) src(%dma_wait3A_1211 : memref<256xi32, #tpu.memory_space<vmem>>) dst(%dma_wait3A_1209 : memref<256xi32, #tpu.memory_space<hbm>>)
        tpu.yield
      }) : () -> ()
      %barrier3A_1196 = arith.constant 0 : index
      tpu.barrier barrier_id(%barrier3A_1196)
      %scan3A_1197 = arith.constant 0 : i32
      scf.yield %scan3A_1197 : i32
    }
    %scan3A_6 = arith.constant 2 : i32
    return
  }
}

module attributes {stable_mosaic.version = 14 : i64} {
  func.func @_score_body(%arg0: i32, %arg1: memref<8x2304x96xf32, #tpu.memory_space<vmem>>, %arg2: memref<1x96xf32, #tpu.memory_space<vmem>>, %arg3: memref<1x96xf32, #tpu.memory_space<vmem>>, %arg4: memref<96x24xbf16, #tpu.memory_space<vmem>>, %arg5: memref<1x24xf32, #tpu.memory_space<vmem>>, %arg6: memref<24x128xbf16, #tpu.memory_space<vmem>>, %arg7: memref<1x1xf32, #tpu.memory_space<vmem>>, %arg8: memref<8x2304xf32, #tpu.memory_space<vmem>>) attributes {dimension_semantics = [#tpu.dimension_semantics<arbitrary>], iteration_bounds = array<i64: 32>, scalar_prefetch = 0 : i64, scratch_operands = 0 : i64, tpu.core_type = #tpu.core_type<tc>, window_params = [{transform_indices = @transform_0, window_bounds = array<i64: 8, 2304, 96>}, {pipeline_mode = #tpu.pipeline_mode<synchronous>, transform_indices = @transform_1, window_bounds = array<i64: 1, 96>}, {pipeline_mode = #tpu.pipeline_mode<synchronous>, transform_indices = @transform_2, window_bounds = array<i64: 1, 96>}, {pipeline_mode = #tpu.pipeline_mode<synchronous>, transform_indices = @transform_3, window_bounds = array<i64: 96, 24>}, {pipeline_mode = #tpu.pipeline_mode<synchronous>, transform_indices = @transform_4, window_bounds = array<i64: 1, 24>}, {pipeline_mode = #tpu.pipeline_mode<synchronous>, transform_indices = @transform_5, window_bounds = array<i64: 24, 128>}, {pipeline_mode = #tpu.pipeline_mode<synchronous>, transform_indices = @transform_6, window_bounds = array<i64: 1, 1>}, {transform_indices = @transform_7, window_bounds = array<i64: 8, 2304>}]} {
    %get3A = arith.constant 0 : index
    %get3A_0 = arith.constant 0 : index
    %get3A_1 = arith.constant 0 : index
    %get3A_2 = vector.load %arg1[%get3A, %get3A_0, %get3A_1] : memref<8x2304x96xf32, #tpu.memory_space<vmem>>, vector<8x2304x96xf32>
    %reshape3A = vector.shape_cast %get3A_2 : vector<8x2304x96xf32> to vector<18432x96xf32>
    %reduce_sum3A = arith.constant dense<0.000000e+00> : vector<18432xf32>
    %reduce_sum3A_3 = vector.multi_reduction <add>, %reshape3A, %reduce_sum3A [1] : vector<18432x96xf32> to vector<18432xf32>
    %broadcast_in_dim3A = vector.shape_cast %reduce_sum3A_3 : vector<18432xf32> to vector<18432x1xf32>
    %div3A = arith.constant 9.600000e+01 : f32
    %div3A_4 = vector.broadcast %div3A : f32 to vector<18432x1xf32>
    %div3A_5 = arith.divf %broadcast_in_dim3A, %div3A_4 : vector<18432x1xf32>
    %jit3A = arith.constant 0 : i32
    %reduce_sum3A_6 = arith.constant dense<0.000000e+00> : vector<18432xf32>
    %reduce_sum3A_7 = vector.multi_reduction <add>, %reshape3A, %reduce_sum3A_6 [1] : vector<18432x96xf32> to vector<18432xf32>
    %broadcast_in_dim3A_8 = vector.shape_cast %reduce_sum3A_7 : vector<18432xf32> to vector<18432x1xf32>
    %div3A_9 = arith.constant 9.600000e+01 : f32
    %div3A_10 = vector.broadcast %div3A_9 : f32 to vector<18432x1xf32>
    %div3A_11 = arith.divf %broadcast_in_dim3A_8, %div3A_10 : vector<18432x1xf32>
    %sub3A = vector.broadcast %div3A_11 : vector<18432x1xf32> to vector<18432x96xf32>
    %sub3A_12 = arith.subf %reshape3A, %sub3A : vector<18432x96xf32>
    %square3A = arith.mulf %sub3A_12, %sub3A_12 : vector<18432x96xf32>
    %convert_element_type3A = arith.sitofp %jit3A : i32 to f32
    %sub3A_13 = arith.constant 9.600000e+01 : f32
    %sub3A_14 = arith.subf %sub3A_13, %convert_element_type3A : f32
    %reduce_sum3A_15 = arith.constant dense<0.000000e+00> : vector<18432xf32>
    %reduce_sum3A_16 = vector.multi_reduction <add>, %square3A, %reduce_sum3A_15 [1] : vector<18432x96xf32> to vector<18432xf32>
    %broadcast_in_dim3A_17 = vector.shape_cast %reduce_sum3A_16 : vector<18432xf32> to vector<18432x1xf32>
    %div3A_18 = vector.broadcast %sub3A_14 : f32 to vector<18432x1xf32>
    %div3A_19 = arith.divf %broadcast_in_dim3A_17, %div3A_18 : vector<18432x1xf32>
    %gt3A = arith.constant 0.000000e+00 : f32
    %gt3A_20 = arith.cmpf ogt, %sub3A_14, %gt3A : f32
    %jit3A_21 = arith.constant 0x7FC00000 : f32
    %broadcast_in_dim3A_22 = vector.broadcast %jit3A_21 : f32 to vector<18432x1xf32>
    %select_n3A = arith.select %gt3A_20, %div3A_19, %broadcast_in_dim3A_22 : vector<18432x1xf32>
    %sub3A_23 = vector.broadcast %div3A_5 : vector<18432x1xf32> to vector<18432x96xf32>
    %sub3A_24 = arith.subf %reshape3A, %sub3A_23 : vector<18432x96xf32>
    %add3A = arith.constant 9.99999974E-6 : f32
    %add3A_25 = vector.broadcast %add3A : f32 to vector<18432x1xf32>
    %add3A_26 = arith.addf %select_n3A, %add3A_25 : vector<18432x1xf32>
    %sqrt3A = math.sqrt %add3A_26 : vector<18432x1xf32>
    %div3A_27 = vector.broadcast %sqrt3A : vector<18432x1xf32> to vector<18432x96xf32>
    %div3A_28 = arith.divf %sub3A_24, %div3A_27 : vector<18432x96xf32>
    %get3A_29 = arith.constant 0 : index
    %get3A_30 = arith.constant 0 : index
    %get3A_31 = vector.load %arg2[%get3A_29, %get3A_30] : memref<1x96xf32, #tpu.memory_space<vmem>>, vector<1x96xf32>
    %get3A_32 = vector.shape_cast %get3A_31 : vector<1x96xf32> to vector<96xf32>
    %broadcast_in_dim3A_33 = vector.shape_cast %get3A_32 : vector<96xf32> to vector<1x96xf32>
    %mul3A = vector.broadcast %broadcast_in_dim3A_33 : vector<1x96xf32> to vector<18432x96xf32>
    %mul3A_34 = arith.mulf %div3A_28, %mul3A : vector<18432x96xf32>
    %get3A_35 = arith.constant 0 : index
    %get3A_36 = arith.constant 0 : index
    %get3A_37 = vector.load %arg3[%get3A_35, %get3A_36] : memref<1x96xf32, #tpu.memory_space<vmem>>, vector<1x96xf32>
    %get3A_38 = vector.shape_cast %get3A_37 : vector<1x96xf32> to vector<96xf32>
    %broadcast_in_dim3A_39 = vector.shape_cast %get3A_38 : vector<96xf32> to vector<1x96xf32>
    %add3A_40 = vector.broadcast %broadcast_in_dim3A_39 : vector<1x96xf32> to vector<18432x96xf32>
    %add3A_41 = arith.addf %mul3A_34, %add3A_40 : vector<18432x96xf32>
    %convert_element_type3A_42 = arith.truncf %add3A_41 : vector<18432x96xf32> to vector<18432x96xbf16>
    %get3A_43 = arith.constant 0 : index
    %get3A_44 = arith.constant 0 : index
    %get3A_45 = vector.load %arg4[%get3A_43, %get3A_44] : memref<96x24xbf16, #tpu.memory_space<vmem>>, vector<96x24xbf16>
    %dot_general3A = arith.constant dense<0.000000e+00> : vector<18432x24xf32>
    %dot_general3A_46 = tpu.matmul %convert_element_type3A_42, %get3A_45, %dot_general3A {dimension_numbers = #tpu.dot_dimension_numbers<[1], [0], [0], [1], [0, 0, 1, 1], [], []>, transpose_lhs_hint = false} : vector<18432x96xbf16>, vector<96x24xbf16>, vector<18432x24xf32> -> vector<18432x24xf32>
    %get3A_47 = arith.constant 0 : index
    %get3A_48 = arith.constant 0 : index
    %get3A_49 = vector.load %arg5[%get3A_47, %get3A_48] : memref<1x24xf32, #tpu.memory_space<vmem>>, vector<1x24xf32>
    %get3A_50 = vector.shape_cast %get3A_49 : vector<1x24xf32> to vector<24xf32>
    %broadcast_in_dim3A_51 = vector.shape_cast %get3A_50 : vector<24xf32> to vector<1x24xf32>
    %add3A_52 = vector.broadcast %broadcast_in_dim3A_51 : vector<1x24xf32> to vector<18432x24xf32>
    %add3A_53 = arith.addf %dot_general3A_46, %add3A_52 : vector<18432x24xf32>
    %mul3A_54 = arith.constant 5.000000e-01 : f32
    %mul3A_55 = vector.broadcast %mul3A_54 : f32 to vector<18432x24xf32>
    %mul3A_56 = arith.mulf %mul3A_55, %add3A_53 : vector<18432x24xf32>
    %neg3A = arith.constant 0.000000e+00 : f32
    %neg3A_57 = vector.broadcast %neg3A : f32 to vector<18432x24xf32>
    %neg3A_58 = arith.subf %neg3A_57, %add3A_53 : vector<18432x24xf32>
    %mul3A_59 = arith.constant 0.707106769 : f32
    %mul3A_60 = vector.broadcast %mul3A_59 : f32 to vector<18432x24xf32>
    %mul3A_61 = arith.mulf %neg3A_58, %mul3A_60 : vector<18432x24xf32>
    %mul3A_62 = arith.mulf %mul3A_61, %mul3A_61 : vector<18432x24xf32>
    %abs3A = math.absf %mul3A_61 : vector<18432x24xf32>
    %neg3A_63 = arith.constant 0.000000e+00 : f32
    %neg3A_64 = vector.broadcast %neg3A_63 : f32 to vector<18432x24xf32>
    %neg3A_65 = arith.subf %neg3A_64, %mul3A_62 : vector<18432x24xf32>
    %exp3A = math.exp %neg3A_65 : vector<18432x24xf32>
    %div3A_66 = arith.constant 1.000000e+00 : f32
    %div3A_67 = vector.broadcast %div3A_66 : f32 to vector<18432x24xf32>
    %div3A_68 = arith.divf %div3A_67, %abs3A : vector<18432x24xf32>
    %mul3A_69 = arith.mulf %div3A_68, %div3A_68 : vector<18432x24xf32>
    %lt3A = arith.constant 2.000000e+00 : f32
    %lt3A_70 = vector.broadcast %lt3A : f32 to vector<18432x24xf32>
    %lt3A_71 = arith.cmpf olt, %abs3A, %lt3A_70 : vector<18432x24xf32>
    %broadcast_in_dim3A_72 = arith.constant 2.326820e-02 : f32
    %broadcast_in_dim3A_73 = vector.broadcast %broadcast_in_dim3A_72 : f32 to vector<18432x24xf32>
    %mul3A_74 = arith.mulf %broadcast_in_dim3A_73, %mul3A_69 : vector<18432x24xf32>
    %add3A_75 = arith.constant -0.138703942 : f32
    %add3A_76 = vector.broadcast %add3A_75 : f32 to vector<18432x24xf32>
    %add3A_77 = arith.addf %mul3A_74, %add3A_76 : vector<18432x24xf32>
    %mul3A_78 = arith.mulf %add3A_77, %mul3A_69 : vector<18432x24xf32>
    %add3A_79 = arith.constant 0.368742466 : f32
    %add3A_80 = vector.broadcast %add3A_79 : f32 to vector<18432x24xf32>
    %add3A_81 = arith.addf %mul3A_78, %add3A_80 : vector<18432x24xf32>
    %mul3A_82 = arith.mulf %add3A_81, %mul3A_69 : vector<18432x24xf32>
    %add3A_83 = arith.constant -0.582473278 : f32
    %add3A_84 = vector.broadcast %add3A_83 : f32 to vector<18432x24xf32>
    %add3A_85 = arith.addf %mul3A_82, %add3A_84 : vector<18432x24xf32>
    %mul3A_86 = arith.mulf %add3A_85, %mul3A_69 : vector<18432x24xf32>
    %add3A_87 = arith.constant 0.621000468 : f32
    %add3A_88 = vector.broadcast %add3A_87 : f32 to vector<18432x24xf32>
    %add3A_89 = arith.addf %mul3A_86, %add3A_88 : vector<18432x24xf32>
    %mul3A_90 = arith.mulf %add3A_89, %mul3A_69 : vector<18432x24xf32>
    %add3A_91 = arith.constant -0.494451523 : f32
    %add3A_92 = vector.broadcast %add3A_91 : f32 to vector<18432x24xf32>
    %add3A_93 = arith.addf %mul3A_90, %add3A_92 : vector<18432x24xf32>
    %mul3A_94 = arith.mulf %add3A_93, %mul3A_69 : vector<18432x24xf32>
    %add3A_95 = arith.constant 3.404880e-01 : f32
    %add3A_96 = vector.broadcast %add3A_95 : f32 to vector<18432x24xf32>
    %add3A_97 = arith.addf %mul3A_94, %add3A_96 : vector<18432x24xf32>
    %mul3A_98 = arith.mulf %add3A_97, %mul3A_69 : vector<18432x24xf32>
    %add3A_99 = arith.constant -0.274112701 : f32
    %add3A_100 = vector.broadcast %add3A_99 : f32 to vector<18432x24xf32>
    %add3A_101 = arith.addf %mul3A_98, %add3A_100 : vector<18432x24xf32>
    %mul3A_102 = arith.mulf %add3A_101, %mul3A_69 : vector<18432x24xf32>
    %add3A_103 = arith.constant 0.563825965 : f32
    %add3A_104 = vector.broadcast %add3A_103 : f32 to vector<18432x24xf32>
    %add3A_105 = arith.addf %mul3A_102, %add3A_104 : vector<18432x24xf32>
    %broadcast_in_dim3A_106 = arith.constant -10.477664 : f32
    %broadcast_in_dim3A_107 = vector.broadcast %broadcast_in_dim3A_106 : f32 to vector<18432x24xf32>
    %mul3A_108 = arith.mulf %broadcast_in_dim3A_107, %mul3A_69 : vector<18432x24xf32>
    %add3A_109 = arith.constant 1.297720e+01 : f32
    %add3A_110 = vector.broadcast %add3A_109 : f32 to vector<18432x24xf32>
    %add3A_111 = arith.addf %mul3A_108, %add3A_110 : vector<18432x24xf32>
    %mul3A_112 = arith.mulf %add3A_111, %mul3A_69 : vector<18432x24xf32>
    %add3A_113 = arith.constant -7.49551868 : f32
    %add3A_114 = vector.broadcast %add3A_113 : f32 to vector<18432x24xf32>
    %add3A_115 = arith.addf %mul3A_112, %add3A_114 : vector<18432x24xf32>
    %mul3A_116 = arith.mulf %add3A_115, %mul3A_69 : vector<18432x24xf32>
    %add3A_117 = arith.constant 2.92101908 : f32
    %add3A_118 = vector.broadcast %add3A_117 : f32 to vector<18432x24xf32>
    %add3A_119 = arith.addf %mul3A_116, %add3A_118 : vector<18432x24xf32>
    %mul3A_120 = arith.mulf %add3A_119, %mul3A_69 : vector<18432x24xf32>
    %add3A_121 = arith.constant -1.01526523 : f32
    %add3A_122 = vector.broadcast %add3A_121 : f32 to vector<18432x24xf32>
    %add3A_123 = arith.addf %mul3A_120, %add3A_122 : vector<18432x24xf32>
    %mul3A_124 = arith.mulf %add3A_123, %mul3A_69 : vector<18432x24xf32>
    %add3A_125 = arith.constant 0.42184633 : f32
    %add3A_126 = vector.broadcast %add3A_125 : f32 to vector<18432x24xf32>
    %add3A_127 = arith.addf %mul3A_124, %add3A_126 : vector<18432x24xf32>
    %mul3A_128 = arith.mulf %add3A_127, %mul3A_69 : vector<18432x24xf32>
    %add3A_129 = arith.constant -0.282076746 : f32
    %add3A_130 = vector.broadcast %add3A_129 : f32 to vector<18432x24xf32>
    %add3A_131 = arith.addf %mul3A_128, %add3A_130 : vector<18432x24xf32>
    %mul3A_132 = arith.mulf %add3A_131, %mul3A_69 : vector<18432x24xf32>
    %add3A_133 = arith.constant 0.564189494 : f32
    %add3A_134 = vector.broadcast %add3A_133 : f32 to vector<18432x24xf32>
    %add3A_135 = arith.addf %mul3A_132, %add3A_134 : vector<18432x24xf32>
    %select_n3A_136 = arith.select %lt3A_71, %add3A_105, %add3A_135 : vector<18432x24xi1>, vector<18432x24xf32>
    %mul3A_137 = arith.mulf %exp3A, %div3A_68 : vector<18432x24xf32>
    %mul3A_138 = arith.mulf %mul3A_137, %select_n3A_136 : vector<18432x24xf32>
    %lt3A_139 = arith.constant 0.000000e+00 : f32
    %lt3A_140 = vector.broadcast %lt3A_139 : f32 to vector<18432x24xf32>
    %lt3A_141 = arith.cmpf olt, %mul3A_61, %lt3A_140 : vector<18432x24xf32>
    %sub3A_142 = arith.constant 2.000000e+00 : f32
    %sub3A_143 = vector.broadcast %sub3A_142 : f32 to vector<18432x24xf32>
    %sub3A_144 = arith.subf %sub3A_143, %mul3A_138 : vector<18432x24xf32>
    %select_n3A_145 = arith.select %lt3A_141, %sub3A_144, %mul3A_138 : vector<18432x24xi1>, vector<18432x24xf32>
    %neg3A_146 = arith.constant 0.000000e+00 : f32
    %neg3A_147 = vector.broadcast %neg3A_146 : f32 to vector<18432x24xf32>
    %neg3A_148 = arith.subf %neg3A_147, %mul3A_62 : vector<18432x24xf32>
    %lt3A_149 = arith.constant -88.7228394 : f32
    %lt3A_150 = vector.broadcast %lt3A_149 : f32 to vector<18432x24xf32>
    %lt3A_151 = arith.cmpf olt, %neg3A_148, %lt3A_150 : vector<18432x24xf32>
    %lt3A_152 = arith.constant 0.000000e+00 : f32
    %lt3A_153 = vector.broadcast %lt3A_152 : f32 to vector<18432x24xf32>
    %lt3A_154 = arith.cmpf olt, %mul3A_61, %lt3A_153 : vector<18432x24xf32>
    %jit3A_155 = arith.constant 2.000000e+00 : f32
    %jit3A_156 = arith.constant 0.000000e+00 : f32
    %broadcast_in_dim3A_157 = vector.broadcast %jit3A_155 : f32 to vector<18432x24xf32>
    %broadcast_in_dim3A_158 = vector.broadcast %jit3A_156 : f32 to vector<18432x24xf32>
    %select_n3A_159 = arith.select %lt3A_154, %broadcast_in_dim3A_157, %broadcast_in_dim3A_158 : vector<18432x24xi1>, vector<18432x24xf32>
    %select_n3A_160 = arith.select %lt3A_151, %select_n3A_159, %select_n3A_145 : vector<18432x24xi1>, vector<18432x24xf32>
    %broadcast_in_dim3A_161 = arith.constant 7.85386146E-5 : f32
    %broadcast_in_dim3A_162 = vector.broadcast %broadcast_in_dim3A_161 : f32 to vector<18432x24xf32>
    %mul3A_163 = arith.mulf %broadcast_in_dim3A_162, %mul3A_62 : vector<18432x24xf32>
    %add3A_164 = arith.constant -8.0101937E-4 : f32
    %add3A_165 = vector.broadcast %add3A_164 : f32 to vector<18432x24xf32>
    %add3A_166 = arith.addf %mul3A_163, %add3A_165 : vector<18432x24xf32>
    %mul3A_167 = arith.mulf %add3A_166, %mul3A_62 : vector<18432x24xf32>
    %add3A_168 = arith.constant 0.00518832775 : f32
    %add3A_169 = vector.broadcast %add3A_168 : f32 to vector<18432x24xf32>
    %add3A_170 = arith.addf %mul3A_167, %add3A_169 : vector<18432x24xf32>
    %mul3A_171 = arith.mulf %add3A_170, %mul3A_62 : vector<18432x24xf32>
    %add3A_172 = arith.constant -0.0268538129 : f32
    %add3A_173 = vector.broadcast %add3A_172 : f32 to vector<18432x24xf32>
    %add3A_174 = arith.addf %mul3A_171, %add3A_173 : vector<18432x24xf32>
    %mul3A_175 = arith.mulf %add3A_174, %mul3A_62 : vector<18432x24xf32>
    %add3A_176 = arith.constant 0.112835854 : f32
    %add3A_177 = vector.broadcast %add3A_176 : f32 to vector<18432x24xf32>
    %add3A_178 = arith.addf %mul3A_175, %add3A_177 : vector<18432x24xf32>
    %mul3A_179 = arith.mulf %add3A_178, %mul3A_62 : vector<18432x24xf32>
    %add3A_180 = arith.constant -0.37612626 : f32
    %add3A_181 = vector.broadcast %add3A_180 : f32 to vector<18432x24xf32>
    %add3A_182 = arith.addf %mul3A_179, %add3A_181 : vector<18432x24xf32>
    %mul3A_183 = arith.mulf %add3A_182, %mul3A_62 : vector<18432x24xf32>
    %add3A_184 = arith.constant 1.12837911 : f32
    %add3A_185 = vector.broadcast %add3A_184 : f32 to vector<18432x24xf32>
    %add3A_186 = arith.addf %mul3A_183, %add3A_185 : vector<18432x24xf32>
    %mul3A_187 = arith.mulf %mul3A_61, %add3A_186 : vector<18432x24xf32>
    %lt3A_188 = arith.constant 1.000000e+00 : f32
    %lt3A_189 = vector.broadcast %lt3A_188 : f32 to vector<18432x24xf32>
    %lt3A_190 = arith.cmpf olt, %abs3A, %lt3A_189 : vector<18432x24xf32>
    %sub3A_191 = arith.constant 1.000000e+00 : f32
    %sub3A_192 = vector.broadcast %sub3A_191 : f32 to vector<18432x24xf32>
    %sub3A_193 = arith.subf %sub3A_192, %mul3A_187 : vector<18432x24xf32>
    %select_n3A_194 = arith.select %lt3A_190, %sub3A_193, %select_n3A_160 : vector<18432x24xi1>, vector<18432x24xf32>
    %mul3A_195 = arith.mulf %mul3A_56, %select_n3A_194 : vector<18432x24xf32>
    %convert_element_type3A_196 = arith.truncf %mul3A_195 : vector<18432x24xf32> to vector<18432x24xbf16>
    %get3A_197 = arith.constant 0 : index
    %get3A_198 = arith.constant 0 : index
    %get3A_199 = vector.load %arg6[%get3A_197, %get3A_198] : memref<24x128xbf16, #tpu.memory_space<vmem>>, vector<24x128xbf16>
    %dot_general3A_200 = arith.constant dense<0.000000e+00> : vector<18432x128xf32>
    %dot_general3A_201 = tpu.matmul %convert_element_type3A_196, %get3A_199, %dot_general3A_200 {dimension_numbers = #tpu.dot_dimension_numbers<[1], [0], [0], [1], [0, 0, 1, 1], [], []>, transpose_lhs_hint = false} : vector<18432x24xbf16>, vector<24x128xbf16>, vector<18432x128xf32> -> vector<18432x128xf32>
    %slice3A = vector.extract_strided_slice %dot_general3A_201 {offsets = [0, 0], sizes = [18432, 1], strides = [1, 1]} : vector<18432x128xf32> to vector<18432x1xf32>
    %get3A_202 = arith.constant 0 : index
    %get3A_203 = arith.constant 0 : index
    %get3A_204 = vector.load %arg7[%get3A_202, %get3A_203] : memref<1x1xf32, #tpu.memory_space<vmem>>, vector<1x1xf32>
    %get3A_205 = vector.shape_cast %get3A_204 : vector<1x1xf32> to vector<1xf32>
    %broadcast_in_dim3A_206 = vector.shape_cast %get3A_205 : vector<1xf32> to vector<1x1xf32>
    %add3A_207 = vector.broadcast %broadcast_in_dim3A_206 : vector<1x1xf32> to vector<18432x1xf32>
    %add3A_208 = arith.addf %slice3A, %add3A_207 : vector<18432x1xf32>
    %reshape3A_209 = vector.shape_cast %add3A_208 : vector<18432x1xf32> to vector<8x2304xf32>
    %swap3A = arith.constant 0 : index
    %swap3A_210 = arith.constant 0 : index
    %swap3A_211 = vector.load %arg8[%swap3A, %swap3A_210] : memref<8x2304xf32, #tpu.memory_space<vmem>>, vector<8x2304xf32>
    tpu.vector_store %arg8[%swap3A, %swap3A_210], %reshape3A_209 {strides = array<i32>} : memref<8x2304xf32, #tpu.memory_space<vmem>>, vector<8x2304xf32>,
    return
  }
  func.func @transform_0(%arg0: i32) -> (i32, i32, i32) {
    %c0_i32 = arith.constant 0 : i32
    %c0_i32_0 = arith.constant 0 : i32
    %c0_i32_1 = arith.constant 0 : i32
    return %arg0, %c0_i32, %c0_i32_0 : i32, i32, i32
  }
  func.func @transform_1(%arg0: i32) -> (i32, i32) {
    %c0_i32 = arith.constant 0 : i32
    %c0_i32_0 = arith.constant 0 : i32
    %c0_i32_1 = arith.constant 0 : i32
    return %c0_i32, %c0_i32_0 : i32, i32
  }
  func.func @transform_2(%arg0: i32) -> (i32, i32) {
    %c0_i32 = arith.constant 0 : i32
    %c0_i32_0 = arith.constant 0 : i32
    %c0_i32_1 = arith.constant 0 : i32
    return %c0_i32, %c0_i32_0 : i32, i32
  }
  func.func @transform_3(%arg0: i32) -> (i32, i32) {
    %c0_i32 = arith.constant 0 : i32
    %c0_i32_0 = arith.constant 0 : i32
    %c0_i32_1 = arith.constant 0 : i32
    return %c0_i32, %c0_i32_0 : i32, i32
  }
  func.func @transform_4(%arg0: i32) -> (i32, i32) {
    %c0_i32 = arith.constant 0 : i32
    %c0_i32_0 = arith.constant 0 : i32
    %c0_i32_1 = arith.constant 0 : i32
    return %c0_i32, %c0_i32_0 : i32, i32
  }
  func.func @transform_5(%arg0: i32) -> (i32, i32) {
    %c0_i32 = arith.constant 0 : i32
    %c0_i32_0 = arith.constant 0 : i32
    %c0_i32_1 = arith.constant 0 : i32
    return %c0_i32, %c0_i32_0 : i32, i32
  }
  func.func @transform_6(%arg0: i32) -> (i32, i32) {
    %c0_i32 = arith.constant 0 : i32
    %c0_i32_0 = arith.constant 0 : i32
    %c0_i32_1 = arith.constant 0 : i32
    return %c0_i32, %c0_i32_0 : i32, i32
  }
  func.func @transform_7(%arg0: i32) -> (i32, i32) {
    %c0_i32 = arith.constant 0 : i32
    %c0_i32_0 = arith.constant 0 : i32
    return %arg0, %c0_i32 : i32, i32
  }
}

module attributes {stable_mosaic.version = 14 : i64} {
  func.func @_rank_body(%arg0: i32, %arg1: memref<1x4096x1xi32, #tpu.memory_space<vmem>>, %arg2: memref<1x4096x1xi32, #tpu.memory_space<vmem>>, %arg3: memref<1x1x4096xi32, #tpu.memory_space<vmem>>, %arg4: memref<1x1x4096xi32, #tpu.memory_space<vmem>>, %arg5: memref<1x4096x1xi32, #tpu.memory_space<vmem>>) attributes {dimension_semantics = [#tpu.dimension_semantics<arbitrary>], iteration_bounds = array<i64: 4>, scalar_prefetch = 0 : i64, scratch_operands = 0 : i64, tpu.core_type = #tpu.core_type<tc>, window_params = [{transform_indices = @transform_0, window_bounds = array<i64: 1, 4096, 1>}, {transform_indices = @transform_1, window_bounds = array<i64: 1, 4096, 1>}, {transform_indices = @transform_2, window_bounds = array<i64: 1, 1, 4096>}, {transform_indices = @transform_3, window_bounds = array<i64: 1, 1, 4096>}, {transform_indices = @transform_4, window_bounds = array<i64: 1, 4096, 1>}]} {
    %get3A = arith.constant 0 : index
    %get3A_0 = arith.constant 0 : index
    %get3A_1 = arith.constant 0 : index
    %get3A_2 = vector.load %arg1[%get3A, %get3A_0, %get3A_1] : memref<1x4096x1xi32, #tpu.memory_space<vmem>>, vector<1x4096x1xi32>
    %get3A_3 = vector.shape_cast %get3A_2 : vector<1x4096x1xi32> to vector<4096x1xi32>
    %get3A_4 = arith.constant 0 : index
    %get3A_5 = arith.constant 0 : index
    %get3A_6 = arith.constant 0 : index
    %get3A_7 = vector.load %arg2[%get3A_4, %get3A_5, %get3A_6] : memref<1x4096x1xi32, #tpu.memory_space<vmem>>, vector<1x4096x1xi32>
    %get3A_8 = vector.shape_cast %get3A_7 : vector<1x4096x1xi32> to vector<4096x1xi32>
    %broadcast_in_dim3A = arith.constant 0 : i32
    %broadcast_in_dim3A_9 = vector.broadcast %broadcast_in_dim3A : i32 to vector<4096x1xi32>
    %get3A_10 = arith.constant 0 : index
    %get3A_11 = arith.constant 0 : index
    %get3A_12 = arith.constant 0 : index
    %get3A_13 = vector.load %arg3[%get3A_10, %get3A_11, %get3A_12] : memref<1x1x4096xi32, #tpu.memory_space<vmem>>, vector<1x1x4096xi32>
    %get3A_14 = vector.shape_cast %get3A_13 : vector<1x1x4096xi32> to vector<1x4096xi32>
    %slice3A = vector.extract_strided_slice %get3A_14 {offsets = [0, 0], sizes = [1, 512], strides = [1, 1]} : vector<1x4096xi32> to vector<1x512xi32>
    %get3A_15 = arith.constant 0 : index
    %get3A_16 = arith.constant 0 : index
    %get3A_17 = arith.constant 0 : index
    %get3A_18 = vector.load %arg4[%get3A_15, %get3A_16, %get3A_17] : memref<1x1x4096xi32, #tpu.memory_space<vmem>>, vector<1x1x4096xi32>
    %get3A_19 = vector.shape_cast %get3A_18 : vector<1x1x4096xi32> to vector<1x4096xi32>
    %slice3A_20 = vector.extract_strided_slice %get3A_19 {offsets = [0, 0], sizes = [1, 512], strides = [1, 1]} : vector<1x4096xi32> to vector<1x512xi32>
    %gt3A = vector.broadcast %slice3A : vector<1x512xi32> to vector<4096x512xi32>
    %gt3A_21 = vector.broadcast %get3A_3 : vector<4096x1xi32> to vector<4096x512xi32>
    %gt3A_22 = arith.cmpi sgt, %gt3A, %gt3A_21 : vector<4096x512xi32>
    %eq3A = vector.broadcast %slice3A : vector<1x512xi32> to vector<4096x512xi32>
    %eq3A_23 = vector.broadcast %get3A_3 : vector<4096x1xi32> to vector<4096x512xi32>
    %eq3A_24 = arith.cmpi eq, %eq3A, %eq3A_23 : vector<4096x512xi32>
    %lt3A = vector.broadcast %slice3A_20 : vector<1x512xi32> to vector<4096x512xi32>
    %lt3A_25 = vector.broadcast %get3A_8 : vector<4096x1xi32> to vector<4096x512xi32>
    %lt3A_26 = arith.cmpi slt, %lt3A, %lt3A_25 : vector<4096x512xi32>
    %and3A = arith.andi %eq3A_24, %lt3A_26 : vector<4096x512xi1>
    %or3A = arith.ori %gt3A_22, %and3A : vector<4096x512xi1>
    %convert_element_type3A = arith.extui %or3A : vector<4096x512xi1> to vector<4096x512xi32>
    %reduce_sum3A = arith.constant dense<0> : vector<4096xi32>
    %reduce_sum3A_27 = vector.multi_reduction <add>, %convert_element_type3A, %reduce_sum3A [1] : vector<4096x512xi32> to vector<4096xi32>
    %broadcast_in_dim3A_28 = vector.shape_cast %reduce_sum3A_27 : vector<4096xi32> to vector<4096x1xi32>
    %add3A = arith.addi %broadcast_in_dim3A_9, %broadcast_in_dim3A_28 : vector<4096x1xi32>
    %get3A_29 = arith.constant 0 : index
    %get3A_30 = arith.constant 0 : index
    %get3A_31 = arith.constant 0 : index
    %get3A_32 = vector.load %arg3[%get3A_29, %get3A_30, %get3A_31] : memref<1x1x4096xi32, #tpu.memory_space<vmem>>, vector<1x1x4096xi32>
    %get3A_33 = vector.shape_cast %get3A_32 : vector<1x1x4096xi32> to vector<1x4096xi32>
    %slice3A_34 = vector.extract_strided_slice %get3A_33 {offsets = [0, 512], sizes = [1, 512], strides = [1, 1]} : vector<1x4096xi32> to vector<1x512xi32>
    %get3A_35 = arith.constant 0 : index
    %get3A_36 = arith.constant 0 : index
    %get3A_37 = arith.constant 0 : index
    %get3A_38 = vector.load %arg4[%get3A_35, %get3A_36, %get3A_37] : memref<1x1x4096xi32, #tpu.memory_space<vmem>>, vector<1x1x4096xi32>
    %get3A_39 = vector.shape_cast %get3A_38 : vector<1x1x4096xi32> to vector<1x4096xi32>
    %slice3A_40 = vector.extract_strided_slice %get3A_39 {offsets = [0, 512], sizes = [1, 512], strides = [1, 1]} : vector<1x4096xi32> to vector<1x512xi32>
    %gt3A_41 = vector.broadcast %slice3A_34 : vector<1x512xi32> to vector<4096x512xi32>
    %gt3A_42 = vector.broadcast %get3A_3 : vector<4096x1xi32> to vector<4096x512xi32>
    %gt3A_43 = arith.cmpi sgt, %gt3A_41, %gt3A_42 : vector<4096x512xi32>
    %eq3A_44 = vector.broadcast %slice3A_34 : vector<1x512xi32> to vector<4096x512xi32>
    %eq3A_45 = vector.broadcast %get3A_3 : vector<4096x1xi32> to vector<4096x512xi32>
    %eq3A_46 = arith.cmpi eq, %eq3A_44, %eq3A_45 : vector<4096x512xi32>
    %lt3A_47 = vector.broadcast %slice3A_40 : vector<1x512xi32> to vector<4096x512xi32>
    %lt3A_48 = vector.broadcast %get3A_8 : vector<4096x1xi32> to vector<4096x512xi32>
    %lt3A_49 = arith.cmpi slt, %lt3A_47, %lt3A_48 : vector<4096x512xi32>
    %and3A_50 = arith.andi %eq3A_46, %lt3A_49 : vector<4096x512xi1>
    %or3A_51 = arith.ori %gt3A_43, %and3A_50 : vector<4096x512xi1>
    %convert_element_type3A_52 = arith.extui %or3A_51 : vector<4096x512xi1> to vector<4096x512xi32>
    %reduce_sum3A_53 = arith.constant dense<0> : vector<4096xi32>
    %reduce_sum3A_54 = vector.multi_reduction <add>, %convert_element_type3A_52, %reduce_sum3A_53 [1] : vector<4096x512xi32> to vector<4096xi32>
    %broadcast_in_dim3A_55 = vector.shape_cast %reduce_sum3A_54 : vector<4096xi32> to vector<4096x1xi32>
    %add3A_56 = arith.addi %add3A, %broadcast_in_dim3A_55 : vector<4096x1xi32>
    %get3A_57 = arith.constant 0 : index
    %get3A_58 = arith.constant 0 : index
    %get3A_59 = arith.constant 0 : index
    %get3A_60 = vector.load %arg3[%get3A_57, %get3A_58, %get3A_59] : memref<1x1x4096xi32, #tpu.memory_space<vmem>>, vector<1x1x4096xi32>
    %get3A_61 = vector.shape_cast %get3A_60 : vector<1x1x4096xi32> to vector<1x4096xi32>
    %slice3A_62 = vector.extract_strided_slice %get3A_61 {offsets = [0, 1024], sizes = [1, 512], strides = [1, 1]} : vector<1x4096xi32> to vector<1x512xi32>
    %get3A_63 = arith.constant 0 : index
    %get3A_64 = arith.constant 0 : index
    %get3A_65 = arith.constant 0 : index
    %get3A_66 = vector.load %arg4[%get3A_63, %get3A_64, %get3A_65] : memref<1x1x4096xi32, #tpu.memory_space<vmem>>, vector<1x1x4096xi32>
    %get3A_67 = vector.shape_cast %get3A_66 : vector<1x1x4096xi32> to vector<1x4096xi32>
    %slice3A_68 = vector.extract_strided_slice %get3A_67 {offsets = [0, 1024], sizes = [1, 512], strides = [1, 1]} : vector<1x4096xi32> to vector<1x512xi32>
    %gt3A_69 = vector.broadcast %slice3A_62 : vector<1x512xi32> to vector<4096x512xi32>
    %gt3A_70 = vector.broadcast %get3A_3 : vector<4096x1xi32> to vector<4096x512xi32>
    %gt3A_71 = arith.cmpi sgt, %gt3A_69, %gt3A_70 : vector<4096x512xi32>
    %eq3A_72 = vector.broadcast %slice3A_62 : vector<1x512xi32> to vector<4096x512xi32>
    %eq3A_73 = vector.broadcast %get3A_3 : vector<4096x1xi32> to vector<4096x512xi32>
    %eq3A_74 = arith.cmpi eq, %eq3A_72, %eq3A_73 : vector<4096x512xi32>
    %lt3A_75 = vector.broadcast %slice3A_68 : vector<1x512xi32> to vector<4096x512xi32>
    %lt3A_76 = vector.broadcast %get3A_8 : vector<4096x1xi32> to vector<4096x512xi32>
    %lt3A_77 = arith.cmpi slt, %lt3A_75, %lt3A_76 : vector<4096x512xi32>
    %and3A_78 = arith.andi %eq3A_74, %lt3A_77 : vector<4096x512xi1>
    %or3A_79 = arith.ori %gt3A_71, %and3A_78 : vector<4096x512xi1>
    %convert_element_type3A_80 = arith.extui %or3A_79 : vector<4096x512xi1> to vector<4096x512xi32>
    %reduce_sum3A_81 = arith.constant dense<0> : vector<4096xi32>
    %reduce_sum3A_82 = vector.multi_reduction <add>, %convert_element_type3A_80, %reduce_sum3A_81 [1] : vector<4096x512xi32> to vector<4096xi32>
    %broadcast_in_dim3A_83 = vector.shape_cast %reduce_sum3A_82 : vector<4096xi32> to vector<4096x1xi32>
    %add3A_84 = arith.addi %add3A_56, %broadcast_in_dim3A_83 : vector<4096x1xi32>
    %get3A_85 = arith.constant 0 : index
    %get3A_86 = arith.constant 0 : index
    %get3A_87 = arith.constant 0 : index
    %get3A_88 = vector.load %arg3[%get3A_85, %get3A_86, %get3A_87] : memref<1x1x4096xi32, #tpu.memory_space<vmem>>, vector<1x1x4096xi32>
    %get3A_89 = vector.shape_cast %get3A_88 : vector<1x1x4096xi32> to vector<1x4096xi32>
    %slice3A_90 = vector.extract_strided_slice %get3A_89 {offsets = [0, 1536], sizes = [1, 512], strides = [1, 1]} : vector<1x4096xi32> to vector<1x512xi32>
    %get3A_91 = arith.constant 0 : index
    %get3A_92 = arith.constant 0 : index
    %get3A_93 = arith.constant 0 : index
    %get3A_94 = vector.load %arg4[%get3A_91, %get3A_92, %get3A_93] : memref<1x1x4096xi32, #tpu.memory_space<vmem>>, vector<1x1x4096xi32>
    %get3A_95 = vector.shape_cast %get3A_94 : vector<1x1x4096xi32> to vector<1x4096xi32>
    %slice3A_96 = vector.extract_strided_slice %get3A_95 {offsets = [0, 1536], sizes = [1, 512], strides = [1, 1]} : vector<1x4096xi32> to vector<1x512xi32>
    %gt3A_97 = vector.broadcast %slice3A_90 : vector<1x512xi32> to vector<4096x512xi32>
    %gt3A_98 = vector.broadcast %get3A_3 : vector<4096x1xi32> to vector<4096x512xi32>
    %gt3A_99 = arith.cmpi sgt, %gt3A_97, %gt3A_98 : vector<4096x512xi32>
    %eq3A_100 = vector.broadcast %slice3A_90 : vector<1x512xi32> to vector<4096x512xi32>
    %eq3A_101 = vector.broadcast %get3A_3 : vector<4096x1xi32> to vector<4096x512xi32>
    %eq3A_102 = arith.cmpi eq, %eq3A_100, %eq3A_101 : vector<4096x512xi32>
    %lt3A_103 = vector.broadcast %slice3A_96 : vector<1x512xi32> to vector<4096x512xi32>
    %lt3A_104 = vector.broadcast %get3A_8 : vector<4096x1xi32> to vector<4096x512xi32>
    %lt3A_105 = arith.cmpi slt, %lt3A_103, %lt3A_104 : vector<4096x512xi32>
    %and3A_106 = arith.andi %eq3A_102, %lt3A_105 : vector<4096x512xi1>
    %or3A_107 = arith.ori %gt3A_99, %and3A_106 : vector<4096x512xi1>
    %convert_element_type3A_108 = arith.extui %or3A_107 : vector<4096x512xi1> to vector<4096x512xi32>
    %reduce_sum3A_109 = arith.constant dense<0> : vector<4096xi32>
    %reduce_sum3A_110 = vector.multi_reduction <add>, %convert_element_type3A_108, %reduce_sum3A_109 [1] : vector<4096x512xi32> to vector<4096xi32>
    %broadcast_in_dim3A_111 = vector.shape_cast %reduce_sum3A_110 : vector<4096xi32> to vector<4096x1xi32>
    %add3A_112 = arith.addi %add3A_84, %broadcast_in_dim3A_111 : vector<4096x1xi32>
    %get3A_113 = arith.constant 0 : index
    %get3A_114 = arith.constant 0 : index
    %get3A_115 = arith.constant 0 : index
    %get3A_116 = vector.load %arg3[%get3A_113, %get3A_114, %get3A_115] : memref<1x1x4096xi32, #tpu.memory_space<vmem>>, vector<1x1x4096xi32>
    %get3A_117 = vector.shape_cast %get3A_116 : vector<1x1x4096xi32> to vector<1x4096xi32>
    %slice3A_118 = vector.extract_strided_slice %get3A_117 {offsets = [0, 2048], sizes = [1, 512], strides = [1, 1]} : vector<1x4096xi32> to vector<1x512xi32>
    %get3A_119 = arith.constant 0 : index
    %get3A_120 = arith.constant 0 : index
    %get3A_121 = arith.constant 0 : index
    %get3A_122 = vector.load %arg4[%get3A_119, %get3A_120, %get3A_121] : memref<1x1x4096xi32, #tpu.memory_space<vmem>>, vector<1x1x4096xi32>
    %get3A_123 = vector.shape_cast %get3A_122 : vector<1x1x4096xi32> to vector<1x4096xi32>
    %slice3A_124 = vector.extract_strided_slice %get3A_123 {offsets = [0, 2048], sizes = [1, 512], strides = [1, 1]} : vector<1x4096xi32> to vector<1x512xi32>
    %gt3A_125 = vector.broadcast %slice3A_118 : vector<1x512xi32> to vector<4096x512xi32>
    %gt3A_126 = vector.broadcast %get3A_3 : vector<4096x1xi32> to vector<4096x512xi32>
    %gt3A_127 = arith.cmpi sgt, %gt3A_125, %gt3A_126 : vector<4096x512xi32>
    %eq3A_128 = vector.broadcast %slice3A_118 : vector<1x512xi32> to vector<4096x512xi32>
    %eq3A_129 = vector.broadcast %get3A_3 : vector<4096x1xi32> to vector<4096x512xi32>
    %eq3A_130 = arith.cmpi eq, %eq3A_128, %eq3A_129 : vector<4096x512xi32>
    %lt3A_131 = vector.broadcast %slice3A_124 : vector<1x512xi32> to vector<4096x512xi32>
    %lt3A_132 = vector.broadcast %get3A_8 : vector<4096x1xi32> to vector<4096x512xi32>
    %lt3A_133 = arith.cmpi slt, %lt3A_131, %lt3A_132 : vector<4096x512xi32>
    %and3A_134 = arith.andi %eq3A_130, %lt3A_133 : vector<4096x512xi1>
    %or3A_135 = arith.ori %gt3A_127, %and3A_134 : vector<4096x512xi1>
    %convert_element_type3A_136 = arith.extui %or3A_135 : vector<4096x512xi1> to vector<4096x512xi32>
    %reduce_sum3A_137 = arith.constant dense<0> : vector<4096xi32>
    %reduce_sum3A_138 = vector.multi_reduction <add>, %convert_element_type3A_136, %reduce_sum3A_137 [1] : vector<4096x512xi32> to vector<4096xi32>
    %broadcast_in_dim3A_139 = vector.shape_cast %reduce_sum3A_138 : vector<4096xi32> to vector<4096x1xi32>
    %add3A_140 = arith.addi %add3A_112, %broadcast_in_dim3A_139 : vector<4096x1xi32>
    %get3A_141 = arith.constant 0 : index
    %get3A_142 = arith.constant 0 : index
    %get3A_143 = arith.constant 0 : index
    %get3A_144 = vector.load %arg3[%get3A_141, %get3A_142, %get3A_143] : memref<1x1x4096xi32, #tpu.memory_space<vmem>>, vector<1x1x4096xi32>
    %get3A_145 = vector.shape_cast %get3A_144 : vector<1x1x4096xi32> to vector<1x4096xi32>
    %slice3A_146 = vector.extract_strided_slice %get3A_145 {offsets = [0, 2560], sizes = [1, 512], strides = [1, 1]} : vector<1x4096xi32> to vector<1x512xi32>
    %get3A_147 = arith.constant 0 : index
    %get3A_148 = arith.constant 0 : index
    %get3A_149 = arith.constant 0 : index
    %get3A_150 = vector.load %arg4[%get3A_147, %get3A_148, %get3A_149] : memref<1x1x4096xi32, #tpu.memory_space<vmem>>, vector<1x1x4096xi32>
    %get3A_151 = vector.shape_cast %get3A_150 : vector<1x1x4096xi32> to vector<1x4096xi32>
    %slice3A_152 = vector.extract_strided_slice %get3A_151 {offsets = [0, 2560], sizes = [1, 512], strides = [1, 1]} : vector<1x4096xi32> to vector<1x512xi32>
    %gt3A_153 = vector.broadcast %slice3A_146 : vector<1x512xi32> to vector<4096x512xi32>
    %gt3A_154 = vector.broadcast %get3A_3 : vector<4096x1xi32> to vector<4096x512xi32>
    %gt3A_155 = arith.cmpi sgt, %gt3A_153, %gt3A_154 : vector<4096x512xi32>
    %eq3A_156 = vector.broadcast %slice3A_146 : vector<1x512xi32> to vector<4096x512xi32>
    %eq3A_157 = vector.broadcast %get3A_3 : vector<4096x1xi32> to vector<4096x512xi32>
    %eq3A_158 = arith.cmpi eq, %eq3A_156, %eq3A_157 : vector<4096x512xi32>
    %lt3A_159 = vector.broadcast %slice3A_152 : vector<1x512xi32> to vector<4096x512xi32>
    %lt3A_160 = vector.broadcast %get3A_8 : vector<4096x1xi32> to vector<4096x512xi32>
    %lt3A_161 = arith.cmpi slt, %lt3A_159, %lt3A_160 : vector<4096x512xi32>
    %and3A_162 = arith.andi %eq3A_158, %lt3A_161 : vector<4096x512xi1>
    %or3A_163 = arith.ori %gt3A_155, %and3A_162 : vector<4096x512xi1>
    %convert_element_type3A_164 = arith.extui %or3A_163 : vector<4096x512xi1> to vector<4096x512xi32>
    %reduce_sum3A_165 = arith.constant dense<0> : vector<4096xi32>
    %reduce_sum3A_166 = vector.multi_reduction <add>, %convert_element_type3A_164, %reduce_sum3A_165 [1] : vector<4096x512xi32> to vector<4096xi32>
    %broadcast_in_dim3A_167 = vector.shape_cast %reduce_sum3A_166 : vector<4096xi32> to vector<4096x1xi32>
    %add3A_168 = arith.addi %add3A_140, %broadcast_in_dim3A_167 : vector<4096x1xi32>
    %get3A_169 = arith.constant 0 : index
    %get3A_170 = arith.constant 0 : index
    %get3A_171 = arith.constant 0 : index
    %get3A_172 = vector.load %arg3[%get3A_169, %get3A_170, %get3A_171] : memref<1x1x4096xi32, #tpu.memory_space<vmem>>, vector<1x1x4096xi32>
    %get3A_173 = vector.shape_cast %get3A_172 : vector<1x1x4096xi32> to vector<1x4096xi32>
    %slice3A_174 = vector.extract_strided_slice %get3A_173 {offsets = [0, 3072], sizes = [1, 512], strides = [1, 1]} : vector<1x4096xi32> to vector<1x512xi32>
    %get3A_175 = arith.constant 0 : index
    %get3A_176 = arith.constant 0 : index
    %get3A_177 = arith.constant 0 : index
    %get3A_178 = vector.load %arg4[%get3A_175, %get3A_176, %get3A_177] : memref<1x1x4096xi32, #tpu.memory_space<vmem>>, vector<1x1x4096xi32>
    %get3A_179 = vector.shape_cast %get3A_178 : vector<1x1x4096xi32> to vector<1x4096xi32>
    %slice3A_180 = vector.extract_strided_slice %get3A_179 {offsets = [0, 3072], sizes = [1, 512], strides = [1, 1]} : vector<1x4096xi32> to vector<1x512xi32>
    %gt3A_181 = vector.broadcast %slice3A_174 : vector<1x512xi32> to vector<4096x512xi32>
    %gt3A_182 = vector.broadcast %get3A_3 : vector<4096x1xi32> to vector<4096x512xi32>
    %gt3A_183 = arith.cmpi sgt, %gt3A_181, %gt3A_182 : vector<4096x512xi32>
    %eq3A_184 = vector.broadcast %slice3A_174 : vector<1x512xi32> to vector<4096x512xi32>
    %eq3A_185 = vector.broadcast %get3A_3 : vector<4096x1xi32> to vector<4096x512xi32>
    %eq3A_186 = arith.cmpi eq, %eq3A_184, %eq3A_185 : vector<4096x512xi32>
    %lt3A_187 = vector.broadcast %slice3A_180 : vector<1x512xi32> to vector<4096x512xi32>
    %lt3A_188 = vector.broadcast %get3A_8 : vector<4096x1xi32> to vector<4096x512xi32>
    %lt3A_189 = arith.cmpi slt, %lt3A_187, %lt3A_188 : vector<4096x512xi32>
    %and3A_190 = arith.andi %eq3A_186, %lt3A_189 : vector<4096x512xi1>
    %or3A_191 = arith.ori %gt3A_183, %and3A_190 : vector<4096x512xi1>
    %convert_element_type3A_192 = arith.extui %or3A_191 : vector<4096x512xi1> to vector<4096x512xi32>
    %reduce_sum3A_193 = arith.constant dense<0> : vector<4096xi32>
    %reduce_sum3A_194 = vector.multi_reduction <add>, %convert_element_type3A_192, %reduce_sum3A_193 [1] : vector<4096x512xi32> to vector<4096xi32>
    %broadcast_in_dim3A_195 = vector.shape_cast %reduce_sum3A_194 : vector<4096xi32> to vector<4096x1xi32>
    %add3A_196 = arith.addi %add3A_168, %broadcast_in_dim3A_195 : vector<4096x1xi32>
    %get3A_197 = arith.constant 0 : index
    %get3A_198 = arith.constant 0 : index
    %get3A_199 = arith.constant 0 : index
    %get3A_200 = vector.load %arg3[%get3A_197, %get3A_198, %get3A_199] : memref<1x1x4096xi32, #tpu.memory_space<vmem>>, vector<1x1x4096xi32>
    %get3A_201 = vector.shape_cast %get3A_200 : vector<1x1x4096xi32> to vector<1x4096xi32>
    %slice3A_202 = vector.extract_strided_slice %get3A_201 {offsets = [0, 3584], sizes = [1, 512], strides = [1, 1]} : vector<1x4096xi32> to vector<1x512xi32>
    %get3A_203 = arith.constant 0 : index
    %get3A_204 = arith.constant 0 : index
    %get3A_205 = arith.constant 0 : index
    %get3A_206 = vector.load %arg4[%get3A_203, %get3A_204, %get3A_205] : memref<1x1x4096xi32, #tpu.memory_space<vmem>>, vector<1x1x4096xi32>
    %get3A_207 = vector.shape_cast %get3A_206 : vector<1x1x4096xi32> to vector<1x4096xi32>
    %slice3A_208 = vector.extract_strided_slice %get3A_207 {offsets = [0, 3584], sizes = [1, 512], strides = [1, 1]} : vector<1x4096xi32> to vector<1x512xi32>
    %gt3A_209 = vector.broadcast %slice3A_202 : vector<1x512xi32> to vector<4096x512xi32>
    %gt3A_210 = vector.broadcast %get3A_3 : vector<4096x1xi32> to vector<4096x512xi32>
    %gt3A_211 = arith.cmpi sgt, %gt3A_209, %gt3A_210 : vector<4096x512xi32>
    %eq3A_212 = vector.broadcast %slice3A_202 : vector<1x512xi32> to vector<4096x512xi32>
    %eq3A_213 = vector.broadcast %get3A_3 : vector<4096x1xi32> to vector<4096x512xi32>
    %eq3A_214 = arith.cmpi eq, %eq3A_212, %eq3A_213 : vector<4096x512xi32>
    %lt3A_215 = vector.broadcast %slice3A_208 : vector<1x512xi32> to vector<4096x512xi32>
    %lt3A_216 = vector.broadcast %get3A_8 : vector<4096x1xi32> to vector<4096x512xi32>
    %lt3A_217 = arith.cmpi slt, %lt3A_215, %lt3A_216 : vector<4096x512xi32>
    %and3A_218 = arith.andi %eq3A_214, %lt3A_217 : vector<4096x512xi1>
    %or3A_219 = arith.ori %gt3A_211, %and3A_218 : vector<4096x512xi1>
    %convert_element_type3A_220 = arith.extui %or3A_219 : vector<4096x512xi1> to vector<4096x512xi32>
    %reduce_sum3A_221 = arith.constant dense<0> : vector<4096xi32>
    %reduce_sum3A_222 = vector.multi_reduction <add>, %convert_element_type3A_220, %reduce_sum3A_221 [1] : vector<4096x512xi32> to vector<4096xi32>
    %broadcast_in_dim3A_223 = vector.shape_cast %reduce_sum3A_222 : vector<4096xi32> to vector<4096x1xi32>
    %add3A_224 = arith.addi %add3A_196, %broadcast_in_dim3A_223 : vector<4096x1xi32>
    %reshape3A = vector.shape_cast %add3A_224 : vector<4096x1xi32> to vector<1x4096x1xi32>
    %swap3A = arith.constant 0 : index
    %swap3A_225 = arith.constant 0 : index
    %swap3A_226 = arith.constant 0 : index
    %swap3A_227 = vector.load %arg5[%swap3A, %swap3A_225, %swap3A_226] : memref<1x4096x1xi32, #tpu.memory_space<vmem>>, vector<1x4096x1xi32>
    tpu.vector_store %arg5[%swap3A, %swap3A_225, %swap3A_226], %reshape3A {strides = array<i32>} : memref<1x4096x1xi32, #tpu.memory_space<vmem>>, vector<1x4096x1xi32>,
    return
  }
  func.func @transform_0(%arg0: i32) -> (i32, i32, i32) {
    %c0_i32 = arith.constant 0 : i32
    %c0_i32_0 = arith.constant 0 : i32
    %c0_i32_1 = arith.constant 0 : i32
    return %arg0, %c0_i32, %c0_i32_0 : i32, i32, i32
  }
  func.func @transform_1(%arg0: i32) -> (i32, i32, i32) {
    %c0_i32 = arith.constant 0 : i32
    %c0_i32_0 = arith.constant 0 : i32
    %c0_i32_1 = arith.constant 0 : i32
    return %arg0, %c0_i32, %c0_i32_0 : i32, i32, i32
  }
  func.func @transform_2(%arg0: i32) -> (i32, i32, i32) {
    %c0_i32 = arith.constant 0 : i32
    %c0_i32_0 = arith.constant 0 : i32
    %c0_i32_1 = arith.constant 0 : i32
    return %arg0, %c0_i32, %c0_i32_0 : i32, i32, i32
  }
  func.func @transform_3(%arg0: i32) -> (i32, i32, i32) {
    %c0_i32 = arith.constant 0 : i32
    %c0_i32_0 = arith.constant 0 : i32
    %c0_i32_1 = arith.constant 0 : i32
    return %arg0, %c0_i32, %c0_i32_0 : i32, i32, i32
  }
  func.func @transform_4(%arg0: i32) -> (i32, i32, i32) {
    %c0_i32 = arith.constant 0 : i32
    %c0_i32_0 = arith.constant 0 : i32
    %c0_i32_1 = arith.constant 0 : i32
    return %arg0, %c0_i32, %c0_i32_0 : i32, i32, i32
  }
}

</mosaic_0001>

<sc_bundles>
// kernel: kernel.6.cloned.1.call-start
scs
__scs_entry_jumppad:
0x0: {  	(pc) =	sbr.rel $0x88, $3  }
0x1: {  	(tag) =	ssettag $0x0;
	lr =	simm.s32 $0x1  }
0x2: {  	[smem:$0x3F9A] =	sst lr;
	_ =	strace $0xD0000000  }
0x3: {  	_ = 	snop  }
0x4: {  	_ = 	snop  }
0x5: {  	_ = 	snop  }
0x6: {  	_ = 	snop  }
0x7: {  	_ = 	snop  }
__scs_overlays_trampoline_lowered:
0x8: {  	[smem:$0x3FA9] =	sst s0  }
0x9: {  	[smem:$0x3FAA] =	sst s1  }
0xa: {  	[smem:$0x3FAB] =	sst s2  }
0xb: {  	[smem:$0x3FAC] =	sst s3  }
0xc: {  	[smem:$0x3FAD] =	sst s4  }
0xd: {  	[smem:$0x3FAE] =	sst s5  }
0xe: {  	[smem:$0x3FAF] =	sst s6  }
0xf: {  	[smem:$0x3FB0] =	sst s7  }
0x10: {  	[smem:$0x3FB1] =	sst s8  }
0x11: {  	[smem:$0x3FB2] =	sst s9;
	s0 =	simm.s32 @!p0 $0x0  }
0x12: {  	s1 =	sld [smem:$0x3F98];
	s0 =	simm.s32 @p0 $0x1  }
0x13: {  	[smem:$0x3FB3] =	sst s0;
	s0 =	simm.s32 @!p1 $0x0  }
0x14: {  	s2 =	sld [smem:$0x3F97];
	s0 =	simm.s32 @p1 $0x1  }
0x15: {  	[smem:$0x3FB4] =	sst s0;
	s0 =	simm.s32 @!p2 $0x0  }
0x16: {  	s3 =	sld [smem:$0x3FDB];
	s0 =	simm.s32 @p2 $0x1  }
0x17: {  	s4 =	simm.s32 $0x1BF5;
	[smem:$0x3FB6] =	sst s0  }
0x18: {  	s0 =	sld [smem:$0x3F99];
	_ =	swait.ge [sflag:s4], $0x0  }
0x19: {  	s7 =	sld [smem:$0x3F9A]  }
0x1a: {  	s8 =	sadd.s32 $0xFFFFE003, lr  }
0x1b: {  	s9 =	sadd.s32 $0xFFFFFEF7, lr;
	s5 =	simm.s32 $0xFFFFFFFF;
	p2 =	slt.u32 s8, $0xFFFFF086  }
0x1c: {  	p1 =	slt.u32 s9, $0xF7A;
	s5 =	simm.s32 @!p2 $0x0  }
0x1d: {  	s5 =	simm.s32 @p1 $0x1;
	p0 =	seq.s32 s7, s2  }
0x1e: {  	s7 =	smul.u32 @!p0 $0xF7A, s2;
	p2 =	seq.s32 @!p0 s5, $0x0  }
0x1f: {  	s9 =	smul.u32 $0xF7A, s1;
	s8 =	simm.s32 @!p0 $0x1BF5;
	p2 =	por !p2, p0  }
0x20: {  	[sflag:s8] =	ssyncset.s32 @!p0 $0xFFFFF086;
	s6 =	sadd.s32 @!p0 s3, s7;
	s7 =	simm.s32 @!p0 $0x108  }
0x21: {  	s3 =	sadd.s32 s3, s9;
	s6 =	sadd.s32 @!p0 $0x88, s6;
	s7 =	simm.s32 @p2 $0x1082  }
0x22: {  	[simem:s7], [sflag:s8] =	dma.local @!p0 [hbm:s6], $0xF7A  }
0x23: {  	s9 =	sor.u32 $0xD0000000, s2;
	s6 =	simm.s32 $0x108;
	_ =	swait.ge @!p0 [sflag:s8], $0x0  }
0x24: {  	s3 =	sadd.s32 $0x88, s3;
	s6 =	simm.s32 @!p1 $0x1082;
	[sflag:s4] =	ssyncset.s32 $0xFFFFF086  }
0x25: {  	[simem:s6], [sflag:s4] =	dma.local [hbm:s3], $0xF7A  }
0x26: {  	[smem:$0x3F9A] =	sst s1;
	(tag) =	ssettag s2;
	_ =	strace s9  }
0x27: {  	s1 =	sld [smem:$0x3FAA]  }
0x28: {  	s2 =	sld [smem:$0x3FAB]  }
0x29: {  	s4 =	sld [smem:$0x3FAD]  }
0x2a: {  	p0 =	seq.s32 s5, $0x0;
	s5 =	sld [smem:$0x3FAE]  }
0x2b: {  	s6 =	sld [smem:$0x3FAF]  }
0x2c: {  	s7 =	sld [smem:$0x3FB0]  }
0x2d: {  	s3 =	simm.s32 $0x108;
	s8 =	sld [smem:$0x3FB1]  }
0x2e: {  	s3 =	simm.s32 @!p0 $0x1082;
	s9 =	sld [smem:$0x3FB2]  }
0x2f: {  	lr =	sadd.s32 s0, s3;
	s0 =	sld [smem:$0x3FA9]  }
0x30: {  	s3 =	sld [smem:$0x3FAC]  }
0x31: {  	[smem:$0x3FB5] =	sst s10  }
0x32: {  	s10 =	sld [smem:$0x3FB3];
	_ =	sdelay $0x3  }
0x33: {  	p0 =	seq.s32 s10, $0x1;
	s10 =	sld [smem:$0x3FB5];
	_ =	sdelay $0x3  }
0x34: {  	[smem:$0x3FB5] =	sst s10  }
0x35: {  	s10 =	sld [smem:$0x3FB4];
	_ =	sdelay $0x3  }
0x36: {  	p1 =	seq.s32 s10, $0x1;
	s10 =	sld [smem:$0x3FB5];
	_ =	sdelay $0x3  }
0x37: {  	[smem:$0x3FB5] =	sst s10  }
0x38: {  	s10 =	sld [smem:$0x3FB6]  }
0x39: {  	_ = 	snop;
	(pc) =	sbr.ind lr, $3  }
0x3a: {  	_ = 	snop  }
0x3b: {  	_ = 	snop  }
0x3c: {  	p2 =	seq.s32 s10, $0x1;
	s10 =	sld [smem:$0x3FB5]  }
0x3d: {  	_ =	shalt  }
0x3e: {  	_ =	shalt  }
0x3f: {  	_ =	shalt  }
0x40: {  	_ =	shalt  }
0x41: {  	_ =	shalt  }
0x42: {  	_ =	shalt  }
0x43: {  	_ =	shalt  }
0x44: {  	_ =	shalt  }
0x45: {  	_ =	shalt  }
0x46: {  	_ =	shalt  }
0x47: {  	_ =	shalt  }
0x48: {  	_ =	shalt  }
0x49: {  	_ =	shalt  }
0x4a: {  	_ =	shalt  }
0x4b: {  	_ =	shalt  }
0x4c: {  	_ =	shalt  }
0x4d: {  	_ =	shalt  }
0x4e: {  	_ =	shalt  }
0x4f: {  	_ =	shalt  }
0x50: {  	_ =	shalt  }
0x51: {  	_ =	shalt  }
0x52: {  	_ =	shalt  }
0x53: {  	_ =	shalt  }
0x54: {  	_ =	shalt  }
0x55: {  	_ =	shalt  }
0x56: {  	_ =	shalt  }
0x57: {  	_ =	shalt  }
0x58: {  	_ =	shalt  }
0x59: {  	_ =	shalt  }
0x5a: {  	_ =	shalt  }
0x5b: {  	_ =	shalt  }
0x5c: {  	_ =	shalt  }
0x5d: {  	_ =	shalt  }
0x5e: {  	_ =	shalt  }
0x5f: {  	_ =	shalt  }
0x60: {  	_ =	shalt  }
0x61: {  	_ =	shalt  }
0x62: {  	_ =	shalt  }
0x63: {  	_ =	shalt  }
0x64: {  	_ =	shalt  }
0x65: {  	_ =	shalt  }
0x66: {  	_ =	shalt  }
0x67: {  	_ =	shalt  }
0x68: {  	_ =	shalt  }
0x69: {  	_ =	shalt  }
0x6a: {  	_ =	shalt  }
0x6b: {  	_ =	shalt  }
0x6c: {  	_ =	shalt  }
0x6d: {  	_ =	shalt  }
0x6e: {  	_ =	shalt  }
0x6f: {  	_ =	shalt  }
0x70: {  	_ =	shalt  }
0x71: {  	_ =	shalt  }
0x72: {  	_ =	shalt  }
0x73: {  	_ =	shalt  }
0x74: {  	_ =	shalt  }
0x75: {  	_ =	shalt  }
0x76: {  	_ =	shalt  }
0x77: {  	_ =	shalt  }
0x78: {  	_ =	shalt  }
0x79: {  	_ =	shalt  }
0x7a: {  	_ =	shalt  }
0x7b: {  	_ =	shalt  }
0x7c: {  	_ =	shalt  }
0x7d: {  	_ =	shalt  }
0x7e: {  	_ =	shalt  }
0x7f: {  	_ =	shalt  }
0x80: {  	_ =	shalt  }
0x81: {  	_ =	shalt  }
0x82: {  	_ =	shalt  }
0x83: {  	_ =	shalt  }
0x84: {  	_ =	shalt  }
0x85: {  	_ =	shalt  }
0x86: {  	_ =	shalt  }
0x87: {  	_ =	shalt  }
.Lfunc_end0:
.L_simem_size_0:
called_computation_lowered:
.L_overlay_start_0:
0x88: {  	s2 =	sld [smem:$0x3FD9]  }
0x89: {  	s3 =	sld [smem:$0x3FFE];
	_ =	sdelay $0x1  }
0x8a: {  	s1 =	srdreg.scid  }
0x8b: {  	s0 =	sand.u32 $0x1, s1  }
0x8c: {  	s17 =	sshll.u32 s0, $0xA;
	s2 =	sadd.s32 s3, s2  }
0x8d: {  	s2 =	sadd.s32 s2, s17  }
0x8e: {  	[smem:$0x3FC1] =	sst s2  }
0x8f: {  	_ = 	snop  }
0x90: {  	s2 =	sld [smem:$0x3FD0];
	(tm) =	ssettm $0x1  }
0x91: {  	s18 =	sld [smem:$0x3FFB];
	_ =	sdelay $0x3  }
0x92: {  	_ =	strace s18  }
0x93: {  	s3 =	sld [smem:$0x3FFC];
	_ =	sdelay $0x3  }
0x94: {  	_ =	strace s3  }
0x95: {  	s3 =	sld [smem:$0x3FFD];
	_ =	sdelay $0x3  }
0x96: {  	_ =	strace s3  }
0x97: {  	_ =	strace $0x8FFFFFFF  }
0x98: {  	s19 =	sld [smem:$0x3FDB];
	_ =	sdelay $0x1  }
0x99: {  	s4 =	simm.s32 $_scs_section_size  }
0x9a: {  	s5 =	simm.s32 $_size__tile_overlayer_lowered;
	s6 =	simm.s32 $_tile_overlayer_lowered  }
0x9b: {  	s22 =	simm.s32 $0x1BFF;
	s21 =	sshll.u32 s6, $0x1;
	s3 =	sadd.s32 s4, s19  }
0x9c: {  	s7 =	simm.s32 $0x0;
	s20 =	sshll.u32 s5, $0x1;
	s5 =	sadd.s32 s21, s3  }
0x9d: {  	[timem:s7], [sflag:s22] =	dma.local [hbm:s5], s20  }
0x9e: {  	_ =	swait.ge [sflag:s22], s20  }
0x9f: {  	s4 =	ssub.s32 $0x0, s20;
	[sflag:s22] =	ssyncset.done $0x0  }
0xa0: {  	[sflag:s22] =	ssyncadd.s32 s4;
	_ =	sdelay $0x1  }
0xa1: {  	s23 =	simm.s32 $0x1B8B  }
0xa2: {  	_ =	swait.ge [sflag:s23], $0x1  }
0xa3: {  	[sflag:s23] =	ssyncset.done $0x0  }
0xa4: {  	s25 =	simm.s32 $0x1B8E;
	s24 =	sld [smem:$0x3FFE];
	[sflag:s23] =	ssyncadd.s32 $0xFFFFFFFF  }
0xa5: {  	s26 =	simm.s32 $execute0_lowered;
	[smem:$0x3FD2] =	sst s25  }
0xa6: {  	s5 =	sshll.u32 s26, $0x1;
	_ =	strace $0x80000046;
	[dreg:$0x1] =	wrdreg $0xFFFFFFFF  }
0xa7: {  	s28 =	simm.s32 $_size_execute0_lowered;
	s3 =	sadd.s32 s3, s5;
	[dreg:$0x0] =	wrdreg $0x0  }
0xa8: {  	s5 =	sshll.u32 s28, $0x1;
	[dreg:$0x2] =	wrdreg s3  }
0xa9: {  	[dreg:$0x3] =	wrdreg s5  }
0xaa: {  	[dreg:$0x4] =	wrdreg $0xC0  }
0xab: {  	_ =	task [dreg:s7], $0x5FFFF  }
0xac: {  	[dreg:$0x1] =	wrdreg $0xFFFFFFFF  }
0xad: {  	[dreg:$0x0] =	wrdreg $0x60  }
0xae: {  	[dreg:$0x2] =	wrdreg s2  }
0xaf: {  	[dreg:$0x3] =	wrdreg s24  }
0xb0: {  	[dreg:$0x4] =	wrdreg $0x9E000  }
0xb1: {  	[dreg:$0x5] =	wrdreg $0xAE000  }
0xb2: {  	[dreg:$0x6] =	wrdreg $0x9  }
0xb3: {  	_ =	task.clear_ibuf [dreg:s7], $0x7FFFF;
	_ =	strace $0x90000046  }
0xb4: {  	s29 =	simm.s32 $0x9;
	_ =	strace $0x80000048  }
0xb5: {  	_ =	swait.ge [sflag:s29], $0x1  }
0xb6: {  	[sflag:s29] =	ssyncadd.s32 $0xFFFFFFFF  }
0xb7: {  	_ =	strace $0x90000048  }
0xb8: {  	_ =	sfence  }
0xb9: {  	s30 =	sld [smem:$0x0];
	_ =	sdelay $0x2  }
0xba: {  	s31 =	sshll.u32 s1, $0xD;
	s1 =	sshrl.u32 s1, $0x2  }
0xbb: {  	s3 =	sand.u32 $0x4000, s31;
	s1 =	sadd.s32 s1, s30  }
0xbc: {  	s0 =	sor.u32 s3, s0;
	s1 =	sshll.u32 s1, $0x11  }
0xbd: {  	s0 =	sor.u32 s1, s0  }
0xbe: {  	s0 =	sadd.s32 $0x8F2B, s0  }
0xbf: {  	[sflag:s0] =	ssyncadd.remote.s32 $0x1  }
0xc0: {  	_ =	sfence.sel $0xFFFF  }
0xc1: {  	[dreg:$0x0] =	wrdreg $0xFFFFFFFF;
	(pc) =	sbr.abs _section_cstart, $3  }
0xc2: {  	[dreg:$0x1] =	wrdreg $0xFFFFFFFF  }
0xc3: {  	_ =	task.clear_ibuf [dreg:s7], $0x2FFFF;
	_ =	strace $0x9FFFFFFF  }
0xc4: {  	(tm) =	ssettm $0x7FFFFFFF  }
0xc5: {  	_ =	shalt  }
tec
execute0_lowered:
.L_overlay_start_1:
0x0: {  	(tag) =	ssettag $0x1  }
0x1: {  	s0 =	rddreg [dreg:$0x1]  }
0x2: {  	s1 =	rddreg [dreg:$0x2]  }
0x3: {  	s3 =	rddreg [dreg:$0x3];
	s7 =	stileid.u32  }
0x4: {  	s4 =	simm.s32 $0x0;
	s2 =	srdreg.scid;
	s18 =	simm.s32 $0x1  }
0x5: {  	s19 =	simm.s32 $0x80;
	s20 =	simm.s32 $0x200;
	s21 =	simm.s32 $0x6C00  }
0x6: {  	s28 =	simm.s32 $0x8D00;
	s29 =	simm.s32 $0x9D00;
	s5 =	smul.u32 $0x2400, s7  }
0x7: {  	[smem:$0x7FF] =	sst s4;
	s2 =	sand.u32 $0x1, s2;
	s8 =	sadd.s32 $0x906C00, s0  }
0x8: {  	s23 =	sadd.s32 $0x906400, s0;
	s25 =	sshll.u32 s7, $0xC;
	s11 =	smul.u32 $0x9000, s7  }
0x9: {  	s26 =	sshll.u32 s7, $0x7;
	s12 =	sshll.u32 s7, $0xA;
	s30 =	sshll.u32 s7, $0xB  }
0xa: {  	_ =	strace $0x80000047;
	s6 =	ssub.s32 $0x2, s2;
	[dreg:$0x5] =	wrdreg s8  }
0xb: {  	[dreg:$0x6] =	wrdreg s23;
	s8 =	sadd.s32 $0x905C00, s0;
	s10 =	sshll.u32 s2, $0x1  }
0xc: {  	s2 =	sand.u32 $0x8000, s25;
	s31 =	sshrl.u32 s12, $0x2;
	s14 =	sadd.s32 s30, s1  }
0xd: {  	s23 =	simm.s32 $0x800;
	s25 =	simm.s32 $0x7C00;
	s22 =	sshrl.u32 s5, $0x3  }
0xe: {  	v0 =	vlaneseq.u32;
	s9 =	sshrl.u32 s6, $0x1;
	s2 =	sadd.s32 s2, s1;
	s15 =	sadd.s32 s31, s3  }
0xf: {  	v4 =	vmul.u32 $0xFFFFFFFF, v0;
	s1 =	simm.s32 $0x0;
	s4 =	sadd.s32 s22, s0;
	s24 =	ssub.s32 s6, s9  }
0x10: {  	s22 =	simm.s32 $0x400;
	s4 =	sadd.s32 $0x901400, s4;
	s0 =	smax.u32 s24, $0x1  }
0x11: {  	v1 =	vimm.s32 $0x0;
	v3 =	vmul.u32 $0x10, v0;
	v4 =	vadd.s32 $0xF, v4;
	s24 =	simm.s32 $0x8000;
	[dreg:$0x7] =	wrdreg s4;
	s4 =	sand.u32 $0x380, s26  }
0x12: {  	v2 =	vimm.s32 $0x1;
	v5 =	vimm.s32 $0x80000000;
	v6 =	vimm.s32 $0x7FFFFFFF;
	[tilespmem:$0x1FFF0] =	vst v4;
	[dreg:$0x8] =	wrdreg s0;
	s26 =	simm.s32 $0x8C00;
	s13 =	sadd.s32 s4, s2  }
.LBB2_1:
0x13: {  	[dreg:$0x9] =	wrdreg s1  }
0x14: {  	s0 =	simm.s32 $0x0;
	s31 =	rddreg [dreg:$0x7];
	s2 =	simm.s32 $0x4800  }
0x15: {  	[tilespmem:s2], [sflag:$0x1] =	stream.linear.gather [hbm4b:s31+s0], $0x2400, $0x38;
	[tilespmem:$0xAF00] =	vst v63  }
0x16: {  	_ =	swait.ge [sflag:s18], $0x2400  }
0x17: {  	[sflag:s18] =	ssyncset.done $0x0  }
0x18: {  	p1 =	por $0x1, $0x1;
	s0 =	simm.s32 $0x0;
	[sflag:s18] =	ssyncadd.s32 $0xFFFFDC00  }
.LBB2_2:
0x19: {  	s17 =	sor.u32 s10, s0  }
0x1a: {  	s2 =	sshll.u32 s17, $0x7  }
0x1b: {  	s31 =	sor.u32 s11, s2  }
0x1c: {  	s1 =	rddreg [dreg:$0x0];
	s0 =	sshrl.u32 s31, $0x3  }
0x1d: {  	s1 =	sadd.s32 s1, s0;
	s0 =	simm.s32 $0x0  }
0x1e: {  	[tilespmem:s0], [sflag:$0x1] =	stream.strided.gather [hbm4b:s1+s19], $0x2400, s20, s19, $0x38;
	[tilespmem:$0xAF00] =	vst v63  }
0x1f: {  	_ =	swait.ge [sflag:s18], $0x2400  }
0x20: {  	[sflag:s18] =	ssyncset.done $0x0  }
0x21: {  	s1 =	simm.s32 $0x0;
	[sflag:s18] =	ssyncadd.s32 $0xFFFFDC00  }
0x22: {  	p0 =	por p1, p1;
	s4 =	simm.s32 $0x40;
	v4 =	vld [tilespmem:s1+$0x0]  }
.LBB2_3:
0x23: {  	_ =	sdelay $0x1  }
0x24: {  	p1 =	sne.s32 s4, $0x8FC0  }
.Ltmp0:
0x25: {  	_ = 	snop;
	(pc) =	sbr.rel @p1 .LBB2_3-.Ltmp0, $4  }
0x26: {  	v7 =	vshra.s32 v4, $0x1F  }
0x27: {  	v8 =	vmov v4;
	v7 =	vor.u32 $0x80000000, v7  }
0x28: {  	s6 =	sshra.s32 s4, $0x2;
	v7 =	vxor.u32 v8, v7  }
0x29: {  	s4 =	sadd.s32 $0x40, s4;
	v4 =	vld [tilespmem:s6+$0x0];
	[tilespmem:s1+$0x2400] =	vst v7;
	s1 =	smov.u32 s6  }
0x2a: {  	_ =	sdelay $0x3  }
0x2b: {  	v7 =	vshra.s32 v4, $0x1F  }
0x2c: {  	v7 =	vor.u32 $0x80000000, v7  }
0x2d: {  	v4 =	vxor.u32 v4, v7  }
0x2e: {  	[tilespmem:s1+$0x2400] =	vst v4  }
.LBB2_5:
0x2f: {  	p1 =	sne.s32 s0, $0x3FC0  }
.Ltmp1:
0x30: {  	_ = 	snop;
	(pc) =	sbr.rel @p1 .LBB2_5-.Ltmp1, $3  }
0x31: {  	_ =	sdelay $0x1  }
0x32: {  	s1 =	sshra.s32 s0, $0x2  }
0x33: {  	s0 =	sadd.s32 $0x40, s0;
	[tilespmem:s1+$0x6C00] =	vst v1  }
0x34: {  	s1 =	simm.s32 $0x0;
	s0 =	simm.s32 $0x40  }
.LBB2_7:
0x35: {  	p1 =	sne.s32 s0, $0x8FC0;
	v4 =	vld [tilespmem:s1+$0x2400];
	_ =	sdelay $0x4  }
0x36: {  	v4 =	vshrl.u32 v4, $0x14  }
0x37: {  	v4 =	vand.u32 $0xFF0, v4  }
0x38: {  	v4 =	vor.u32 v0, v4  }
.Ltmp2:
0x39: {  	(pc) =	sbr.rel @p1 .LBB2_7-.Ltmp2, $2  }
0x3a: {  	_ =	sdelay $0x2  }
0x3b: {  	s1 =	sshra.s32 s0, $0x2;
	s0 =	sadd.s32 $0x40, s0;
	[tilespmem:v4+s21+$0x0] =	vst.idx.add.s32.msk $0xffff, v2  }
0x3c: {  	v4 =	vld [tilespmem:s1+$0x2400];
	_ =	sdelay $0x4  }
0x3d: {  	v4 =	vshrl.u32 v4, $0x14  }
0x3e: {  	v4 =	vand.u32 $0xFF0, v4  }
0x3f: {  	v4 =	vor.u32 v0, v4;
	_ =	sdelay $0x4  }
0x40: {  	[tilespmem:v4+s21+$0x0] =	vst.idx.add.s32.msk $0xffff, v2  }
0x41: {  	[spmem:s13] =	stream.strided.scatter [tilespmem:s21], [sflag:$0x1], $0x1000, s22, s19, $0x38;
	[tilespmem:$0xAF00] =	vst v63  }
0x42: {  	_ =	swait.ge [sflag:s18], $0x1000  }
0x43: {  	[sflag:s18] =	ssyncset.done $0x0  }
0x44: {  	[sflag:s18] =	ssyncadd.s32 $0xFFFFF000  }
0x45: {  	[bflag:$0x0] =	sbarrier.arrive $0xFFFF  }
0x46: {  	[tilespmem:s25], [sflag:$0x1] =	stream.strided.gather [spmem:s14], $0x1000, s24, s23, $0x38;
	[tilespmem:$0xAF00] =	vst v63  }
0x47: {  	_ =	swait.ge [sflag:s18], $0x1000  }
0x48: {  	[sflag:s18] =	ssyncset.done $0x0  }
0x49: {  	[sflag:s18] =	ssyncadd.s32 $0xFFFFF000  }
0x4a: {  	v4 =	vld [tilespmem:$0x7E90];
	_ =	sdelay $0x4  }
0x4b: {  	[tilespmem:$0x1F7B0] =	vst v4;
	v4 =	vld [tilespmem:$0x7F10];
	_ =	sdelay $0x4  }
0x4c: {  	[tilespmem:$0x1F7C0] =	vst v4;
	v4 =	vld [tilespmem:$0x7F90];
	_ =	sdelay $0x4  }
0x4d: {  	[tilespmem:$0x1F7D0] =	vst v4;
	v4 =	vld [tilespmem:$0x8410];
	_ =	sdelay $0x4  }
0x4e: {  	[tilespmem:$0x1F7E0] =	vst v4;
	v4 =	vld [tilespmem:$0x8490];
	_ =	sdelay $0x4  }
0x4f: {  	[tilespmem:$0x1F7F0] =	vst v4;
	v4 =	vld [tilespmem:$0x8510];
	_ =	sdelay $0x4  }
0x50: {  	[tilespmem:$0x1F810] =	vst v4;
	v4 =	vld [tilespmem:$0x8590]  }
0x51: {  	v18 =	vld [tilespmem:$0x7C00]  }
0x52: {  	v15 =	vld [tilespmem:$0x7C80]  }
0x53: {  	v19 =	vld [tilespmem:$0x7D00]  }
0x54: {  	v21 =	vld [tilespmem:$0x7D80]  }
0x55: {  	[tilespmem:$0x1F830] =	vst v4;
	v4 =	vld [tilespmem:$0x8610]  }
0x56: {  	v23 =	vld [tilespmem:$0x7E00]  }
0x57: {  	v24 =	vld [tilespmem:$0x7E80]  }
0x58: {  	v27 =	vld [tilespmem:$0x7F00]  }
0x59: {  	v29 =	vld [tilespmem:$0x7F80]  }
0x5a: {  	[tilespmem:$0x1F850] =	vst v4;
	v4 =	vld [tilespmem:$0x8690]  }
0x5b: {  	v30 =	vld [tilespmem:$0x8400]  }
0x5c: {  	v33 =	vld [tilespmem:$0x8480]  }
0x5d: {  	v35 =	vld [tilespmem:$0x8500]  }
0x5e: {  	v36 =	vld [tilespmem:$0x8580]  }
0x5f: {  	[tilespmem:$0x1F870] =	vst v4;
	v4 =	vld [tilespmem:$0x8710]  }
0x60: {  	v42 =	vld [tilespmem:$0x8600]  }
0x61: {  	v46 =	vld [tilespmem:$0x8680]  }
0x62: {  	v50 =	vld [tilespmem:$0x8700]  }
0x63: {  	v56 =	vld [tilespmem:$0x8780]  }
0x64: {  	[tilespmem:$0x1F890] =	vst v4;
	v4 =	vld [tilespmem:$0x8790]  }
0x65: {  	v47 =	vld [tilespmem:$0x7C10]  }
0x66: {  	v43 =	vld [tilespmem:$0x7C90]  }
0x67: {  	v51 =	vld [tilespmem:$0x7D10]  }
0x68: {  	v55 =	vld [tilespmem:$0x7D90]  }
0x69: {  	v62 =	vld [tilespmem:$0x7E10];
	[tilespmem:$0x1F8C0] =	vst v4  }
0x6a: {  	v16 =	vld [tilespmem:$0x7C20]  }
0x6b: {  	v12 =	vld [tilespmem:$0x7CA0]  }
0x6c: {  	v17 =	vld [tilespmem:$0x7D20]  }
0x6d: {  	v25 =	vld [tilespmem:$0x7DA0]  }
0x6e: {  	v31 =	vld [tilespmem:$0x7E20]  }
0x6f: {  	v37 =	vld [tilespmem:$0x7EA0]  }
0x70: {  	v48 =	vld [tilespmem:$0x7F20]  }
0x71: {  	v58 =	vld [tilespmem:$0x7FA0]  }
0x72: {  	v4 =	vld [tilespmem:$0x8420]  }
0x73: {  	v7 =	vld [tilespmem:$0x7C30]  }
0x74: {  	v8 =	vld [tilespmem:$0x7D30]  }
0x75: {  	v9 =	vld [tilespmem:$0x7DB0]  }
0x76: {  	v10 =	vld [tilespmem:$0x7E30]  }
0x77: {  	v13 =	vld [tilespmem:$0x7EB0]  }
0x78: {  	v22 =	vld [tilespmem:$0x7F30]  }
0x79: {  	v28 =	vld [tilespmem:$0x7FB0]  }
0x7a: {  	v34 =	vld [tilespmem:$0x8430]  }
0x7b: {  	v38 =	vld [tilespmem:$0x84B0]  }
0x7c: {  	v54 =	vld [tilespmem:$0x8530]  }
0x7d: {  	v60 =	vld [tilespmem:$0x85B0]  }
0x7e: {  	v11 =	vld [tilespmem:$0x8630]  }
0x7f: {  	v40 =	vld [tilespmem:$0x86B0]  }
0x80: {  	v41 =	vld [tilespmem:$0x8730]  }
0x81: {  	v44 =	vld [tilespmem:$0x87B0]  }
0x82: {  	v45 =	vld [tilespmem:$0x7C40]  }
0x83: {  	v49 =	vld [tilespmem:$0x7CC0]  }
0x84: {  	v52 =	vld [tilespmem:$0x7D40]  }
0x85: {  	v53 =	vld [tilespmem:$0x7DC0]  }
0x86: {  	v57 =	vld [tilespmem:$0x7E40]  }
0x87: {  	v59 =	vld [tilespmem:$0x7EC0]  }
0x88: {  	v61 =	vld [tilespmem:$0x7F40]  }
0x89: {  	v63 =	vld [tilespmem:$0x7FC0]  }
0x8a: {  	v14 =	vld [tilespmem:$0x8440]  }
0x8b: {  	v20 =	vld [tilespmem:$0x84C0]  }
0x8c: {  	v15 =	vadd.s32 v18, v15;
	v26 =	vld [tilespmem:$0x8540]  }
0x8d: {  	v15 =	vadd.s32 v15, v19;
	v32 =	vld [tilespmem:$0x85C0]  }
0x8e: {  	v15 =	vadd.s32 v15, v21;
	v39 =	vld [tilespmem:$0x8640]  }
0x8f: {  	v15 =	vadd.s32 v15, v23;
	v21 =	vld [tilespmem:$0x8AA0]  }
0x90: {  	v15 =	vadd.s32 v15, v24;
	v23 =	vld [tilespmem:$0x8B20]  }
0x91: {  	v15 =	vadd.s32 v15, v27;
	v24 =	vld [tilespmem:$0x8BA0]  }
0x92: {  	v15 =	vadd.s32 v15, v29;
	v27 =	vld [tilespmem:$0x8030]  }
0x93: {  	v15 =	vadd.s32 v15, v30;
	v29 =	vld [tilespmem:$0x80B0]  }
0x94: {  	v15 =	vadd.s32 v15, v33;
	v30 =	vld [tilespmem:$0x8130]  }
0x95: {  	v15 =	vadd.s32 v15, v35;
	v33 =	vld [tilespmem:$0x81B0]  }
0x96: {  	v15 =	vadd.s32 v15, v36;
	v35 =	vld [tilespmem:$0x8230]  }
0x97: {  	v15 =	vadd.s32 v15, v42;
	v36 =	vld [tilespmem:$0x82B0]  }
0x98: {  	v15 =	vadd.s32 v15, v46;
	v42 =	vld [tilespmem:$0x8330]  }
0x99: {  	v15 =	vadd.s32 v15, v50;
	v46 =	vld [tilespmem:$0x83B0]  }
0x9a: {  	v15 =	vadd.s32 v15, v56;
	v56 =	vld [tilespmem:$0x88B0]  }
0x9b: {  	v18 =	vld [tilespmem:$0x8A30]  }
0x9c: {  	v19 =	vld [tilespmem:$0x1F7C0]  }
0x9d: {  	v50 =	vadd.s32 v47, v43;
	v47 =	vld [tilespmem:$0x1F8C0]  }
0x9e: {  	[tilespmem:$0x1F800] =	vst v4;
	v4 =	vld [tilespmem:$0x84A0]  }
0x9f: {  	[tilespmem:$0x1F8E0] =	vst v40;
	v40 =	vld [tilespmem:$0x86C0]  }
0xa0: {  	[tilespmem:$0x1F900] =	vst v41;
	v41 =	vld [tilespmem:$0x8740]  }
0xa1: {  	[tilespmem:$0x1F930] =	vst v44;
	v44 =	vld [tilespmem:$0x87C0]  }
0xa2: {  	[tilespmem:$0x1FA70] =	vst v39;
	v39 =	vld [tilespmem:$0x7CD0]  }
0xa3: {  	[tilespmem:$0x1F920] =	vst v49;
	v49 =	vld [tilespmem:$0x7D50]  }
0xa4: {  	[tilespmem:$0x1F960] =	vst v57;
	v57 =	vld [tilespmem:$0x7DD0]  }
0xa5: {  	[tilespmem:$0x1F910] =	vst v45;
	v45 =	vld [tilespmem:$0x7E50]  }
0xa6: {  	[tilespmem:$0x1F940] =	vst v52;
	v52 =	vld [tilespmem:$0x7ED0]  }
0xa7: {  	[tilespmem:$0x1F950] =	vst v53;
	v53 =	vld [tilespmem:$0x7F50]  }
0xa8: {  	[tilespmem:$0x1F970] =	vst v59;
	v59 =	vld [tilespmem:$0x7FD0]  }
0xa9: {  	[tilespmem:$0x1F990] =	vst v61;
	v61 =	vld [tilespmem:$0x8450]  }
0xaa: {  	[tilespmem:$0x1F9B0] =	vst v63;
	v63 =	vld [tilespmem:$0x84D0]  }
0xab: {  	[tilespmem:$0x1F9D0] =	vst v14;
	v14 =	vld [tilespmem:$0x8550]  }
0xac: {  	[tilespmem:$0x1F9F0] =	vst v20;
	v20 =	vld [tilespmem:$0x85D0]  }
0xad: {  	[tilespmem:$0x1FA10] =	vst v26;
	v26 =	vld [tilespmem:$0x8650]  }
0xae: {  	[tilespmem:$0x1FA40] =	vst v32;
	v32 =	vld [tilespmem:$0x86D0]  }
0xaf: {  	[tilespmem:$0x1F8B0] =	vst v11;
	v11 =	vld [tilespmem:$0x7CE0]  }
0xb0: {  	[tilespmem:$0x1FFB0] =	vst v23;
	v23 =	vld [tilespmem:$0x1F7D0]  }
0xb1: {  	[tilespmem:$0x1FFC0] =	vst v24;
	v24 =	vld [tilespmem:$0x8B30]  }
0xb2: {  	[tilespmem:$0x1FE50] =	vst v27;
	v27 =	vld [tilespmem:$0x1F7F0]  }
0xb3: {  	[tilespmem:$0x1FE80] =	vst v30;
	v30 =	vld [tilespmem:$0x1F810]  }
0xb4: {  	[tilespmem:$0x1FEA0] =	vst v33;
	v33 =	vld [tilespmem:$0x1F830]  }
0xb5: {  	v12 =	vadd.s32 v16, v12;
	v16 =	vld [tilespmem:$0x8140]  }
0xb6: {  	[tilespmem:$0x1FEC0] =	vst v35;
	v35 =	vld [tilespmem:$0x1F850]  }
0xb7: {  	[tilespmem:$0x1FFA0] =	vst v18;
	v18 =	vld [tilespmem:$0x8240]  }
0xb8: {  	[tilespmem:$0x1FF00] =	vst v42;
	v42 =	vld [tilespmem:$0x1F890]  }
0xb9: {  	[tilespmem:$0x1FE60] =	vst v29;
	v29 =	vld [tilespmem:$0x1F800]  }
0xba: {  	v12 =	vadd.s32 v12, v17;
	v17 =	vld [tilespmem:$0x81C0]  }
0xbb: {  	v51 =	vadd.s32 v50, v51;
	[tilespmem:$0x1FF20] =	vst v46;
	v46 =	vld [tilespmem:$0x1F8B0]  }
0xbc: {  	[tilespmem:$0x1FFE0] =	vst v15;
	v15 =	vadd.s32 v51, v55;
	v51 =	vld [tilespmem:$0x1F900]  }
0xbd: {  	v55 =	vld [tilespmem:$0x1F920]  }
0xbe: {  	[tilespmem:$0x1FF50] =	vst v56;
	v56 =	vld [tilespmem:$0x1F930]  }
0xbf: {  	v12 =	vadd.s32 v12, v25;
	v25 =	vld [tilespmem:$0x1F7E0]  }
0xc0: {  	[tilespmem:$0x1F820] =	vst v4;
	v4 =	vld [tilespmem:$0x8520]  }
0xc1: {  	[tilespmem:$0x1FB00] =	vst v44;
	v44 =	vld [tilespmem:$0x7C50]  }
0xc2: {  	[tilespmem:$0x1FAA0] =	vst v40;
	v40 =	vld [tilespmem:$0x8750]  }
0xc3: {  	[tilespmem:$0x1FAD0] =	vst v41;
	v41 =	vld [tilespmem:$0x87D0]  }
0xc4: {  	[tilespmem:$0x1FA50] =	vst v14;
	v14 =	vld [tilespmem:$0x7C60]  }
0xc5: {  	[tilespmem:$0x1FA80] =	vst v20;
	v20 =	vld [tilespmem:$0x7D60]  }
0xc6: {  	[tilespmem:$0x1FAB0] =	vst v26;
	v26 =	vld [tilespmem:$0x7DE0]  }
0xc7: {  	[tilespmem:$0x1FAE0] =	vst v32;
	v32 =	vld [tilespmem:$0x7E60]  }
0xc8: {  	[tilespmem:$0x1F9A0] =	vst v52;
	v52 =	vld [tilespmem:$0x7F60]  }
0xc9: {  	[tilespmem:$0x1FA00] =	vst v61;
	v61 =	vld [tilespmem:$0x7FE0]  }
0xca: {  	[tilespmem:$0x1F980] =	vst v45;
	v45 =	vld [tilespmem:$0x84E0]  }
0xcb: {  	[tilespmem:$0x1F9C0] =	vst v53;
	v53 =	vld [tilespmem:$0x8560]  }
0xcc: {  	[tilespmem:$0x1F9E0] =	vst v59;
	v59 =	vld [tilespmem:$0x85E0]  }
0xcd: {  	[tilespmem:$0x1FA20] =	vst v63;
	v63 =	vld [tilespmem:$0x8660]  }
0xce: {  	[tilespmem:$0x1FFD0] =	vst v24;
	v24 =	vld [tilespmem:$0x88C0]  }
0xcf: {  	[tilespmem:$0x1F840] =	vst v4;
	v4 =	vld [tilespmem:$0x85A0]  }
0xd0: {  	[tilespmem:$0x1FB10] =	vst v40;
	v40 =	vld [tilespmem:$0x7EE0]  }
0xd1: {  	[tilespmem:$0x1FB30] =	vst v41;
	v41 =	vld [tilespmem:$0x8460]  }
0xd2: {  	[tilespmem:$0x1FA60] =	vst v45;
	v45 =	vld [tilespmem:$0x86E0]  }
0xd3: {  	[tilespmem:$0x1FA90] =	vst v53;
	v53 =	vld [tilespmem:$0x8760]  }
0xd4: {  	[tilespmem:$0x1FAC0] =	vst v59;
	v59 =	vld [tilespmem:$0x87E0]  }
0xd5: {  	[tilespmem:$0x1FAF0] =	vst v63;
	v63 =	vld [tilespmem:$0x7C70];
	v11 =	vadd.s32 v14, v11  }
0xd6: {  	v11 =	vadd.s32 v11, v20;
	v20 =	vld [tilespmem:$0x8940]  }
0xd7: {  	v11 =	vadd.s32 v11, v26;
	v26 =	vld [tilespmem:$0x8A40]  }
0xd8: {  	v11 =	vadd.s32 v11, v32;
	v32 =	vld [tilespmem:$0x1FB10]  }
0xd9: {  	[tilespmem:$0x1F860] =	vst v4;
	v4 =	vld [tilespmem:$0x8620]  }
0xda: {  	[tilespmem:$0x1FB20] =	vst v45;
	v45 =	vld [tilespmem:$0x7CF0]  }
0xdb: {  	[tilespmem:$0x1FB40] =	vst v53;
	v53 =	vld [tilespmem:$0x7D70]  }
0xdc: {  	[tilespmem:$0x1FB70] =	vst v59;
	v59 =	vld [tilespmem:$0x7DF0]  }
0xdd: {  	[tilespmem:$0x1FB50] =	vst v63;
	v63 =	vld [tilespmem:$0x7E70]  }
0xde: {  	[tilespmem:$0x1FA30] =	vst v41;
	v41 =	vld [tilespmem:$0x8090]  }
0xdf: {  	v11 =	vadd.s32 v11, v40;
	v40 =	vld [tilespmem:$0x1F9E0]  }
0xe0: {  	[tilespmem:$0x1FEE0] =	vst v36;
	v36 =	vld [tilespmem:$0x1F860]  }
0xe1: {  	v11 =	vadd.s32 v11, v52;
	v52 =	vld [tilespmem:$0x1FA80]  }
0xe2: {  	v11 =	vadd.s32 v11, v61;
	v61 =	vld [tilespmem:$0x1FAF0]  }
0xe3: {  	[tilespmem:$0x1F880] =	vst v4;
	v4 =	vld [tilespmem:$0x86A0]  }
0xe4: {  	[tilespmem:$0x1FB60] =	vst v45;
	v45 =	vld [tilespmem:$0x7EF0]  }
0xe5: {  	[tilespmem:$0x1FB80] =	vst v53;
	v53 =	vld [tilespmem:$0x7F70]  }
0xe6: {  	[tilespmem:$0x1FBB0] =	vst v59;
	v59 =	vld [tilespmem:$0x7FF0]  }
0xe7: {  	[tilespmem:$0x1FBD0] =	vst v63;
	v63 =	vld [tilespmem:$0x8470]  }
0xe8: {  	[tilespmem:$0x1F8A0] =	vst v4;
	v4 =	vld [tilespmem:$0x8720]  }
0xe9: {  	[tilespmem:$0x1FBF0] =	vst v45;
	v45 =	vld [tilespmem:$0x84F0]  }
0xea: {  	[tilespmem:$0x1FC10] =	vst v53;
	v53 =	vld [tilespmem:$0x8570]  }
0xeb: {  	[tilespmem:$0x1FC40] =	vst v59;
	v59 =	vld [tilespmem:$0x85F0]  }
0xec: {  	[tilespmem:$0x1FC70] =	vst v63;
	v63 =	vld [tilespmem:$0x8670]  }
0xed: {  	v43 =	vld [tilespmem:$0x1F8A0]  }
0xee: {  	[tilespmem:$0x1F8D0] =	vst v4;
	v4 =	vld [tilespmem:$0x87A0]  }
0xef: {  	[tilespmem:$0x1FCA0] =	vst v45;
	v45 =	vld [tilespmem:$0x86F0]  }
0xf0: {  	[tilespmem:$0x1FCD0] =	vst v53;
	v53 =	vld [tilespmem:$0x8770]  }
0xf1: {  	[tilespmem:$0x1FD00] =	vst v59;
	v59 =	vld [tilespmem:$0x87F0]  }
0xf2: {  	[tilespmem:$0x1FD30] =	vst v63;
	v63 =	vld [tilespmem:$0x8000]  }
0xf3: {  	[tilespmem:$0x1F8F0] =	vst v4;
	v4 =	vld [tilespmem:$0x7CB0]  }
0xf4: {  	[tilespmem:$0x1FD60] =	vst v45;
	v45 =	vld [tilespmem:$0x8080]  }
0xf5: {  	[tilespmem:$0x1FD90] =	vst v53;
	v53 =	vld [tilespmem:$0x8100]  }
0xf6: {  	[tilespmem:$0x1FDC0] =	vst v59;
	v59 =	vld [tilespmem:$0x8180]  }
0xf7: {  	[tilespmem:$0x1FB90] =	vst v63;
	v63 =	vld [tilespmem:$0x8200]  }
0xf8: {  	v50 =	vld [tilespmem:$0x1F8F0]  }
0xf9: {  	[tilespmem:$0x1FBA0] =	vst v45;
	v45 =	vld [tilespmem:$0x8280]  }
0xfa: {  	[tilespmem:$0x1FBC0] =	vst v53;
	v53 =	vld [tilespmem:$0x8300]  }
0xfb: {  	[tilespmem:$0x1FBE0] =	vst v59;
	v59 =	vld [tilespmem:$0x8380]  }
0xfc: {  	[tilespmem:$0x1FC00] =	vst v63;
	v63 =	vld [tilespmem:$0x8800];
	v4 =	vadd.s32 v7, v4  }
0xfd: {  	v7 =	vld [tilespmem:$0x8930];
	v4 =	vadd.s32 v4, v8  }
0xfe: {  	v8 =	vld [tilespmem:$0x1F7B0];
	v4 =	vadd.s32 v4, v9  }
0xff: {  	v4 =	vadd.s32 v4, v10;
	v10 =	vld [tilespmem:$0x8040]  }
0x100: {  	[tilespmem:$0x1FC20] =	vst v45;
	v45 =	vld [tilespmem:$0x8880]  }
0x101: {  	[tilespmem:$0x1FC50] =	vst v53;
	v53 =	vld [tilespmem:$0x8900]  }
0x102: {  	[tilespmem:$0x1FC80] =	vst v59;
	v59 =	vld [tilespmem:$0x8980]  }
0x103: {  	[tilespmem:$0x1FCB0] =	vst v63;
	v63 =	vld [tilespmem:$0x8A00]  }
0x104: {  	[tilespmem:$0x1FF70] =	vst v7;
	v7 =	vadd.s32 v15, v62;
	v62 =	vld [tilespmem:$0x89B0]  }
0x105: {  	v4 =	vadd.s32 v4, v13;
	v15 =	vld [tilespmem:$0x80C0]  }
0x106: {  	v4 =	vadd.s32 v4, v22;
	v22 =	vld [tilespmem:$0x83C0]  }
0x107: {  	v7 =	vadd.s32 v7, v8;
	v8 =	vadd.s32 v12, v31;
	v12 =	vld [tilespmem:$0x8BB0]  }
0x108: {  	v31 =	vld [tilespmem:$0x1F820]  }
0x109: {  	v4 =	vadd.s32 v4, v28;
	v28 =	vld [tilespmem:$0x1F950]  }
0x10a: {  	[tilespmem:$0x1FF90] =	vst v21;
	v21 =	vadd.s32 v8, v37;
	v8 =	vld [tilespmem:$0x8AB0]  }
0x10b: {  	v4 =	vadd.s32 v4, v34;
	v34 =	vld [tilespmem:$0x1F840]  }
0x10c: {  	v37 =	vld [tilespmem:$0x1F870]  }
0x10d: {  	v7 =	vadd.s32 v7, v19;
	v19 =	vld [tilespmem:$0x82C0]  }
0x10e: {  	v4 =	vadd.s32 v4, v38;
	v38 =	vld [tilespmem:$0x1F880]  }
0x10f: {  	v9 =	vadd.s32 v21, v48;
	v48 =	vld [tilespmem:$0x1F8E0]  }
0x110: {  	v21 =	vld [tilespmem:$0x8340]  }
0x111: {  	v7 =	vadd.s32 v7, v23;
	v23 =	vld [tilespmem:$0x8840]  }
0x112: {  	v4 =	vadd.s32 v4, v54;
	v54 =	vld [tilespmem:$0x1F910]  }
0x113: {  	v9 =	vadd.s32 v9, v58;
	v58 =	vld [tilespmem:$0x1F940]  }
0x114: {  	v7 =	vadd.s32 v7, v25;
	v25 =	vld [tilespmem:$0x89C0]  }
0x115: {  	[tilespmem:$0x1FCE0] =	vst v45;
	v45 =	vld [tilespmem:$0x8A80]  }
0x116: {  	[tilespmem:$0x1FD10] =	vst v53;
	v53 =	vld [tilespmem:$0x8B00]  }
0x117: {  	[tilespmem:$0x1FD40] =	vst v59;
	v59 =	vld [tilespmem:$0x8B80]  }
0x118: {  	[tilespmem:$0x1FD70] =	vst v63;
	v63 =	vld [tilespmem:$0x8210]  }
0x119: {  	v7 =	vadd.s32 v7, v27;
	v27 =	vld [tilespmem:$0x8AC0]  }
0x11a: {  	v4 =	vadd.s32 v4, v60;
	v60 =	vadd.s32 v44, v39;
	v39 =	vld [tilespmem:$0x1F9D0]  }
0x11b: {  	v44 =	vld [tilespmem:$0x1FA10]  }
0x11c: {  	v10 =	vadd.s32 v10, v15;
	v15 =	vld [tilespmem:$0x83E0]  }
0x11d: {  	v7 =	vadd.s32 v7, v30;
	v30 =	vld [tilespmem:$0x1F960]  }
0x11e: {  	v4 =	vadd.s32 v4, v46;
	v46 =	vld [tilespmem:$0x1FA20]  }
0x11f: {  	v9 =	vadd.s32 v9, v29;
	v29 =	vadd.s32 v60, v49;
	v49 =	vld [tilespmem:$0x1FA50]  }
0x120: {  	v60 =	vld [tilespmem:$0x1FAE0]  }
0x121: {  	v10 =	vadd.s32 v10, v16;
	v16 =	vld [tilespmem:$0x8860]  }
0x122: {  	v9 =	vadd.s32 v9, v31;
	v7 =	vadd.s32 v7, v33;
	v33 =	vld [tilespmem:$0x1F970]  }
0x123: {  	v9 =	vadd.s32 v9, v34;
	v34 =	vld [tilespmem:$0x1F980]  }
0x124: {  	v31 =	vadd.s32 v29, v57;
	v29 =	vld [tilespmem:$0x8BC0]  }
0x125: {  	v57 =	vld [tilespmem:$0x1FAC0]  }
0x126: {  	v10 =	vadd.s32 v10, v17;
	v17 =	vld [tilespmem:$0x88E0]  }
0x127: {  	v7 =	vadd.s32 v7, v35;
	v35 =	vld [tilespmem:$0x1F990]  }
0x128: {  	v9 =	vadd.s32 v9, v36;
	v36 =	vld [tilespmem:$0x1F9A0]  }
0x129: {  	v4 =	vadd.s32 v4, v48;
	v48 =	vld [tilespmem:$0x1FA40]  }
0x12a: {  	v10 =	vadd.s32 v10, v18;
	v18 =	vld [tilespmem:$0x8960]  }
0x12b: {  	v7 =	vadd.s32 v7, v37;
	v37 =	vld [tilespmem:$0x1F9B0]  }
0x12c: {  	v9 =	vadd.s32 v9, v38;
	v38 =	vld [tilespmem:$0x1F9C0]  }
0x12d: {  	v4 =	vadd.s32 v4, v51;
	v51 =	vld [tilespmem:$0x1FA70]  }
0x12e: {  	v10 =	vadd.s32 v10, v19;
	v19 =	vld [tilespmem:$0x89E0]  }
0x12f: {  	[tilespmem:$0x1FDA0] =	vst v45;
	v45 =	vld [tilespmem:$0x8010]  }
0x130: {  	[tilespmem:$0x1FDD0] =	vst v53;
	v53 =	vld [tilespmem:$0x8110]  }
0x131: {  	[tilespmem:$0x1FDF0] =	vst v59;
	v59 =	vld [tilespmem:$0x8190]  }
0x132: {  	[tilespmem:$0x1FC30] =	vst v63;
	v63 =	vld [tilespmem:$0x8290]  }
0x133: {  	v7 =	vadd.s32 v7, v42;
	v42 =	vld [tilespmem:$0x1F9F0]  }
0x134: {  	v13 =	vadd.s32 v9, v43;
	v43 =	vld [tilespmem:$0x1FA00]  }
0x135: {  	v4 =	vadd.s32 v4, v56;
	v56 =	vld [tilespmem:$0x1FAB0]  }
0x136: {  	v10 =	vadd.s32 v10, v21;
	v21 =	vld [tilespmem:$0x8A60]  }
0x137: {  	v9 =	vadd.s32 v7, v47;
	v7 =	vld [tilespmem:$0x1F8D0]  }
0x138: {  	v47 =	vld [tilespmem:$0x1FA30]  }
0x139: {  	v10 =	vadd.s32 v10, v22;
	v22 =	vld [tilespmem:$0x8AE0]  }
0x13a: {  	v14 =	vadd.s32 v31, v34;
	v31 =	vld [tilespmem:$0x1FB00]  }
0x13b: {  	[tilespmem:$0x1FC60] =	vst v63;
	v63 =	vld [tilespmem:$0x8310]  }
0x13c: {  	v34 =	vld [tilespmem:$0x1FB30]  }
0x13d: {  	v10 =	vadd.s32 v10, v23;
	v23 =	vld [tilespmem:$0x8B60]  }
0x13e: {  	v14 =	vadd.s32 v14, v36;
	v36 =	vld [tilespmem:$0x1FB50]  }
0x13f: {  	v10 =	vadd.s32 v10, v24;
	v24 =	vld [tilespmem:$0x8BE0]  }
0x140: {  	[tilespmem:$0x1FC90] =	vst v63;
	v63 =	vld [tilespmem:$0x8390]  }
0x141: {  	v14 =	vadd.s32 v14, v38;
	v38 =	vld [tilespmem:$0x1FB60]  }
0x142: {  	v10 =	vadd.s32 v10, v20;
	v20 =	vld [tilespmem:$0x8070]  }
0x143: {  	v14 =	vadd.s32 v14, v40;
	v40 =	vld [tilespmem:$0x8350]  }
0x144: {  	v10 =	vadd.s32 v10, v25;
	v25 =	vld [tilespmem:$0x80F0]  }
0x145: {  	[tilespmem:$0x1FCC0] =	vst v63;
	v63 =	vld [tilespmem:$0x8810]  }
0x146: {  	v14 =	vadd.s32 v14, v43;
	v43 =	vld [tilespmem:$0x80D0]  }
0x147: {  	v7 =	vadd.s32 v13, v7;
	v13 =	vadd.s32 v54, v55;
	v54 =	vld [tilespmem:$0x1FA90]  }
0x148: {  	v55 =	vld [tilespmem:$0x1FAA0]  }
0x149: {  	v11 =	vadd.s32 v11, v47;
	v47 =	vld [tilespmem:$0x81D0]  }
0x14a: {  	[tilespmem:$0x1FCF0] =	vst v63;
	v63 =	vld [tilespmem:$0x8890]  }
0x14b: {  	v10 =	vadd.s32 v10, v26;
	v26 =	vld [tilespmem:$0x8170]  }
0x14c: {  	v7 =	vadd.s32 v7, v50;
	v50 =	vld [tilespmem:$0x1FA60]  }
0x14d: {  	v14 =	vadd.s32 v14, v46;
	v46 =	vld [tilespmem:$0x8150]  }
0x14e: {  	v13 =	vadd.s32 v13, v58;
	v58 =	vld [tilespmem:$0x1FAD0]  }
0x14f: {  	[tilespmem:$0x1FD20] =	vst v63;
	v63 =	vld [tilespmem:$0x8910]  }
0x150: {  	v14 =	vadd.s32 v14, v49;
	v49 =	vld [tilespmem:$0x1FB90]  }
0x151: {  	v14 =	vadd.s32 v14, v52;
	v52 =	vld [tilespmem:$0x1FBC0]  }
0x152: {  	v13 =	vadd.s32 v13, v28;
	v14 =	vadd.s32 v14, v56;
	v56 =	vld [tilespmem:$0x1FBE0]  }
0x153: {  	v13 =	vadd.s32 v13, v30;
	v30 =	vadd.s32 v14, v60;
	v60 =	vld [tilespmem:$0x1FC20]  }
0x154: {  	[tilespmem:$0x1FD50] =	vst v63;
	v63 =	vld [tilespmem:$0x8990]  }
0x155: {  	v13 =	vadd.s32 v13, v33;
	v11 =	vadd.s32 v11, v50;
	v50 =	vld [tilespmem:$0x1FBA0]  }
0x156: {  	v13 =	vadd.s32 v13, v35;
	v11 =	vadd.s32 v11, v54;
	v54 =	vadd.s32 v45, v41;
	v41 =	vld [tilespmem:$0x1FC40]  }
0x157: {  	v13 =	vadd.s32 v13, v37;
	v45 =	vld [tilespmem:$0x1FC50]  }
0x158: {  	v13 =	vadd.s32 v13, v39;
	v11 =	vadd.s32 v11, v57;
	v57 =	vld [tilespmem:$0x1FBF0]  }
0x159: {  	v13 =	vadd.s32 v13, v42;
	[tilespmem:$0x1FD80] =	vst v63;
	v63 =	vld [tilespmem:$0x8A10]  }
0x15a: {  	v13 =	vadd.s32 v13, v44;
	v11 =	vadd.s32 v11, v61;
	v61 =	vld [tilespmem:$0x1FC30]  }
0x15b: {  	v13 =	vadd.s32 v13, v48;
	v48 =	vld [tilespmem:$0x1FB80]  }
0x15c: {  	v13 =	vadd.s32 v13, v51;
	v51 =	vld [tilespmem:$0x1FBB0]  }
0x15d: {  	v13 =	vadd.s32 v13, v55;
	v55 =	vld [tilespmem:$0x1FBD0]  }
0x15e: {  	[tilespmem:$0x1FDB0] =	vst v63;
	v63 =	vld [tilespmem:$0x8A90]  }
0x15f: {  	v13 =	vadd.s32 v13, v58;
	v58 =	vld [tilespmem:$0x1FC00]  }
0x160: {  	v14 =	vadd.s32 v13, v31;
	v31 =	vadd.s32 v49, v50;
	v49 =	vld [tilespmem:$0x1FC70]  }
0x161: {  	v50 =	vld [tilespmem:$0x1FC80]  }
0x162: {  	v13 =	vadd.s32 v30, v32;
	v32 =	vadd.s32 v54, v53;
	v53 =	vld [tilespmem:$0x1FCB0]  }
0x163: {  	[tilespmem:$0x1FDE0] =	vst v63;
	v63 =	vld [tilespmem:$0x8B10]  }
0x164: {  	v54 =	vld [tilespmem:$0x1FCC0]  }
0x165: {  	v30 =	vadd.s32 v36, v38;
	v32 =	vadd.s32 v32, v59;
	v59 =	vld [tilespmem:$0x1FC10]  }
0x166: {  	v30 =	vadd.s32 v30, v48;
	v48 =	vld [tilespmem:$0x1FC60]  }
0x167: {  	v31 =	vadd.s32 v31, v52;
	v52 =	vld [tilespmem:$0x1FCA0]  }
0x168: {  	[tilespmem:$0x1FE00] =	vst v63;
	v63 =	vld [tilespmem:$0x8B90]  }
0x169: {  	v30 =	vadd.s32 v30, v51;
	v51 =	vld [tilespmem:$0x1FC90]  }
0x16a: {  	v31 =	vadd.s32 v31, v56;
	v56 =	vld [tilespmem:$0x1FCE0]  }
0x16b: {  	v32 =	vadd.s32 v32, v61;
	v61 =	vld [tilespmem:$0x1FD30]  }
0x16c: {  	v30 =	vadd.s32 v30, v55;
	v55 =	vld [tilespmem:$0x1FCD0]  }
0x16d: {  	[tilespmem:$0x1FE30] =	vst v63;
	v63 =	vld [tilespmem:$0x8020]  }
0x16e: {  	v30 =	vadd.s32 v30, v57;
	v57 =	vld [tilespmem:$0x1FCF0]  }
0x16f: {  	v31 =	vadd.s32 v31, v58;
	v58 =	vld [tilespmem:$0x1FD00]  }
0x170: {  	v30 =	vadd.s32 v30, v59;
	v59 =	vld [tilespmem:$0x1FD10]  }
0x171: {  	v31 =	vadd.s32 v31, v60;
	v32 =	vadd.s32 v32, v48;
	v60 =	vld [tilespmem:$0x1FD20]  }
0x172: {  	v30 =	vadd.s32 v30, v41;
	v32 =	vadd.s32 v32, v51;
	[tilespmem:$0x1FE10] =	vst v63;
	v63 =	vld [tilespmem:$0x80A0]  }
0x173: {  	v41 =	vadd.s32 v30, v49;
	v32 =	vadd.s32 v32, v54;
	v54 =	vld [tilespmem:$0x1FD60]  }
0x174: {  	v41 =	vadd.s32 v41, v52;
	v52 =	vld [tilespmem:$0x1FD40]  }
0x175: {  	v48 =	vadd.s32 v32, v57;
	v57 =	vld [tilespmem:$0x1FD90]  }
0x176: {  	v31 =	vadd.s32 v31, v45;
	v41 =	vadd.s32 v41, v55;
	v55 =	vld [tilespmem:$0x1FD70]  }
0x177: {  	v31 =	vadd.s32 v31, v50;
	[tilespmem:$0x1FE20] =	vst v63;
	v63 =	vld [tilespmem:$0x8120]  }
0x178: {  	v45 =	vadd.s32 v31, v53;
	v53 =	vld [tilespmem:$0x1FD50]  }
0x179: {  	v45 =	vadd.s32 v45, v56;
	v56 =	vld [tilespmem:$0x1FD80]  }
0x17a: {  	v45 =	vadd.s32 v45, v59;
	v59 =	vld [tilespmem:$0x1FDB0]  }
0x17b: {  	v48 =	vadd.s32 v48, v60;
	v60 =	vld [tilespmem:$0x1FDC0]  }
0x17c: {  	v41 =	vadd.s32 v41, v58;
	[tilespmem:$0x1FE40] =	vst v63;
	v63 =	vld [tilespmem:$0x81A0]  }
0x17d: {  	v58 =	vld [tilespmem:$0x1FDA0];
	v41 =	vadd.s32 v41, v61;
	v48 =	vadd.s32 v48, v53  }
0x17e: {  	v61 =	vld [tilespmem:$0x1FDD0];
	v41 =	vadd.s32 v41, v54;
	v48 =	vadd.s32 v48, v56  }
0x17f: {  	v41 =	vadd.s32 v41, v57;
	v48 =	vadd.s32 v48, v59;
	v59 =	vld [tilespmem:$0x1FE10]  }
0x180: {  	v41 =	vadd.s32 v41, v60;
	v60 =	vld [tilespmem:$0x1FE20]  }
0x181: {  	v45 =	vadd.s32 v45, v52;
	[tilespmem:$0x1FE70] =	vst v63;
	v63 =	vld [tilespmem:$0x8220]  }
0x182: {  	v45 =	vadd.s32 v45, v55;
	v56 =	vld [tilespmem:$0x1FDE0]  }
0x183: {  	v45 =	vadd.s32 v45, v58;
	v58 =	vld [tilespmem:$0x1FE00]  }
0x184: {  	v45 =	vadd.s32 v45, v61;
	v61 =	vld [tilespmem:$0x1FE30]  }
0x185: {  	v54 =	vadd.s32 v59, v60;
	v60 =	vld [tilespmem:$0x1FE40]  }
0x186: {  	[tilespmem:$0x1FE90] =	vst v63;
	v63 =	vld [tilespmem:$0x82A0]  }
0x187: {  	v28 =	vld [tilespmem:$0x8B40];
	v48 =	vadd.s32 v48, v56  }
0x188: {  	v33 =	vld [tilespmem:$0x1FB20];
	v48 =	vadd.s32 v48, v58  }
0x189: {  	v48 =	vadd.s32 v48, v61;
	v61 =	vld [tilespmem:$0x1FE50]  }
0x18a: {  	v54 =	vadd.s32 v54, v60;
	v60 =	vld [tilespmem:$0x1FE60]  }
0x18b: {  	[tilespmem:$0x1FEB0] =	vst v63;
	v63 =	vld [tilespmem:$0x8320]  }
0x18c: {  	v35 =	vld [tilespmem:$0x1FB40]  }
0x18d: {  	v37 =	vld [tilespmem:$0x8050]  }
0x18e: {  	v39 =	vld [tilespmem:$0x1FB70]  }
0x18f: {  	v56 =	vadd.s32 v61, v60;
	v61 =	vld [tilespmem:$0x1FE70]  }
0x190: {  	[tilespmem:$0x1FED0] =	vst v63;
	v63 =	vld [tilespmem:$0x83A0]  }
0x191: {  	v42 =	vld [tilespmem:$0x82D0]  }
0x192: {  	v44 =	vld [tilespmem:$0x8250]  }
0x193: {  	v60 =	vld [tilespmem:$0x1FE80]  }
0x194: {  	v54 =	vadd.s32 v54, v61;
	v61 =	vld [tilespmem:$0x1FE90]  }
0x195: {  	[tilespmem:$0x1FEF0] =	vst v63;
	v63 =	vld [tilespmem:$0x8820]  }
0x196: {  	v11 =	vadd.s32 v11, v33;
	v33 =	vld [tilespmem:$0x8A50]  }
0x197: {  	v11 =	vadd.s32 v11, v35;
	v35 =	vld [tilespmem:$0x8950]  }
0x198: {  	v56 =	vadd.s32 v56, v60;
	v60 =	vld [tilespmem:$0x1FEA0]  }
0x199: {  	v54 =	vadd.s32 v54, v61;
	v61 =	vld [tilespmem:$0x1FEB0]  }
0x19a: {  	[tilespmem:$0x1FF10] =	vst v63;
	v63 =	vld [tilespmem:$0x88A0]  }
0x19b: {  	v11 =	vadd.s32 v11, v39;
	v39 =	vld [tilespmem:$0x83D0]  }
0x19c: {  	v38 =	vld [tilespmem:$0x8850]  }
0x19d: {  	v56 =	vadd.s32 v56, v60;
	v60 =	vld [tilespmem:$0x1FEC0]  }
0x19e: {  	v54 =	vadd.s32 v54, v61;
	v61 =	vld [tilespmem:$0x1FED0]  }
0x19f: {  	[tilespmem:$0x1FF30] =	vst v63;
	v63 =	vld [tilespmem:$0x8920]  }
0x1a0: {  	v36 =	vld [tilespmem:$0x88D0]  }
0x1a1: {  	v13 =	vadd.s32 v13, v34;
	v34 =	vld [tilespmem:$0x89D0]  }
0x1a2: {  	v56 =	vadd.s32 v56, v60;
	v60 =	vld [tilespmem:$0x1FEE0]  }
0x1a3: {  	v54 =	vadd.s32 v54, v61;
	v61 =	vld [tilespmem:$0x1FEF0]  }
0x1a4: {  	[tilespmem:$0x1FF40] =	vst v63;
	v63 =	vld [tilespmem:$0x89A0]  }
0x1a5: {  	v50 =	vld [tilespmem:$0x80E0]  }
0x1a6: {  	v51 =	vld [tilespmem:$0x8160]  }
0x1a7: {  	v56 =	vadd.s32 v56, v60;
	v60 =	vld [tilespmem:$0x1FF00]  }
0x1a8: {  	v54 =	vadd.s32 v54, v61;
	v61 =	vld [tilespmem:$0x1FF10]  }
0x1a9: {  	[tilespmem:$0x1FF60] =	vst v63;
	v63 =	vld [tilespmem:$0x8A20]  }
0x1aa: {  	v30 =	vld [tilespmem:$0x8AD0]  }
0x1ab: {  	v31 =	vld [tilespmem:$0x8B50]  }
0x1ac: {  	v56 =	vadd.s32 v56, v60;
	v60 =	vld [tilespmem:$0x1FF20]  }
0x1ad: {  	v54 =	vadd.s32 v54, v61;
	v61 =	vld [tilespmem:$0x1FF30]  }
0x1ae: {  	[tilespmem:$0x1FF80] =	vst v63;
	v63 =	vld [tilespmem:$0x8830]  }
0x1af: {  	v49 =	vld [tilespmem:$0x8060]  }
0x1b0: {  	v32 =	vld [tilespmem:$0x8BD0]  }
0x1b1: {  	v56 =	vadd.s32 v56, v60;
	v60 =	vld [tilespmem:$0x1FF40]  }
0x1b2: {  	v54 =	vadd.s32 v54, v61;
	v61 =	vld [tilespmem:$0x1FF50]  }
0x1b3: {  	v56 =	vadd.s32 v56, v63;
	v63 =	vld [tilespmem:$0x1FF60]  }
0x1b4: {  	v52 =	vld [tilespmem:$0x81E0]  }
0x1b5: {  	v57 =	vld [tilespmem:$0x1FDF0]  }
0x1b6: {  	v54 =	vadd.s32 v54, v60;
	v60 =	vld [tilespmem:$0x1FF70]  }
0x1b7: {  	v56 =	vadd.s32 v56, v61;
	v61 =	vld [tilespmem:$0x1FF80]  }
0x1b8: {  	v54 =	vadd.s32 v54, v63;
	v63 =	vld [tilespmem:$0x1FF90]  }
0x1b9: {  	v55 =	vld [tilespmem:$0x82E0]  }
0x1ba: {  	v53 =	vld [tilespmem:$0x8260]  }
0x1bb: {  	v56 =	vadd.s32 v56, v60;
	v60 =	vld [tilespmem:$0x1FFA0]  }
0x1bc: {  	v54 =	vadd.s32 v54, v61;
	v61 =	vld [tilespmem:$0x1FFB0]  }
0x1bd: {  	v54 =	vadd.s32 v54, v63;
	v63 =	vld [tilespmem:$0x1FFD0]  }
0x1be: {  	v56 =	vadd.s32 v56, v62;
	v62 =	vld [tilespmem:$0x1FFC0]  }
0x1bf: {  	v45 =	vadd.s32 v45, v57;
	v57 =	vld [tilespmem:$0x8360]  }
0x1c0: {  	v10 =	vadd.s32 v10, v27;
	v20 =	vadd.s32 v20, v25;
	v58 =	vld [tilespmem:$0x81F0];
	v56 =	vadd.s32 v56, v60  }
0x1c1: {  	v10 =	vadd.s32 v10, v28;
	v59 =	vadd.s32 v37, v43;
	v60 =	vld [tilespmem:$0x8270];
	v8 =	vadd.s32 v56, v8  }
0x1c2: {  	v56 =	vld [tilespmem:$0x88F0];
	v54 =	vadd.s32 v54, v61;
	v61 =	vadd.s32 v49, v50;
	v8 =	vadd.s32 v8, v63  }
0x1c3: {  	v54 =	vadd.s32 v54, v62;
	v62 =	vld [tilespmem:$0x82F0];
	v8 =	vadd.s32 v8, v12;
	v12 =	vadd.s32 v59, v46  }
0x1c4: {  	[tilespmem:$0x8C30] =	vst v4;
	v10 =	vadd.s32 v10, v29;
	v29 =	vadd.s32 v61, v51;
	v46 =	vld [tilespmem:$0x8370];
	v12 =	vadd.s32 v12, v47  }
0x1c5: {  	[tilespmem:$0x8C10] =	vst v9;
	v20 =	vadd.s32 v20, v26;
	v50 =	vld [tilespmem:$0x83F0];
	v49 =	vadd.s32 v29, v52;
	v47 =	vadd.s32 v12, v44  }
0x1c6: {  	[tilespmem:$0x8C20] =	vst v7;
	v52 =	vadd.s32 v20, v58;
	v51 =	vadd.s32 v49, v53;
	v53 =	vld [tilespmem:$0x8870];
	v7 =	vadd.s32 v47, v42  }
0x1c7: {  	[tilespmem:$0x8CC0] =	vst v10;
	v58 =	vld [tilespmem:$0x8970];
	v4 =	vadd.s32 v7, v40;
	v7 =	vadd.s32 v51, v55;
	v55 =	vadd.s32 v52, v60  }
0x1c8: {  	[tilespmem:$0x8C60] =	vst v11;
	v63 =	vld [tilespmem:$0x1FFE0];
	v4 =	vadd.s32 v4, v39;
	v7 =	vadd.s32 v7, v57;
	v9 =	vadd.s32 v55, v62  }
0x1c9: {  	[tilespmem:$0x8C40] =	vst v14;
	v59 =	vld [tilespmem:$0x89F0];
	v4 =	vadd.s32 v4, v38;
	v7 =	vadd.s32 v7, v15;
	v9 =	vadd.s32 v9, v46  }
0x1ca: {  	[tilespmem:$0x8C50] =	vst v13;
	v60 =	vld [tilespmem:$0x8A70];
	v4 =	vadd.s32 v4, v36;
	v7 =	vadd.s32 v7, v16;
	v9 =	vadd.s32 v9, v50  }
0x1cb: {  	[tilespmem:$0x8C70] =	vst v41;
	v61 =	vld [tilespmem:$0x8AF0];
	v4 =	vadd.s32 v4, v35;
	v7 =	vadd.s32 v7, v17;
	v9 =	vadd.s32 v9, v53  }
0x1cc: {  	[tilespmem:$0x8C80] =	vst v45;
	v62 =	vld [tilespmem:$0x8B70];
	v4 =	vadd.s32 v4, v34;
	v7 =	vadd.s32 v7, v18;
	v9 =	vadd.s32 v9, v56  }
0x1cd: {  	[tilespmem:$0x8C00] =	vst v63;
	v63 =	vld [tilespmem:$0x8BF0];
	v4 =	vadd.s32 v4, v33;
	v7 =	vadd.s32 v7, v19;
	v9 =	vadd.s32 v9, v58  }
0x1ce: {  	[tilespmem:$0x8C90] =	vst v48;
	v4 =	vadd.s32 v4, v30;
	v7 =	vadd.s32 v7, v21;
	v9 =	vadd.s32 v9, v59  }
0x1cf: {  	[tilespmem:$0x8CB0] =	vst v8;
	v4 =	vadd.s32 v4, v31;
	v7 =	vadd.s32 v7, v22;
	v8 =	vadd.s32 v9, v60  }
0x1d0: {  	[tilespmem:$0x8CA0] =	vst v54;
	v4 =	vadd.s32 v4, v32;
	v7 =	vadd.s32 v7, v23;
	v8 =	vadd.s32 v8, v61  }
0x1d1: {  	[tilespmem:$0x8CD0] =	vst v4;
	v4 =	vadd.s32 v7, v24;
	v7 =	vadd.s32 v8, v62  }
0x1d2: {  	[tilespmem:$0x8CE0] =	vst v4;
	v4 =	vadd.s32 v7, v63  }
0x1d3: {  	[tilespmem:$0x8CF0] =	vst v4  }
0x1d4: {  	[spmem:s15] =	stream.linear.scatter [tilespmem:s26], [sflag:$0x1], $0x100, $0x38;
	[tilespmem:$0xAF00] =	vst v63  }
0x1d5: {  	_ =	swait.ge [sflag:s18], $0x100  }
0x1d6: {  	[sflag:s18] =	ssyncset.done $0x0  }
0x1d7: {  	[sflag:s18] =	ssyncadd.s32 $0xFFFFFF00  }
0x1d8: {  	[bflag:$0x0] =	sbarrier.arrive $0xFFFF  }
0x1d9: {  	[tilespmem:s28], [sflag:$0x1] =	stream.linear.gather [spmem:s3], $0x1000, $0x38;
	[tilespmem:$0xAF00] =	vst v63  }
0x1da: {  	_ =	swait.ge [sflag:s18], $0x1000  }
0x1db: {  	[sflag:s18] =	ssyncset.done $0x0  }
0x1dc: {  	s0 =	simm.s32 $0x0;
	s1 =	simm.s32 $0x0;
	[sflag:s18] =	ssyncadd.s32 $0xFFFFF000  }
.LBB2_9:
0x1dd: {  	s4 =	sshll.u32 s1, $0x4  }
0x1de: {  	v4 =	vmov s4  }
0x1df: {  	v4 =	vshll.u32 v4, $0x4  }
0x1e0: {  	v8 =	vor.u32 v3, v4;
	_ =	sdelay $0x3  }
0x1e1: {  	v7 =	vor.u32 $0x1, v8  }
0x1e2: {  	s9 =	simm.s32 $0x1;
	v4 =	vimm.s32 $0x0;
	v9 =	vadd.s32 s0, v7;
	v8 =	vld.idx.msk [tilespmem:v8+s28+$0x0], $0xffff  }
.LBB2_10:
0x1e3: {  	p1 =	sne.s32 s9, $0xF  }
.Ltmp3:
0x1e4: {  	_ = 	snop;
	(pc) =	sbr.rel @p1 .LBB2_10-.Ltmp3, $3  }
0x1e5: {  	_ =	sdelay $0x1  }
0x1e6: {  	s6 =	smov.u32 s9;
	s9 =	sadd.s32 $0x1, s9;
	v4 =	vadd.s32 v4, v8;
	v8 =	vld.idx.msk [tilespmem:v9+s28+$0x0], $0xffff  }
0x1e7: {  	v9 =	vadd.s32 s6, v7  }
0x1e8: {  	s1 =	sadd.s32 $0x1, s1  }
0x1e9: {  	p1 =	sne.s32 s1, $0x10  }
.Ltmp4:
0x1ea: {  	_ = 	snop;
	(pc) =	sbr.rel @p1 .LBB2_9-.Ltmp4, $3  }
0x1eb: {  	_ =	sdelay $0x1  }
0x1ec: {  	s4 =	sand.u32 $0x3FFFFFF0, s4;
	v4 =	vadd.s32 v4, v8  }
0x1ed: {  	[tilespmem:s4+$0x9D00] =	vst v4  }
0x1ee: {  	s0 =	simm.s32 $0x0  }
0x1ef: {  	v7 =	vor.u32 s0, v3;
	_ =	sdelay $0x4  }
0x1f0: {  	v4 =	vimm.s32 $0x0;
	s0 =	simm.s32 $0x1;
	v7 =	vld.idx.msk [tilespmem:v7+s29+$0x0], $0xffff  }
.LBB2_13:
0x1f1: {  	v8 =	vor.u32 s0, v3;
	p1 =	sne.s32 s0, $0xF;
	s0 =	sadd.s32 $0x1, s0  }
.Ltmp5:
0x1f2: {  	(pc) =	sbr.rel @p1 .LBB2_13-.Ltmp5, $2  }
0x1f3: {  	_ =	sdelay $0x2  }
0x1f4: {  	v4 =	vadd.s32 v4, v7;
	v7 =	vld.idx.msk [tilespmem:v8+s29+$0x0], $0xffff  }
0x1f5: {  	v8 =	vld [tilespmem:$0x1FFF0];
	_ =	sdelay $0x3  }
0x1f6: {  	v4 =	vadd.s32 v4, v7  }
0x1f7: {  	v4 =	vperm.xlane v4, v8;
	_ =	sdelay $0x1  }
0x1f8: {  	(xrf0) =	vadd.scan.msk.s32 $0xffff, v4;
	_ =	sdelay $0x5  }
0x1f9: {  	v4, _, _ =	vpop (xrf0)  }
0x1fa: {  	v4 =	vperm.xlane v4, v8;
	_ =	sdelay $0x1  }
0x1fb: {  	vm0 =	vgt.s32 v4, $0x7FF  }
0x1fc: {  	v7 =	vmpcnt.ones.xlane vm0;
	_ =	sdelay $0x1  }
0x1fd: {  	v7 =	vxor.u32 $0x80000000, v7  }
0x1fe: {  	(xrf0) =	vmax.scan.msk.u32 $0xffff, v7;
	_ =	sdelay $0x5  }
0x1ff: {  	v7, _, _ =	vpop (xrf0)  }
0x200: {  	(v2sf) =	vpush v7, $0xF;
	_ =	sdelay $0xe  }
0x201: {  	s0 =	spop (v2sf)  }
0x202: {  	s1 =	sxor.u32 $0x80000000, s0  }
0x203: {  	p1 =	slt.s32 s1, $0xF  }
0x204: {  	s1 =	simm.s32 @!p1 $0xF  }
0x205: {  	v7 =	vmov s1  }
0x206: {  	vm14 =	veq.s32 v7, v0  }
0x207: {  	v4 =	vnsel vm14, $0x0, v4  }
0x208: {  	(xrf0) =	vadd.scan.msk.s32 $0xffff, v4;
	_ =	sdelay $0x5  }
0x209: {  	s0 =	sadd.s32 $0x7FFFFFFF, s0;
	v4, _, _ =	vpop (xrf0)  }
0x20a: {  	s4 =	sshll.u32 s0, $0x4;
	(v2sf) =	vpush v4, $0xF  }
0x20b: {  	v4 =	vld [tilespmem:s4+$0x9D00];
	_ =	sdelay $0x4  }
0x20c: {  	v4 =	vperm.xlane v4, v8;
	_ =	sdelay $0x1  }
0x20d: {  	(xrf0) =	vadd.scan.msk.s32 $0xffff, v4;
	_ =	sdelay $0x5  }
0x20e: {  	v4, _, _ =	vpop (xrf0)  }
0x20f: {  	p1 =	sgt.s32 s0, $0xE;
	v4 =	vperm.xlane v4, v8;
	s0 =	spop (v2sf)  }
0x210: {  	s0 =	simm.s32 @p1 $0x0  }
0x211: {  	v4 =	vadd.s32 s0, v4  }
0x212: {  	[tilespmem:$0x1F7A0] =	vst v4;
	vm15 =	vgt.s32 v4, $0x7FF  }
0x213: {  	s6 =	simm.s32 $0x0;
	s1 =	simm.s32 $0x40;
	v4 =	vmpcnt.ones.xlane vm15;
	[bflag:$0x0] =	sbarrier.arrive $0xFFFF  }
.LBB2_15:
0x214: {  	p1 =	seq.s32 s1, $0x3FC0;
	[tilespmem:s6+$0x6C00] =	vst v1;
	s6 =	smov.u32 s1;
	s1 =	sadd.s32 $0x40, s1  }
.Ltmp6:
0x215: {  	(pc) =	sbr.rel @!p1 .LBB2_15-.Ltmp6, $2  }
0x216: {  	_ =	sdelay $0x2  }
0x217: {  	s6 =	sshra.s32 s6, $0x2  }
0x218: {  	v4 =	vxor.u32 $0x80000000, v4  }
0x219: {  	(xrf0) =	vmax.scan.msk.u32 $0xffff, v4;
	_ =	sdelay $0x5  }
0x21a: {  	v4, _, _ =	vpop (xrf0)  }
0x21b: {  	(v2sf) =	vpush v4, $0xF;
	_ =	sdelay $0xe  }
0x21c: {  	s1 =	spop (v2sf)  }
0x21d: {  	s4 =	sadd.s32 s1, s4  }
0x21e: {  	s9 =	sadd.s32 $0x7FFFFFFF, s4  }
0x21f: {  	[tilespmem:s6+$0x6C00] =	vst v1;
	s6 =	simm.s32 $0x0;
	s4 =	simm.s32 $0x40;
	v4 =	vmov s9  }
.LBB2_17:
0x220: {  	p1 =	sne.s32 s4, $0x8FC0;
	v7 =	vld [tilespmem:s6+$0x2400];
	_ =	sdelay $0x4  }
0x221: {  	v8 =	vshrl.u32 v7, $0xC  }
0x222: {  	v8 =	vand.u32 $0xFF0, v8  }
0x223: {  	v8 =	vor.u32 v0, v8  }
.Ltmp7:
0x224: {  	(pc) =	sbr.rel @p1 .LBB2_17-.Ltmp7, $4  }
0x225: {  	v7 =	vshrl.u32 v7, $0x18  }
0x226: {  	vm0 =	veq.s32 v7, v4  }
0x227: {  	v7 =	vsel vm0, $0x1, v1  }
0x228: {  	s6 =	sshra.s32 s4, $0x2;
	s4 =	sadd.s32 $0x40, s4;
	[tilespmem:v8+s21+$0x0] =	vst.idx.add.s32.msk $0xffff, v7  }
0x229: {  	v7 =	vld [tilespmem:s6+$0x2400];
	_ =	sdelay $0x4  }
0x22a: {  	v8 =	vshrl.u32 v7, $0xC  }
0x22b: {  	v8 =	vand.u32 $0xFF0, v8  }
0x22c: {  	v8 =	vor.u32 v0, v8;
	_ =	sdelay $0x1  }
0x22d: {  	v7 =	vshrl.u32 v7, $0x18  }
0x22e: {  	vm0 =	veq.s32 v7, v4  }
0x22f: {  	v4 =	vsel vm0, $0x1, v1  }
0x230: {  	[tilespmem:v8+s21+$0x0] =	vst.idx.add.s32.msk $0xffff, v4  }
0x231: {  	[spmem:s13] =	stream.strided.scatter [tilespmem:s21], [sflag:$0x1], $0x1000, s22, s19, $0x38;
	[tilespmem:$0xAF00] =	vst v63  }
0x232: {  	_ =	swait.ge [sflag:s18], $0x1000  }
0x233: {  	[sflag:s18] =	ssyncset.done $0x0  }
0x234: {  	[sflag:s18] =	ssyncadd.s32 $0xFFFFF000  }
0x235: {  	[bflag:$0x0] =	sbarrier.arrive $0xFFFF  }
0x236: {  	[tilespmem:s25], [sflag:$0x1] =	stream.strided.gather [spmem:s14], $0x1000, s24, s23, $0x38;
	[tilespmem:$0xAF00] =	vst v63  }
0x237: {  	_ =	swait.ge [sflag:s18], $0x1000  }
0x238: {  	[sflag:s18] =	ssyncset.done $0x0  }
0x239: {  	[sflag:s18] =	ssyncadd.s32 $0xFFFFF000  }
0x23a: {  	v4 =	vld [tilespmem:$0x7E90];
	_ =	sdelay $0x4  }
0x23b: {  	[tilespmem:$0x1EF60] =	vst v4;
	v4 =	vld [tilespmem:$0x7F10];
	_ =	sdelay $0x4  }
0x23c: {  	[tilespmem:$0x1EF70] =	vst v4;
	v4 =	vld [tilespmem:$0x7F90];
	_ =	sdelay $0x4  }
0x23d: {  	[tilespmem:$0x1EF80] =	vst v4;
	v4 =	vld [tilespmem:$0x8410];
	_ =	sdelay $0x4  }
0x23e: {  	[tilespmem:$0x1EF90] =	vst v4;
	v4 =	vld [tilespmem:$0x8490];
	_ =	sdelay $0x4  }
0x23f: {  	[tilespmem:$0x1EFA0] =	vst v4;
	v4 =	vld [tilespmem:$0x8510];
	_ =	sdelay $0x4  }
0x240: {  	[tilespmem:$0x1EFC0] =	vst v4;
	v4 =	vld [tilespmem:$0x8590]  }
0x241: {  	v18 =	vld [tilespmem:$0x7C00]  }
0x242: {  	v15 =	vld [tilespmem:$0x7C80]  }
0x243: {  	v19 =	vld [tilespmem:$0x7D00]  }
0x244: {  	v21 =	vld [tilespmem:$0x7D80]  }
0x245: {  	[tilespmem:$0x1EFE0] =	vst v4;
	v4 =	vld [tilespmem:$0x8610]  }
0x246: {  	v23 =	vld [tilespmem:$0x7E00]  }
0x247: {  	v24 =	vld [tilespmem:$0x7E80]  }
0x248: {  	v27 =	vld [tilespmem:$0x7F00]  }
0x249: {  	v29 =	vld [tilespmem:$0x7F80]  }
0x24a: {  	[tilespmem:$0x1F000] =	vst v4;
	v4 =	vld [tilespmem:$0x8690]  }
0x24b: {  	v30 =	vld [tilespmem:$0x8400]  }
0x24c: {  	v33 =	vld [tilespmem:$0x8480]  }
0x24d: {  	v35 =	vld [tilespmem:$0x8500]  }
0x24e: {  	v36 =	vld [tilespmem:$0x8580]  }
0x24f: {  	[tilespmem:$0x1F020] =	vst v4;
	v4 =	vld [tilespmem:$0x8710]  }
0x250: {  	v42 =	vld [tilespmem:$0x8600]  }
0x251: {  	v46 =	vld [tilespmem:$0x8680]  }
0x252: {  	v50 =	vld [tilespmem:$0x8700]  }
0x253: {  	v56 =	vld [tilespmem:$0x8780]  }
0x254: {  	[tilespmem:$0x1F040] =	vst v4;
	v4 =	vld [tilespmem:$0x8790]  }
0x255: {  	v47 =	vld [tilespmem:$0x7C10]  }
0x256: {  	v43 =	vld [tilespmem:$0x7C90]  }
0x257: {  	v51 =	vld [tilespmem:$0x7D10]  }
0x258: {  	v55 =	vld [tilespmem:$0x7D90]  }
0x259: {  	v62 =	vld [tilespmem:$0x7E10];
	[tilespmem:$0x1F070] =	vst v4  }
0x25a: {  	v16 =	vld [tilespmem:$0x7C20]  }
0x25b: {  	v12 =	vld [tilespmem:$0x7CA0]  }
0x25c: {  	v17 =	vld [tilespmem:$0x7D20]  }
0x25d: {  	v25 =	vld [tilespmem:$0x7DA0]  }
0x25e: {  	v31 =	vld [tilespmem:$0x7E20]  }
0x25f: {  	v37 =	vld [tilespmem:$0x7EA0]  }
0x260: {  	v48 =	vld [tilespmem:$0x7F20]  }
0x261: {  	v58 =	vld [tilespmem:$0x7FA0]  }
0x262: {  	v4 =	vld [tilespmem:$0x8420]  }
0x263: {  	v7 =	vld [tilespmem:$0x7C30]  }
0x264: {  	v8 =	vld [tilespmem:$0x7D30]  }
0x265: {  	v9 =	vld [tilespmem:$0x7DB0]  }
0x266: {  	v10 =	vld [tilespmem:$0x7E30]  }
0x267: {  	v13 =	vld [tilespmem:$0x7EB0]  }
0x268: {  	v22 =	vld [tilespmem:$0x7F30]  }
0x269: {  	v28 =	vld [tilespmem:$0x7FB0]  }
0x26a: {  	v34 =	vld [tilespmem:$0x8430]  }
0x26b: {  	v38 =	vld [tilespmem:$0x84B0]  }
0x26c: {  	v54 =	vld [tilespmem:$0x8530]  }
0x26d: {  	v60 =	vld [tilespmem:$0x85B0]  }
0x26e: {  	v11 =	vld [tilespmem:$0x8630]  }
0x26f: {  	v40 =	vld [tilespmem:$0x86B0]  }
0x270: {  	v41 =	vld [tilespmem:$0x8730]  }
0x271: {  	v44 =	vld [tilespmem:$0x87B0]  }
0x272: {  	v45 =	vld [tilespmem:$0x7C40]  }
0x273: {  	v49 =	vld [tilespmem:$0x7CC0]  }
0x274: {  	v52 =	vld [tilespmem:$0x7D40]  }
0x275: {  	v53 =	vld [tilespmem:$0x7DC0]  }
0x276: {  	v57 =	vld [tilespmem:$0x7E40]  }
0x277: {  	v59 =	vld [tilespmem:$0x7EC0]  }
0x278: {  	v61 =	vld [tilespmem:$0x7F40]  }
0x279: {  	v63 =	vld [tilespmem:$0x7FC0]  }
0x27a: {  	v14 =	vld [tilespmem:$0x8440]  }
0x27b: {  	v20 =	vld [tilespmem:$0x84C0]  }
0x27c: {  	v15 =	vadd.s32 v18, v15;
	v26 =	vld [tilespmem:$0x8540]  }
0x27d: {  	v15 =	vadd.s32 v15, v19;
	v32 =	vld [tilespmem:$0x85C0]  }
0x27e: {  	v15 =	vadd.s32 v15, v21;
	v39 =	vld [tilespmem:$0x8640]  }
0x27f: {  	v15 =	vadd.s32 v15, v23;
	v21 =	vld [tilespmem:$0x8AA0]  }
0x280: {  	v15 =	vadd.s32 v15, v24;
	v23 =	vld [tilespmem:$0x8B20]  }
0x281: {  	v15 =	vadd.s32 v15, v27;
	v24 =	vld [tilespmem:$0x8BA0]  }
0x282: {  	v15 =	vadd.s32 v15, v29;
	v27 =	vld [tilespmem:$0x8030]  }
0x283: {  	v15 =	vadd.s32 v15, v30;
	v29 =	vld [tilespmem:$0x80B0]  }
0x284: {  	v15 =	vadd.s32 v15, v33;
	v30 =	vld [tilespmem:$0x8130]  }
0x285: {  	v15 =	vadd.s32 v15, v35;
	v33 =	vld [tilespmem:$0x81B0]  }
0x286: {  	v15 =	vadd.s32 v15, v36;
	v35 =	vld [tilespmem:$0x8230]  }
0x287: {  	v15 =	vadd.s32 v15, v42;
	v36 =	vld [tilespmem:$0x82B0]  }
0x288: {  	v15 =	vadd.s32 v15, v46;
	v42 =	vld [tilespmem:$0x8330]  }
0x289: {  	v15 =	vadd.s32 v15, v50;
	v46 =	vld [tilespmem:$0x83B0]  }
0x28a: {  	v15 =	vadd.s32 v15, v56;
	v56 =	vld [tilespmem:$0x88B0]  }
0x28b: {  	v18 =	vld [tilespmem:$0x8A30]  }
0x28c: {  	v19 =	vld [tilespmem:$0x1EF70]  }
0x28d: {  	v50 =	vadd.s32 v47, v43;
	v47 =	vld [tilespmem:$0x1F070]  }
0x28e: {  	[tilespmem:$0x1EFB0] =	vst v4;
	v4 =	vld [tilespmem:$0x84A0]  }
0x28f: {  	[tilespmem:$0x1F090] =	vst v40;
	v40 =	vld [tilespmem:$0x86C0]  }
0x290: {  	[tilespmem:$0x1F0B0] =	vst v41;
	v41 =	vld [tilespmem:$0x8740]  }
0x291: {  	[tilespmem:$0x1F0E0] =	vst v44;
	v44 =	vld [tilespmem:$0x87C0]  }
0x292: {  	[tilespmem:$0x1F220] =	vst v39;
	v39 =	vld [tilespmem:$0x7CD0]  }
0x293: {  	[tilespmem:$0x1F0D0] =	vst v49;
	v49 =	vld [tilespmem:$0x7D50]  }
0x294: {  	[tilespmem:$0x1F110] =	vst v57;
	v57 =	vld [tilespmem:$0x7DD0]  }
0x295: {  	[tilespmem:$0x1F0C0] =	vst v45;
	v45 =	vld [tilespmem:$0x7E50]  }
0x296: {  	[tilespmem:$0x1F0F0] =	vst v52;
	v52 =	vld [tilespmem:$0x7ED0]  }
0x297: {  	[tilespmem:$0x1F100] =	vst v53;
	v53 =	vld [tilespmem:$0x7F50]  }
0x298: {  	[tilespmem:$0x1F120] =	vst v59;
	v59 =	vld [tilespmem:$0x7FD0]  }
0x299: {  	[tilespmem:$0x1F140] =	vst v61;
	v61 =	vld [tilespmem:$0x8450]  }
0x29a: {  	[tilespmem:$0x1F160] =	vst v63;
	v63 =	vld [tilespmem:$0x84D0]  }
0x29b: {  	[tilespmem:$0x1F180] =	vst v14;
	v14 =	vld [tilespmem:$0x8550]  }
0x29c: {  	[tilespmem:$0x1F1A0] =	vst v20;
	v20 =	vld [tilespmem:$0x85D0]  }
0x29d: {  	[tilespmem:$0x1F1C0] =	vst v26;
	v26 =	vld [tilespmem:$0x8650]  }
0x29e: {  	[tilespmem:$0x1F1F0] =	vst v32;
	v32 =	vld [tilespmem:$0x86D0]  }
0x29f: {  	[tilespmem:$0x1F060] =	vst v11;
	v11 =	vld [tilespmem:$0x7CE0]  }
0x2a0: {  	[tilespmem:$0x1F760] =	vst v23;
	v23 =	vld [tilespmem:$0x1EF80]  }
0x2a1: {  	[tilespmem:$0x1F770] =	vst v24;
	v24 =	vld [tilespmem:$0x8B30]  }
0x2a2: {  	[tilespmem:$0x1F600] =	vst v27;
	v27 =	vld [tilespmem:$0x1EFA0]  }
0x2a3: {  	[tilespmem:$0x1F630] =	vst v30;
	v30 =	vld [tilespmem:$0x1EFC0]  }
0x2a4: {  	[tilespmem:$0x1F650] =	vst v33;
	v33 =	vld [tilespmem:$0x1EFE0]  }
0x2a5: {  	v12 =	vadd.s32 v16, v12;
	v16 =	vld [tilespmem:$0x8140]  }
0x2a6: {  	[tilespmem:$0x1F670] =	vst v35;
	v35 =	vld [tilespmem:$0x1F000]  }
0x2a7: {  	[tilespmem:$0x1F750] =	vst v18;
	v18 =	vld [tilespmem:$0x8240]  }
0x2a8: {  	[tilespmem:$0x1F6B0] =	vst v42;
	v42 =	vld [tilespmem:$0x1F040]  }
0x2a9: {  	[tilespmem:$0x1F610] =	vst v29;
	v29 =	vld [tilespmem:$0x1EFB0]  }
0x2aa: {  	v12 =	vadd.s32 v12, v17;
	v17 =	vld [tilespmem:$0x81C0]  }
0x2ab: {  	v51 =	vadd.s32 v50, v51;
	[tilespmem:$0x1F6D0] =	vst v46;
	v46 =	vld [tilespmem:$0x1F060]  }
0x2ac: {  	[tilespmem:$0x1F790] =	vst v15;
	v15 =	vadd.s32 v51, v55;
	v51 =	vld [tilespmem:$0x1F0B0]  }
0x2ad: {  	v55 =	vld [tilespmem:$0x1F0D0]  }
0x2ae: {  	[tilespmem:$0x1F700] =	vst v56;
	v56 =	vld [tilespmem:$0x1F0E0]  }
0x2af: {  	v12 =	vadd.s32 v12, v25;
	v25 =	vld [tilespmem:$0x1EF90]  }
0x2b0: {  	[tilespmem:$0x1EFD0] =	vst v4;
	v4 =	vld [tilespmem:$0x8520]  }
0x2b1: {  	[tilespmem:$0x1F2B0] =	vst v44;
	v44 =	vld [tilespmem:$0x7C50]  }
0x2b2: {  	[tilespmem:$0x1F250] =	vst v40;
	v40 =	vld [tilespmem:$0x8750]  }
0x2b3: {  	[tilespmem:$0x1F280] =	vst v41;
	v41 =	vld [tilespmem:$0x87D0]  }
0x2b4: {  	[tilespmem:$0x1F200] =	vst v14;
	v14 =	vld [tilespmem:$0x7C60]  }
0x2b5: {  	[tilespmem:$0x1F230] =	vst v20;
	v20 =	vld [tilespmem:$0x7D60]  }
0x2b6: {  	[tilespmem:$0x1F260] =	vst v26;
	v26 =	vld [tilespmem:$0x7DE0]  }
0x2b7: {  	[tilespmem:$0x1F290] =	vst v32;
	v32 =	vld [tilespmem:$0x7E60]  }
0x2b8: {  	[tilespmem:$0x1F150] =	vst v52;
	v52 =	vld [tilespmem:$0x7F60]  }
0x2b9: {  	[tilespmem:$0x1F1B0] =	vst v61;
	v61 =	vld [tilespmem:$0x7FE0]  }
0x2ba: {  	[tilespmem:$0x1F130] =	vst v45;
	v45 =	vld [tilespmem:$0x84E0]  }
0x2bb: {  	[tilespmem:$0x1F170] =	vst v53;
	v53 =	vld [tilespmem:$0x8560]  }
0x2bc: {  	[tilespmem:$0x1F190] =	vst v59;
	v59 =	vld [tilespmem:$0x85E0]  }
0x2bd: {  	[tilespmem:$0x1F1D0] =	vst v63;
	v63 =	vld [tilespmem:$0x8660]  }
0x2be: {  	[tilespmem:$0x1F780] =	vst v24;
	v24 =	vld [tilespmem:$0x88C0]  }
0x2bf: {  	[tilespmem:$0x1EFF0] =	vst v4;
	v4 =	vld [tilespmem:$0x85A0]  }
0x2c0: {  	[tilespmem:$0x1F2C0] =	vst v40;
	v40 =	vld [tilespmem:$0x7EE0]  }
0x2c1: {  	[tilespmem:$0x1F2E0] =	vst v41;
	v41 =	vld [tilespmem:$0x8460]  }
0x2c2: {  	[tilespmem:$0x1F210] =	vst v45;
	v45 =	vld [tilespmem:$0x86E0]  }
0x2c3: {  	[tilespmem:$0x1F240] =	vst v53;
	v53 =	vld [tilespmem:$0x8760]  }
0x2c4: {  	[tilespmem:$0x1F270] =	vst v59;
	v59 =	vld [tilespmem:$0x87E0]  }
0x2c5: {  	[tilespmem:$0x1F2A0] =	vst v63;
	v63 =	vld [tilespmem:$0x7C70];
	v11 =	vadd.s32 v14, v11  }
0x2c6: {  	v11 =	vadd.s32 v11, v20;
	v20 =	vld [tilespmem:$0x8940]  }
0x2c7: {  	v11 =	vadd.s32 v11, v26;
	v26 =	vld [tilespmem:$0x8A40]  }
0x2c8: {  	v11 =	vadd.s32 v11, v32;
	v32 =	vld [tilespmem:$0x1F2C0]  }
0x2c9: {  	[tilespmem:$0x1F010] =	vst v4;
	v4 =	vld [tilespmem:$0x8620]  }
0x2ca: {  	[tilespmem:$0x1F2D0] =	vst v45;
	v45 =	vld [tilespmem:$0x7CF0]  }
0x2cb: {  	[tilespmem:$0x1F2F0] =	vst v53;
	v53 =	vld [tilespmem:$0x7D70]  }
0x2cc: {  	[tilespmem:$0x1F320] =	vst v59;
	v59 =	vld [tilespmem:$0x7DF0]  }
0x2cd: {  	[tilespmem:$0x1F300] =	vst v63;
	v63 =	vld [tilespmem:$0x7E70]  }
0x2ce: {  	[tilespmem:$0x1F1E0] =	vst v41;
	v41 =	vld [tilespmem:$0x8090]  }
0x2cf: {  	v11 =	vadd.s32 v11, v40;
	v40 =	vld [tilespmem:$0x1F190]  }
0x2d0: {  	[tilespmem:$0x1F690] =	vst v36;
	v36 =	vld [tilespmem:$0x1F010]  }
0x2d1: {  	v11 =	vadd.s32 v11, v52;
	v52 =	vld [tilespmem:$0x1F230]  }
0x2d2: {  	v11 =	vadd.s32 v11, v61;
	v61 =	vld [tilespmem:$0x1F2A0]  }
0x2d3: {  	[tilespmem:$0x1F030] =	vst v4;
	v4 =	vld [tilespmem:$0x86A0]  }
0x2d4: {  	[tilespmem:$0x1F310] =	vst v45;
	v45 =	vld [tilespmem:$0x7EF0]  }
0x2d5: {  	[tilespmem:$0x1F330] =	vst v53;
	v53 =	vld [tilespmem:$0x7F70]  }
0x2d6: {  	[tilespmem:$0x1F360] =	vst v59;
	v59 =	vld [tilespmem:$0x7FF0]  }
0x2d7: {  	[tilespmem:$0x1F380] =	vst v63;
	v63 =	vld [tilespmem:$0x8470]  }
0x2d8: {  	[tilespmem:$0x1F050] =	vst v4;
	v4 =	vld [tilespmem:$0x8720]  }
0x2d9: {  	[tilespmem:$0x1F3A0] =	vst v45;
	v45 =	vld [tilespmem:$0x84F0]  }
0x2da: {  	[tilespmem:$0x1F3C0] =	vst v53;
	v53 =	vld [tilespmem:$0x8570]  }
0x2db: {  	[tilespmem:$0x1F3F0] =	vst v59;
	v59 =	vld [tilespmem:$0x85F0]  }
0x2dc: {  	[tilespmem:$0x1F420] =	vst v63;
	v63 =	vld [tilespmem:$0x8670]  }
0x2dd: {  	v43 =	vld [tilespmem:$0x1F050]  }
0x2de: {  	[tilespmem:$0x1F080] =	vst v4;
	v4 =	vld [tilespmem:$0x87A0]  }
0x2df: {  	[tilespmem:$0x1F450] =	vst v45;
	v45 =	vld [tilespmem:$0x86F0]  }
0x2e0: {  	[tilespmem:$0x1F480] =	vst v53;
	v53 =	vld [tilespmem:$0x8770]  }
0x2e1: {  	[tilespmem:$0x1F4B0] =	vst v59;
	v59 =	vld [tilespmem:$0x87F0]  }
0x2e2: {  	[tilespmem:$0x1F4E0] =	vst v63;
	v63 =	vld [tilespmem:$0x8000]  }
0x2e3: {  	[tilespmem:$0x1F0A0] =	vst v4;
	v4 =	vld [tilespmem:$0x7CB0]  }
0x2e4: {  	[tilespmem:$0x1F510] =	vst v45;
	v45 =	vld [tilespmem:$0x8080]  }
0x2e5: {  	[tilespmem:$0x1F540] =	vst v53;
	v53 =	vld [tilespmem:$0x8100]  }
0x2e6: {  	[tilespmem:$0x1F570] =	vst v59;
	v59 =	vld [tilespmem:$0x8180]  }
0x2e7: {  	[tilespmem:$0x1F340] =	vst v63;
	v63 =	vld [tilespmem:$0x8200]  }
0x2e8: {  	v50 =	vld [tilespmem:$0x1F0A0]  }
0x2e9: {  	[tilespmem:$0x1F350] =	vst v45;
	v45 =	vld [tilespmem:$0x8280]  }
0x2ea: {  	[tilespmem:$0x1F370] =	vst v53;
	v53 =	vld [tilespmem:$0x8300]  }
0x2eb: {  	[tilespmem:$0x1F390] =	vst v59;
	v59 =	vld [tilespmem:$0x8380]  }
0x2ec: {  	[tilespmem:$0x1F3B0] =	vst v63;
	v63 =	vld [tilespmem:$0x8800];
	v4 =	vadd.s32 v7, v4  }
0x2ed: {  	v7 =	vld [tilespmem:$0x8930];
	v4 =	vadd.s32 v4, v8  }
0x2ee: {  	v8 =	vld [tilespmem:$0x1EF60];
	v4 =	vadd.s32 v4, v9  }
0x2ef: {  	v4 =	vadd.s32 v4, v10;
	v10 =	vld [tilespmem:$0x8040]  }
0x2f0: {  	[tilespmem:$0x1F3D0] =	vst v45;
	v45 =	vld [tilespmem:$0x8880]  }
0x2f1: {  	[tilespmem:$0x1F400] =	vst v53;
	v53 =	vld [tilespmem:$0x8900]  }
0x2f2: {  	[tilespmem:$0x1F430] =	vst v59;
	v59 =	vld [tilespmem:$0x8980]  }
0x2f3: {  	[tilespmem:$0x1F460] =	vst v63;
	v63 =	vld [tilespmem:$0x8A00]  }
0x2f4: {  	[tilespmem:$0x1F720] =	vst v7;
	v7 =	vadd.s32 v15, v62;
	v62 =	vld [tilespmem:$0x89B0]  }
0x2f5: {  	v4 =	vadd.s32 v4, v13;
	v15 =	vld [tilespmem:$0x80C0]  }
0x2f6: {  	v4 =	vadd.s32 v4, v22;
	v22 =	vld [tilespmem:$0x83C0]  }
0x2f7: {  	v7 =	vadd.s32 v7, v8;
	v8 =	vadd.s32 v12, v31;
	v12 =	vld [tilespmem:$0x8BB0]  }
0x2f8: {  	v31 =	vld [tilespmem:$0x1EFD0]  }
0x2f9: {  	v4 =	vadd.s32 v4, v28;
	v28 =	vld [tilespmem:$0x1F100]  }
0x2fa: {  	[tilespmem:$0x1F740] =	vst v21;
	v21 =	vadd.s32 v8, v37;
	v8 =	vld [tilespmem:$0x8AB0]  }
0x2fb: {  	v4 =	vadd.s32 v4, v34;
	v34 =	vld [tilespmem:$0x1EFF0]  }
0x2fc: {  	v37 =	vld [tilespmem:$0x1F020]  }
0x2fd: {  	v7 =	vadd.s32 v7, v19;
	v19 =	vld [tilespmem:$0x82C0]  }
0x2fe: {  	v4 =	vadd.s32 v4, v38;
	v38 =	vld [tilespmem:$0x1F030]  }
0x2ff: {  	v9 =	vadd.s32 v21, v48;
	v48 =	vld [tilespmem:$0x1F090]  }
0x300: {  	v21 =	vld [tilespmem:$0x8340]  }
0x301: {  	v7 =	vadd.s32 v7, v23;
	v23 =	vld [tilespmem:$0x8840]  }
0x302: {  	v4 =	vadd.s32 v4, v54;
	v54 =	vld [tilespmem:$0x1F0C0]  }
0x303: {  	v9 =	vadd.s32 v9, v58;
	v58 =	vld [tilespmem:$0x1F0F0]  }
0x304: {  	v7 =	vadd.s32 v7, v25;
	v25 =	vld [tilespmem:$0x89C0]  }
0x305: {  	[tilespmem:$0x1F490] =	vst v45;
	v45 =	vld [tilespmem:$0x8A80]  }
0x306: {  	[tilespmem:$0x1F4C0] =	vst v53;
	v53 =	vld [tilespmem:$0x8B00]  }
0x307: {  	[tilespmem:$0x1F4F0] =	vst v59;
	v59 =	vld [tilespmem:$0x8B80]  }
0x308: {  	[tilespmem:$0x1F520] =	vst v63;
	v63 =	vld [tilespmem:$0x8210]  }
0x309: {  	v7 =	vadd.s32 v7, v27;
	v27 =	vld [tilespmem:$0x8AC0]  }
0x30a: {  	v4 =	vadd.s32 v4, v60;
	v60 =	vadd.s32 v44, v39;
	v39 =	vld [tilespmem:$0x1F180]  }
0x30b: {  	v44 =	vld [tilespmem:$0x1F1C0]  }
0x30c: {  	v10 =	vadd.s32 v10, v15;
	v15 =	vld [tilespmem:$0x83E0]  }
0x30d: {  	v7 =	vadd.s32 v7, v30;
	v30 =	vld [tilespmem:$0x1F110]  }
0x30e: {  	v4 =	vadd.s32 v4, v46;
	v46 =	vld [tilespmem:$0x1F1D0]  }
0x30f: {  	v9 =	vadd.s32 v9, v29;
	v29 =	vadd.s32 v60, v49;
	v49 =	vld [tilespmem:$0x1F200]  }
0x310: {  	v60 =	vld [tilespmem:$0x1F290]  }
0x311: {  	v10 =	vadd.s32 v10, v16;
	v16 =	vld [tilespmem:$0x8860]  }
0x312: {  	v9 =	vadd.s32 v9, v31;
	v7 =	vadd.s32 v7, v33;
	v33 =	vld [tilespmem:$0x1F120]  }
0x313: {  	v9 =	vadd.s32 v9, v34;
	v34 =	vld [tilespmem:$0x1F130]  }
0x314: {  	v31 =	vadd.s32 v29, v57;
	v29 =	vld [tilespmem:$0x8BC0]  }
0x315: {  	v57 =	vld [tilespmem:$0x1F270]  }
0x316: {  	v10 =	vadd.s32 v10, v17;
	v17 =	vld [tilespmem:$0x88E0]  }
0x317: {  	v7 =	vadd.s32 v7, v35;
	v35 =	vld [tilespmem:$0x1F140]  }
0x318: {  	v9 =	vadd.s32 v9, v36;
	v36 =	vld [tilespmem:$0x1F150]  }
0x319: {  	v4 =	vadd.s32 v4, v48;
	v48 =	vld [tilespmem:$0x1F1F0]  }
0x31a: {  	v10 =	vadd.s32 v10, v18;
	v18 =	vld [tilespmem:$0x8960]  }
0x31b: {  	v7 =	vadd.s32 v7, v37;
	v37 =	vld [tilespmem:$0x1F160]  }
0x31c: {  	v9 =	vadd.s32 v9, v38;
	v38 =	vld [tilespmem:$0x1F170]  }
0x31d: {  	v4 =	vadd.s32 v4, v51;
	v51 =	vld [tilespmem:$0x1F220]  }
0x31e: {  	v10 =	vadd.s32 v10, v19;
	v19 =	vld [tilespmem:$0x89E0]  }
0x31f: {  	[tilespmem:$0x1F550] =	vst v45;
	v45 =	vld [tilespmem:$0x8010]  }
0x320: {  	[tilespmem:$0x1F580] =	vst v53;
	v53 =	vld [tilespmem:$0x8110]  }
0x321: {  	[tilespmem:$0x1F5A0] =	vst v59;
	v59 =	vld [tilespmem:$0x8190]  }
0x322: {  	[tilespmem:$0x1F3E0] =	vst v63;
	v63 =	vld [tilespmem:$0x8290]  }
0x323: {  	v7 =	vadd.s32 v7, v42;
	v42 =	vld [tilespmem:$0x1F1A0]  }
0x324: {  	v13 =	vadd.s32 v9, v43;
	v43 =	vld [tilespmem:$0x1F1B0]  }
0x325: {  	v4 =	vadd.s32 v4, v56;
	v56 =	vld [tilespmem:$0x1F260]  }
0x326: {  	v10 =	vadd.s32 v10, v21;
	v21 =	vld [tilespmem:$0x8A60]  }
0x327: {  	v9 =	vadd.s32 v7, v47;
	v7 =	vld [tilespmem:$0x1F080]  }
0x328: {  	v47 =	vld [tilespmem:$0x1F1E0]  }
0x329: {  	v10 =	vadd.s32 v10, v22;
	v22 =	vld [tilespmem:$0x8AE0]  }
0x32a: {  	v14 =	vadd.s32 v31, v34;
	v31 =	vld [tilespmem:$0x1F2B0]  }
0x32b: {  	[tilespmem:$0x1F410] =	vst v63;
	v63 =	vld [tilespmem:$0x8310]  }
0x32c: {  	v34 =	vld [tilespmem:$0x1F2E0]  }
0x32d: {  	v10 =	vadd.s32 v10, v23;
	v23 =	vld [tilespmem:$0x8B60]  }
0x32e: {  	v14 =	vadd.s32 v14, v36;
	v36 =	vld [tilespmem:$0x1F300]  }
0x32f: {  	v10 =	vadd.s32 v10, v24;
	v24 =	vld [tilespmem:$0x8BE0]  }
0x330: {  	[tilespmem:$0x1F440] =	vst v63;
	v63 =	vld [tilespmem:$0x8390]  }
0x331: {  	v14 =	vadd.s32 v14, v38;
	v38 =	vld [tilespmem:$0x1F310]  }
0x332: {  	v10 =	vadd.s32 v10, v20;
	v20 =	vld [tilespmem:$0x8070]  }
0x333: {  	v14 =	vadd.s32 v14, v40;
	v40 =	vld [tilespmem:$0x8350]  }
0x334: {  	v10 =	vadd.s32 v10, v25;
	v25 =	vld [tilespmem:$0x80F0]  }
0x335: {  	[tilespmem:$0x1F470] =	vst v63;
	v63 =	vld [tilespmem:$0x8810]  }
0x336: {  	v14 =	vadd.s32 v14, v43;
	v43 =	vld [tilespmem:$0x80D0]  }
0x337: {  	v7 =	vadd.s32 v13, v7;
	v13 =	vadd.s32 v54, v55;
	v54 =	vld [tilespmem:$0x1F240]  }
0x338: {  	v55 =	vld [tilespmem:$0x1F250]  }
0x339: {  	v11 =	vadd.s32 v11, v47;
	v47 =	vld [tilespmem:$0x81D0]  }
0x33a: {  	[tilespmem:$0x1F4A0] =	vst v63;
	v63 =	vld [tilespmem:$0x8890]  }
0x33b: {  	v10 =	vadd.s32 v10, v26;
	v26 =	vld [tilespmem:$0x8170]  }
0x33c: {  	v7 =	vadd.s32 v7, v50;
	v50 =	vld [tilespmem:$0x1F210]  }
0x33d: {  	v14 =	vadd.s32 v14, v46;
	v46 =	vld [tilespmem:$0x8150]  }
0x33e: {  	v13 =	vadd.s32 v13, v58;
	v58 =	vld [tilespmem:$0x1F280]  }
0x33f: {  	[tilespmem:$0x1F4D0] =	vst v63;
	v63 =	vld [tilespmem:$0x8910]  }
0x340: {  	v14 =	vadd.s32 v14, v49;
	v49 =	vld [tilespmem:$0x1F340]  }
0x341: {  	v14 =	vadd.s32 v14, v52;
	v52 =	vld [tilespmem:$0x1F370]  }
0x342: {  	v13 =	vadd.s32 v13, v28;
	v14 =	vadd.s32 v14, v56;
	v56 =	vld [tilespmem:$0x1F390]  }
0x343: {  	v13 =	vadd.s32 v13, v30;
	v30 =	vadd.s32 v14, v60;
	v60 =	vld [tilespmem:$0x1F3D0]  }
0x344: {  	[tilespmem:$0x1F500] =	vst v63;
	v63 =	vld [tilespmem:$0x8990]  }
0x345: {  	v13 =	vadd.s32 v13, v33;
	v11 =	vadd.s32 v11, v50;
	v50 =	vld [tilespmem:$0x1F350]  }
0x346: {  	v13 =	vadd.s32 v13, v35;
	v11 =	vadd.s32 v11, v54;
	v54 =	vadd.s32 v45, v41;
	v41 =	vld [tilespmem:$0x1F3F0]  }
0x347: {  	v13 =	vadd.s32 v13, v37;
	v45 =	vld [tilespmem:$0x1F400]  }
0x348: {  	v13 =	vadd.s32 v13, v39;
	v11 =	vadd.s32 v11, v57;
	v57 =	vld [tilespmem:$0x1F3A0]  }
0x349: {  	v13 =	vadd.s32 v13, v42;
	[tilespmem:$0x1F530] =	vst v63;
	v63 =	vld [tilespmem:$0x8A10]  }
0x34a: {  	v13 =	vadd.s32 v13, v44;
	v11 =	vadd.s32 v11, v61;
	v61 =	vld [tilespmem:$0x1F3E0]  }
0x34b: {  	v13 =	vadd.s32 v13, v48;
	v48 =	vld [tilespmem:$0x1F330]  }
0x34c: {  	v13 =	vadd.s32 v13, v51;
	v51 =	vld [tilespmem:$0x1F360]  }
0x34d: {  	v13 =	vadd.s32 v13, v55;
	v55 =	vld [tilespmem:$0x1F380]  }
0x34e: {  	[tilespmem:$0x1F560] =	vst v63;
	v63 =	vld [tilespmem:$0x8A90]  }
0x34f: {  	v13 =	vadd.s32 v13, v58;
	v58 =	vld [tilespmem:$0x1F3B0]  }
0x350: {  	v14 =	vadd.s32 v13, v31;
	v31 =	vadd.s32 v49, v50;
	v49 =	vld [tilespmem:$0x1F420]  }
0x351: {  	v50 =	vld [tilespmem:$0x1F430]  }
0x352: {  	v13 =	vadd.s32 v30, v32;
	v32 =	vadd.s32 v54, v53;
	v53 =	vld [tilespmem:$0x1F460]  }
0x353: {  	[tilespmem:$0x1F590] =	vst v63;
	v63 =	vld [tilespmem:$0x8B10]  }
0x354: {  	v54 =	vld [tilespmem:$0x1F470]  }
0x355: {  	v30 =	vadd.s32 v36, v38;
	v32 =	vadd.s32 v32, v59;
	v59 =	vld [tilespmem:$0x1F3C0]  }
0x356: {  	v30 =	vadd.s32 v30, v48;
	v48 =	vld [tilespmem:$0x1F410]  }
0x357: {  	v31 =	vadd.s32 v31, v52;
	v52 =	vld [tilespmem:$0x1F450]  }
0x358: {  	[tilespmem:$0x1F5B0] =	vst v63;
	v63 =	vld [tilespmem:$0x8B90]  }
0x359: {  	v30 =	vadd.s32 v30, v51;
	v51 =	vld [tilespmem:$0x1F440]  }
0x35a: {  	v31 =	vadd.s32 v31, v56;
	v56 =	vld [tilespmem:$0x1F490]  }
0x35b: {  	v32 =	vadd.s32 v32, v61;
	v61 =	vld [tilespmem:$0x1F4E0]  }
0x35c: {  	v30 =	vadd.s32 v30, v55;
	v55 =	vld [tilespmem:$0x1F480]  }
0x35d: {  	[tilespmem:$0x1F5E0] =	vst v63;
	v63 =	vld [tilespmem:$0x8020]  }
0x35e: {  	v30 =	vadd.s32 v30, v57;
	v57 =	vld [tilespmem:$0x1F4A0]  }
0x35f: {  	v31 =	vadd.s32 v31, v58;
	v58 =	vld [tilespmem:$0x1F4B0]  }
0x360: {  	v30 =	vadd.s32 v30, v59;
	v59 =	vld [tilespmem:$0x1F4C0]  }
0x361: {  	v31 =	vadd.s32 v31, v60;
	v32 =	vadd.s32 v32, v48;
	v60 =	vld [tilespmem:$0x1F4D0]  }
0x362: {  	v30 =	vadd.s32 v30, v41;
	v32 =	vadd.s32 v32, v51;
	[tilespmem:$0x1F5C0] =	vst v63;
	v63 =	vld [tilespmem:$0x80A0]  }
0x363: {  	v41 =	vadd.s32 v30, v49;
	v32 =	vadd.s32 v32, v54;
	v54 =	vld [tilespmem:$0x1F510]  }
0x364: {  	v41 =	vadd.s32 v41, v52;
	v52 =	vld [tilespmem:$0x1F4F0]  }
0x365: {  	v48 =	vadd.s32 v32, v57;
	v57 =	vld [tilespmem:$0x1F540]  }
0x366: {  	v31 =	vadd.s32 v31, v45;
	v41 =	vadd.s32 v41, v55;
	v55 =	vld [tilespmem:$0x1F520]  }
0x367: {  	v31 =	vadd.s32 v31, v50;
	[tilespmem:$0x1F5D0] =	vst v63;
	v63 =	vld [tilespmem:$0x8120]  }
0x368: {  	v45 =	vadd.s32 v31, v53;
	v53 =	vld [tilespmem:$0x1F500]  }
0x369: {  	v45 =	vadd.s32 v45, v56;
	v56 =	vld [tilespmem:$0x1F530]  }
0x36a: {  	v45 =	vadd.s32 v45, v59;
	v59 =	vld [tilespmem:$0x1F560]  }
0x36b: {  	v48 =	vadd.s32 v48, v60;
	v60 =	vld [tilespmem:$0x1F570]  }
0x36c: {  	v41 =	vadd.s32 v41, v58;
	[tilespmem:$0x1F5F0] =	vst v63;
	v63 =	vld [tilespmem:$0x81A0]  }
0x36d: {  	v58 =	vld [tilespmem:$0x1F550];
	v41 =	vadd.s32 v41, v61;
	v48 =	vadd.s32 v48, v53  }
0x36e: {  	v61 =	vld [tilespmem:$0x1F580];
	v41 =	vadd.s32 v41, v54;
	v48 =	vadd.s32 v48, v56  }
0x36f: {  	v41 =	vadd.s32 v41, v57;
	v48 =	vadd.s32 v48, v59;
	v59 =	vld [tilespmem:$0x1F5C0]  }
0x370: {  	v41 =	vadd.s32 v41, v60;
	v60 =	vld [tilespmem:$0x1F5D0]  }
0x371: {  	v45 =	vadd.s32 v45, v52;
	[tilespmem:$0x1F620] =	vst v63;
	v63 =	vld [tilespmem:$0x8220]  }
0x372: {  	v45 =	vadd.s32 v45, v55;
	v56 =	vld [tilespmem:$0x1F590]  }
0x373: {  	v45 =	vadd.s32 v45, v58;
	v58 =	vld [tilespmem:$0x1F5B0]  }
0x374: {  	v45 =	vadd.s32 v45, v61;
	v61 =	vld [tilespmem:$0x1F5E0]  }
0x375: {  	v54 =	vadd.s32 v59, v60;
	v60 =	vld [tilespmem:$0x1F5F0]  }
0x376: {  	[tilespmem:$0x1F640] =	vst v63;
	v63 =	vld [tilespmem:$0x82A0]  }
0x377: {  	v28 =	vld [tilespmem:$0x8B40];
	v48 =	vadd.s32 v48, v56  }
0x378: {  	v33 =	vld [tilespmem:$0x1F2D0];
	v48 =	vadd.s32 v48, v58  }
0x379: {  	v48 =	vadd.s32 v48, v61;
	v61 =	vld [tilespmem:$0x1F600]  }
0x37a: {  	v54 =	vadd.s32 v54, v60;
	v60 =	vld [tilespmem:$0x1F610]  }
0x37b: {  	[tilespmem:$0x1F660] =	vst v63;
	v63 =	vld [tilespmem:$0x8320]  }
0x37c: {  	v35 =	vld [tilespmem:$0x1F2F0]  }
0x37d: {  	v37 =	vld [tilespmem:$0x8050]  }
0x37e: {  	v39 =	vld [tilespmem:$0x1F320]  }
0x37f: {  	v56 =	vadd.s32 v61, v60;
	v61 =	vld [tilespmem:$0x1F620]  }
0x380: {  	[tilespmem:$0x1F680] =	vst v63;
	v63 =	vld [tilespmem:$0x83A0]  }
0x381: {  	v42 =	vld [tilespmem:$0x82D0]  }
0x382: {  	v44 =	vld [tilespmem:$0x8250]  }
0x383: {  	v60 =	vld [tilespmem:$0x1F630]  }
0x384: {  	v54 =	vadd.s32 v54, v61;
	v61 =	vld [tilespmem:$0x1F640]  }
0x385: {  	[tilespmem:$0x1F6A0] =	vst v63;
	v63 =	vld [tilespmem:$0x8820]  }
0x386: {  	v11 =	vadd.s32 v11, v33;
	v33 =	vld [tilespmem:$0x8A50]  }
0x387: {  	v11 =	vadd.s32 v11, v35;
	v35 =	vld [tilespmem:$0x8950]  }
0x388: {  	v56 =	vadd.s32 v56, v60;
	v60 =	vld [tilespmem:$0x1F650]  }
0x389: {  	v54 =	vadd.s32 v54, v61;
	v61 =	vld [tilespmem:$0x1F660]  }
0x38a: {  	[tilespmem:$0x1F6C0] =	vst v63;
	v63 =	vld [tilespmem:$0x88A0]  }
0x38b: {  	v11 =	vadd.s32 v11, v39;
	v39 =	vld [tilespmem:$0x83D0]  }
0x38c: {  	v38 =	vld [tilespmem:$0x8850]  }
0x38d: {  	v56 =	vadd.s32 v56, v60;
	v60 =	vld [tilespmem:$0x1F670]  }
0x38e: {  	v54 =	vadd.s32 v54, v61;
	v61 =	vld [tilespmem:$0x1F680]  }
0x38f: {  	[tilespmem:$0x1F6E0] =	vst v63;
	v63 =	vld [tilespmem:$0x8920]  }
0x390: {  	v36 =	vld [tilespmem:$0x88D0]  }
0x391: {  	v13 =	vadd.s32 v13, v34;
	v34 =	vld [tilespmem:$0x89D0]  }
0x392: {  	v56 =	vadd.s32 v56, v60;
	v60 =	vld [tilespmem:$0x1F690]  }
0x393: {  	v54 =	vadd.s32 v54, v61;
	v61 =	vld [tilespmem:$0x1F6A0]  }
0x394: {  	[tilespmem:$0x1F6F0] =	vst v63;
	v63 =	vld [tilespmem:$0x89A0]  }
0x395: {  	v50 =	vld [tilespmem:$0x80E0]  }
0x396: {  	v51 =	vld [tilespmem:$0x8160]  }
0x397: {  	v56 =	vadd.s32 v56, v60;
	v60 =	vld [tilespmem:$0x1F6B0]  }
0x398: {  	v54 =	vadd.s32 v54, v61;
	v61 =	vld [tilespmem:$0x1F6C0]  }
0x399: {  	[tilespmem:$0x1F710] =	vst v63;
	v63 =	vld [tilespmem:$0x8A20]  }
0x39a: {  	v30 =	vld [tilespmem:$0x8AD0]  }
0x39b: {  	v31 =	vld [tilespmem:$0x8B50]  }
0x39c: {  	v56 =	vadd.s32 v56, v60;
	v60 =	vld [tilespmem:$0x1F6D0]  }
0x39d: {  	v54 =	vadd.s32 v54, v61;
	v61 =	vld [tilespmem:$0x1F6E0]  }
0x39e: {  	[tilespmem:$0x1F730] =	vst v63;
	v63 =	vld [tilespmem:$0x8830]  }
0x39f: {  	v49 =	vld [tilespmem:$0x8060]  }
0x3a0: {  	v32 =	vld [tilespmem:$0x8BD0]  }
0x3a1: {  	v56 =	vadd.s32 v56, v60;
	v60 =	vld [tilespmem:$0x1F6F0]  }
0x3a2: {  	v54 =	vadd.s32 v54, v61;
	v61 =	vld [tilespmem:$0x1F700]  }
0x3a3: {  	v56 =	vadd.s32 v56, v63;
	v63 =	vld [tilespmem:$0x1F710]  }
0x3a4: {  	v52 =	vld [tilespmem:$0x81E0]  }
0x3a5: {  	v57 =	vld [tilespmem:$0x1F5A0]  }
0x3a6: {  	v54 =	vadd.s32 v54, v60;
	v60 =	vld [tilespmem:$0x1F720]  }
0x3a7: {  	v56 =	vadd.s32 v56, v61;
	v61 =	vld [tilespmem:$0x1F730]  }
0x3a8: {  	v54 =	vadd.s32 v54, v63;
	v63 =	vld [tilespmem:$0x1F740]  }
0x3a9: {  	v55 =	vld [tilespmem:$0x82E0]  }
0x3aa: {  	v53 =	vld [tilespmem:$0x8260]  }
0x3ab: {  	v56 =	vadd.s32 v56, v60;
	v60 =	vld [tilespmem:$0x1F750]  }
0x3ac: {  	v54 =	vadd.s32 v54, v61;
	v61 =	vld [tilespmem:$0x1F760]  }
0x3ad: {  	v54 =	vadd.s32 v54, v63;
	v63 =	vld [tilespmem:$0x1F780]  }
0x3ae: {  	v56 =	vadd.s32 v56, v62;
	v62 =	vld [tilespmem:$0x1F770]  }
0x3af: {  	v45 =	vadd.s32 v45, v57;
	v57 =	vld [tilespmem:$0x8360]  }
0x3b0: {  	v10 =	vadd.s32 v10, v27;
	v20 =	vadd.s32 v20, v25;
	v58 =	vld [tilespmem:$0x81F0];
	v56 =	vadd.s32 v56, v60  }
0x3b1: {  	v10 =	vadd.s32 v10, v28;
	v59 =	vadd.s32 v37, v43;
	v60 =	vld [tilespmem:$0x8270];
	v8 =	vadd.s32 v56, v8  }
0x3b2: {  	v56 =	vld [tilespmem:$0x88F0];
	v54 =	vadd.s32 v54, v61;
	v61 =	vadd.s32 v49, v50;
	v8 =	vadd.s32 v8, v63  }
0x3b3: {  	v54 =	vadd.s32 v54, v62;
	v62 =	vld [tilespmem:$0x82F0];
	v8 =	vadd.s32 v8, v12;
	v12 =	vadd.s32 v59, v46  }
0x3b4: {  	[tilespmem:$0x8C30] =	vst v4;
	v10 =	vadd.s32 v10, v29;
	v29 =	vadd.s32 v61, v51;
	v46 =	vld [tilespmem:$0x8370];
	v12 =	vadd.s32 v12, v47  }
0x3b5: {  	[tilespmem:$0x8C10] =	vst v9;
	v20 =	vadd.s32 v20, v26;
	v50 =	vld [tilespmem:$0x83F0];
	v49 =	vadd.s32 v29, v52;
	v47 =	vadd.s32 v12, v44  }
0x3b6: {  	[tilespmem:$0x8C20] =	vst v7;
	v52 =	vadd.s32 v20, v58;
	v51 =	vadd.s32 v49, v53;
	v53 =	vld [tilespmem:$0x8870];
	v7 =	vadd.s32 v47, v42  }
0x3b7: {  	[tilespmem:$0x8CC0] =	vst v10;
	v58 =	vld [tilespmem:$0x8970];
	v4 =	vadd.s32 v7, v40;
	v7 =	vadd.s32 v51, v55;
	v55 =	vadd.s32 v52, v60  }
0x3b8: {  	[tilespmem:$0x8C60] =	vst v11;
	v63 =	vld [tilespmem:$0x1F790];
	v4 =	vadd.s32 v4, v39;
	v7 =	vadd.s32 v7, v57;
	v9 =	vadd.s32 v55, v62  }
0x3b9: {  	[tilespmem:$0x8C40] =	vst v14;
	v59 =	vld [tilespmem:$0x89F0];
	v4 =	vadd.s32 v4, v38;
	v7 =	vadd.s32 v7, v15;
	v9 =	vadd.s32 v9, v46  }
0x3ba: {  	[tilespmem:$0x8C50] =	vst v13;
	v60 =	vld [tilespmem:$0x8A70];
	v4 =	vadd.s32 v4, v36;
	v7 =	vadd.s32 v7, v16;
	v9 =	vadd.s32 v9, v50  }
0x3bb: {  	[tilespmem:$0x8C70] =	vst v41;
	v61 =	vld [tilespmem:$0x8AF0];
	v4 =	vadd.s32 v4, v35;
	v7 =	vadd.s32 v7, v17;
	v9 =	vadd.s32 v9, v53  }
0x3bc: {  	[tilespmem:$0x8C80] =	vst v45;
	v62 =	vld [tilespmem:$0x8B70];
	v4 =	vadd.s32 v4, v34;
	v7 =	vadd.s32 v7, v18;
	v9 =	vadd.s32 v9, v56  }
0x3bd: {  	[tilespmem:$0x8C00] =	vst v63;
	v63 =	vld [tilespmem:$0x8BF0];
	v4 =	vadd.s32 v4, v33;
	v7 =	vadd.s32 v7, v19;
	v9 =	vadd.s32 v9, v58  }
0x3be: {  	[tilespmem:$0x8C90] =	vst v48;
	v4 =	vadd.s32 v4, v30;
	v7 =	vadd.s32 v7, v21;
	v9 =	vadd.s32 v9, v59  }
0x3bf: {  	[tilespmem:$0x8CB0] =	vst v8;
	v4 =	vadd.s32 v4, v31;
	v7 =	vadd.s32 v7, v22;
	v8 =	vadd.s32 v9, v60  }
0x3c0: {  	[tilespmem:$0x8CA0] =	vst v54;
	v4 =	vadd.s32 v4, v32;
	v7 =	vadd.s32 v7, v23;
	v8 =	vadd.s32 v8, v61  }
0x3c1: {  	[tilespmem:$0x8CD0] =	vst v4;
	v4 =	vadd.s32 v7, v24;
	v7 =	vadd.s32 v8, v62  }
0x3c2: {  	[tilespmem:$0x8CE0] =	vst v4;
	v4 =	vadd.s32 v7, v63  }
0x3c3: {  	[tilespmem:$0x8CF0] =	vst v4  }
0x3c4: {  	[spmem:s15] =	stream.linear.scatter [tilespmem:s26], [sflag:$0x1], $0x100, $0x38;
	[tilespmem:$0xAF00] =	vst v63  }
0x3c5: {  	_ =	swait.ge [sflag:s18], $0x100  }
0x3c6: {  	[sflag:s18] =	ssyncset.done $0x0  }
0x3c7: {  	[sflag:s18] =	ssyncadd.s32 $0xFFFFFF00  }
0x3c8: {  	[bflag:$0x0] =	sbarrier.arrive $0xFFFF  }
0x3c9: {  	[tilespmem:s28], [sflag:$0x1] =	stream.linear.gather [spmem:s3], $0x1000, $0x38;
	[tilespmem:$0xAF00] =	vst v63  }
0x3ca: {  	_ =	swait.ge [sflag:s18], $0x1000  }
0x3cb: {  	[sflag:s18] =	ssyncset.done $0x0  }
0x3cc: {  	s4 =	simm.s32 $0x0;
	s16 =	simm.s32 $0x0;
	[sflag:s18] =	ssyncadd.s32 $0xFFFFF000  }
.LBB2_19:
0x3cd: {  	s30 =	sshll.u32 s16, $0x4  }
0x3ce: {  	v4 =	vmov s30  }
0x3cf: {  	v4 =	vshll.u32 v4, $0x4  }
0x3d0: {  	v8 =	vor.u32 v3, v4;
	_ =	sdelay $0x3  }
0x3d1: {  	v7 =	vor.u32 $0x1, v8  }
0x3d2: {  	s31 =	simm.s32 $0x1;
	v4 =	vimm.s32 $0x0;
	v9 =	vadd.s32 s4, v7;
	v8 =	vld.idx.msk [tilespmem:v8+s28+$0x0], $0xffff  }
.LBB2_20:
0x3d3: {  	p1 =	sne.s32 s31, $0xF  }
.Ltmp8:
0x3d4: {  	_ = 	snop;
	(pc) =	sbr.rel @p1 .LBB2_20-.Ltmp8, $3  }
0x3d5: {  	_ =	sdelay $0x1  }
0x3d6: {  	s6 =	smov.u32 s31;
	s31 =	sadd.s32 $0x1, s31;
	v4 =	vadd.s32 v4, v8;
	v8 =	vld.idx.msk [tilespmem:v9+s28+$0x0], $0xffff  }
0x3d7: {  	v9 =	vadd.s32 s6, v7  }
0x3d8: {  	s16 =	sadd.s32 $0x1, s16  }
0x3d9: {  	p1 =	sne.s32 s16, $0x10  }
.Ltmp9:
0x3da: {  	_ = 	snop;
	(pc) =	sbr.rel @p1 .LBB2_19-.Ltmp9, $3  }
0x3db: {  	_ =	sdelay $0x1  }
0x3dc: {  	s6 =	sand.u32 $0x3FFFFFF0, s30;
	v4 =	vadd.s32 v4, v8  }
0x3dd: {  	[tilespmem:s6+$0x9D00] =	vst v4  }
0x3de: {  	s4 =	simm.s32 $0x0  }
0x3df: {  	v7 =	vor.u32 s4, v3;
	_ =	sdelay $0x4  }
0x3e0: {  	v4 =	vimm.s32 $0x0;
	s4 =	simm.s32 $0x1;
	v7 =	vld.idx.msk [tilespmem:v7+s29+$0x0], $0xffff  }
.LBB2_23:
0x3e1: {  	v8 =	vor.u32 s4, v3;
	p1 =	sne.s32 s4, $0xF;
	s4 =	sadd.s32 $0x1, s4  }
.Ltmp10:
0x3e2: {  	(pc) =	sbr.rel @p1 .LBB2_23-.Ltmp10, $2  }
0x3e3: {  	_ =	sdelay $0x2  }
0x3e4: {  	v4 =	vadd.s32 v4, v7;
	v7 =	vld.idx.msk [tilespmem:v8+s29+$0x0], $0xffff  }
0x3e5: {  	s1 =	sxor.u32 $0x80000000, s1  }
0x3e6: {  	p2 =	slt.s32 s1, $0xF  }
0x3e7: {  	p1 =	sgt.s32 s1, $0xF;
	s1 =	simm.s32 @!p2 $0xF  }
0x3e8: {  	v8 =	vmov s1  }
0x3e9: {  	vm0 =	veq.s32 v8, v0;
	v8 =	vld [tilespmem:$0x1F7A0];
	_ =	sdelay $0x4  }
0x3ea: {  	v8 =	vnsel vm0, $0x0, v8  }
0x3eb: {  	(xrf0) =	vadd.scan.msk.s32 $0xffff, v8;
	_ =	sdelay $0x5  }
0x3ec: {  	v8, _, _ =	vpop (xrf0)  }
0x3ed: {  	(v2sf) =	vpush v8, $0xF;
	_ =	sdelay $0x1  }
0x3ee: {  	v8 =	vld [tilespmem:$0x1FFF0];
	_ =	sdelay $0x3  }
0x3ef: {  	v4 =	vadd.s32 v4, v7  }
0x3f0: {  	v4 =	vperm.xlane v4, v8;
	_ =	sdelay $0x1  }
0x3f1: {  	(xrf0) =	vadd.scan.msk.s32 $0xffff, v4;
	_ =	sdelay $0x5  }
0x3f2: {  	v4, _, _ =	vpop (xrf0);
	s1 =	spop (v2sf)  }
0x3f3: {  	v4 =	vperm.xlane v4, v8;
	s1 =	smov.u32 @p1 s0  }
0x3f4: {  	s4 =	ssub.s32 $0x800, s1  }
0x3f5: {  	vm13 =	vge.s32 v4, s4  }
0x3f6: {  	v7 =	vmpcnt.ones.xlane vm13;
	_ =	sdelay $0x1  }
0x3f7: {  	v7 =	vxor.u32 $0x80000000, v7  }
0x3f8: {  	(xrf0) =	vmax.scan.msk.u32 $0xffff, v7;
	_ =	sdelay $0x5  }
0x3f9: {  	v7, _, _ =	vpop (xrf0)  }
0x3fa: {  	(v2sf) =	vpush v7, $0xF;
	_ =	sdelay $0xe  }
0x3fb: {  	s31 =	spop (v2sf)  }
0x3fc: {  	s1 =	sxor.u32 $0x80000000, s31  }
0x3fd: {  	p1 =	slt.s32 s1, $0xF  }
0x3fe: {  	s1 =	simm.s32 @!p1 $0xF  }
0x3ff: {  	v7 =	vmov s1  }
0x400: {  	vm14 =	veq.s32 v7, v0  }
0x401: {  	v4 =	vnsel vm14, $0x0, v4  }
0x402: {  	(xrf0) =	vadd.scan.msk.s32 $0xffff, v4;
	_ =	sdelay $0x5  }
0x403: {  	s0 =	sadd.s32 $0x7FFFFFFF, s31;
	v4, _, _ =	vpop (xrf0)  }
0x404: {  	s16 =	sshll.u32 s0, $0x4;
	(v2sf) =	vpush v4, $0xF  }
0x405: {  	v4 =	vld [tilespmem:s16+$0x9D00];
	_ =	sdelay $0x4  }
0x406: {  	v4 =	vperm.xlane v4, v8;
	_ =	sdelay $0x1  }
0x407: {  	(xrf0) =	vadd.scan.msk.s32 $0xffff, v4;
	_ =	sdelay $0x5  }
0x408: {  	v4, _, _ =	vpop (xrf0)  }
0x409: {  	p1 =	sgt.s32 s0, $0xE;
	v4 =	vperm.xlane v4, v8;
	s0 =	spop (v2sf)  }
0x40a: {  	s0 =	simm.s32 @p1 $0x0  }
0x40b: {  	v4 =	vadd.s32 s0, v4  }
0x40c: {  	[tilespmem:$0x1EF50] =	vst v4;
	vm15 =	vge.s32 v4, s4  }
0x40d: {  	s6 =	simm.s32 $0x0;
	s1 =	simm.s32 $0x40;
	v4 =	vmpcnt.ones.xlane vm15;
	[bflag:$0x0] =	sbarrier.arrive $0xFFFF  }
.LBB2_25:
0x40e: {  	p1 =	seq.s32 s1, $0x3FC0;
	[tilespmem:s6+$0x6C00] =	vst v1;
	s6 =	smov.u32 s1;
	s1 =	sadd.s32 $0x40, s1  }
.Ltmp11:
0x40f: {  	(pc) =	sbr.rel @!p1 .LBB2_25-.Ltmp11, $2  }
0x410: {  	_ =	sdelay $0x2  }
0x411: {  	s6 =	sshra.s32 s6, $0x2  }
0x412: {  	v4 =	vxor.u32 $0x80000000, v4  }
0x413: {  	(xrf0) =	vmax.scan.msk.u32 $0xffff, v4;
	_ =	sdelay $0x5  }
0x414: {  	v4, _, _ =	vpop (xrf0)  }
0x415: {  	(v2sf) =	vpush v4, $0xF;
	_ =	sdelay $0xe  }
0x416: {  	s1 =	spop (v2sf)  }
0x417: {  	s31 =	sadd.s32 s1, s16  }
0x418: {  	[tilespmem:s6+$0x6C00] =	vst v1;
	s9 =	sshll.u32 s9, $0x8;
	s6 =	sadd.s32 $0x7FFFFFFF, s31  }
0x419: {  	s16 =	sor.u32 s9, s6  }
0x41a: {  	s6 =	simm.s32 $0x0;
	s9 =	simm.s32 $0x40;
	v4 =	vmov s16  }
.LBB2_27:
0x41b: {  	p1 =	sne.s32 s9, $0x8FC0;
	v7 =	vld [tilespmem:s6+$0x2400];
	_ =	sdelay $0x4  }
0x41c: {  	v8 =	vshrl.u32 v7, $0x4  }
0x41d: {  	v8 =	vand.u32 $0xFF0, v8  }
0x41e: {  	v8 =	vor.u32 v0, v8  }
.Ltmp12:
0x41f: {  	(pc) =	sbr.rel @p1 .LBB2_27-.Ltmp12, $4  }
0x420: {  	v7 =	vshrl.u32 v7, $0x10  }
0x421: {  	vm0 =	veq.s32 v7, v4  }
0x422: {  	v7 =	vsel vm0, $0x1, v1  }
0x423: {  	s6 =	sshra.s32 s9, $0x2;
	s9 =	sadd.s32 $0x40, s9;
	[tilespmem:v8+s21+$0x0] =	vst.idx.add.s32.msk $0xffff, v7  }
0x424: {  	v7 =	vld [tilespmem:s6+$0x2400];
	_ =	sdelay $0x4  }
0x425: {  	v8 =	vshrl.u32 v7, $0x4  }
0x426: {  	v8 =	vand.u32 $0xFF0, v8  }
0x427: {  	v8 =	vor.u32 v0, v8;
	_ =	sdelay $0x1  }
0x428: {  	v7 =	vshrl.u32 v7, $0x10  }
0x429: {  	vm0 =	veq.s32 v7, v4  }
0x42a: {  	v4 =	vsel vm0, $0x1, v1  }
0x42b: {  	[tilespmem:v8+s21+$0x0] =	vst.idx.add.s32.msk $0xffff, v4  }
0x42c: {  	[spmem:s13] =	stream.strided.scatter [tilespmem:s21], [sflag:$0x1], $0x1000, s22, s19, $0x38;
	[tilespmem:$0xAF00] =	vst v63  }
0x42d: {  	_ =	swait.ge [sflag:s18], $0x1000  }
0x42e: {  	[sflag:s18] =	ssyncset.done $0x0  }
0x42f: {  	[sflag:s18] =	ssyncadd.s32 $0xFFFFF000  }
0x430: {  	[bflag:$0x0] =	sbarrier.arrive $0xFFFF  }
0x431: {  	[tilespmem:s25], [sflag:$0x1] =	stream.strided.gather [spmem:s14], $0x1000, s24, s23, $0x38;
	[tilespmem:$0xAF00] =	vst v63  }
0x432: {  	_ =	swait.ge [sflag:s18], $0x1000  }
0x433: {  	[sflag:s18] =	ssyncset.done $0x0  }
0x434: {  	[sflag:s18] =	ssyncadd.s32 $0xFFFFF000  }
0x435: {  	v4 =	vld [tilespmem:$0x7E90];
	_ =	sdelay $0x4  }
0x436: {  	[tilespmem:$0x1E710] =	vst v4;
	v4 =	vld [tilespmem:$0x7F10];
	_ =	sdelay $0x4  }
0x437: {  	[tilespmem:$0x1E720] =	vst v4;
	v4 =	vld [tilespmem:$0x7F90];
	_ =	sdelay $0x4  }
0x438: {  	[tilespmem:$0x1E730] =	vst v4;
	v4 =	vld [tilespmem:$0x8410];
	_ =	sdelay $0x4  }
0x439: {  	[tilespmem:$0x1E740] =	vst v4;
	v4 =	vld [tilespmem:$0x8490];
	_ =	sdelay $0x4  }
0x43a: {  	[tilespmem:$0x1E750] =	vst v4;
	v4 =	vld [tilespmem:$0x8510];
	_ =	sdelay $0x4  }
0x43b: {  	[tilespmem:$0x1E770] =	vst v4;
	v4 =	vld [tilespmem:$0x8590]  }
0x43c: {  	v18 =	vld [tilespmem:$0x7C00]  }
0x43d: {  	v15 =	vld [tilespmem:$0x7C80]  }
0x43e: {  	v19 =	vld [tilespmem:$0x7D00]  }
0x43f: {  	v21 =	vld [tilespmem:$0x7D80]  }
0x440: {  	[tilespmem:$0x1E790] =	vst v4;
	v4 =	vld [tilespmem:$0x8610]  }
0x441: {  	v23 =	vld [tilespmem:$0x7E00]  }
0x442: {  	v24 =	vld [tilespmem:$0x7E80]  }
0x443: {  	v27 =	vld [tilespmem:$0x7F00]  }
0x444: {  	v29 =	vld [tilespmem:$0x7F80]  }
0x445: {  	[tilespmem:$0x1E7B0] =	vst v4;
	v4 =	vld [tilespmem:$0x8690]  }
0x446: {  	v30 =	vld [tilespmem:$0x8400]  }
0x447: {  	v33 =	vld [tilespmem:$0x8480]  }
0x448: {  	v35 =	vld [tilespmem:$0x8500]  }
0x449: {  	v36 =	vld [tilespmem:$0x8580]  }
0x44a: {  	[tilespmem:$0x1E7D0] =	vst v4;
	v4 =	vld [tilespmem:$0x8710]  }
0x44b: {  	v42 =	vld [tilespmem:$0x8600]  }
0x44c: {  	v46 =	vld [tilespmem:$0x8680]  }
0x44d: {  	v50 =	vld [tilespmem:$0x8700]  }
0x44e: {  	v56 =	vld [tilespmem:$0x8780]  }
0x44f: {  	[tilespmem:$0x1E7F0] =	vst v4;
	v4 =	vld [tilespmem:$0x8790]  }
0x450: {  	v47 =	vld [tilespmem:$0x7C10]  }
0x451: {  	v43 =	vld [tilespmem:$0x7C90]  }
0x452: {  	v51 =	vld [tilespmem:$0x7D10]  }
0x453: {  	v55 =	vld [tilespmem:$0x7D90]  }
0x454: {  	v62 =	vld [tilespmem:$0x7E10];
	[tilespmem:$0x1E820] =	vst v4  }
0x455: {  	v16 =	vld [tilespmem:$0x7C20]  }
0x456: {  	v12 =	vld [tilespmem:$0x7CA0]  }
0x457: {  	v17 =	vld [tilespmem:$0x7D20]  }
0x458: {  	v25 =	vld [tilespmem:$0x7DA0]  }
0x459: {  	v31 =	vld [tilespmem:$0x7E20]  }
0x45a: {  	v37 =	vld [tilespmem:$0x7EA0]  }
0x45b: {  	v48 =	vld [tilespmem:$0x7F20]  }
0x45c: {  	v58 =	vld [tilespmem:$0x7FA0]  }
0x45d: {  	v4 =	vld [tilespmem:$0x8420]  }
0x45e: {  	v7 =	vld [tilespmem:$0x7C30]  }
0x45f: {  	v8 =	vld [tilespmem:$0x7D30]  }
0x460: {  	v9 =	vld [tilespmem:$0x7DB0]  }
0x461: {  	v10 =	vld [tilespmem:$0x7E30]  }
0x462: {  	v13 =	vld [tilespmem:$0x7EB0]  }
0x463: {  	v22 =	vld [tilespmem:$0x7F30]  }
0x464: {  	v28 =	vld [tilespmem:$0x7FB0]  }
0x465: {  	v34 =	vld [tilespmem:$0x8430]  }
0x466: {  	v38 =	vld [tilespmem:$0x84B0]  }
0x467: {  	v54 =	vld [tilespmem:$0x8530]  }
0x468: {  	v60 =	vld [tilespmem:$0x85B0]  }
0x469: {  	v11 =	vld [tilespmem:$0x8630]  }
0x46a: {  	v40 =	vld [tilespmem:$0x86B0]  }
0x46b: {  	v41 =	vld [tilespmem:$0x8730]  }
0x46c: {  	v44 =	vld [tilespmem:$0x87B0]  }
0x46d: {  	v45 =	vld [tilespmem:$0x7C40]  }
0x46e: {  	v49 =	vld [tilespmem:$0x7CC0]  }
0x46f: {  	v52 =	vld [tilespmem:$0x7D40]  }
0x470: {  	v53 =	vld [tilespmem:$0x7DC0]  }
0x471: {  	v57 =	vld [tilespmem:$0x7E40]  }
0x472: {  	v59 =	vld [tilespmem:$0x7EC0]  }
0x473: {  	v61 =	vld [tilespmem:$0x7F40]  }
0x474: {  	v63 =	vld [tilespmem:$0x7FC0]  }
0x475: {  	v14 =	vld [tilespmem:$0x8440]  }
0x476: {  	v20 =	vld [tilespmem:$0x84C0]  }
0x477: {  	v15 =	vadd.s32 v18, v15;
	v26 =	vld [tilespmem:$0x8540]  }
0x478: {  	v15 =	vadd.s32 v15, v19;
	v32 =	vld [tilespmem:$0x85C0]  }
0x479: {  	v15 =	vadd.s32 v15, v21;
	v39 =	vld [tilespmem:$0x8640]  }
0x47a: {  	v15 =	vadd.s32 v15, v23;
	v21 =	vld [tilespmem:$0x8AA0]  }
0x47b: {  	v15 =	vadd.s32 v15, v24;
	v23 =	vld [tilespmem:$0x8B20]  }
0x47c: {  	v15 =	vadd.s32 v15, v27;
	v24 =	vld [tilespmem:$0x8BA0]  }
0x47d: {  	v15 =	vadd.s32 v15, v29;
	v27 =	vld [tilespmem:$0x8030]  }
0x47e: {  	v15 =	vadd.s32 v15, v30;
	v29 =	vld [tilespmem:$0x80B0]  }
0x47f: {  	v15 =	vadd.s32 v15, v33;
	v30 =	vld [tilespmem:$0x8130]  }
0x480: {  	v15 =	vadd.s32 v15, v35;
	v33 =	vld [tilespmem:$0x81B0]  }
0x481: {  	v15 =	vadd.s32 v15, v36;
	v35 =	vld [tilespmem:$0x8230]  }
0x482: {  	v15 =	vadd.s32 v15, v42;
	v36 =	vld [tilespmem:$0x82B0]  }
0x483: {  	v15 =	vadd.s32 v15, v46;
	v42 =	vld [tilespmem:$0x8330]  }
0x484: {  	v15 =	vadd.s32 v15, v50;
	v46 =	vld [tilespmem:$0x83B0]  }
0x485: {  	v15 =	vadd.s32 v15, v56;
	v56 =	vld [tilespmem:$0x88B0]  }
0x486: {  	v18 =	vld [tilespmem:$0x8A30]  }
0x487: {  	v19 =	vld [tilespmem:$0x1E720]  }
0x488: {  	v50 =	vadd.s32 v47, v43;
	v47 =	vld [tilespmem:$0x1E820]  }
0x489: {  	[tilespmem:$0x1E760] =	vst v4;
	v4 =	vld [tilespmem:$0x84A0]  }
0x48a: {  	[tilespmem:$0x1E840] =	vst v40;
	v40 =	vld [tilespmem:$0x86C0]  }
0x48b: {  	[tilespmem:$0x1E860] =	vst v41;
	v41 =	vld [tilespmem:$0x8740]  }
0x48c: {  	[tilespmem:$0x1E890] =	vst v44;
	v44 =	vld [tilespmem:$0x87C0]  }
0x48d: {  	[tilespmem:$0x1E9D0] =	vst v39;
	v39 =	vld [tilespmem:$0x7CD0]  }
0x48e: {  	[tilespmem:$0x1E880] =	vst v49;
	v49 =	vld [tilespmem:$0x7D50]  }
0x48f: {  	[tilespmem:$0x1E8C0] =	vst v57;
	v57 =	vld [tilespmem:$0x7DD0]  }
0x490: {  	[tilespmem:$0x1E870] =	vst v45;
	v45 =	vld [tilespmem:$0x7E50]  }
0x491: {  	[tilespmem:$0x1E8A0] =	vst v52;
	v52 =	vld [tilespmem:$0x7ED0]  }
0x492: {  	[tilespmem:$0x1E8B0] =	vst v53;
	v53 =	vld [tilespmem:$0x7F50]  }
0x493: {  	[tilespmem:$0x1E8D0] =	vst v59;
	v59 =	vld [tilespmem:$0x7FD0]  }
0x494: {  	[tilespmem:$0x1E8F0] =	vst v61;
	v61 =	vld [tilespmem:$0x8450]  }
0x495: {  	[tilespmem:$0x1E910] =	vst v63;
	v63 =	vld [tilespmem:$0x84D0]  }
0x496: {  	[tilespmem:$0x1E930] =	vst v14;
	v14 =	vld [tilespmem:$0x8550]  }
0x497: {  	[tilespmem:$0x1E950] =	vst v20;
	v20 =	vld [tilespmem:$0x85D0]  }
0x498: {  	[tilespmem:$0x1E970] =	vst v26;
	v26 =	vld [tilespmem:$0x8650]  }
0x499: {  	[tilespmem:$0x1E9A0] =	vst v32;
	v32 =	vld [tilespmem:$0x86D0]  }
0x49a: {  	[tilespmem:$0x1E810] =	vst v11;
	v11 =	vld [tilespmem:$0x7CE0]  }
0x49b: {  	[tilespmem:$0x1EF10] =	vst v23;
	v23 =	vld [tilespmem:$0x1E730]  }
0x49c: {  	[tilespmem:$0x1EF20] =	vst v24;
	v24 =	vld [tilespmem:$0x8B30]  }
0x49d: {  	[tilespmem:$0x1EDB0] =	vst v27;
	v27 =	vld [tilespmem:$0x1E750]  }
0x49e: {  	[tilespmem:$0x1EDE0] =	vst v30;
	v30 =	vld [tilespmem:$0x1E770]  }
0x49f: {  	[tilespmem:$0x1EE00] =	vst v33;
	v33 =	vld [tilespmem:$0x1E790]  }
0x4a0: {  	v12 =	vadd.s32 v16, v12;
	v16 =	vld [tilespmem:$0x8140]  }
0x4a1: {  	[tilespmem:$0x1EE20] =	vst v35;
	v35 =	vld [tilespmem:$0x1E7B0]  }
0x4a2: {  	[tilespmem:$0x1EF00] =	vst v18;
	v18 =	vld [tilespmem:$0x8240]  }
0x4a3: {  	[tilespmem:$0x1EE60] =	vst v42;
	v42 =	vld [tilespmem:$0x1E7F0]  }
0x4a4: {  	[tilespmem:$0x1EDC0] =	vst v29;
	v29 =	vld [tilespmem:$0x1E760]  }
0x4a5: {  	v12 =	vadd.s32 v12, v17;
	v17 =	vld [tilespmem:$0x81C0]  }
0x4a6: {  	v51 =	vadd.s32 v50, v51;
	[tilespmem:$0x1EE80] =	vst v46;
	v46 =	vld [tilespmem:$0x1E810]  }
0x4a7: {  	[tilespmem:$0x1EF40] =	vst v15;
	v15 =	vadd.s32 v51, v55;
	v51 =	vld [tilespmem:$0x1E860]  }
0x4a8: {  	v55 =	vld [tilespmem:$0x1E880]  }
0x4a9: {  	[tilespmem:$0x1EEB0] =	vst v56;
	v56 =	vld [tilespmem:$0x1E890]  }
0x4aa: {  	v12 =	vadd.s32 v12, v25;
	v25 =	vld [tilespmem:$0x1E740]  }
0x4ab: {  	[tilespmem:$0x1E780] =	vst v4;
	v4 =	vld [tilespmem:$0x8520]  }
0x4ac: {  	[tilespmem:$0x1EA60] =	vst v44;
	v44 =	vld [tilespmem:$0x7C50]  }
0x4ad: {  	[tilespmem:$0x1EA00] =	vst v40;
	v40 =	vld [tilespmem:$0x8750]  }
0x4ae: {  	[tilespmem:$0x1EA30] =	vst v41;
	v41 =	vld [tilespmem:$0x87D0]  }
0x4af: {  	[tilespmem:$0x1E9B0] =	vst v14;
	v14 =	vld [tilespmem:$0x7C60]  }
0x4b0: {  	[tilespmem:$0x1E9E0] =	vst v20;
	v20 =	vld [tilespmem:$0x7D60]  }
0x4b1: {  	[tilespmem:$0x1EA10] =	vst v26;
	v26 =	vld [tilespmem:$0x7DE0]  }
0x4b2: {  	[tilespmem:$0x1EA40] =	vst v32;
	v32 =	vld [tilespmem:$0x7E60]  }
0x4b3: {  	[tilespmem:$0x1E900] =	vst v52;
	v52 =	vld [tilespmem:$0x7F60]  }
0x4b4: {  	[tilespmem:$0x1E960] =	vst v61;
	v61 =	vld [tilespmem:$0x7FE0]  }
0x4b5: {  	[tilespmem:$0x1E8E0] =	vst v45;
	v45 =	vld [tilespmem:$0x84E0]  }
0x4b6: {  	[tilespmem:$0x1E920] =	vst v53;
	v53 =	vld [tilespmem:$0x8560]  }
0x4b7: {  	[tilespmem:$0x1E940] =	vst v59;
	v59 =	vld [tilespmem:$0x85E0]  }
0x4b8: {  	[tilespmem:$0x1E980] =	vst v63;
	v63 =	vld [tilespmem:$0x8660]  }
0x4b9: {  	[tilespmem:$0x1EF30] =	vst v24;
	v24 =	vld [tilespmem:$0x88C0]  }
0x4ba: {  	[tilespmem:$0x1E7A0] =	vst v4;
	v4 =	vld [tilespmem:$0x85A0]  }
0x4bb: {  	[tilespmem:$0x1EA70] =	vst v40;
	v40 =	vld [tilespmem:$0x7EE0]  }
0x4bc: {  	[tilespmem:$0x1EA90] =	vst v41;
	v41 =	vld [tilespmem:$0x8460]  }
0x4bd: {  	[tilespmem:$0x1E9C0] =	vst v45;
	v45 =	vld [tilespmem:$0x86E0]  }
0x4be: {  	[tilespmem:$0x1E9F0] =	vst v53;
	v53 =	vld [tilespmem:$0x8760]  }
0x4bf: {  	[tilespmem:$0x1EA20] =	vst v59;
	v59 =	vld [tilespmem:$0x87E0]  }
0x4c0: {  	[tilespmem:$0x1EA50] =	vst v63;
	v63 =	vld [tilespmem:$0x7C70];
	v11 =	vadd.s32 v14, v11  }
0x4c1: {  	v11 =	vadd.s32 v11, v20;
	v20 =	vld [tilespmem:$0x8940]  }
0x4c2: {  	v11 =	vadd.s32 v11, v26;
	v26 =	vld [tilespmem:$0x8A40]  }
0x4c3: {  	v11 =	vadd.s32 v11, v32;
	v32 =	vld [tilespmem:$0x1EA70]  }
0x4c4: {  	[tilespmem:$0x1E7C0] =	vst v4;
	v4 =	vld [tilespmem:$0x8620]  }
0x4c5: {  	[tilespmem:$0x1EA80] =	vst v45;
	v45 =	vld [tilespmem:$0x7CF0]  }
0x4c6: {  	[tilespmem:$0x1EAA0] =	vst v53;
	v53 =	vld [tilespmem:$0x7D70]  }
0x4c7: {  	[tilespmem:$0x1EAD0] =	vst v59;
	v59 =	vld [tilespmem:$0x7DF0]  }
0x4c8: {  	[tilespmem:$0x1EAB0] =	vst v63;
	v63 =	vld [tilespmem:$0x7E70]  }
0x4c9: {  	[tilespmem:$0x1E990] =	vst v41;
	v41 =	vld [tilespmem:$0x8090]  }
0x4ca: {  	v11 =	vadd.s32 v11, v40;
	v40 =	vld [tilespmem:$0x1E940]  }
0x4cb: {  	[tilespmem:$0x1EE40] =	vst v36;
	v36 =	vld [tilespmem:$0x1E7C0]  }
0x4cc: {  	v11 =	vadd.s32 v11, v52;
	v52 =	vld [tilespmem:$0x1E9E0]  }
0x4cd: {  	v11 =	vadd.s32 v11, v61;
	v61 =	vld [tilespmem:$0x1EA50]  }
0x4ce: {  	[tilespmem:$0x1E7E0] =	vst v4;
	v4 =	vld [tilespmem:$0x86A0]  }
0x4cf: {  	[tilespmem:$0x1EAC0] =	vst v45;
	v45 =	vld [tilespmem:$0x7EF0]  }
0x4d0: {  	[tilespmem:$0x1EAE0] =	vst v53;
	v53 =	vld [tilespmem:$0x7F70]  }
0x4d1: {  	[tilespmem:$0x1EB10] =	vst v59;
	v59 =	vld [tilespmem:$0x7FF0]  }
0x4d2: {  	[tilespmem:$0x1EB30] =	vst v63;
	v63 =	vld [tilespmem:$0x8470]  }
0x4d3: {  	[tilespmem:$0x1E800] =	vst v4;
	v4 =	vld [tilespmem:$0x8720]  }
0x4d4: {  	[tilespmem:$0x1EB50] =	vst v45;
	v45 =	vld [tilespmem:$0x84F0]  }
0x4d5: {  	[tilespmem:$0x1EB70] =	vst v53;
	v53 =	vld [tilespmem:$0x8570]  }
0x4d6: {  	[tilespmem:$0x1EBA0] =	vst v59;
	v59 =	vld [tilespmem:$0x85F0]  }
0x4d7: {  	[tilespmem:$0x1EBD0] =	vst v63;
	v63 =	vld [tilespmem:$0x8670]  }
0x4d8: {  	v43 =	vld [tilespmem:$0x1E800]  }
0x4d9: {  	[tilespmem:$0x1E830] =	vst v4;
	v4 =	vld [tilespmem:$0x87A0]  }
0x4da: {  	[tilespmem:$0x1EC00] =	vst v45;
	v45 =	vld [tilespmem:$0x86F0]  }
0x4db: {  	[tilespmem:$0x1EC30] =	vst v53;
	v53 =	vld [tilespmem:$0x8770]  }
0x4dc: {  	[tilespmem:$0x1EC60] =	vst v59;
	v59 =	vld [tilespmem:$0x87F0]  }
0x4dd: {  	[tilespmem:$0x1EC90] =	vst v63;
	v63 =	vld [tilespmem:$0x8000]  }
0x4de: {  	[tilespmem:$0x1E850] =	vst v4;
	v4 =	vld [tilespmem:$0x7CB0]  }
0x4df: {  	[tilespmem:$0x1ECC0] =	vst v45;
	v45 =	vld [tilespmem:$0x8080]  }
0x4e0: {  	[tilespmem:$0x1ECF0] =	vst v53;
	v53 =	vld [tilespmem:$0x8100]  }
0x4e1: {  	[tilespmem:$0x1ED20] =	vst v59;
	v59 =	vld [tilespmem:$0x8180]  }
0x4e2: {  	[tilespmem:$0x1EAF0] =	vst v63;
	v63 =	vld [tilespmem:$0x8200]  }
0x4e3: {  	v50 =	vld [tilespmem:$0x1E850]  }
0x4e4: {  	[tilespmem:$0x1EB00] =	vst v45;
	v45 =	vld [tilespmem:$0x8280]  }
0x4e5: {  	[tilespmem:$0x1EB20] =	vst v53;
	v53 =	vld [tilespmem:$0x8300]  }
0x4e6: {  	[tilespmem:$0x1EB40] =	vst v59;
	v59 =	vld [tilespmem:$0x8380]  }
0x4e7: {  	[tilespmem:$0x1EB60] =	vst v63;
	v63 =	vld [tilespmem:$0x8800];
	v4 =	vadd.s32 v7, v4  }
0x4e8: {  	v7 =	vld [tilespmem:$0x8930];
	v4 =	vadd.s32 v4, v8  }
0x4e9: {  	v8 =	vld [tilespmem:$0x1E710];
	v4 =	vadd.s32 v4, v9  }
0x4ea: {  	v4 =	vadd.s32 v4, v10;
	v10 =	vld [tilespmem:$0x8040]  }
0x4eb: {  	[tilespmem:$0x1EB80] =	vst v45;
	v45 =	vld [tilespmem:$0x8880]  }
0x4ec: {  	[tilespmem:$0x1EBB0] =	vst v53;
	v53 =	vld [tilespmem:$0x8900]  }
0x4ed: {  	[tilespmem:$0x1EBE0] =	vst v59;
	v59 =	vld [tilespmem:$0x8980]  }
0x4ee: {  	[tilespmem:$0x1EC10] =	vst v63;
	v63 =	vld [tilespmem:$0x8A00]  }
0x4ef: {  	[tilespmem:$0x1EED0] =	vst v7;
	v7 =	vadd.s32 v15, v62;
	v62 =	vld [tilespmem:$0x89B0]  }
0x4f0: {  	v4 =	vadd.s32 v4, v13;
	v15 =	vld [tilespmem:$0x80C0]  }
0x4f1: {  	v4 =	vadd.s32 v4, v22;
	v22 =	vld [tilespmem:$0x83C0]  }
0x4f2: {  	v7 =	vadd.s32 v7, v8;
	v8 =	vadd.s32 v12, v31;
	v12 =	vld [tilespmem:$0x8BB0]  }
0x4f3: {  	v31 =	vld [tilespmem:$0x1E780]  }
0x4f4: {  	v4 =	vadd.s32 v4, v28;
	v28 =	vld [tilespmem:$0x1E8B0]  }
0x4f5: {  	[tilespmem:$0x1EEF0] =	vst v21;
	v21 =	vadd.s32 v8, v37;
	v8 =	vld [tilespmem:$0x8AB0]  }
0x4f6: {  	v4 =	vadd.s32 v4, v34;
	v34 =	vld [tilespmem:$0x1E7A0]  }
0x4f7: {  	v37 =	vld [tilespmem:$0x1E7D0]  }
0x4f8: {  	v7 =	vadd.s32 v7, v19;
	v19 =	vld [tilespmem:$0x82C0]  }
0x4f9: {  	v4 =	vadd.s32 v4, v38;
	v38 =	vld [tilespmem:$0x1E7E0]  }
0x4fa: {  	v9 =	vadd.s32 v21, v48;
	v48 =	vld [tilespmem:$0x1E840]  }
0x4fb: {  	v21 =	vld [tilespmem:$0x8340]  }
0x4fc: {  	v7 =	vadd.s32 v7, v23;
	v23 =	vld [tilespmem:$0x8840]  }
0x4fd: {  	v4 =	vadd.s32 v4, v54;
	v54 =	vld [tilespmem:$0x1E870]  }
0x4fe: {  	v9 =	vadd.s32 v9, v58;
	v58 =	vld [tilespmem:$0x1E8A0]  }
0x4ff: {  	v7 =	vadd.s32 v7, v25;
	v25 =	vld [tilespmem:$0x89C0]  }
0x500: {  	[tilespmem:$0x1EC40] =	vst v45;
	v45 =	vld [tilespmem:$0x8A80]  }
0x501: {  	[tilespmem:$0x1EC70] =	vst v53;
	v53 =	vld [tilespmem:$0x8B00]  }
0x502: {  	[tilespmem:$0x1ECA0] =	vst v59;
	v59 =	vld [tilespmem:$0x8B80]  }
0x503: {  	[tilespmem:$0x1ECD0] =	vst v63;
	v63 =	vld [tilespmem:$0x8210]  }
0x504: {  	v7 =	vadd.s32 v7, v27;
	v27 =	vld [tilespmem:$0x8AC0]  }
0x505: {  	v4 =	vadd.s32 v4, v60;
	v60 =	vadd.s32 v44, v39;
	v39 =	vld [tilespmem:$0x1E930]  }
0x506: {  	v44 =	vld [tilespmem:$0x1E970]  }
0x507: {  	v10 =	vadd.s32 v10, v15;
	v15 =	vld [tilespmem:$0x83E0]  }
0x508: {  	v7 =	vadd.s32 v7, v30;
	v30 =	vld [tilespmem:$0x1E8C0]  }
0x509: {  	v4 =	vadd.s32 v4, v46;
	v46 =	vld [tilespmem:$0x1E980]  }
0x50a: {  	v9 =	vadd.s32 v9, v29;
	v29 =	vadd.s32 v60, v49;
	v49 =	vld [tilespmem:$0x1E9B0]  }
0x50b: {  	v60 =	vld [tilespmem:$0x1EA40]  }
0x50c: {  	v10 =	vadd.s32 v10, v16;
	v16 =	vld [tilespmem:$0x8860]  }
0x50d: {  	v9 =	vadd.s32 v9, v31;
	v7 =	vadd.s32 v7, v33;
	v33 =	vld [tilespmem:$0x1E8D0]  }
0x50e: {  	v9 =	vadd.s32 v9, v34;
	v34 =	vld [tilespmem:$0x1E8E0]  }
0x50f: {  	v31 =	vadd.s32 v29, v57;
	v29 =	vld [tilespmem:$0x8BC0]  }
0x510: {  	v57 =	vld [tilespmem:$0x1EA20]  }
0x511: {  	v10 =	vadd.s32 v10, v17;
	v17 =	vld [tilespmem:$0x88E0]  }
0x512: {  	v7 =	vadd.s32 v7, v35;
	v35 =	vld [tilespmem:$0x1E8F0]  }
0x513: {  	v9 =	vadd.s32 v9, v36;
	v36 =	vld [tilespmem:$0x1E900]  }
0x514: {  	v4 =	vadd.s32 v4, v48;
	v48 =	vld [tilespmem:$0x1E9A0]  }
0x515: {  	v10 =	vadd.s32 v10, v18;
	v18 =	vld [tilespmem:$0x8960]  }
0x516: {  	v7 =	vadd.s32 v7, v37;
	v37 =	vld [tilespmem:$0x1E910]  }
0x517: {  	v9 =	vadd.s32 v9, v38;
	v38 =	vld [tilespmem:$0x1E920]  }
0x518: {  	v4 =	vadd.s32 v4, v51;
	v51 =	vld [tilespmem:$0x1E9D0]  }
0x519: {  	v10 =	vadd.s32 v10, v19;
	v19 =	vld [tilespmem:$0x89E0]  }
0x51a: {  	[tilespmem:$0x1ED00] =	vst v45;
	v45 =	vld [tilespmem:$0x8010]  }
0x51b: {  	[tilespmem:$0x1ED30] =	vst v53;
	v53 =	vld [tilespmem:$0x8110]  }
0x51c: {  	[tilespmem:$0x1ED50] =	vst v59;
	v59 =	vld [tilespmem:$0x8190]  }
0x51d: {  	[tilespmem:$0x1EB90] =	vst v63;
	v63 =	vld [tilespmem:$0x8290]  }
0x51e: {  	v7 =	vadd.s32 v7, v42;
	v42 =	vld [tilespmem:$0x1E950]  }
0x51f: {  	v13 =	vadd.s32 v9, v43;
	v43 =	vld [tilespmem:$0x1E960]  }
0x520: {  	v4 =	vadd.s32 v4, v56;
	v56 =	vld [tilespmem:$0x1EA10]  }
0x521: {  	v10 =	vadd.s32 v10, v21;
	v21 =	vld [tilespmem:$0x8A60]  }
0x522: {  	v9 =	vadd.s32 v7, v47;
	v7 =	vld [tilespmem:$0x1E830]  }
0x523: {  	v47 =	vld [tilespmem:$0x1E990]  }
0x524: {  	v10 =	vadd.s32 v10, v22;
	v22 =	vld [tilespmem:$0x8AE0]  }
0x525: {  	v14 =	vadd.s32 v31, v34;
	v31 =	vld [tilespmem:$0x1EA60]  }
0x526: {  	[tilespmem:$0x1EBC0] =	vst v63;
	v63 =	vld [tilespmem:$0x8310]  }
0x527: {  	v34 =	vld [tilespmem:$0x1EA90]  }
0x528: {  	v10 =	vadd.s32 v10, v23;
	v23 =	vld [tilespmem:$0x8B60]  }
0x529: {  	v14 =	vadd.s32 v14, v36;
	v36 =	vld [tilespmem:$0x1EAB0]  }
0x52a: {  	v10 =	vadd.s32 v10, v24;
	v24 =	vld [tilespmem:$0x8BE0]  }
0x52b: {  	[tilespmem:$0x1EBF0] =	vst v63;
	v63 =	vld [tilespmem:$0x8390]  }
0x52c: {  	v14 =	vadd.s32 v14, v38;
	v38 =	vld [tilespmem:$0x1EAC0]  }
0x52d: {  	v10 =	vadd.s32 v10, v20;
	v20 =	vld [tilespmem:$0x8070]  }
0x52e: {  	v14 =	vadd.s32 v14, v40;
	v40 =	vld [tilespmem:$0x8350]  }
0x52f: {  	v10 =	vadd.s32 v10, v25;
	v25 =	vld [tilespmem:$0x80F0]  }
0x530: {  	[tilespmem:$0x1EC20] =	vst v63;
	v63 =	vld [tilespmem:$0x8810]  }
0x531: {  	v14 =	vadd.s32 v14, v43;
	v43 =	vld [tilespmem:$0x80D0]  }
0x532: {  	v7 =	vadd.s32 v13, v7;
	v13 =	vadd.s32 v54, v55;
	v54 =	vld [tilespmem:$0x1E9F0]  }
0x533: {  	v55 =	vld [tilespmem:$0x1EA00]  }
0x534: {  	v11 =	vadd.s32 v11, v47;
	v47 =	vld [tilespmem:$0x81D0]  }
0x535: {  	[tilespmem:$0x1EC50] =	vst v63;
	v63 =	vld [tilespmem:$0x8890]  }
0x536: {  	v10 =	vadd.s32 v10, v26;
	v26 =	vld [tilespmem:$0x8170]  }
0x537: {  	v7 =	vadd.s32 v7, v50;
	v50 =	vld [tilespmem:$0x1E9C0]  }
0x538: {  	v14 =	vadd.s32 v14, v46;
	v46 =	vld [tilespmem:$0x8150]  }
0x539: {  	v13 =	vadd.s32 v13, v58;
	v58 =	vld [tilespmem:$0x1EA30]  }
0x53a: {  	[tilespmem:$0x1EC80] =	vst v63;
	v63 =	vld [tilespmem:$0x8910]  }
0x53b: {  	v14 =	vadd.s32 v14, v49;
	v49 =	vld [tilespmem:$0x1EAF0]  }
0x53c: {  	v14 =	vadd.s32 v14, v52;
	v52 =	vld [tilespmem:$0x1EB20]  }
0x53d: {  	v13 =	vadd.s32 v13, v28;
	v14 =	vadd.s32 v14, v56;
	v56 =	vld [tilespmem:$0x1EB40]  }
0x53e: {  	v13 =	vadd.s32 v13, v30;
	v30 =	vadd.s32 v14, v60;
	v60 =	vld [tilespmem:$0x1EB80]  }
0x53f: {  	[tilespmem:$0x1ECB0] =	vst v63;
	v63 =	vld [tilespmem:$0x8990]  }
0x540: {  	v13 =	vadd.s32 v13, v33;
	v11 =	vadd.s32 v11, v50;
	v50 =	vld [tilespmem:$0x1EB00]  }
0x541: {  	v13 =	vadd.s32 v13, v35;
	v11 =	vadd.s32 v11, v54;
	v54 =	vadd.s32 v45, v41;
	v41 =	vld [tilespmem:$0x1EBA0]  }
0x542: {  	v13 =	vadd.s32 v13, v37;
	v45 =	vld [tilespmem:$0x1EBB0]  }
0x543: {  	v13 =	vadd.s32 v13, v39;
	v11 =	vadd.s32 v11, v57;
	v57 =	vld [tilespmem:$0x1EB50]  }
0x544: {  	v13 =	vadd.s32 v13, v42;
	[tilespmem:$0x1ECE0] =	vst v63;
	v63 =	vld [tilespmem:$0x8A10]  }
0x545: {  	v13 =	vadd.s32 v13, v44;
	v11 =	vadd.s32 v11, v61;
	v61 =	vld [tilespmem:$0x1EB90]  }
0x546: {  	v13 =	vadd.s32 v13, v48;
	v48 =	vld [tilespmem:$0x1EAE0]  }
0x547: {  	v13 =	vadd.s32 v13, v51;
	v51 =	vld [tilespmem:$0x1EB10]  }
0x548: {  	v13 =	vadd.s32 v13, v55;
	v55 =	vld [tilespmem:$0x1EB30]  }
0x549: {  	[tilespmem:$0x1ED10] =	vst v63;
	v63 =	vld [tilespmem:$0x8A90]  }
0x54a: {  	v13 =	vadd.s32 v13, v58;
	v58 =	vld [tilespmem:$0x1EB60]  }
0x54b: {  	v14 =	vadd.s32 v13, v31;
	v31 =	vadd.s32 v49, v50;
	v49 =	vld [tilespmem:$0x1EBD0]  }
0x54c: {  	v50 =	vld [tilespmem:$0x1EBE0]  }
0x54d: {  	v13 =	vadd.s32 v30, v32;
	v32 =	vadd.s32 v54, v53;
	v53 =	vld [tilespmem:$0x1EC10]  }
0x54e: {  	[tilespmem:$0x1ED40] =	vst v63;
	v63 =	vld [tilespmem:$0x8B10]  }
0x54f: {  	v54 =	vld [tilespmem:$0x1EC20]  }
0x550: {  	v30 =	vadd.s32 v36, v38;
	v32 =	vadd.s32 v32, v59;
	v59 =	vld [tilespmem:$0x1EB70]  }
0x551: {  	v30 =	vadd.s32 v30, v48;
	v48 =	vld [tilespmem:$0x1EBC0]  }
0x552: {  	v31 =	vadd.s32 v31, v52;
	v52 =	vld [tilespmem:$0x1EC00]  }
0x553: {  	[tilespmem:$0x1ED60] =	vst v63;
	v63 =	vld [tilespmem:$0x8B90]  }
0x554: {  	v30 =	vadd.s32 v30, v51;
	v51 =	vld [tilespmem:$0x1EBF0]  }
0x555: {  	v31 =	vadd.s32 v31, v56;
	v56 =	vld [tilespmem:$0x1EC40]  }
0x556: {  	v32 =	vadd.s32 v32, v61;
	v61 =	vld [tilespmem:$0x1EC90]  }
0x557: {  	v30 =	vadd.s32 v30, v55;
	v55 =	vld [tilespmem:$0x1EC30]  }
0x558: {  	[tilespmem:$0x1ED90] =	vst v63;
	v63 =	vld [tilespmem:$0x8020]  }
0x559: {  	v30 =	vadd.s32 v30, v57;
	v57 =	vld [tilespmem:$0x1EC50]  }
0x55a: {  	v31 =	vadd.s32 v31, v58;
	v58 =	vld [tilespmem:$0x1EC60]  }
0x55b: {  	v30 =	vadd.s32 v30, v59;
	v59 =	vld [tilespmem:$0x1EC70]  }
0x55c: {  	v31 =	vadd.s32 v31, v60;
	v32 =	vadd.s32 v32, v48;
	v60 =	vld [tilespmem:$0x1EC80]  }
0x55d: {  	v30 =	vadd.s32 v30, v41;
	v32 =	vadd.s32 v32, v51;
	[tilespmem:$0x1ED70] =	vst v63;
	v63 =	vld [tilespmem:$0x80A0]  }
0x55e: {  	v41 =	vadd.s32 v30, v49;
	v32 =	vadd.s32 v32, v54;
	v54 =	vld [tilespmem:$0x1ECC0]  }
0x55f: {  	v41 =	vadd.s32 v41, v52;
	v52 =	vld [tilespmem:$0x1ECA0]  }
0x560: {  	v48 =	vadd.s32 v32, v57;
	v57 =	vld [tilespmem:$0x1ECF0]  }
0x561: {  	v31 =	vadd.s32 v31, v45;
	v41 =	vadd.s32 v41, v55;
	v55 =	vld [tilespmem:$0x1ECD0]  }
0x562: {  	v31 =	vadd.s32 v31, v50;
	[tilespmem:$0x1ED80] =	vst v63;
	v63 =	vld [tilespmem:$0x8120]  }
0x563: {  	v45 =	vadd.s32 v31, v53;
	v53 =	vld [tilespmem:$0x1ECB0]  }
0x564: {  	v45 =	vadd.s32 v45, v56;
	v56 =	vld [tilespmem:$0x1ECE0]  }
0x565: {  	v45 =	vadd.s32 v45, v59;
	v59 =	vld [tilespmem:$0x1ED10]  }
0x566: {  	v48 =	vadd.s32 v48, v60;
	v60 =	vld [tilespmem:$0x1ED20]  }
0x567: {  	v41 =	vadd.s32 v41, v58;
	[tilespmem:$0x1EDA0] =	vst v63;
	v63 =	vld [tilespmem:$0x81A0]  }
0x568: {  	v58 =	vld [tilespmem:$0x1ED00];
	v41 =	vadd.s32 v41, v61;
	v48 =	vadd.s32 v48, v53  }
0x569: {  	v61 =	vld [tilespmem:$0x1ED30];
	v41 =	vadd.s32 v41, v54;
	v48 =	vadd.s32 v48, v56  }
0x56a: {  	v41 =	vadd.s32 v41, v57;
	v48 =	vadd.s32 v48, v59;
	v59 =	vld [tilespmem:$0x1ED70]  }
0x56b: {  	v41 =	vadd.s32 v41, v60;
	v60 =	vld [tilespmem:$0x1ED80]  }
0x56c: {  	v45 =	vadd.s32 v45, v52;
	[tilespmem:$0x1EDD0] =	vst v63;
	v63 =	vld [tilespmem:$0x8220]  }
0x56d: {  	v45 =	vadd.s32 v45, v55;
	v56 =	vld [tilespmem:$0x1ED40]  }
0x56e: {  	v45 =	vadd.s32 v45, v58;
	v58 =	vld [tilespmem:$0x1ED60]  }
0x56f: {  	v45 =	vadd.s32 v45, v61;
	v61 =	vld [tilespmem:$0x1ED90]  }
0x570: {  	v54 =	vadd.s32 v59, v60;
	v60 =	vld [tilespmem:$0x1EDA0]  }
0x571: {  	[tilespmem:$0x1EDF0] =	vst v63;
	v63 =	vld [tilespmem:$0x82A0]  }
0x572: {  	v28 =	vld [tilespmem:$0x8B40];
	v48 =	vadd.s32 v48, v56  }
0x573: {  	v33 =	vld [tilespmem:$0x1EA80];
	v48 =	vadd.s32 v48, v58  }
0x574: {  	v48 =	vadd.s32 v48, v61;
	v61 =	vld [tilespmem:$0x1EDB0]  }
0x575: {  	v54 =	vadd.s32 v54, v60;
	v60 =	vld [tilespmem:$0x1EDC0]  }
0x576: {  	[tilespmem:$0x1EE10] =	vst v63;
	v63 =	vld [tilespmem:$0x8320]  }
0x577: {  	v35 =	vld [tilespmem:$0x1EAA0]  }
0x578: {  	v37 =	vld [tilespmem:$0x8050]  }
0x579: {  	v39 =	vld [tilespmem:$0x1EAD0]  }
0x57a: {  	v56 =	vadd.s32 v61, v60;
	v61 =	vld [tilespmem:$0x1EDD0]  }
0x57b: {  	[tilespmem:$0x1EE30] =	vst v63;
	v63 =	vld [tilespmem:$0x83A0]  }
0x57c: {  	v42 =	vld [tilespmem:$0x82D0]  }
0x57d: {  	v44 =	vld [tilespmem:$0x8250]  }
0x57e: {  	v60 =	vld [tilespmem:$0x1EDE0]  }
0x57f: {  	v54 =	vadd.s32 v54, v61;
	v61 =	vld [tilespmem:$0x1EDF0]  }
0x580: {  	[tilespmem:$0x1EE50] =	vst v63;
	v63 =	vld [tilespmem:$0x8820]  }
0x581: {  	v11 =	vadd.s32 v11, v33;
	v33 =	vld [tilespmem:$0x8A50]  }
0x582: {  	v11 =	vadd.s32 v11, v35;
	v35 =	vld [tilespmem:$0x8950]  }
0x583: {  	v56 =	vadd.s32 v56, v60;
	v60 =	vld [tilespmem:$0x1EE00]  }
0x584: {  	v54 =	vadd.s32 v54, v61;
	v61 =	vld [tilespmem:$0x1EE10]  }
0x585: {  	[tilespmem:$0x1EE70] =	vst v63;
	v63 =	vld [tilespmem:$0x88A0]  }
0x586: {  	v11 =	vadd.s32 v11, v39;
	v39 =	vld [tilespmem:$0x83D0]  }
0x587: {  	v38 =	vld [tilespmem:$0x8850]  }
0x588: {  	v56 =	vadd.s32 v56, v60;
	v60 =	vld [tilespmem:$0x1EE20]  }
0x589: {  	v54 =	vadd.s32 v54, v61;
	v61 =	vld [tilespmem:$0x1EE30]  }
0x58a: {  	[tilespmem:$0x1EE90] =	vst v63;
	v63 =	vld [tilespmem:$0x8920]  }
0x58b: {  	v36 =	vld [tilespmem:$0x88D0]  }
0x58c: {  	v13 =	vadd.s32 v13, v34;
	v34 =	vld [tilespmem:$0x89D0]  }
0x58d: {  	v56 =	vadd.s32 v56, v60;
	v60 =	vld [tilespmem:$0x1EE40]  }
0x58e: {  	v54 =	vadd.s32 v54, v61;
	v61 =	vld [tilespmem:$0x1EE50]  }
0x58f: {  	[tilespmem:$0x1EEA0] =	vst v63;
	v63 =	vld [tilespmem:$0x89A0]  }
0x590: {  	v50 =	vld [tilespmem:$0x80E0]  }
0x591: {  	v51 =	vld [tilespmem:$0x8160]  }
0x592: {  	v56 =	vadd.s32 v56, v60;
	v60 =	vld [tilespmem:$0x1EE60]  }
0x593: {  	v54 =	vadd.s32 v54, v61;
	v61 =	vld [tilespmem:$0x1EE70]  }
0x594: {  	[tilespmem:$0x1EEC0] =	vst v63;
	v63 =	vld [tilespmem:$0x8A20]  }
0x595: {  	v30 =	vld [tilespmem:$0x8AD0]  }
0x596: {  	v31 =	vld [tilespmem:$0x8B50]  }
0x597: {  	v56 =	vadd.s32 v56, v60;
	v60 =	vld [tilespmem:$0x1EE80]  }
0x598: {  	v54 =	vadd.s32 v54, v61;
	v61 =	vld [tilespmem:$0x1EE90]  }
0x599: {  	[tilespmem:$0x1EEE0] =	vst v63;
	v63 =	vld [tilespmem:$0x8830]  }
0x59a: {  	v49 =	vld [tilespmem:$0x8060]  }
0x59b: {  	v32 =	vld [tilespmem:$0x8BD0]  }
0x59c: {  	v56 =	vadd.s32 v56, v60;
	v60 =	vld [tilespmem:$0x1EEA0]  }
0x59d: {  	v54 =	vadd.s32 v54, v61;
	v61 =	vld [tilespmem:$0x1EEB0]  }
0x59e: {  	v56 =	vadd.s32 v56, v63;
	v63 =	vld [tilespmem:$0x1EEC0]  }
0x59f: {  	v52 =	vld [tilespmem:$0x81E0]  }
0x5a0: {  	v57 =	vld [tilespmem:$0x1ED50]  }
0x5a1: {  	v54 =	vadd.s32 v54, v60;
	v60 =	vld [tilespmem:$0x1EED0]  }
0x5a2: {  	v56 =	vadd.s32 v56, v61;
	v61 =	vld [tilespmem:$0x1EEE0]  }
0x5a3: {  	v54 =	vadd.s32 v54, v63;
	v63 =	vld [tilespmem:$0x1EEF0]  }
0x5a4: {  	v55 =	vld [tilespmem:$0x82E0]  }
0x5a5: {  	v53 =	vld [tilespmem:$0x8260]  }
0x5a6: {  	v56 =	vadd.s32 v56, v60;
	v60 =	vld [tilespmem:$0x1EF00]  }
0x5a7: {  	v54 =	vadd.s32 v54, v61;
	v61 =	vld [tilespmem:$0x1EF10]  }
0x5a8: {  	v54 =	vadd.s32 v54, v63;
	v63 =	vld [tilespmem:$0x1EF30]  }
0x5a9: {  	v56 =	vadd.s32 v56, v62;
	v62 =	vld [tilespmem:$0x1EF20]  }
0x5aa: {  	v45 =	vadd.s32 v45, v57;
	v57 =	vld [tilespmem:$0x8360]  }
0x5ab: {  	v10 =	vadd.s32 v10, v27;
	v20 =	vadd.s32 v20, v25;
	v58 =	vld [tilespmem:$0x81F0];
	v56 =	vadd.s32 v56, v60  }
0x5ac: {  	v10 =	vadd.s32 v10, v28;
	v59 =	vadd.s32 v37, v43;
	v60 =	vld [tilespmem:$0x8270];
	v8 =	vadd.s32 v56, v8  }
0x5ad: {  	v56 =	vld [tilespmem:$0x88F0];
	v54 =	vadd.s32 v54, v61;
	v61 =	vadd.s32 v49, v50;
	v8 =	vadd.s32 v8, v63  }
0x5ae: {  	v54 =	vadd.s32 v54, v62;
	v62 =	vld [tilespmem:$0x82F0];
	v8 =	vadd.s32 v8, v12;
	v12 =	vadd.s32 v59, v46  }
0x5af: {  	[tilespmem:$0x8C30] =	vst v4;
	v10 =	vadd.s32 v10, v29;
	v29 =	vadd.s32 v61, v51;
	v46 =	vld [tilespmem:$0x8370];
	v12 =	vadd.s32 v12, v47  }
0x5b0: {  	[tilespmem:$0x8C10] =	vst v9;
	v20 =	vadd.s32 v20, v26;
	v50 =	vld [tilespmem:$0x83F0];
	v49 =	vadd.s32 v29, v52;
	v47 =	vadd.s32 v12, v44  }
0x5b1: {  	[tilespmem:$0x8C20] =	vst v7;
	v52 =	vadd.s32 v20, v58;
	v51 =	vadd.s32 v49, v53;
	v53 =	vld [tilespmem:$0x8870];
	v7 =	vadd.s32 v47, v42  }
0x5b2: {  	[tilespmem:$0x8CC0] =	vst v10;
	v58 =	vld [tilespmem:$0x8970];
	v4 =	vadd.s32 v7, v40;
	v7 =	vadd.s32 v51, v55;
	v55 =	vadd.s32 v52, v60  }
0x5b3: {  	[tilespmem:$0x8C60] =	vst v11;
	v63 =	vld [tilespmem:$0x1EF40];
	v4 =	vadd.s32 v4, v39;
	v7 =	vadd.s32 v7, v57;
	v9 =	vadd.s32 v55, v62  }
0x5b4: {  	[tilespmem:$0x8C40] =	vst v14;
	v59 =	vld [tilespmem:$0x89F0];
	v4 =	vadd.s32 v4, v38;
	v7 =	vadd.s32 v7, v15;
	v9 =	vadd.s32 v9, v46  }
0x5b5: {  	[tilespmem:$0x8C50] =	vst v13;
	v60 =	vld [tilespmem:$0x8A70];
	v4 =	vadd.s32 v4, v36;
	v7 =	vadd.s32 v7, v16;
	v9 =	vadd.s32 v9, v50  }
0x5b6: {  	[tilespmem:$0x8C70] =	vst v41;
	v61 =	vld [tilespmem:$0x8AF0];
	v4 =	vadd.s32 v4, v35;
	v7 =	vadd.s32 v7, v17;
	v9 =	vadd.s32 v9, v53  }
0x5b7: {  	[tilespmem:$0x8C80] =	vst v45;
	v62 =	vld [tilespmem:$0x8B70];
	v4 =	vadd.s32 v4, v34;
	v7 =	vadd.s32 v7, v18;
	v9 =	vadd.s32 v9, v56  }
0x5b8: {  	[tilespmem:$0x8C00] =	vst v63;
	v63 =	vld [tilespmem:$0x8BF0];
	v4 =	vadd.s32 v4, v33;
	v7 =	vadd.s32 v7, v19;
	v9 =	vadd.s32 v9, v58  }
0x5b9: {  	[tilespmem:$0x8C90] =	vst v48;
	v4 =	vadd.s32 v4, v30;
	v7 =	vadd.s32 v7, v21;
	v9 =	vadd.s32 v9, v59  }
0x5ba: {  	[tilespmem:$0x8CB0] =	vst v8;
	v4 =	vadd.s32 v4, v31;
	v7 =	vadd.s32 v7, v22;
	v8 =	vadd.s32 v9, v60  }
0x5bb: {  	[tilespmem:$0x8CA0] =	vst v54;
	v4 =	vadd.s32 v4, v32;
	v7 =	vadd.s32 v7, v23;
	v8 =	vadd.s32 v8, v61  }
0x5bc: {  	[tilespmem:$0x8CD0] =	vst v4;
	v4 =	vadd.s32 v7, v24;
	v7 =	vadd.s32 v8, v62  }
0x5bd: {  	[tilespmem:$0x8CE0] =	vst v4;
	v4 =	vadd.s32 v7, v63  }
0x5be: {  	[tilespmem:$0x8CF0] =	vst v4  }
0x5bf: {  	[spmem:s15] =	stream.linear.scatter [tilespmem:s26], [sflag:$0x1], $0x100, $0x38;
	[tilespmem:$0xAF00] =	vst v63  }
0x5c0: {  	_ =	swait.ge [sflag:s18], $0x100  }
0x5c1: {  	[sflag:s18] =	ssyncset.done $0x0  }
0x5c2: {  	[sflag:s18] =	ssyncadd.s32 $0xFFFFFF00  }
0x5c3: {  	[bflag:$0x0] =	sbarrier.arrive $0xFFFF  }
0x5c4: {  	[tilespmem:s28], [sflag:$0x1] =	stream.linear.gather [spmem:s3], $0x1000, $0x38;
	[tilespmem:$0xAF00] =	vst v63  }
0x5c5: {  	_ =	swait.ge [sflag:s18], $0x1000  }
0x5c6: {  	[sflag:s18] =	ssyncset.done $0x0  }
0x5c7: {  	s9 =	simm.s32 $0x0;
	s30 =	simm.s32 $0x0;
	[sflag:s18] =	ssyncadd.s32 $0xFFFFF000  }
.LBB2_29:
0x5c8: {  	s31 =	sshll.u32 s30, $0x4  }
0x5c9: {  	v4 =	vmov s31  }
0x5ca: {  	v4 =	vshll.u32 v4, $0x4  }
0x5cb: {  	v8 =	vor.u32 v3, v4;
	_ =	sdelay $0x3  }
0x5cc: {  	v7 =	vor.u32 $0x1, v8  }
0x5cd: {  	s6 =	simm.s32 $0x1;
	v4 =	vimm.s32 $0x0;
	v9 =	vadd.s32 s9, v7;
	v8 =	vld.idx.msk [tilespmem:v8+s28+$0x0], $0xffff  }
.LBB2_30:
0x5ce: {  	p1 =	sne.s32 s6, $0xF  }
.Ltmp13:
0x5cf: {  	_ = 	snop;
	(pc) =	sbr.rel @p1 .LBB2_30-.Ltmp13, $3  }
0x5d0: {  	_ =	sdelay $0x1  }
0x5d1: {  	s7 =	smov.u32 s6;
	s6 =	sadd.s32 $0x1, s6;
	v4 =	vadd.s32 v4, v8;
	v8 =	vld.idx.msk [tilespmem:v9+s28+$0x0], $0xffff  }
0x5d2: {  	v9 =	vadd.s32 s7, v7  }
0x5d3: {  	s30 =	sadd.s32 $0x1, s30  }
0x5d4: {  	p1 =	sne.s32 s30, $0x10  }
.Ltmp14:
0x5d5: {  	_ = 	snop;
	(pc) =	sbr.rel @p1 .LBB2_29-.Ltmp14, $3  }
0x5d6: {  	_ =	sdelay $0x1  }
0x5d7: {  	s6 =	sand.u32 $0x3FFFFFF0, s31;
	v4 =	vadd.s32 v4, v8  }
0x5d8: {  	[tilespmem:s6+$0x9D00] =	vst v4  }
0x5d9: {  	s6 =	simm.s32 $0x0  }
0x5da: {  	v7 =	vor.u32 s6, v3;
	_ =	sdelay $0x4  }
0x5db: {  	v4 =	vimm.s32 $0x0;
	s9 =	simm.s32 $0x1;
	v7 =	vld.idx.msk [tilespmem:v7+s29+$0x0], $0xffff  }
.LBB2_33:
0x5dc: {  	v8 =	vor.u32 s9, v3;
	p1 =	sne.s32 s9, $0xF;
	s9 =	sadd.s32 $0x1, s9  }
.Ltmp15:
0x5dd: {  	(pc) =	sbr.rel @p1 .LBB2_33-.Ltmp15, $2  }
0x5de: {  	_ =	sdelay $0x2  }
0x5df: {  	v4 =	vadd.s32 v4, v7;
	v7 =	vld.idx.msk [tilespmem:v8+s29+$0x0], $0xffff  }
0x5e0: {  	s1 =	sxor.u32 $0x80000000, s1  }
0x5e1: {  	p2 =	slt.s32 s1, $0xF  }
0x5e2: {  	p1 =	sgt.s32 s1, $0xF;
	s1 =	simm.s32 @!p2 $0xF  }
0x5e3: {  	v8 =	vmov s1  }
0x5e4: {  	vm0 =	veq.s32 v8, v0;
	v8 =	vld [tilespmem:$0x1EF50];
	_ =	sdelay $0x4  }
0x5e5: {  	v8 =	vnsel vm0, $0x0, v8  }
0x5e6: {  	(xrf0) =	vadd.scan.msk.s32 $0xffff, v8;
	_ =	sdelay $0x5  }
0x5e7: {  	v8, _, _ =	vpop (xrf0)  }
0x5e8: {  	(v2sf) =	vpush v8, $0xF;
	_ =	sdelay $0x1  }
0x5e9: {  	v8 =	vld [tilespmem:$0x1FFF0];
	_ =	sdelay $0x3  }
0x5ea: {  	v4 =	vadd.s32 v4, v7  }
0x5eb: {  	v4 =	vperm.xlane v4, v8;
	_ =	sdelay $0x1  }
0x5ec: {  	(xrf0) =	vadd.scan.msk.s32 $0xffff, v4;
	_ =	sdelay $0x5  }
0x5ed: {  	v4, _, _ =	vpop (xrf0);
	s1 =	spop (v2sf)  }
0x5ee: {  	v4 =	vperm.xlane v4, v8;
	s1 =	smov.u32 @p1 s0  }
0x5ef: {  	s9 =	ssub.s32 s4, s1  }
0x5f0: {  	vm13 =	vge.s32 v4, s9  }
0x5f1: {  	v7 =	vmpcnt.ones.xlane vm13;
	_ =	sdelay $0x1  }
0x5f2: {  	v7 =	vxor.u32 $0x80000000, v7  }
0x5f3: {  	(xrf0) =	vmax.scan.msk.u32 $0xffff, v7;
	_ =	sdelay $0x5  }
0x5f4: {  	v7, _, _ =	vpop (xrf0)  }
0x5f5: {  	(v2sf) =	vpush v7, $0xF;
	_ =	sdelay $0xe  }
0x5f6: {  	s31 =	spop (v2sf)  }
0x5f7: {  	s1 =	sxor.u32 $0x80000000, s31  }
0x5f8: {  	p1 =	slt.s32 s1, $0xF  }
0x5f9: {  	s1 =	simm.s32 @!p1 $0xF  }
0x5fa: {  	v7 =	vmov s1  }
0x5fb: {  	vm14 =	veq.s32 v7, v0  }
0x5fc: {  	v4 =	vnsel vm14, $0x0, v4  }
0x5fd: {  	(xrf0) =	vadd.scan.msk.s32 $0xffff, v4;
	_ =	sdelay $0x5  }
0x5fe: {  	s0 =	sadd.s32 $0x7FFFFFFF, s31;
	v4, _, _ =	vpop (xrf0)  }
0x5ff: {  	s4 =	sshll.u32 s0, $0x4;
	(v2sf) =	vpush v4, $0xF  }
0x600: {  	v4 =	vld [tilespmem:s4+$0x9D00];
	_ =	sdelay $0x4  }
0x601: {  	v4 =	vperm.xlane v4, v8;
	_ =	sdelay $0x1  }
0x602: {  	(xrf0) =	vadd.scan.msk.s32 $0xffff, v4;
	_ =	sdelay $0x5  }
0x603: {  	v4, _, _ =	vpop (xrf0)  }
0x604: {  	p1 =	sgt.s32 s0, $0xE;
	v4 =	vperm.xlane v4, v8;
	s0 =	spop (v2sf)  }
0x605: {  	s0 =	simm.s32 @p1 $0x0  }
0x606: {  	v4 =	vadd.s32 s0, v4  }
0x607: {  	[tilespmem:$0x1E700] =	vst v4;
	vm15 =	vge.s32 v4, s9  }
0x608: {  	s6 =	simm.s32 $0x0;
	s1 =	simm.s32 $0x40;
	v4 =	vmpcnt.ones.xlane vm15;
	[bflag:$0x0] =	sbarrier.arrive $0xFFFF  }
.LBB2_35:
0x609: {  	p1 =	seq.s32 s1, $0x3FC0;
	[tilespmem:s6+$0x6C00] =	vst v1;
	s6 =	smov.u32 s1;
	s1 =	sadd.s32 $0x40, s1  }
.Ltmp16:
0x60a: {  	(pc) =	sbr.rel @!p1 .LBB2_35-.Ltmp16, $2  }
0x60b: {  	_ =	sdelay $0x2  }
0x60c: {  	s6 =	sshra.s32 s6, $0x2  }
0x60d: {  	v4 =	vxor.u32 $0x80000000, v4  }
0x60e: {  	(xrf0) =	vmax.scan.msk.u32 $0xffff, v4;
	_ =	sdelay $0x5  }
0x60f: {  	v4, _, _ =	vpop (xrf0)  }
0x610: {  	(v2sf) =	vpush v4, $0xF;
	_ =	sdelay $0xe  }
0x611: {  	s1 =	spop (v2sf)  }
0x612: {  	s4 =	sadd.s32 s1, s4  }
0x613: {  	s31 =	sshll.u32 s16, $0x8;
	s4 =	sadd.s32 $0x7FFFFFFF, s4  }
0x614: {  	s4 =	sor.u32 s31, s4  }
0x615: {  	[tilespmem:s6+$0x6C00] =	vst v1;
	s6 =	simm.s32 $0x0;
	s16 =	simm.s32 $0x40;
	v4 =	vmov s4  }
.LBB2_37:
0x616: {  	p1 =	sne.s32 s16, $0x8FC0;
	v7 =	vld [tilespmem:s6+$0x2400];
	_ =	sdelay $0x4  }
0x617: {  	v8 =	vshll.u32 v7, $0x4  }
0x618: {  	v8 =	vor.u32 v0, v8  }
0x619: {  	v8 =	vand.u32 $0xFFF, v8  }
.Ltmp17:
0x61a: {  	(pc) =	sbr.rel @p1 .LBB2_37-.Ltmp17, $4  }
0x61b: {  	v7 =	vshrl.u32 v7, $0x8  }
0x61c: {  	vm0 =	veq.s32 v7, v4  }
0x61d: {  	v7 =	vsel vm0, $0x1, v1  }
0x61e: {  	s6 =	sshra.s32 s16, $0x2;
	s16 =	sadd.s32 $0x40, s16;
	[tilespmem:v8+s21+$0x0] =	vst.idx.add.s32.msk $0xffff, v7  }
0x61f: {  	v7 =	vld [tilespmem:s6+$0x2400];
	_ =	sdelay $0x4  }
0x620: {  	v8 =	vshll.u32 v7, $0x4  }
0x621: {  	v8 =	vor.u32 v0, v8  }
0x622: {  	v8 =	vand.u32 $0xFFF, v8;
	_ =	sdelay $0x1  }
0x623: {  	v7 =	vshrl.u32 v7, $0x8  }
0x624: {  	vm0 =	veq.s32 v7, v4  }
0x625: {  	v4 =	vsel vm0, $0x1, v1  }
0x626: {  	[tilespmem:v8+s21+$0x0] =	vst.idx.add.s32.msk $0xffff, v4  }
0x627: {  	[spmem:s13] =	stream.strided.scatter [tilespmem:s21], [sflag:$0x1], $0x1000, s22, s19, $0x38;
	[tilespmem:$0xAF00] =	vst v63  }
0x628: {  	_ =	swait.ge [sflag:s18], $0x1000  }
0x629: {  	[sflag:s18] =	ssyncset.done $0x0  }
0x62a: {  	[sflag:s18] =	ssyncadd.s32 $0xFFFFF000  }
0x62b: {  	[bflag:$0x0] =	sbarrier.arrive $0xFFFF  }
0x62c: {  	[tilespmem:s25], [sflag:$0x1] =	stream.strided.gather [spmem:s14], $0x1000, s24, s23, $0x38;
	[tilespmem:$0xAF00] =	vst v63  }
0x62d: {  	_ =	swait.ge [sflag:s18], $0x1000  }
0x62e: {  	[sflag:s18] =	ssyncset.done $0x0  }
0x62f: {  	[sflag:s18] =	ssyncadd.s32 $0xFFFFF000  }
0x630: {  	v4 =	vld [tilespmem:$0x7E90];
	_ =	sdelay $0x4  }
0x631: {  	[tilespmem:$0x1DEC0] =	vst v4;
	v4 =	vld [tilespmem:$0x7F10];
	_ =	sdelay $0x4  }
0x632: {  	[tilespmem:$0x1DED0] =	vst v4;
	v4 =	vld [tilespmem:$0x7F90];
	_ =	sdelay $0x4  }
0x633: {  	[tilespmem:$0x1DEE0] =	vst v4;
	v4 =	vld [tilespmem:$0x8410];
	_ =	sdelay $0x4  }
0x634: {  	[tilespmem:$0x1DEF0] =	vst v4;
	v4 =	vld [tilespmem:$0x8490];
	_ =	sdelay $0x4  }
0x635: {  	[tilespmem:$0x1DF00] =	vst v4;
	v4 =	vld [tilespmem:$0x8510];
	_ =	sdelay $0x4  }
0x636: {  	[tilespmem:$0x1DF20] =	vst v4;
	v4 =	vld [tilespmem:$0x8590]  }
0x637: {  	v18 =	vld [tilespmem:$0x7C00]  }
0x638: {  	v15 =	vld [tilespmem:$0x7C80]  }
0x639: {  	v19 =	vld [tilespmem:$0x7D00]  }
0x63a: {  	v21 =	vld [tilespmem:$0x7D80]  }
0x63b: {  	[tilespmem:$0x1DF40] =	vst v4;
	v4 =	vld [tilespmem:$0x8610]  }
0x63c: {  	v23 =	vld [tilespmem:$0x7E00]  }
0x63d: {  	v24 =	vld [tilespmem:$0x7E80]  }
0x63e: {  	v27 =	vld [tilespmem:$0x7F00]  }
0x63f: {  	v29 =	vld [tilespmem:$0x7F80]  }
0x640: {  	[tilespmem:$0x1DF60] =	vst v4;
	v4 =	vld [tilespmem:$0x8690]  }
0x641: {  	v30 =	vld [tilespmem:$0x8400]  }
0x642: {  	v33 =	vld [tilespmem:$0x8480]  }
0x643: {  	v35 =	vld [tilespmem:$0x8500]  }
0x644: {  	v36 =	vld [tilespmem:$0x8580]  }
0x645: {  	[tilespmem:$0x1DF80] =	vst v4;
	v4 =	vld [tilespmem:$0x8710]  }
0x646: {  	v42 =	vld [tilespmem:$0x8600]  }
0x647: {  	v46 =	vld [tilespmem:$0x8680]  }
0x648: {  	v50 =	vld [tilespmem:$0x8700]  }
0x649: {  	v56 =	vld [tilespmem:$0x8780]  }
0x64a: {  	[tilespmem:$0x1DFA0] =	vst v4;
	v4 =	vld [tilespmem:$0x8790]  }
0x64b: {  	v47 =	vld [tilespmem:$0x7C10]  }
0x64c: {  	v43 =	vld [tilespmem:$0x7C90]  }
0x64d: {  	v51 =	vld [tilespmem:$0x7D10]  }
0x64e: {  	v55 =	vld [tilespmem:$0x7D90]  }
0x64f: {  	v62 =	vld [tilespmem:$0x7E10];
	[tilespmem:$0x1DFD0] =	vst v4  }
0x650: {  	v16 =	vld [tilespmem:$0x7C20]  }
0x651: {  	v12 =	vld [tilespmem:$0x7CA0]  }
0x652: {  	v17 =	vld [tilespmem:$0x7D20]  }
0x653: {  	v25 =	vld [tilespmem:$0x7DA0]  }
0x654: {  	v31 =	vld [tilespmem:$0x7E20]  }
0x655: {  	v37 =	vld [tilespmem:$0x7EA0]  }
0x656: {  	v48 =	vld [tilespmem:$0x7F20]  }
0x657: {  	v58 =	vld [tilespmem:$0x7FA0]  }
0x658: {  	v4 =	vld [tilespmem:$0x8420]  }
0x659: {  	v7 =	vld [tilespmem:$0x7C30]  }
0x65a: {  	v8 =	vld [tilespmem:$0x7D30]  }
0x65b: {  	v9 =	vld [tilespmem:$0x7DB0]  }
0x65c: {  	v10 =	vld [tilespmem:$0x7E30]  }
0x65d: {  	v13 =	vld [tilespmem:$0x7EB0]  }
0x65e: {  	v22 =	vld [tilespmem:$0x7F30]  }
0x65f: {  	v28 =	vld [tilespmem:$0x7FB0]  }
0x660: {  	v34 =	vld [tilespmem:$0x8430]  }
0x661: {  	v38 =	vld [tilespmem:$0x84B0]  }
0x662: {  	v54 =	vld [tilespmem:$0x8530]  }
0x663: {  	v60 =	vld [tilespmem:$0x85B0]  }
0x664: {  	v11 =	vld [tilespmem:$0x8630]  }
0x665: {  	v40 =	vld [tilespmem:$0x86B0]  }
0x666: {  	v41 =	vld [tilespmem:$0x8730]  }
0x667: {  	v44 =	vld [tilespmem:$0x87B0]  }
0x668: {  	v45 =	vld [tilespmem:$0x7C40]  }
0x669: {  	v49 =	vld [tilespmem:$0x7CC0]  }
0x66a: {  	v52 =	vld [tilespmem:$0x7D40]  }
0x66b: {  	v53 =	vld [tilespmem:$0x7DC0]  }
0x66c: {  	v57 =	vld [tilespmem:$0x7E40]  }
0x66d: {  	v59 =	vld [tilespmem:$0x7EC0]  }
0x66e: {  	v61 =	vld [tilespmem:$0x7F40]  }
0x66f: {  	v63 =	vld [tilespmem:$0x7FC0]  }
0x670: {  	v14 =	vld [tilespmem:$0x8440]  }
0x671: {  	v20 =	vld [tilespmem:$0x84C0]  }
0x672: {  	v15 =	vadd.s32 v18, v15;
	v26 =	vld [tilespmem:$0x8540]  }
0x673: {  	v15 =	vadd.s32 v15, v19;
	v32 =	vld [tilespmem:$0x85C0]  }
0x674: {  	v15 =	vadd.s32 v15, v21;
	v39 =	vld [tilespmem:$0x8640]  }
0x675: {  	v15 =	vadd.s32 v15, v23;
	v21 =	vld [tilespmem:$0x8AA0]  }
0x676: {  	v15 =	vadd.s32 v15, v24;
	v23 =	vld [tilespmem:$0x8B20]  }
0x677: {  	v15 =	vadd.s32 v15, v27;
	v24 =	vld [tilespmem:$0x8BA0]  }
0x678: {  	v15 =	vadd.s32 v15, v29;
	v27 =	vld [tilespmem:$0x8030]  }
0x679: {  	v15 =	vadd.s32 v15, v30;
	v29 =	vld [tilespmem:$0x80B0]  }
0x67a: {  	v15 =	vadd.s32 v15, v33;
	v30 =	vld [tilespmem:$0x8130]  }
0x67b: {  	v15 =	vadd.s32 v15, v35;
	v33 =	vld [tilespmem:$0x81B0]  }
0x67c: {  	v15 =	vadd.s32 v15, v36;
	v35 =	vld [tilespmem:$0x8230]  }
0x67d: {  	v15 =	vadd.s32 v15, v42;
	v36 =	vld [tilespmem:$0x82B0]  }
0x67e: {  	v15 =	vadd.s32 v15, v46;
	v42 =	vld [tilespmem:$0x8330]  }
0x67f: {  	v15 =	vadd.s32 v15, v50;
	v46 =	vld [tilespmem:$0x83B0]  }
0x680: {  	v15 =	vadd.s32 v15, v56;
	v56 =	vld [tilespmem:$0x88B0]  }
0x681: {  	v18 =	vld [tilespmem:$0x8A30]  }
0x682: {  	v19 =	vld [tilespmem:$0x1DED0]  }
0x683: {  	v50 =	vadd.s32 v47, v43;
	v47 =	vld [tilespmem:$0x1DFD0]  }
0x684: {  	[tilespmem:$0x1DF10] =	vst v4;
	v4 =	vld [tilespmem:$0x84A0]  }
0x685: {  	[tilespmem:$0x1DFF0] =	vst v40;
	v40 =	vld [tilespmem:$0x86C0]  }
0x686: {  	[tilespmem:$0x1E010] =	vst v41;
	v41 =	vld [tilespmem:$0x8740]  }
0x687: {  	[tilespmem:$0x1E040] =	vst v44;
	v44 =	vld [tilespmem:$0x87C0]  }
0x688: {  	[tilespmem:$0x1E180] =	vst v39;
	v39 =	vld [tilespmem:$0x7CD0]  }
0x689: {  	[tilespmem:$0x1E030] =	vst v49;
	v49 =	vld [tilespmem:$0x7D50]  }
0x68a: {  	[tilespmem:$0x1E070] =	vst v57;
	v57 =	vld [tilespmem:$0x7DD0]  }
0x68b: {  	[tilespmem:$0x1E020] =	vst v45;
	v45 =	vld [tilespmem:$0x7E50]  }
0x68c: {  	[tilespmem:$0x1E050] =	vst v52;
	v52 =	vld [tilespmem:$0x7ED0]  }
0x68d: {  	[tilespmem:$0x1E060] =	vst v53;
	v53 =	vld [tilespmem:$0x7F50]  }
0x68e: {  	[tilespmem:$0x1E080] =	vst v59;
	v59 =	vld [tilespmem:$0x7FD0]  }
0x68f: {  	[tilespmem:$0x1E0A0] =	vst v61;
	v61 =	vld [tilespmem:$0x8450]  }
0x690: {  	[tilespmem:$0x1E0C0] =	vst v63;
	v63 =	vld [tilespmem:$0x84D0]  }
0x691: {  	[tilespmem:$0x1E0E0] =	vst v14;
	v14 =	vld [tilespmem:$0x8550]  }
0x692: {  	[tilespmem:$0x1E100] =	vst v20;
	v20 =	vld [tilespmem:$0x85D0]  }
0x693: {  	[tilespmem:$0x1E120] =	vst v26;
	v26 =	vld [tilespmem:$0x8650]  }
0x694: {  	[tilespmem:$0x1E150] =	vst v32;
	v32 =	vld [tilespmem:$0x86D0]  }
0x695: {  	[tilespmem:$0x1DFC0] =	vst v11;
	v11 =	vld [tilespmem:$0x7CE0]  }
0x696: {  	[tilespmem:$0x1E6C0] =	vst v23;
	v23 =	vld [tilespmem:$0x1DEE0]  }
0x697: {  	[tilespmem:$0x1E6D0] =	vst v24;
	v24 =	vld [tilespmem:$0x8B30]  }
0x698: {  	[tilespmem:$0x1E560] =	vst v27;
	v27 =	vld [tilespmem:$0x1DF00]  }
0x699: {  	[tilespmem:$0x1E590] =	vst v30;
	v30 =	vld [tilespmem:$0x1DF20]  }
0x69a: {  	[tilespmem:$0x1E5B0] =	vst v33;
	v33 =	vld [tilespmem:$0x1DF40]  }
0x69b: {  	v12 =	vadd.s32 v16, v12;
	v16 =	vld [tilespmem:$0x8140]  }
0x69c: {  	[tilespmem:$0x1E5D0] =	vst v35;
	v35 =	vld [tilespmem:$0x1DF60]  }
0x69d: {  	[tilespmem:$0x1E6B0] =	vst v18;
	v18 =	vld [tilespmem:$0x8240]  }
0x69e: {  	[tilespmem:$0x1E610] =	vst v42;
	v42 =	vld [tilespmem:$0x1DFA0]  }
0x69f: {  	[tilespmem:$0x1E570] =	vst v29;
	v29 =	vld [tilespmem:$0x1DF10]  }
0x6a0: {  	v12 =	vadd.s32 v12, v17;
	v17 =	vld [tilespmem:$0x81C0]  }
0x6a1: {  	v51 =	vadd.s32 v50, v51;
	[tilespmem:$0x1E630] =	vst v46;
	v46 =	vld [tilespmem:$0x1DFC0]  }
0x6a2: {  	[tilespmem:$0x1E6F0] =	vst v15;
	v15 =	vadd.s32 v51, v55;
	v51 =	vld [tilespmem:$0x1E010]  }
0x6a3: {  	v55 =	vld [tilespmem:$0x1E030]  }
0x6a4: {  	[tilespmem:$0x1E660] =	vst v56;
	v56 =	vld [tilespmem:$0x1E040]  }
0x6a5: {  	v12 =	vadd.s32 v12, v25;
	v25 =	vld [tilespmem:$0x1DEF0]  }
0x6a6: {  	[tilespmem:$0x1DF30] =	vst v4;
	v4 =	vld [tilespmem:$0x8520]  }
0x6a7: {  	[tilespmem:$0x1E210] =	vst v44;
	v44 =	vld [tilespmem:$0x7C50]  }
0x6a8: {  	[tilespmem:$0x1E1B0] =	vst v40;
	v40 =	vld [tilespmem:$0x8750]  }
0x6a9: {  	[tilespmem:$0x1E1E0] =	vst v41;
	v41 =	vld [tilespmem:$0x87D0]  }
0x6aa: {  	[tilespmem:$0x1E160] =	vst v14;
	v14 =	vld [tilespmem:$0x7C60]  }
0x6ab: {  	[tilespmem:$0x1E190] =	vst v20;
	v20 =	vld [tilespmem:$0x7D60]  }
0x6ac: {  	[tilespmem:$0x1E1C0] =	vst v26;
	v26 =	vld [tilespmem:$0x7DE0]  }
0x6ad: {  	[tilespmem:$0x1E1F0] =	vst v32;
	v32 =	vld [tilespmem:$0x7E60]  }
0x6ae: {  	[tilespmem:$0x1E0B0] =	vst v52;
	v52 =	vld [tilespmem:$0x7F60]  }
0x6af: {  	[tilespmem:$0x1E110] =	vst v61;
	v61 =	vld [tilespmem:$0x7FE0]  }
0x6b0: {  	[tilespmem:$0x1E090] =	vst v45;
	v45 =	vld [tilespmem:$0x84E0]  }
0x6b1: {  	[tilespmem:$0x1E0D0] =	vst v53;
	v53 =	vld [tilespmem:$0x8560]  }
0x6b2: {  	[tilespmem:$0x1E0F0] =	vst v59;
	v59 =	vld [tilespmem:$0x85E0]  }
0x6b3: {  	[tilespmem:$0x1E130] =	vst v63;
	v63 =	vld [tilespmem:$0x8660]  }
0x6b4: {  	[tilespmem:$0x1E6E0] =	vst v24;
	v24 =	vld [tilespmem:$0x88C0]  }
0x6b5: {  	[tilespmem:$0x1DF50] =	vst v4;
	v4 =	vld [tilespmem:$0x85A0]  }
0x6b6: {  	[tilespmem:$0x1E220] =	vst v40;
	v40 =	vld [tilespmem:$0x7EE0]  }
0x6b7: {  	[tilespmem:$0x1E240] =	vst v41;
	v41 =	vld [tilespmem:$0x8460]  }
0x6b8: {  	[tilespmem:$0x1E170] =	vst v45;
	v45 =	vld [tilespmem:$0x86E0]  }
0x6b9: {  	[tilespmem:$0x1E1A0] =	vst v53;
	v53 =	vld [tilespmem:$0x8760]  }
0x6ba: {  	[tilespmem:$0x1E1D0] =	vst v59;
	v59 =	vld [tilespmem:$0x87E0]  }
0x6bb: {  	[tilespmem:$0x1E200] =	vst v63;
	v63 =	vld [tilespmem:$0x7C70];
	v11 =	vadd.s32 v14, v11  }
0x6bc: {  	v11 =	vadd.s32 v11, v20;
	v20 =	vld [tilespmem:$0x8940]  }
0x6bd: {  	v11 =	vadd.s32 v11, v26;
	v26 =	vld [tilespmem:$0x8A40]  }
0x6be: {  	v11 =	vadd.s32 v11, v32;
	v32 =	vld [tilespmem:$0x1E220]  }
0x6bf: {  	[tilespmem:$0x1DF70] =	vst v4;
	v4 =	vld [tilespmem:$0x8620]  }
0x6c0: {  	[tilespmem:$0x1E230] =	vst v45;
	v45 =	vld [tilespmem:$0x7CF0]  }
0x6c1: {  	[tilespmem:$0x1E250] =	vst v53;
	v53 =	vld [tilespmem:$0x7D70]  }
0x6c2: {  	[tilespmem:$0x1E280] =	vst v59;
	v59 =	vld [tilespmem:$0x7DF0]  }
0x6c3: {  	[tilespmem:$0x1E260] =	vst v63;
	v63 =	vld [tilespmem:$0x7E70]  }
0x6c4: {  	[tilespmem:$0x1E140] =	vst v41;
	v41 =	vld [tilespmem:$0x8090]  }
0x6c5: {  	v11 =	vadd.s32 v11, v40;
	v40 =	vld [tilespmem:$0x1E0F0]  }
0x6c6: {  	[tilespmem:$0x1E5F0] =	vst v36;
	v36 =	vld [tilespmem:$0x1DF70]  }
0x6c7: {  	v11 =	vadd.s32 v11, v52;
	v52 =	vld [tilespmem:$0x1E190]  }
0x6c8: {  	v11 =	vadd.s32 v11, v61;
	v61 =	vld [tilespmem:$0x1E200]  }
0x6c9: {  	[tilespmem:$0x1DF90] =	vst v4;
	v4 =	vld [tilespmem:$0x86A0]  }
0x6ca: {  	[tilespmem:$0x1E270] =	vst v45;
	v45 =	vld [tilespmem:$0x7EF0]  }
0x6cb: {  	[tilespmem:$0x1E290] =	vst v53;
	v53 =	vld [tilespmem:$0x7F70]  }
0x6cc: {  	[tilespmem:$0x1E2C0] =	vst v59;
	v59 =	vld [tilespmem:$0x7FF0]  }
0x6cd: {  	[tilespmem:$0x1E2E0] =	vst v63;
	v63 =	vld [tilespmem:$0x8470]  }
0x6ce: {  	[tilespmem:$0x1DFB0] =	vst v4;
	v4 =	vld [tilespmem:$0x8720]  }
0x6cf: {  	[tilespmem:$0x1E300] =	vst v45;
	v45 =	vld [tilespmem:$0x84F0]  }
0x6d0: {  	[tilespmem:$0x1E320] =	vst v53;
	v53 =	vld [tilespmem:$0x8570]  }
0x6d1: {  	[tilespmem:$0x1E350] =	vst v59;
	v59 =	vld [tilespmem:$0x85F0]  }
0x6d2: {  	[tilespmem:$0x1E380] =	vst v63;
	v63 =	vld [tilespmem:$0x8670]  }
0x6d3: {  	v43 =	vld [tilespmem:$0x1DFB0]  }
0x6d4: {  	[tilespmem:$0x1DFE0] =	vst v4;
	v4 =	vld [tilespmem:$0x87A0]  }
0x6d5: {  	[tilespmem:$0x1E3B0] =	vst v45;
	v45 =	vld [tilespmem:$0x86F0]  }
0x6d6: {  	[tilespmem:$0x1E3E0] =	vst v53;
	v53 =	vld [tilespmem:$0x8770]  }
0x6d7: {  	[tilespmem:$0x1E410] =	vst v59;
	v59 =	vld [tilespmem:$0x87F0]  }
0x6d8: {  	[tilespmem:$0x1E440] =	vst v63;
	v63 =	vld [tilespmem:$0x8000]  }
0x6d9: {  	[tilespmem:$0x1E000] =	vst v4;
	v4 =	vld [tilespmem:$0x7CB0]  }
0x6da: {  	[tilespmem:$0x1E470] =	vst v45;
	v45 =	vld [tilespmem:$0x8080]  }
0x6db: {  	[tilespmem:$0x1E4A0] =	vst v53;
	v53 =	vld [tilespmem:$0x8100]  }
0x6dc: {  	[tilespmem:$0x1E4D0] =	vst v59;
	v59 =	vld [tilespmem:$0x8180]  }
0x6dd: {  	[tilespmem:$0x1E2A0] =	vst v63;
	v63 =	vld [tilespmem:$0x8200]  }
0x6de: {  	v50 =	vld [tilespmem:$0x1E000]  }
0x6df: {  	[tilespmem:$0x1E2B0] =	vst v45;
	v45 =	vld [tilespmem:$0x8280]  }
0x6e0: {  	[tilespmem:$0x1E2D0] =	vst v53;
	v53 =	vld [tilespmem:$0x8300]  }
0x6e1: {  	[tilespmem:$0x1E2F0] =	vst v59;
	v59 =	vld [tilespmem:$0x8380]  }
0x6e2: {  	[tilespmem:$0x1E310] =	vst v63;
	v63 =	vld [tilespmem:$0x8800];
	v4 =	vadd.s32 v7, v4  }
0x6e3: {  	v7 =	vld [tilespmem:$0x8930];
	v4 =	vadd.s32 v4, v8  }
0x6e4: {  	v8 =	vld [tilespmem:$0x1DEC0];
	v4 =	vadd.s32 v4, v9  }
0x6e5: {  	v4 =	vadd.s32 v4, v10;
	v10 =	vld [tilespmem:$0x8040]  }
0x6e6: {  	[tilespmem:$0x1E330] =	vst v45;
	v45 =	vld [tilespmem:$0x8880]  }
0x6e7: {  	[tilespmem:$0x1E360] =	vst v53;
	v53 =	vld [tilespmem:$0x8900]  }
0x6e8: {  	[tilespmem:$0x1E390] =	vst v59;
	v59 =	vld [tilespmem:$0x8980]  }
0x6e9: {  	[tilespmem:$0x1E3C0] =	vst v63;
	v63 =	vld [tilespmem:$0x8A00]  }
0x6ea: {  	[tilespmem:$0x1E680] =	vst v7;
	v7 =	vadd.s32 v15, v62;
	v62 =	vld [tilespmem:$0x89B0]  }
0x6eb: {  	v4 =	vadd.s32 v4, v13;
	v15 =	vld [tilespmem:$0x80C0]  }
0x6ec: {  	v4 =	vadd.s32 v4, v22;
	v22 =	vld [tilespmem:$0x83C0]  }
0x6ed: {  	v7 =	vadd.s32 v7, v8;
	v8 =	vadd.s32 v12, v31;
	v12 =	vld [tilespmem:$0x8BB0]  }
0x6ee: {  	v31 =	vld [tilespmem:$0x1DF30]  }
0x6ef: {  	v4 =	vadd.s32 v4, v28;
	v28 =	vld [tilespmem:$0x1E060]  }
0x6f0: {  	[tilespmem:$0x1E6A0] =	vst v21;
	v21 =	vadd.s32 v8, v37;
	v8 =	vld [tilespmem:$0x8AB0]  }
0x6f1: {  	v4 =	vadd.s32 v4, v34;
	v34 =	vld [tilespmem:$0x1DF50]  }
0x6f2: {  	v37 =	vld [tilespmem:$0x1DF80]  }
0x6f3: {  	v7 =	vadd.s32 v7, v19;
	v19 =	vld [tilespmem:$0x82C0]  }
0x6f4: {  	v4 =	vadd.s32 v4, v38;
	v38 =	vld [tilespmem:$0x1DF90]  }
0x6f5: {  	v9 =	vadd.s32 v21, v48;
	v48 =	vld [tilespmem:$0x1DFF0]  }
0x6f6: {  	v21 =	vld [tilespmem:$0x8340]  }
0x6f7: {  	v7 =	vadd.s32 v7, v23;
	v23 =	vld [tilespmem:$0x8840]  }
0x6f8: {  	v4 =	vadd.s32 v4, v54;
	v54 =	vld [tilespmem:$0x1E020]  }
0x6f9: {  	v9 =	vadd.s32 v9, v58;
	v58 =	vld [tilespmem:$0x1E050]  }
0x6fa: {  	v7 =	vadd.s32 v7, v25;
	v25 =	vld [tilespmem:$0x89C0]  }
0x6fb: {  	[tilespmem:$0x1E3F0] =	vst v45;
	v45 =	vld [tilespmem:$0x8A80]  }
0x6fc: {  	[tilespmem:$0x1E420] =	vst v53;
	v53 =	vld [tilespmem:$0x8B00]  }
0x6fd: {  	[tilespmem:$0x1E450] =	vst v59;
	v59 =	vld [tilespmem:$0x8B80]  }
0x6fe: {  	[tilespmem:$0x1E480] =	vst v63;
	v63 =	vld [tilespmem:$0x8210]  }
0x6ff: {  	v7 =	vadd.s32 v7, v27;
	v27 =	vld [tilespmem:$0x8AC0]  }
0x700: {  	v4 =	vadd.s32 v4, v60;
	v60 =	vadd.s32 v44, v39;
	v39 =	vld [tilespmem:$0x1E0E0]  }
0x701: {  	v44 =	vld [tilespmem:$0x1E120]  }
0x702: {  	v10 =	vadd.s32 v10, v15;
	v15 =	vld [tilespmem:$0x83E0]  }
0x703: {  	v7 =	vadd.s32 v7, v30;
	v30 =	vld [tilespmem:$0x1E070]  }
0x704: {  	v4 =	vadd.s32 v4, v46;
	v46 =	vld [tilespmem:$0x1E130]  }
0x705: {  	v9 =	vadd.s32 v9, v29;
	v29 =	vadd.s32 v60, v49;
	v49 =	vld [tilespmem:$0x1E160]  }
0x706: {  	v60 =	vld [tilespmem:$0x1E1F0]  }
0x707: {  	v10 =	vadd.s32 v10, v16;
	v16 =	vld [tilespmem:$0x8860]  }
0x708: {  	v9 =	vadd.s32 v9, v31;
	v7 =	vadd.s32 v7, v33;
	v33 =	vld [tilespmem:$0x1E080]  }
0x709: {  	v9 =	vadd.s32 v9, v34;
	v34 =	vld [tilespmem:$0x1E090]  }
0x70a: {  	v31 =	vadd.s32 v29, v57;
	v29 =	vld [tilespmem:$0x8BC0]  }
0x70b: {  	v57 =	vld [tilespmem:$0x1E1D0]  }
0x70c: {  	v10 =	vadd.s32 v10, v17;
	v17 =	vld [tilespmem:$0x88E0]  }
0x70d: {  	v7 =	vadd.s32 v7, v35;
	v35 =	vld [tilespmem:$0x1E0A0]  }
0x70e: {  	v9 =	vadd.s32 v9, v36;
	v36 =	vld [tilespmem:$0x1E0B0]  }
0x70f: {  	v4 =	vadd.s32 v4, v48;
	v48 =	vld [tilespmem:$0x1E150]  }
0x710: {  	v10 =	vadd.s32 v10, v18;
	v18 =	vld [tilespmem:$0x8960]  }
0x711: {  	v7 =	vadd.s32 v7, v37;
	v37 =	vld [tilespmem:$0x1E0C0]  }
0x712: {  	v9 =	vadd.s32 v9, v38;
	v38 =	vld [tilespmem:$0x1E0D0]  }
0x713: {  	v4 =	vadd.s32 v4, v51;
	v51 =	vld [tilespmem:$0x1E180]  }
0x714: {  	v10 =	vadd.s32 v10, v19;
	v19 =	vld [tilespmem:$0x89E0]  }
0x715: {  	[tilespmem:$0x1E4B0] =	vst v45;
	v45 =	vld [tilespmem:$0x8010]  }
0x716: {  	[tilespmem:$0x1E4E0] =	vst v53;
	v53 =	vld [tilespmem:$0x8110]  }
0x717: {  	[tilespmem:$0x1E500] =	vst v59;
	v59 =	vld [tilespmem:$0x8190]  }
0x718: {  	[tilespmem:$0x1E340] =	vst v63;
	v63 =	vld [tilespmem:$0x8290]  }
0x719: {  	v7 =	vadd.s32 v7, v42;
	v42 =	vld [tilespmem:$0x1E100]  }
0x71a: {  	v13 =	vadd.s32 v9, v43;
	v43 =	vld [tilespmem:$0x1E110]  }
0x71b: {  	v4 =	vadd.s32 v4, v56;
	v56 =	vld [tilespmem:$0x1E1C0]  }
0x71c: {  	v10 =	vadd.s32 v10, v21;
	v21 =	vld [tilespmem:$0x8A60]  }
0x71d: {  	v9 =	vadd.s32 v7, v47;
	v7 =	vld [tilespmem:$0x1DFE0]  }
0x71e: {  	v47 =	vld [tilespmem:$0x1E140]  }
0x71f: {  	v10 =	vadd.s32 v10, v22;
	v22 =	vld [tilespmem:$0x8AE0]  }
0x720: {  	v14 =	vadd.s32 v31, v34;
	v31 =	vld [tilespmem:$0x1E210]  }
0x721: {  	[tilespmem:$0x1E370] =	vst v63;
	v63 =	vld [tilespmem:$0x8310]  }
0x722: {  	v34 =	vld [tilespmem:$0x1E240]  }
0x723: {  	v10 =	vadd.s32 v10, v23;
	v23 =	vld [tilespmem:$0x8B60]  }
0x724: {  	v14 =	vadd.s32 v14, v36;
	v36 =	vld [tilespmem:$0x1E260]  }
0x725: {  	v10 =	vadd.s32 v10, v24;
	v24 =	vld [tilespmem:$0x8BE0]  }
0x726: {  	[tilespmem:$0x1E3A0] =	vst v63;
	v63 =	vld [tilespmem:$0x8390]  }
0x727: {  	v14 =	vadd.s32 v14, v38;
	v38 =	vld [tilespmem:$0x1E270]  }
0x728: {  	v10 =	vadd.s32 v10, v20;
	v20 =	vld [tilespmem:$0x8070]  }
0x729: {  	v14 =	vadd.s32 v14, v40;
	v40 =	vld [tilespmem:$0x8350]  }
0x72a: {  	v10 =	vadd.s32 v10, v25;
	v25 =	vld [tilespmem:$0x80F0]  }
0x72b: {  	[tilespmem:$0x1E3D0] =	vst v63;
	v63 =	vld [tilespmem:$0x8810]  }
0x72c: {  	v14 =	vadd.s32 v14, v43;
	v43 =	vld [tilespmem:$0x80D0]  }
0x72d: {  	v7 =	vadd.s32 v13, v7;
	v13 =	vadd.s32 v54, v55;
	v54 =	vld [tilespmem:$0x1E1A0]  }
0x72e: {  	v55 =	vld [tilespmem:$0x1E1B0]  }
0x72f: {  	v11 =	vadd.s32 v11, v47;
	v47 =	vld [tilespmem:$0x81D0]  }
0x730: {  	[tilespmem:$0x1E400] =	vst v63;
	v63 =	vld [tilespmem:$0x8890]  }
0x731: {  	v10 =	vadd.s32 v10, v26;
	v26 =	vld [tilespmem:$0x8170]  }
0x732: {  	v7 =	vadd.s32 v7, v50;
	v50 =	vld [tilespmem:$0x1E170]  }
0x733: {  	v14 =	vadd.s32 v14, v46;
	v46 =	vld [tilespmem:$0x8150]  }
0x734: {  	v13 =	vadd.s32 v13, v58;
	v58 =	vld [tilespmem:$0x1E1E0]  }
0x735: {  	[tilespmem:$0x1E430] =	vst v63;
	v63 =	vld [tilespmem:$0x8910]  }
0x736: {  	v14 =	vadd.s32 v14, v49;
	v49 =	vld [tilespmem:$0x1E2A0]  }
0x737: {  	v14 =	vadd.s32 v14, v52;
	v52 =	vld [tilespmem:$0x1E2D0]  }
0x738: {  	v13 =	vadd.s32 v13, v28;
	v14 =	vadd.s32 v14, v56;
	v56 =	vld [tilespmem:$0x1E2F0]  }
0x739: {  	v13 =	vadd.s32 v13, v30;
	v30 =	vadd.s32 v14, v60;
	v60 =	vld [tilespmem:$0x1E330]  }
0x73a: {  	[tilespmem:$0x1E460] =	vst v63;
	v63 =	vld [tilespmem:$0x8990]  }
0x73b: {  	v13 =	vadd.s32 v13, v33;
	v11 =	vadd.s32 v11, v50;
	v50 =	vld [tilespmem:$0x1E2B0]  }
0x73c: {  	v13 =	vadd.s32 v13, v35;
	v11 =	vadd.s32 v11, v54;
	v54 =	vadd.s32 v45, v41;
	v41 =	vld [tilespmem:$0x1E350]  }
0x73d: {  	v13 =	vadd.s32 v13, v37;
	v45 =	vld [tilespmem:$0x1E360]  }
0x73e: {  	v13 =	vadd.s32 v13, v39;
	v11 =	vadd.s32 v11, v57;
	v57 =	vld [tilespmem:$0x1E300]  }
0x73f: {  	v13 =	vadd.s32 v13, v42;
	[tilespmem:$0x1E490] =	vst v63;
	v63 =	vld [tilespmem:$0x8A10]  }
0x740: {  	v13 =	vadd.s32 v13, v44;
	v11 =	vadd.s32 v11, v61;
	v61 =	vld [tilespmem:$0x1E340]  }
0x741: {  	v13 =	vadd.s32 v13, v48;
	v48 =	vld [tilespmem:$0x1E290]  }
0x742: {  	v13 =	vadd.s32 v13, v51;
	v51 =	vld [tilespmem:$0x1E2C0]  }
0x743: {  	v13 =	vadd.s32 v13, v55;
	v55 =	vld [tilespmem:$0x1E2E0]  }
0x744: {  	[tilespmem:$0x1E4C0] =	vst v63;
	v63 =	vld [tilespmem:$0x8A90]  }
0x745: {  	v13 =	vadd.s32 v13, v58;
	v58 =	vld [tilespmem:$0x1E310]  }
0x746: {  	v14 =	vadd.s32 v13, v31;
	v31 =	vadd.s32 v49, v50;
	v49 =	vld [tilespmem:$0x1E380]  }
0x747: {  	v50 =	vld [tilespmem:$0x1E390]  }
0x748: {  	v13 =	vadd.s32 v30, v32;
	v32 =	vadd.s32 v54, v53;
	v53 =	vld [tilespmem:$0x1E3C0]  }
0x749: {  	[tilespmem:$0x1E4F0] =	vst v63;
	v63 =	vld [tilespmem:$0x8B10]  }
0x74a: {  	v54 =	vld [tilespmem:$0x1E3D0]  }
0x74b: {  	v30 =	vadd.s32 v36, v38;
	v32 =	vadd.s32 v32, v59;
	v59 =	vld [tilespmem:$0x1E320]  }
0x74c: {  	v30 =	vadd.s32 v30, v48;
	v48 =	vld [tilespmem:$0x1E370]  }
0x74d: {  	v31 =	vadd.s32 v31, v52;
	v52 =	vld [tilespmem:$0x1E3B0]  }
0x74e: {  	[tilespmem:$0x1E510] =	vst v63;
	v63 =	vld [tilespmem:$0x8B90]  }
0x74f: {  	v30 =	vadd.s32 v30, v51;
	v51 =	vld [tilespmem:$0x1E3A0]  }
0x750: {  	v31 =	vadd.s32 v31, v56;
	v56 =	vld [tilespmem:$0x1E3F0]  }
0x751: {  	v32 =	vadd.s32 v32, v61;
	v61 =	vld [tilespmem:$0x1E440]  }
0x752: {  	v30 =	vadd.s32 v30, v55;
	v55 =	vld [tilespmem:$0x1E3E0]  }
0x753: {  	[tilespmem:$0x1E540] =	vst v63;
	v63 =	vld [tilespmem:$0x8020]  }
0x754: {  	v30 =	vadd.s32 v30, v57;
	v57 =	vld [tilespmem:$0x1E400]  }
0x755: {  	v31 =	vadd.s32 v31, v58;
	v58 =	vld [tilespmem:$0x1E410]  }
0x756: {  	v30 =	vadd.s32 v30, v59;
	v59 =	vld [tilespmem:$0x1E420]  }
0x757: {  	v31 =	vadd.s32 v31, v60;
	v32 =	vadd.s32 v32, v48;
	v60 =	vld [tilespmem:$0x1E430]  }
0x758: {  	v30 =	vadd.s32 v30, v41;
	v32 =	vadd.s32 v32, v51;
	[tilespmem:$0x1E520] =	vst v63;
	v63 =	vld [tilespmem:$0x80A0]  }
0x759: {  	v41 =	vadd.s32 v30, v49;
	v32 =	vadd.s32 v32, v54;
	v54 =	vld [tilespmem:$0x1E470]  }
0x75a: {  	v41 =	vadd.s32 v41, v52;
	v52 =	vld [tilespmem:$0x1E450]  }
0x75b: {  	v48 =	vadd.s32 v32, v57;
	v57 =	vld [tilespmem:$0x1E4A0]  }
0x75c: {  	v31 =	vadd.s32 v31, v45;
	v41 =	vadd.s32 v41, v55;
	v55 =	vld [tilespmem:$0x1E480]  }
0x75d: {  	v31 =	vadd.s32 v31, v50;
	[tilespmem:$0x1E530] =	vst v63;
	v63 =	vld [tilespmem:$0x8120]  }
0x75e: {  	v45 =	vadd.s32 v31, v53;
	v53 =	vld [tilespmem:$0x1E460]  }
0x75f: {  	v45 =	vadd.s32 v45, v56;
	v56 =	vld [tilespmem:$0x1E490]  }
0x760: {  	v45 =	vadd.s32 v45, v59;
	v59 =	vld [tilespmem:$0x1E4C0]  }
0x761: {  	v48 =	vadd.s32 v48, v60;
	v60 =	vld [tilespmem:$0x1E4D0]  }
0x762: {  	v41 =	vadd.s32 v41, v58;
	[tilespmem:$0x1E550] =	vst v63;
	v63 =	vld [tilespmem:$0x81A0]  }
0x763: {  	v58 =	vld [tilespmem:$0x1E4B0];
	v41 =	vadd.s32 v41, v61;
	v48 =	vadd.s32 v48, v53  }
0x764: {  	v61 =	vld [tilespmem:$0x1E4E0];
	v41 =	vadd.s32 v41, v54;
	v48 =	vadd.s32 v48, v56  }
0x765: {  	v41 =	vadd.s32 v41, v57;
	v48 =	vadd.s32 v48, v59;
	v59 =	vld [tilespmem:$0x1E520]  }
0x766: {  	v41 =	vadd.s32 v41, v60;
	v60 =	vld [tilespmem:$0x1E530]  }
0x767: {  	v45 =	vadd.s32 v45, v52;
	[tilespmem:$0x1E580] =	vst v63;
	v63 =	vld [tilespmem:$0x8220]  }
0x768: {  	v45 =	vadd.s32 v45, v55;
	v56 =	vld [tilespmem:$0x1E4F0]  }
0x769: {  	v45 =	vadd.s32 v45, v58;
	v58 =	vld [tilespmem:$0x1E510]  }
0x76a: {  	v45 =	vadd.s32 v45, v61;
	v61 =	vld [tilespmem:$0x1E540]  }
0x76b: {  	v54 =	vadd.s32 v59, v60;
	v60 =	vld [tilespmem:$0x1E550]  }
0x76c: {  	[tilespmem:$0x1E5A0] =	vst v63;
	v63 =	vld [tilespmem:$0x82A0]  }
0x76d: {  	v28 =	vld [tilespmem:$0x8B40];
	v48 =	vadd.s32 v48, v56  }
0x76e: {  	v33 =	vld [tilespmem:$0x1E230];
	v48 =	vadd.s32 v48, v58  }
0x76f: {  	v48 =	vadd.s32 v48, v61;
	v61 =	vld [tilespmem:$0x1E560]  }
0x770: {  	v54 =	vadd.s32 v54, v60;
	v60 =	vld [tilespmem:$0x1E570]  }
0x771: {  	[tilespmem:$0x1E5C0] =	vst v63;
	v63 =	vld [tilespmem:$0x8320]  }
0x772: {  	v35 =	vld [tilespmem:$0x1E250]  }
0x773: {  	v37 =	vld [tilespmem:$0x8050]  }
0x774: {  	v39 =	vld [tilespmem:$0x1E280]  }
0x775: {  	v56 =	vadd.s32 v61, v60;
	v61 =	vld [tilespmem:$0x1E580]  }
0x776: {  	[tilespmem:$0x1E5E0] =	vst v63;
	v63 =	vld [tilespmem:$0x83A0]  }
0x777: {  	v42 =	vld [tilespmem:$0x82D0]  }
0x778: {  	v44 =	vld [tilespmem:$0x8250]  }
0x779: {  	v60 =	vld [tilespmem:$0x1E590]  }
0x77a: {  	v54 =	vadd.s32 v54, v61;
	v61 =	vld [tilespmem:$0x1E5A0]  }
0x77b: {  	[tilespmem:$0x1E600] =	vst v63;
	v63 =	vld [tilespmem:$0x8820]  }
0x77c: {  	v11 =	vadd.s32 v11, v33;
	v33 =	vld [tilespmem:$0x8A50]  }
0x77d: {  	v11 =	vadd.s32 v11, v35;
	v35 =	vld [tilespmem:$0x8950]  }
0x77e: {  	v56 =	vadd.s32 v56, v60;
	v60 =	vld [tilespmem:$0x1E5B0]  }
0x77f: {  	v54 =	vadd.s32 v54, v61;
	v61 =	vld [tilespmem:$0x1E5C0]  }
0x780: {  	[tilespmem:$0x1E620] =	vst v63;
	v63 =	vld [tilespmem:$0x88A0]  }
0x781: {  	v11 =	vadd.s32 v11, v39;
	v39 =	vld [tilespmem:$0x83D0]  }
0x782: {  	v38 =	vld [tilespmem:$0x8850]  }
0x783: {  	v56 =	vadd.s32 v56, v60;
	v60 =	vld [tilespmem:$0x1E5D0]  }
0x784: {  	v54 =	vadd.s32 v54, v61;
	v61 =	vld [tilespmem:$0x1E5E0]  }
0x785: {  	[tilespmem:$0x1E640] =	vst v63;
	v63 =	vld [tilespmem:$0x8920]  }
0x786: {  	v36 =	vld [tilespmem:$0x88D0]  }
0x787: {  	v13 =	vadd.s32 v13, v34;
	v34 =	vld [tilespmem:$0x89D0]  }
0x788: {  	v56 =	vadd.s32 v56, v60;
	v60 =	vld [tilespmem:$0x1E5F0]  }
0x789: {  	v54 =	vadd.s32 v54, v61;
	v61 =	vld [tilespmem:$0x1E600]  }
0x78a: {  	[tilespmem:$0x1E650] =	vst v63;
	v63 =	vld [tilespmem:$0x89A0]  }
0x78b: {  	v50 =	vld [tilespmem:$0x80E0]  }
0x78c: {  	v51 =	vld [tilespmem:$0x8160]  }
0x78d: {  	v56 =	vadd.s32 v56, v60;
	v60 =	vld [tilespmem:$0x1E610]  }
0x78e: {  	v54 =	vadd.s32 v54, v61;
	v61 =	vld [tilespmem:$0x1E620]  }
0x78f: {  	[tilespmem:$0x1E670] =	vst v63;
	v63 =	vld [tilespmem:$0x8A20]  }
0x790: {  	v30 =	vld [tilespmem:$0x8AD0]  }
0x791: {  	v31 =	vld [tilespmem:$0x8B50]  }
0x792: {  	v56 =	vadd.s32 v56, v60;
	v60 =	vld [tilespmem:$0x1E630]  }
0x793: {  	v54 =	vadd.s32 v54, v61;
	v61 =	vld [tilespmem:$0x1E640]  }
0x794: {  	[tilespmem:$0x1E690] =	vst v63;
	v63 =	vld [tilespmem:$0x8830]  }
0x795: {  	v49 =	vld [tilespmem:$0x8060]  }
0x796: {  	v32 =	vld [tilespmem:$0x8BD0]  }
0x797: {  	v56 =	vadd.s32 v56, v60;
	v60 =	vld [tilespmem:$0x1E650]  }
0x798: {  	v54 =	vadd.s32 v54, v61;
	v61 =	vld [tilespmem:$0x1E660]  }
0x799: {  	v56 =	vadd.s32 v56, v63;
	v63 =	vld [tilespmem:$0x1E670]  }
0x79a: {  	v52 =	vld [tilespmem:$0x81E0]  }
0x79b: {  	v57 =	vld [tilespmem:$0x1E500]  }
0x79c: {  	v54 =	vadd.s32 v54, v60;
	v60 =	vld [tilespmem:$0x1E680]  }
0x79d: {  	v56 =	vadd.s32 v56, v61;
	v61 =	vld [tilespmem:$0x1E690]  }
0x79e: {  	v54 =	vadd.s32 v54, v63;
	v63 =	vld [tilespmem:$0x1E6A0]  }
0x79f: {  	v55 =	vld [tilespmem:$0x82E0]  }
0x7a0: {  	v53 =	vld [tilespmem:$0x8260]  }
0x7a1: {  	v56 =	vadd.s32 v56, v60;
	v60 =	vld [tilespmem:$0x1E6B0]  }
0x7a2: {  	v54 =	vadd.s32 v54, v61;
	v61 =	vld [tilespmem:$0x1E6C0]  }
0x7a3: {  	v54 =	vadd.s32 v54, v63;
	v63 =	vld [tilespmem:$0x1E6E0]  }
0x7a4: {  	v56 =	vadd.s32 v56, v62;
	v62 =	vld [tilespmem:$0x1E6D0]  }
0x7a5: {  	v45 =	vadd.s32 v45, v57;
	v57 =	vld [tilespmem:$0x8360]  }
0x7a6: {  	v10 =	vadd.s32 v10, v27;
	v20 =	vadd.s32 v20, v25;
	v58 =	vld [tilespmem:$0x81F0];
	v56 =	vadd.s32 v56, v60  }
0x7a7: {  	v10 =	vadd.s32 v10, v28;
	v59 =	vadd.s32 v37, v43;
	v60 =	vld [tilespmem:$0x8270];
	v8 =	vadd.s32 v56, v8  }
0x7a8: {  	v56 =	vld [tilespmem:$0x88F0];
	v54 =	vadd.s32 v54, v61;
	v61 =	vadd.s32 v49, v50;
	v8 =	vadd.s32 v8, v63  }
0x7a9: {  	v54 =	vadd.s32 v54, v62;
	v62 =	vld [tilespmem:$0x82F0];
	v8 =	vadd.s32 v8, v12;
	v12 =	vadd.s32 v59, v46  }
0x7aa: {  	[tilespmem:$0x8C30] =	vst v4;
	v10 =	vadd.s32 v10, v29;
	v29 =	vadd.s32 v61, v51;
	v46 =	vld [tilespmem:$0x8370];
	v12 =	vadd.s32 v12, v47  }
0x7ab: {  	[tilespmem:$0x8C10] =	vst v9;
	v20 =	vadd.s32 v20, v26;
	v50 =	vld [tilespmem:$0x83F0];
	v49 =	vadd.s32 v29, v52;
	v47 =	vadd.s32 v12, v44  }
0x7ac: {  	[tilespmem:$0x8C20] =	vst v7;
	v52 =	vadd.s32 v20, v58;
	v51 =	vadd.s32 v49, v53;
	v53 =	vld [tilespmem:$0x8870];
	v7 =	vadd.s32 v47, v42  }
0x7ad: {  	[tilespmem:$0x8CC0] =	vst v10;
	v58 =	vld [tilespmem:$0x8970];
	v4 =	vadd.s32 v7, v40;
	v7 =	vadd.s32 v51, v55;
	v55 =	vadd.s32 v52, v60  }
0x7ae: {  	[tilespmem:$0x8C60] =	vst v11;
	v63 =	vld [tilespmem:$0x1E6F0];
	v4 =	vadd.s32 v4, v39;
	v7 =	vadd.s32 v7, v57;
	v9 =	vadd.s32 v55, v62  }
0x7af: {  	[tilespmem:$0x8C40] =	vst v14;
	v59 =	vld [tilespmem:$0x89F0];
	v4 =	vadd.s32 v4, v38;
	v7 =	vadd.s32 v7, v15;
	v9 =	vadd.s32 v9, v46  }
0x7b0: {  	[tilespmem:$0x8C50] =	vst v13;
	v60 =	vld [tilespmem:$0x8A70];
	v4 =	vadd.s32 v4, v36;
	v7 =	vadd.s32 v7, v16;
	v9 =	vadd.s32 v9, v50  }
0x7b1: {  	[tilespmem:$0x8C70] =	vst v41;
	v61 =	vld [tilespmem:$0x8AF0];
	v4 =	vadd.s32 v4, v35;
	v7 =	vadd.s32 v7, v17;
	v9 =	vadd.s32 v9, v53  }
0x7b2: {  	[tilespmem:$0x8C80] =	vst v45;
	v62 =	vld [tilespmem:$0x8B70];
	v4 =	vadd.s32 v4, v34;
	v7 =	vadd.s32 v7, v18;
	v9 =	vadd.s32 v9, v56  }
0x7b3: {  	[tilespmem:$0x8C00] =	vst v63;
	v63 =	vld [tilespmem:$0x8BF0];
	v4 =	vadd.s32 v4, v33;
	v7 =	vadd.s32 v7, v19;
	v9 =	vadd.s32 v9, v58  }
0x7b4: {  	[tilespmem:$0x8C90] =	vst v48;
	v4 =	vadd.s32 v4, v30;
	v7 =	vadd.s32 v7, v21;
	v9 =	vadd.s32 v9, v59  }
0x7b5: {  	[tilespmem:$0x8CB0] =	vst v8;
	v4 =	vadd.s32 v4, v31;
	v7 =	vadd.s32 v7, v22;
	v8 =	vadd.s32 v9, v60  }
0x7b6: {  	[tilespmem:$0x8CA0] =	vst v54;
	v4 =	vadd.s32 v4, v32;
	v7 =	vadd.s32 v7, v23;
	v8 =	vadd.s32 v8, v61  }
0x7b7: {  	[tilespmem:$0x8CD0] =	vst v4;
	v4 =	vadd.s32 v7, v24;
	v7 =	vadd.s32 v8, v62  }
0x7b8: {  	[tilespmem:$0x8CE0] =	vst v4;
	v4 =	vadd.s32 v7, v63  }
0x7b9: {  	[tilespmem:$0x8CF0] =	vst v4  }
0x7ba: {  	[spmem:s15] =	stream.linear.scatter [tilespmem:s26], [sflag:$0x1], $0x100, $0x38;
	[tilespmem:$0xAF00] =	vst v63  }
0x7bb: {  	_ =	swait.ge [sflag:s18], $0x100  }
0x7bc: {  	[sflag:s18] =	ssyncset.done $0x0  }
0x7bd: {  	[sflag:s18] =	ssyncadd.s32 $0xFFFFFF00  }
0x7be: {  	[bflag:$0x0] =	sbarrier.arrive $0xFFFF  }
0x7bf: {  	[tilespmem:s28], [sflag:$0x1] =	stream.linear.gather [spmem:s3], $0x1000, $0x38;
	[tilespmem:$0xAF00] =	vst v63  }
0x7c0: {  	_ =	swait.ge [sflag:s18], $0x1000  }
0x7c1: {  	[sflag:s18] =	ssyncset.done $0x0  }
0x7c2: {  	s16 =	simm.s32 $0x0;
	s30 =	simm.s32 $0x0;
	[sflag:s18] =	ssyncadd.s32 $0xFFFFF000  }
.LBB2_39:
0x7c3: {  	s31 =	sshll.u32 s30, $0x4  }
0x7c4: {  	v4 =	vmov s31  }
0x7c5: {  	v4 =	vshll.u32 v4, $0x4  }
0x7c6: {  	v8 =	vor.u32 v3, v4;
	_ =	sdelay $0x3  }
0x7c7: {  	v7 =	vor.u32 $0x1, v8  }
0x7c8: {  	s6 =	simm.s32 $0x1;
	v4 =	vimm.s32 $0x0;
	v9 =	vadd.s32 s16, v7;
	v8 =	vld.idx.msk [tilespmem:v8+s28+$0x0], $0xffff  }
.LBB2_40:
0x7c9: {  	p1 =	sne.s32 s6, $0xF  }
.Ltmp18:
0x7ca: {  	_ = 	snop;
	(pc) =	sbr.rel @p1 .LBB2_40-.Ltmp18, $3  }
0x7cb: {  	_ =	sdelay $0x1  }
0x7cc: {  	s7 =	smov.u32 s6;
	s6 =	sadd.s32 $0x1, s6;
	v4 =	vadd.s32 v4, v8;
	v8 =	vld.idx.msk [tilespmem:v9+s28+$0x0], $0xffff  }
0x7cd: {  	v9 =	vadd.s32 s7, v7  }
0x7ce: {  	s30 =	sadd.s32 $0x1, s30  }
0x7cf: {  	p1 =	sne.s32 s30, $0x10  }
.Ltmp19:
0x7d0: {  	_ = 	snop;
	(pc) =	sbr.rel @p1 .LBB2_39-.Ltmp19, $3  }
0x7d1: {  	_ =	sdelay $0x1  }
0x7d2: {  	s6 =	sand.u32 $0x3FFFFFF0, s31;
	v4 =	vadd.s32 v4, v8  }
0x7d3: {  	[tilespmem:s6+$0x9D00] =	vst v4  }
0x7d4: {  	s6 =	simm.s32 $0x0  }
0x7d5: {  	v7 =	vor.u32 s6, v3;
	_ =	sdelay $0x4  }
0x7d6: {  	v4 =	vimm.s32 $0x0;
	s16 =	simm.s32 $0x1;
	v7 =	vld.idx.msk [tilespmem:v7+s29+$0x0], $0xffff  }
.LBB2_43:
0x7d7: {  	v8 =	vor.u32 s16, v3;
	p1 =	sne.s32 s16, $0xF;
	s16 =	sadd.s32 $0x1, s16  }
.Ltmp20:
0x7d8: {  	(pc) =	sbr.rel @p1 .LBB2_43-.Ltmp20, $2  }
0x7d9: {  	_ =	sdelay $0x2  }
0x7da: {  	v4 =	vadd.s32 v4, v7;
	v7 =	vld.idx.msk [tilespmem:v8+s29+$0x0], $0xffff  }
0x7db: {  	s1 =	sxor.u32 $0x80000000, s1  }
0x7dc: {  	p2 =	slt.s32 s1, $0xF  }
0x7dd: {  	p1 =	sgt.s32 s1, $0xF;
	s1 =	simm.s32 @!p2 $0xF  }
0x7de: {  	v8 =	vmov s1  }
0x7df: {  	vm0 =	veq.s32 v8, v0;
	v8 =	vld [tilespmem:$0x1E700];
	_ =	sdelay $0x4  }
0x7e0: {  	v8 =	vnsel vm0, $0x0, v8  }
0x7e1: {  	(xrf0) =	vadd.scan.msk.s32 $0xffff, v8;
	_ =	sdelay $0x5  }
0x7e2: {  	v8, _, _ =	vpop (xrf0)  }
0x7e3: {  	(v2sf) =	vpush v8, $0xF;
	_ =	sdelay $0x1  }
0x7e4: {  	v8 =	vld [tilespmem:$0x1FFF0];
	_ =	sdelay $0x3  }
0x7e5: {  	v4 =	vadd.s32 v4, v7  }
0x7e6: {  	v4 =	vperm.xlane v4, v8;
	_ =	sdelay $0x1  }
0x7e7: {  	(xrf0) =	vadd.scan.msk.s32 $0xffff, v4;
	_ =	sdelay $0x5  }
0x7e8: {  	v4, _, _ =	vpop (xrf0);
	s1 =	spop (v2sf)  }
0x7e9: {  	v4 =	vperm.xlane v4, v8;
	s1 =	smov.u32 @p1 s0  }
0x7ea: {  	s1 =	ssub.s32 s9, s1  }
0x7eb: {  	vm13 =	vge.s32 v4, s1  }
0x7ec: {  	v7 =	vmpcnt.ones.xlane vm13;
	_ =	sdelay $0x1  }
0x7ed: {  	v7 =	vxor.u32 $0x80000000, v7  }
0x7ee: {  	(xrf0) =	vmax.scan.msk.u32 $0xffff, v7;
	_ =	sdelay $0x5  }
0x7ef: {  	v7, _, _ =	vpop (xrf0)  }
0x7f0: {  	(v2sf) =	vpush v7, $0xF;
	_ =	sdelay $0xe  }
0x7f1: {  	s16 =	spop (v2sf)  }
0x7f2: {  	s6 =	sxor.u32 $0x80000000, s16  }
0x7f3: {  	p1 =	slt.s32 s6, $0xF  }
0x7f4: {  	s6 =	simm.s32 @!p1 $0xF  }
0x7f5: {  	v7 =	vmov s6  }
0x7f6: {  	vm14 =	veq.s32 v7, v0  }
0x7f7: {  	v4 =	vnsel vm14, $0x0, v4  }
0x7f8: {  	(xrf0) =	vadd.scan.msk.s32 $0xffff, v4;
	_ =	sdelay $0x5  }
0x7f9: {  	s30 =	sadd.s32 $0x7FFFFFFF, s16;
	v4, _, _ =	vpop (xrf0)  }
0x7fa: {  	s0 =	sshll.u32 s30, $0x4;
	(v2sf) =	vpush v4, $0xF  }
0x7fb: {  	v4 =	vld [tilespmem:s0+$0x9D00];
	_ =	sdelay $0x4  }
0x7fc: {  	v4 =	vperm.xlane v4, v8;
	_ =	sdelay $0x1  }
0x7fd: {  	(xrf0) =	vadd.scan.msk.s32 $0xffff, v4;
	_ =	sdelay $0x5  }
0x7fe: {  	v4, _, _ =	vpop (xrf0)  }
0x7ff: {  	p1 =	sgt.s32 s30, $0xE;
	v4 =	vperm.xlane v4, v8;
	s6 =	spop (v2sf)  }
0x800: {  	s6 =	simm.s32 @p1 $0x0  }
0x801: {  	v4 =	vadd.s32 s6, v4  }
0x802: {  	s31 =	simm.s32 $0x0;
	[bflag:$0x0] =	sbarrier.arrive $0xFFFF;
	vm15 =	vge.s32 v4, s1;
	s1 =	simm.s32 $0x6C00  }
0x803: {  	s9 =	simm.s32 $0x10;
	s16 =	sand.u32 $0xF0, s31;
	v4 =	vmpcnt.ones.xlane vm15;
	[tilespmem:s1+$0x0] =	vst v5  }
.LBB2_45:
0x804: {  	p1 =	seq.s32 s9, $0xF0  }
0x805: {  	[tilespmem:s16+$0x6D00] =	vst v6;
	s1 =	sadd.s32 $0x10, s1;
	s6 =	smov.u32 s9;
	s9 =	sadd.s32 $0x10, s9  }
.Ltmp21:
0x806: {  	[tilespmem:s16+$0x6E00] =	vst v1;
	(pc) =	sbr.rel @!p1 .LBB2_45-.Ltmp21, $2  }
0x807: {  	_ =	sdelay $0x2  }
0x808: {  	s16 =	sand.u32 $0xF0, s6;
	[tilespmem:s1+$0x0] =	vst v5  }
0x809: {  	v4 =	vxor.u32 $0x80000000, v4  }
0x80a: {  	(xrf0) =	vmax.scan.msk.u32 $0xffff, v4;
	_ =	sdelay $0x5  }
0x80b: {  	v4, _, _ =	vpop (xrf0)  }
0x80c: {  	(v2sf) =	vpush v4, $0xF;
	_ =	sdelay $0xc  }
0x80d: {  	[tilespmem:s16+$0x6D00] =	vst v6  }
0x80e: {  	[tilespmem:s16+$0x6E00] =	vst v1;
	s30 =	simm.s32 $0x0  }
0x80f: {  	v8 =	vld [tilespmem:s30+$0x2400];
	s1 =	spop (v2sf)  }
0x810: {  	s0 =	sadd.s32 s1, s0  }
0x811: {  	s9 =	sshll.u32 s4, $0x8;
	s0 =	sadd.s32 $0x7FFFFFFF, s0  }
0x812: {  	s0 =	sor.u32 s9, s0  }
0x813: {  	s0 =	sxor.u32 $0x80000000, s0  }
0x814: {  	v8 =	vxor.u32 $0x80000000, v8;
	v7 =	vmov s0  }
0x815: {  	vm0 =	vge.s32 v8, v7  }
0x816: {  	v9 =	vmpcnt.ones.xlane vm0  }
0x817: {  	v10 =	vsel vm0, $0x1, v1  }
0x818: {  	(xrf0) =	vadd.scan.msk.s32 $0xffff, v10;
	v9 =	vxor.u32 $0x80000000, v9  }
0x819: {  	(xrf0) =	vmax.scan.msk.u32 $0xffff, v9  }
0x81a: {  	s16 =	smul.u32 $0x24000, s17;
	s17 =	simm.s32 $0x0  }
0x81b: {  	v9 =	vmov s17  }
0x81c: {  	v9 =	vadd.s32 $0xFFFFFFFF, v9  }
0x81d: {  	v9 =	vbroadcast v9, $0x0  }
0x81e: {  	v10, _, _ =	vpop (xrf0)  }
0x81f: {  	v9 =	vadd.s32 v10, v9;
	v10, _, _ =	vpop (xrf0)  }
0x820: {  	vm1 =	vlt.s32 v9, $0x100;
	vm2 =	vgt.s32 v9, $0x0;
	(v2sf) =	vpush v10, $0xF  }
0x821: {  	vm0 =	vmand vm0, vm1;
	v9 =	vnsel vm2, $0x0, v9  }
0x822: {  	v9 =	vmin.u32 v9, $0xFF  }
0x823: {  	v10 =	vor.u32 $0x100, v9;
	_ =	sdelay $0x3  }
0x824: {  	[tilespmem:v9+s21+$0x0] =	vst.idx.msk vm0, v8;
	v8 =	vor.u32 s5, v0  }
0x825: {  	[tilespmem:v10+s21+$0x0] =	vst.idx.msk vm0, v8  }
0x826: {  	v8 =	vld [tilespmem:s30+$0x4800]  }
0x827: {  	v9 =	vor.u32 $0x200, v9;
	_ =	sdelay $0x2  }
0x828: {  	v4 =	vmov s16  }
0x829: {  	v8 =	vadd.s32 v4, v8  }
0x82a: {  	s0 =	simm.s32 $0x10;
	[tilespmem:v9+s21+$0x0] =	vst.idx.msk vm0, v8;
	s31 =	spop (v2sf)  }
0x82b: {  	s16 =	simm.s32 $0x80;
	s1 =	smov.u32 s5;
	v8 =	vld [tilespmem:s0+$0x2400];
	s4 =	sadd.s32 $0x0, s31  }
.LBB2_47:
0x82c: {  	s4 =	sadd.s32 $0x80000000, s4  }
0x82d: {  	s1 =	sadd.s32 $0x10, s1;
	s6 =	smov.u32 s16;
	s9 =	sadd.s32 $0x40, s16  }
0x82e: {  	p1 =	sne.s32 s16, $0x8FC0;
	v9 =	vmov s4  }
0x82f: {  	v9 =	vadd.s32 $0xFFFFFFFF, v9  }
0x830: {  	v8 =	vxor.u32 $0x80000000, v8  }
0x831: {  	vm0 =	vge.s32 v8, v7  }
0x832: {  	v10 =	vsel vm0, $0x1, v1;
	v11 =	vmpcnt.ones.xlane vm0  }
0x833: {  	(xrf0) =	vadd.scan.msk.s32 $0xffff, v10  }
0x834: {  	v10 =	vxor.u32 $0x80000000, v11  }
0x835: {  	(xrf0) =	vmax.scan.msk.u32 $0xffff, v10;
	_ =	sdelay $0x2  }
0x836: {  	v9 =	vbroadcast v9, $0x0  }
0x837: {  	v10, _, _ =	vpop (xrf0)  }
0x838: {  	v9 =	vadd.s32 v10, v9  }
0x839: {  	vm1 =	vlt.s32 v9, $0x100;
	vm2 =	vgt.s32 v9, $0x0;
	v10, _, _ =	vpop (xrf0)  }
0x83a: {  	vm0 =	vmand vm0, vm1;
	v9 =	vnsel vm2, $0x0, v9;
	(v2sf) =	vpush v10, $0xF  }
0x83b: {  	v9 =	vmin.u32 v9, $0xFF  }
0x83c: {  	v10 =	vor.u32 $0x100, v9;
	_ =	sdelay $0x3  }
0x83d: {  	[tilespmem:v9+s21+$0x0] =	vst.idx.msk vm0, v8;
	v8 =	vor.u32 s1, v0  }
0x83e: {  	[tilespmem:v10+s21+$0x0] =	vst.idx.msk vm0, v8  }
0x83f: {  	v8 =	vld [tilespmem:s0+$0x4800]  }
0x840: {  	v9 =	vor.u32 $0x200, v9;
	_ =	sdelay $0x2  }
.Ltmp22:
0x841: {  	(pc) =	sbr.rel @p1 .LBB2_47-.Ltmp22, $4  }
0x842: {  	v8 =	vadd.s32 v4, v8  }
0x843: {  	s0 =	sshra.s32 s6, $0x2;
	[tilespmem:v9+s21+$0x0] =	vst.idx.msk vm0, v8  }
0x844: {  	v8 =	vld [tilespmem:s0+$0x2400];
	s6 =	spop (v2sf)  }
0x845: {  	s16 =	smov.u32 s9;
	s4 =	sadd.s32 s6, s4  }
0x846: {  	_ =	sdelay $0x2  }
0x847: {  	v8 =	vxor.u32 $0x80000000, v8  }
0x848: {  	vm0 =	vge.s32 v8, v7  }
0x849: {  	v7 =	vsel vm0, $0x1, v1  }
0x84a: {  	v9 =	vmpcnt.ones.xlane vm0;
	(xrf0) =	vadd.scan.msk.s32 $0xffff, v7;
	_ =	sdelay $0x1  }
0x84b: {  	s4 =	sadd.s32 $0x80000000, s4;
	v7 =	vxor.u32 $0x80000000, v9  }
0x84c: {  	v60 =	vmov s4;
	(xrf0) =	vmax.scan.msk.u32 $0xffff, v7  }
0x84d: {  	v7 =	vadd.s32 $0xFFFFFFFF, v60  }
0x84e: {  	v7 =	vbroadcast v7, $0x0  }
0x84f: {  	v61, _, _ =	vpop (xrf0)  }
0x850: {  	v7 =	vadd.s32 v61, v7  }
0x851: {  	vm1 =	vlt.s32 v7, $0x100;
	vm2 =	vgt.s32 v7, $0x0  }
0x852: {  	v62, _, _ =	vpop (xrf0);
	vm0 =	vmand vm0, vm1;
	v7 =	vnsel vm2, $0x0, v7  }
0x853: {  	(v2sf) =	vpush v62, $0xF;
	v7 =	vmin.u32 v7, $0xFF  }
0x854: {  	v63 =	vor.u32 $0x100, v7;
	_ =	sdelay $0x2  }
0x855: {  	s1 =	sadd.s32 $0x10, s1  }
0x856: {  	[tilespmem:v7+s21+$0x0] =	vst.idx.msk vm0, v8;
	v8 =	vor.u32 s1, v0  }
0x857: {  	[tilespmem:v63+s21+$0x0] =	vst.idx.msk vm0, v8  }
0x858: {  	v8 =	vld [tilespmem:s0+$0x4800]  }
0x859: {  	v7 =	vor.u32 $0x200, v7;
	_ =	sdelay $0x2  }
0x85a: {  	s6 =	sor.u32 s12, s2  }
0x85b: {  	s9 =	rddreg [dreg:$0x5];
	s7 =	sshrl.u32 s6, $0x3;
	v4 =	vadd.s32 v4, v8  }
0x85c: {  	s0 =	sadd.s32 s9, s7;
	[tilespmem:v7+s21+$0x0] =	vst.idx.msk vm0, v4  }
0x85d: {  	[hbm4b:s0+s19] =	stream.strided.scatter [tilespmem:s21], [sflag:$0x1], $0x100, s20, s19, $0x38;
	[tilespmem:$0xAF00] =	vst v63  }
0x85e: {  	s16 =	spop (v2sf);
	s0 =	simm.s32 $0x1  }
0x85f: {  	_ =	swait.ge [sflag:s0], $0x100  }
0x860: {  	[sflag:s0] =	ssyncset.done $0x0;
	s17 =	rddreg [dreg:$0x6]  }
0x861: {  	s30 =	simm.s32 $0x6D00;
	[sflag:s0] =	ssyncadd.s32 $0xFFFFFF00;
	s2 =	sadd.s32 s17, s7  }
0x862: {  	[hbm4b:s2+s19] =	stream.strided.scatter [tilespmem:s30], [sflag:$0x1], $0x100, s20, s19, $0x38;
	[tilespmem:$0xAF00] =	vst v63  }
0x863: {  	_ =	swait.ge [sflag:s0], $0x100  }
0x864: {  	[sflag:s0] =	ssyncset.done $0x0  }
0x865: {  	s31 =	simm.s32 $0x6E00;
	s1 =	sadd.s32 s8, s7;
	[sflag:s0] =	ssyncadd.s32 $0xFFFFFF00  }
0x866: {  	[hbm4b:s1+s19] =	stream.strided.scatter [tilespmem:s31], [sflag:$0x1], $0x100, s20, s19, $0x38;
	[tilespmem:$0xAF00] =	vst v63  }
.Ltmp23:
0x867: {  	_ =	swait.ge [sflag:s0], $0x100;
	(pc) =	sbr.rel @p0 .LBB2_2-.Ltmp23, $4  }
0x868: {  	[sflag:s0] =	ssyncset.done $0x0  }
0x869: {  	[sflag:s0] =	ssyncadd.s32 $0xFFFFFF00  }
0x86a: {  	[bflag:$0x0] =	sbarrier.arrive $0xFFFF  }
0x86b: {  	p1 =	por $0x0, $0x0  }
0x86c: {  	s1 =	rddreg [dreg:$0x9]  }
0x86d: {  	s0 =	rddreg [dreg:$0x8];
	s1 =	sadd.s32 $0x1, s1  }
0x86e: {  	p0 =	sne.s32 s1, s0  }
.Ltmp24:
0x86f: {  	_ = 	snop;
	(pc) =	sbr.rel @p0 .LBB2_1-.Ltmp24, $1  }
0x870: {  	_ =	sdelay $0x3  }
0x871: {  	_ =	sfence.sel $0x180000  }
0x872: {  	[bflag:$0x0] =	sbarrier.arrive $0xFFFF  }
0x873: {  	_ =	strace $0x90000047  }
0x874: {  	s0 =	stileid.u32;
	[bflag:$0x2] =	sbarrier.arrive $0xFFFF  }
0x875: {  	p0 =	sne.s32 s0, $0x0;
	s0 =	rddreg [dreg:$0x4]  }
0x876: {  	s0 =	sadd.s32 @!p0 $0x100000, s0  }
0x877: {  	[sflag:s0] =	ssyncadd.tile.s32 @!p0 $0x1;
	_ =	shalt  }
.Lfunc_end2:
_tile_overlayer_lowered:
.L_overlay_start_2:
0x878: {  	(tag) =	ssettag $0x2  }
0x879: {  	s0 =	rddreg [dreg:$0x0];
	s2 =	stileid.u32  }
0x87a: {  	s1 =	rddreg [dreg:$0x1];
	p0 =	sne.s32 s2, $0x0  }
0x87b: {  	s3 =	rddreg [dreg:$0x2];
	[bflag:$0x3] =	sbarrier.arrive $0xFFFF;
	s2 =	simm.s32 @!p0 $0x1C01  }
0x87c: {  	[timem:s3], [sflag:s2] =	dma.local @!p0 [hbm:s0], s1  }
0x87d: {  	s0 =	simm.s32 @!p0 $0x1  }
0x87e: {  	_ =	swait.ge @!p0 [sflag:s0], s1  }
0x87f: {  	s1 =	ssub.s32 @!p0 $0x0, s1;
	[sflag:s0] =	ssyncset.done @!p0 $0x0  }
0x880: {  	[sflag:s0] =	ssyncadd.s32 @!p0 s1  }
0x881: {  	[bflag:$0x3] =	sbarrier.arrive $0xFFFF  }
0x882: {  	_ =	shalt  }

// kernel: kernel.9.cloned.1.call-start
scs
__scs_entry_jumppad:
0x0: {  	(pc) =	sbr.rel $0x88, $3  }
0x1: {  	(tag) =	ssettag $0x0;
	lr =	simm.s32 $0x1  }
0x2: {  	[smem:$0x3F9A] =	sst lr;
	_ =	strace $0xD0000000  }
0x3: {  	_ = 	snop  }
0x4: {  	_ = 	snop  }
0x5: {  	_ = 	snop  }
0x6: {  	_ = 	snop  }
0x7: {  	_ = 	snop  }
__scs_overlays_trampoline_lowered:
0x8: {  	[smem:$0x3FA9] =	sst s0  }
0x9: {  	[smem:$0x3FAA] =	sst s1  }
0xa: {  	[smem:$0x3FAB] =	sst s2  }
0xb: {  	[smem:$0x3FAC] =	sst s3  }
0xc: {  	[smem:$0x3FAD] =	sst s4  }
0xd: {  	[smem:$0x3FAE] =	sst s5  }
0xe: {  	[smem:$0x3FAF] =	sst s6  }
0xf: {  	[smem:$0x3FB0] =	sst s7  }
0x10: {  	[smem:$0x3FB1] =	sst s8  }
0x11: {  	[smem:$0x3FB2] =	sst s9;
	s0 =	simm.s32 @!p0 $0x0  }
0x12: {  	s1 =	sld [smem:$0x3F98];
	s0 =	simm.s32 @p0 $0x1  }
0x13: {  	[smem:$0x3FB3] =	sst s0;
	s0 =	simm.s32 @!p1 $0x0  }
0x14: {  	s2 =	sld [smem:$0x3F97];
	s0 =	simm.s32 @p1 $0x1  }
0x15: {  	[smem:$0x3FB4] =	sst s0;
	s0 =	simm.s32 @!p2 $0x0  }
0x16: {  	s3 =	sld [smem:$0x3FDB];
	s0 =	simm.s32 @p2 $0x1  }
0x17: {  	s4 =	simm.s32 $0x1BF5;
	[smem:$0x3FB6] =	sst s0  }
0x18: {  	s0 =	sld [smem:$0x3F99];
	_ =	swait.ge [sflag:s4], $0x0  }
0x19: {  	s7 =	sld [smem:$0x3F9A]  }
0x1a: {  	s8 =	sadd.s32 $0xFFFFE003, lr  }
0x1b: {  	s9 =	sadd.s32 $0xFFFFFEF7, lr;
	s5 =	simm.s32 $0xFFFFFFFF;
	p2 =	slt.u32 s8, $0xFFFFF086  }
0x1c: {  	p1 =	slt.u32 s9, $0xF7A;
	s5 =	simm.s32 @!p2 $0x0  }
0x1d: {  	s5 =	simm.s32 @p1 $0x1;
	p0 =	seq.s32 s7, s2  }
0x1e: {  	s7 =	smul.u32 @!p0 $0xF7A, s2;
	p2 =	seq.s32 @!p0 s5, $0x0  }
0x1f: {  	s9 =	smul.u32 $0xF7A, s1;
	s8 =	simm.s32 @!p0 $0x1BF5;
	p2 =	por !p2, p0  }
0x20: {  	[sflag:s8] =	ssyncset.s32 @!p0 $0xFFFFF086;
	s6 =	sadd.s32 @!p0 s3, s7;
	s7 =	simm.s32 @!p0 $0x108  }
0x21: {  	s3 =	sadd.s32 s3, s9;
	s6 =	sadd.s32 @!p0 $0x88, s6;
	s7 =	simm.s32 @p2 $0x1082  }
0x22: {  	[simem:s7], [sflag:s8] =	dma.local @!p0 [hbm:s6], $0xF7A  }
0x23: {  	s9 =	sor.u32 $0xD0000000, s2;
	s6 =	simm.s32 $0x108;
	_ =	swait.ge @!p0 [sflag:s8], $0x0  }
0x24: {  	s3 =	sadd.s32 $0x88, s3;
	s6 =	simm.s32 @!p1 $0x1082;
	[sflag:s4] =	ssyncset.s32 $0xFFFFF086  }
0x25: {  	[simem:s6], [sflag:s4] =	dma.local [hbm:s3], $0xF7A  }
0x26: {  	[smem:$0x3F9A] =	sst s1;
	(tag) =	ssettag s2;
	_ =	strace s9  }
0x27: {  	s1 =	sld [smem:$0x3FAA]  }
0x28: {  	s2 =	sld [smem:$0x3FAB]  }
0x29: {  	s4 =	sld [smem:$0x3FAD]  }
0x2a: {  	p0 =	seq.s32 s5, $0x0;
	s5 =	sld [smem:$0x3FAE]  }
0x2b: {  	s6 =	sld [smem:$0x3FAF]  }
0x2c: {  	s7 =	sld [smem:$0x3FB0]  }
0x2d: {  	s3 =	simm.s32 $0x108;
	s8 =	sld [smem:$0x3FB1]  }
0x2e: {  	s3 =	simm.s32 @!p0 $0x1082;
	s9 =	sld [smem:$0x3FB2]  }
0x2f: {  	lr =	sadd.s32 s0, s3;
	s0 =	sld [smem:$0x3FA9]  }
0x30: {  	s3 =	sld [smem:$0x3FAC]  }
0x31: {  	[smem:$0x3FB5] =	sst s10  }
0x32: {  	s10 =	sld [smem:$0x3FB3];
	_ =	sdelay $0x3  }
0x33: {  	p0 =	seq.s32 s10, $0x1;
	s10 =	sld [smem:$0x3FB5];
	_ =	sdelay $0x3  }
0x34: {  	[smem:$0x3FB5] =	sst s10  }
0x35: {  	s10 =	sld [smem:$0x3FB4];
	_ =	sdelay $0x3  }
0x36: {  	p1 =	seq.s32 s10, $0x1;
	s10 =	sld [smem:$0x3FB5];
	_ =	sdelay $0x3  }
0x37: {  	[smem:$0x3FB5] =	sst s10  }
0x38: {  	s10 =	sld [smem:$0x3FB6]  }
0x39: {  	_ = 	snop;
	(pc) =	sbr.ind lr, $3  }
0x3a: {  	_ = 	snop  }
0x3b: {  	_ = 	snop  }
0x3c: {  	p2 =	seq.s32 s10, $0x1;
	s10 =	sld [smem:$0x3FB5]  }
0x3d: {  	_ =	shalt  }
0x3e: {  	_ =	shalt  }
0x3f: {  	_ =	shalt  }
0x40: {  	_ =	shalt  }
0x41: {  	_ =	shalt  }
0x42: {  	_ =	shalt  }
0x43: {  	_ =	shalt  }
0x44: {  	_ =	shalt  }
0x45: {  	_ =	shalt  }
0x46: {  	_ =	shalt  }
0x47: {  	_ =	shalt  }
0x48: {  	_ =	shalt  }
0x49: {  	_ =	shalt  }
0x4a: {  	_ =	shalt  }
0x4b: {  	_ =	shalt  }
0x4c: {  	_ =	shalt  }
0x4d: {  	_ =	shalt  }
0x4e: {  	_ =	shalt  }
0x4f: {  	_ =	shalt  }
0x50: {  	_ =	shalt  }
0x51: {  	_ =	shalt  }
0x52: {  	_ =	shalt  }
0x53: {  	_ =	shalt  }
0x54: {  	_ =	shalt  }
0x55: {  	_ =	shalt  }
0x56: {  	_ =	shalt  }
0x57: {  	_ =	shalt  }
0x58: {  	_ =	shalt  }
0x59: {  	_ =	shalt  }
0x5a: {  	_ =	shalt  }
0x5b: {  	_ =	shalt  }
0x5c: {  	_ =	shalt  }
0x5d: {  	_ =	shalt  }
0x5e: {  	_ =	shalt  }
0x5f: {  	_ =	shalt  }
0x60: {  	_ =	shalt  }
0x61: {  	_ =	shalt  }
0x62: {  	_ =	shalt  }
0x63: {  	_ =	shalt  }
0x64: {  	_ =	shalt  }
0x65: {  	_ =	shalt  }
0x66: {  	_ =	shalt  }
0x67: {  	_ =	shalt  }
0x68: {  	_ =	shalt  }
0x69: {  	_ =	shalt  }
0x6a: {  	_ =	shalt  }
0x6b: {  	_ =	shalt  }
0x6c: {  	_ =	shalt  }
0x6d: {  	_ =	shalt  }
0x6e: {  	_ =	shalt  }
0x6f: {  	_ =	shalt  }
0x70: {  	_ =	shalt  }
0x71: {  	_ =	shalt  }
0x72: {  	_ =	shalt  }
0x73: {  	_ =	shalt  }
0x74: {  	_ =	shalt  }
0x75: {  	_ =	shalt  }
0x76: {  	_ =	shalt  }
0x77: {  	_ =	shalt  }
0x78: {  	_ =	shalt  }
0x79: {  	_ =	shalt  }
0x7a: {  	_ =	shalt  }
0x7b: {  	_ =	shalt  }
0x7c: {  	_ =	shalt  }
0x7d: {  	_ =	shalt  }
0x7e: {  	_ =	shalt  }
0x7f: {  	_ =	shalt  }
0x80: {  	_ =	shalt  }
0x81: {  	_ =	shalt  }
0x82: {  	_ =	shalt  }
0x83: {  	_ =	shalt  }
0x84: {  	_ =	shalt  }
0x85: {  	_ =	shalt  }
0x86: {  	_ =	shalt  }
0x87: {  	_ =	shalt  }
.Lfunc_end0:
.L_simem_size_0:
called_computation.1_lowered:
.L_overlay_start_0:
0x88: {  	s2 =	sld [smem:$0x3FD9]  }
0x89: {  	s3 =	sld [smem:$0x3FFE];
	_ =	sdelay $0x1  }
0x8a: {  	s1 =	srdreg.scid  }
0x8b: {  	s0 =	sand.u32 $0x1, s1  }
0x8c: {  	s17 =	sshll.u32 s0, $0xA;
	s2 =	sadd.s32 s3, s2  }
0x8d: {  	s2 =	sadd.s32 s2, s17  }
0x8e: {  	[smem:$0x3FC1] =	sst s2  }
0x8f: {  	_ = 	snop  }
0x90: {  	s2 =	sld [smem:$0x3FD0];
	(tm) =	ssettm $0x1  }
0x91: {  	s18 =	sld [smem:$0x3FFB];
	_ =	sdelay $0x3  }
0x92: {  	_ =	strace s18  }
0x93: {  	s3 =	sld [smem:$0x3FFC];
	_ =	sdelay $0x3  }
0x94: {  	_ =	strace s3  }
0x95: {  	s3 =	sld [smem:$0x3FFD];
	_ =	sdelay $0x3  }
0x96: {  	_ =	strace s3  }
0x97: {  	_ =	strace $0x8FFFFFFF  }
0x98: {  	s19 =	sld [smem:$0x3FDB];
	_ =	sdelay $0x1  }
0x99: {  	s4 =	simm.s32 $_scs_section_size  }
0x9a: {  	s5 =	simm.s32 $_size__tile_overlayer_lowered;
	s6 =	simm.s32 $_tile_overlayer_lowered  }
0x9b: {  	s22 =	simm.s32 $0x1BFF;
	s21 =	sshll.u32 s6, $0x1;
	s3 =	sadd.s32 s4, s19  }
0x9c: {  	s7 =	simm.s32 $0x0;
	s20 =	sshll.u32 s5, $0x1;
	s5 =	sadd.s32 s21, s3  }
0x9d: {  	[timem:s7], [sflag:s22] =	dma.local [hbm:s5], s20  }
0x9e: {  	_ =	swait.ge [sflag:s22], s20  }
0x9f: {  	s4 =	ssub.s32 $0x0, s20;
	[sflag:s22] =	ssyncset.done $0x0  }
0xa0: {  	[sflag:s22] =	ssyncadd.s32 s4;
	_ =	sdelay $0x1  }
0xa1: {  	s23 =	simm.s32 $0x1B8B  }
0xa2: {  	_ =	swait.ge [sflag:s23], $0x1  }
0xa3: {  	[sflag:s23] =	ssyncset.done $0x0  }
0xa4: {  	s25 =	simm.s32 $0x1B8E;
	s24 =	sld [smem:$0x3FFE];
	[sflag:s23] =	ssyncadd.s32 $0xFFFFFFFF  }
0xa5: {  	s26 =	simm.s32 $execute0_lowered;
	[smem:$0x3FD2] =	sst s25  }
0xa6: {  	s5 =	sshll.u32 s26, $0x1;
	_ =	strace $0x80000049;
	[dreg:$0x1] =	wrdreg $0xFFFFFFFF  }
0xa7: {  	s28 =	simm.s32 $_size_execute0_lowered;
	s3 =	sadd.s32 s3, s5;
	[dreg:$0x0] =	wrdreg $0x0  }
0xa8: {  	s5 =	sshll.u32 s28, $0x1;
	[dreg:$0x2] =	wrdreg s3  }
0xa9: {  	[dreg:$0x3] =	wrdreg s5  }
0xaa: {  	[dreg:$0x4] =	wrdreg $0xC0  }
0xab: {  	_ =	task [dreg:s7], $0x5FFFF  }
0xac: {  	[dreg:$0x1] =	wrdreg $0xFFFFFFFF  }
0xad: {  	[dreg:$0x0] =	wrdreg $0x60  }
0xae: {  	[dreg:$0x2] =	wrdreg s24  }
0xaf: {  	[dreg:$0x3] =	wrdreg s2  }
0xb0: {  	[dreg:$0x4] =	wrdreg $0x34000  }
0xb1: {  	[dreg:$0x5] =	wrdreg $0x9  }
0xb2: {  	_ =	task.clear_ibuf [dreg:s7], $0x6FFFF;
	_ =	strace $0x90000049  }
0xb3: {  	s29 =	simm.s32 $0x9;
	_ =	strace $0x8000004B  }
0xb4: {  	_ =	swait.ge [sflag:s29], $0x1  }
0xb5: {  	[sflag:s29] =	ssyncadd.s32 $0xFFFFFFFF  }
0xb6: {  	_ =	strace $0x9000004B  }
0xb7: {  	_ =	sfence  }
0xb8: {  	s30 =	sld [smem:$0x0];
	_ =	sdelay $0x2  }
0xb9: {  	s31 =	sshll.u32 s1, $0xD;
	s1 =	sshrl.u32 s1, $0x2  }
0xba: {  	s3 =	sand.u32 $0x4000, s31;
	s1 =	sadd.s32 s1, s30  }
0xbb: {  	s0 =	sor.u32 s3, s0;
	s1 =	sshll.u32 s1, $0x11  }
0xbc: {  	s0 =	sor.u32 s1, s0  }
0xbd: {  	s0 =	sadd.s32 $0x8F2B, s0  }
0xbe: {  	[sflag:s0] =	ssyncadd.remote.s32 $0x1  }
0xbf: {  	_ =	sfence.sel $0xFFFF  }
0xc0: {  	[dreg:$0x0] =	wrdreg $0xFFFFFFFF;
	(pc) =	sbr.abs _section_cstart, $3  }
0xc1: {  	[dreg:$0x1] =	wrdreg $0xFFFFFFFF  }
0xc2: {  	_ =	task.clear_ibuf [dreg:s7], $0x2FFFF;
	_ =	strace $0x9FFFFFFF  }
0xc3: {  	(tm) =	ssettm $0x7FFFFFFF  }
tec
execute0_lowered:
.L_overlay_start_1:
0x0: {  	(tag) =	ssettag $0x1  }
0x1: {  	s6 =	rddreg [dreg:$0x0]  }
0x2: {  	s1 =	rddreg [dreg:$0x1]  }
0x3: {  	s2 =	rddreg [dreg:$0x2]  }
0x4: {  	s0 =	rddreg [dreg:$0x3];
	s3 =	simm.s32 $0x0;
	s4 =	srdreg.scid  }
0x5: {  	s13 =	stileid.u32;
	s14 =	simm.s32 $0x2;
	s15 =	simm.s32 $0x100  }
0x6: {  	s16 =	simm.s32 $0x80;
	s17 =	simm.s32 $0x200;
	s18 =	simm.s32 $0x280  }
0x7: {  	s19 =	simm.s32 $0x300;
	s20 =	simm.s32 $0x400;
	s21 =	simm.s32 $0x0  }
0x8: {  	[smem:$0x7FF] =	sst s3;
	s7 =	sand.u32 $0x1, s4;
	s4 =	sadd.s32 $0x1000, s6  }
0x9: {  	s5 =	sadd.s32 $0x1800, s6;
	s6 =	sadd.s32 $0x907400, s6;
	s31 =	sshll.u32 s13, $0x7  }
0xa: {  	s10 =	sshll.u32 s13, $0x5;
	s11 =	smul.u32 $0x3000, s13;
	s8 =	ssub.s32 $0x2, s7  }
0xb: {  	p0 =	sne.s32 s13, $0x0;
	s13 =	simm.s32 $0x380;
	s9 =	sshrl.u32 s8, $0x1  }
0xc: {  	_ =	strace $0x8000004A;
	s7 =	sshll.u32 s7, $0x1;
	s12 =	ssub.s32 s8, s9  }
0xd: {  	v0 =	vimm.s32 $0x0;
	s8 =	sadd.s32 s31, s2;
	s9 =	sadd.s32 $0x800, s2;
	s12 =	smax.u32 s12, $0x1  }
.LBB2_1:
0xe: {  	[tilespmem:$0x380] =	vst v0  }
0xf: {  	[tilespmem:$0x390] =	vst v0  }
0x10: {  	[tilespmem:$0x3A0] =	vst v0  }
0x11: {  	[tilespmem:$0x3B0] =	vst v0  }
0x12: {  	[tilespmem:$0x3C0] =	vst v0  }
0x13: {  	[tilespmem:$0x3D0] =	vst v0  }
0x14: {  	[tilespmem:$0x3E0] =	vst v0  }
0x15: {  	[tilespmem:$0x3F0] =	vst v0;
	p1 =	por $0x1, $0x1;
	s22 =	simm.s32 $0x0  }
.LBB2_2:
0x16: {  	[spmem:s8] =	stream.linear.scatter [tilespmem:s13], [sflag:$0x2], $0x80, $0x38;
	[tilespmem:$0x3488] =	vst v63  }
0x17: {  	_ =	swait.ge [sflag:s14], $0x80  }
0x18: {  	[sflag:s14] =	ssyncset.done $0x0  }
0x19: {  	s23 =	simm.s32 @!p0 $0x380;
	[sflag:s14] =	ssyncadd.s32 $0xFFFFFF80  }
0x1a: {  	[spmem:s9] =	stream.linear.scatter @!p0 [tilespmem:s23], [sflag:$0x2], $0x40, $0x38;
	[tilespmem:$0x3488] =	vst v63  }
0x1b: {  	s22 =	sor.u32 s7, s22;
	s23 =	simm.s32 @!p0 $0x2  }
0x1c: {  	s24 =	sshll.u32 s22, $0x9;
	_ =	swait.ge @!p0 [sflag:s23], $0x40  }
0x1d: {  	s24 =	sor.u32 s10, s24;
	[sflag:s23] =	ssyncset.done @!p0 $0x0  }
0x1e: {  	s29 =	sadd.s32 s4, s24;
	[sflag:s23] =	ssyncadd.s32 @!p0 $0xFFFFFFC0  }
0x1f: {  	[tilespmem:s3], [sflag:$0x2] =	stream.linear.gather [hbm4b:s29+s3], $0x100, $0x38;
	[tilespmem:$0x3488] =	vst v63  }
0x20: {  	_ =	swait.ge [sflag:s14], $0x100  }
0x21: {  	[sflag:s14] =	ssyncset.done $0x0  }
0x22: {  	s30 =	sadd.s32 s5, s24;
	[sflag:s14] =	ssyncadd.s32 $0xFFFFFF00  }
0x23: {  	[tilespmem:s15], [sflag:$0x2] =	stream.linear.gather [hbm4b:s30+s3], $0x100, $0x38;
	[tilespmem:$0x3488] =	vst v63  }
0x24: {  	_ =	swait.ge [sflag:s14], $0x100  }
0x25: {  	[sflag:s14] =	ssyncset.done $0x0  }
0x26: {  	[sflag:s14] =	ssyncadd.s32 $0xFFFFFF00  }
0x27: {  	v1 =	vld [tilespmem:$0x100]  }
0x28: {  	v2 =	vld [tilespmem:$0x110]  }
0x29: {  	v3 =	vld [tilespmem:$0x120]  }
0x2a: {  	v4 =	vld [tilespmem:$0x130]  }
0x2b: {  	v5 =	vld [tilespmem:$0x140]  }
0x2c: {  	v6 =	vld [tilespmem:$0x150];
	vm0 =	vlt.s32 v1, $0x800  }
0x2d: {  	v7 =	vld [tilespmem:$0x160];
	vm13 =	vlt.s32 v2, $0x800;
	v1 =	vnsel vm0, $0x800, v1  }
0x2e: {  	vm14 =	vlt.s32 v3, $0x800;
	[tilespmem:$0x200] =	vst v1;
	v1 =	vnsel vm13, $0x800, v2;
	v2 =	vld [tilespmem:$0x170]  }
0x2f: {  	vm15 =	vlt.s32 v4, $0x800;
	[tilespmem:$0x210] =	vst v1;
	v1 =	vnsel vm14, $0x800, v3;
	v3 =	vld [tilespmem:$0x180]  }
0x30: {  	v59 =	vld [tilespmem:$0x190];
	vm4 =	vlt.s32 v5, $0x800;
	[tilespmem:$0x220] =	vst v1;
	v1 =	vnsel vm15, $0x800, v4  }
0x31: {  	v60 =	vld [tilespmem:$0x1A0];
	vm5 =	vlt.s32 v6, $0x800;
	[tilespmem:$0x230] =	vst v1;
	v1 =	vnsel vm4, $0x800, v5  }
0x32: {  	v61 =	vld [tilespmem:$0x1B0];
	vm6 =	vlt.s32 v7, $0x800;
	[tilespmem:$0x240] =	vst v1;
	v1 =	vnsel vm5, $0x800, v6  }
0x33: {  	v62 =	vld [tilespmem:$0x1C0];
	[tilespmem:$0x250] =	vst v1;
	v1 =	vnsel vm6, $0x800, v7;
	vm7 =	vlt.s32 v2, $0x800  }
0x34: {  	[tilespmem:$0x260] =	vst v1;
	v1 =	vnsel vm7, $0x800, v2;
	vm8 =	vlt.s32 v3, $0x800;
	v2 =	vld [tilespmem:$0x1D0]  }
0x35: {  	vm9 =	vlt.s32 v59, $0x800;
	[tilespmem:$0x270] =	vst v1;
	v1 =	vnsel vm8, $0x800, v3;
	v3 =	vld [tilespmem:$0x1E0]  }
0x36: {  	v63 =	vld [tilespmem:$0x1F0];
	vm10 =	vlt.s32 v60, $0x800;
	[tilespmem:$0x280] =	vst v1;
	v1 =	vnsel vm9, $0x800, v59  }
0x37: {  	vm11 =	vlt.s32 v61, $0x800;
	[tilespmem:$0x290] =	vst v1;
	v1 =	vnsel vm10, $0x800, v60  }
0x38: {  	vm12 =	vlt.s32 v62, $0x800;
	[tilespmem:$0x2A0] =	vst v1;
	v1 =	vnsel vm11, $0x800, v61  }
0x39: {  	[tilespmem:$0x2B0] =	vst v1;
	v1 =	vnsel vm12, $0x800, v62;
	vm13 =	vlt.s32 v2, $0x800  }
0x3a: {  	[tilespmem:$0x2C0] =	vst v1;
	v1 =	vnsel vm13, $0x800, v2;
	vm14 =	vlt.s32 v3, $0x800  }
0x3b: {  	vm15 =	vlt.s32 v63, $0x800;
	[tilespmem:$0x2D0] =	vst v1;
	v1 =	vnsel vm14, $0x800, v3  }
0x3c: {  	[tilespmem:$0x2E0] =	vst v1;
	v1 =	vnsel vm15, $0x800, v63  }
0x3d: {  	[tilespmem:$0x2F0] =	vst v1  }
0x3e: {  	[bflag:$0x0] =	sbarrier.arrive $0xFFFF  }
0x3f: {  	[spmem:s2] =	stream.indirect.scatter [tilespmem:s3], [sflag:$0x2], $0x1, s17, s16, $0xb8;
	[tilespmem:$0x3488] =	vst v63  }
0x40: {  	_ =	swait.ge [sflag:s14], $0x80  }
0x41: {  	[sflag:s14] =	ssyncset.done $0x0  }
0x42: {  	[sflag:s14] =	ssyncadd.s32 $0xFFFFFF80  }
0x43: {  	[spmem:s2] =	stream.indirect.scatter [tilespmem:s16], [sflag:$0x2], $0x1, s18, s16, $0xb8;
	[tilespmem:$0x3488] =	vst v63  }
0x44: {  	_ =	swait.ge [sflag:s14], $0x80  }
0x45: {  	[sflag:s14] =	ssyncset.done $0x0  }
0x46: {  	[sflag:s14] =	ssyncadd.s32 $0xFFFFFF80  }
0x47: {  	[bflag:$0x0] =	sbarrier.arrive $0xFFFF  }
0x48: {  	[tilespmem:s19], [sflag:$0x2] =	stream.linear.gather [spmem:s8], $0x80, $0x38;
	[tilespmem:$0x3488] =	vst v63  }
0x49: {  	_ =	swait.ge [sflag:s14], $0x80  }
0x4a: {  	[sflag:s14] =	ssyncset.done $0x0  }
0x4b: {  	s31 =	smul.u32 $0x30000, s22;
	s22 =	simm.s32 $0x1;
	[sflag:s14] =	ssyncadd.s32 $0xFFFFFF80  }
0x4c: {  	[tilespmem:s20], [sflag:$0x1] =	stream.indirect.gather [hbm4b:s6+s16], $0x60, s19, s16, $0xb8;
	[tilespmem:$0x3488] =	vst v63  }
0x4d: {  	s23 =	sadd.s32 s11, s31;
	_ =	swait.ge [sflag:s22], $0x3000  }
0x4e: {  	s23 =	sshrl.u32 s23, $0x3;
	[sflag:s22] =	ssyncset.done $0x0  }
0x4f: {  	p2 =	por p1, p1;
	s23 =	sadd.s32 s1, s23;
	[sflag:s22] =	ssyncadd.s32 $0xFFFFD000  }
0x50: {  	[hbm4b:s23+s3] =	stream.linear.scatter [tilespmem:s20], [sflag:$0x2], $0x3000, $0x38;
	[tilespmem:$0x3488] =	vst v63  }
.Ltmp0:
0x51: {  	_ =	swait.ge [sflag:s14], $0x3000;
	(pc) =	sbr.rel @p2 .LBB2_2-.Ltmp0, $4  }
0x52: {  	[sflag:s14] =	ssyncset.done $0x0  }
0x53: {  	[sflag:s14] =	ssyncadd.s32 $0xFFFFD000  }
0x54: {  	[bflag:$0x0] =	sbarrier.arrive $0xFFFF  }
0x55: {  	p1 =	por $0x0, $0x0  }
0x56: {  	s21 =	sadd.s32 $0x1, s21  }
0x57: {  	p1 =	sne.s32 s21, s12  }
.Ltmp1:
0x58: {  	_ = 	snop;
	(pc) =	sbr.rel @p1 .LBB2_1-.Ltmp1, $1  }
0x59: {  	_ =	sdelay $0x3  }
0x5a: {  	_ =	sfence.sel $0x180000  }
0x5b: {  	[bflag:$0x0] =	sbarrier.arrive $0xFFFF  }
0x5c: {  	_ =	strace $0x9000004A  }
0x5d: {  	s0 =	sadd.s32 @!p0 $0x100000, s0;
	[bflag:$0x2] =	sbarrier.arrive $0xFFFF  }
0x5e: {  	[sflag:s0] =	ssyncadd.tile.s32 @!p0 $0x1;
	_ =	shalt  }
.Lfunc_end2:
_tile_overlayer_lowered:
.L_overlay_start_2:
0x5f: {  	(tag) =	ssettag $0x2  }
0x60: {  	s0 =	rddreg [dreg:$0x0];
	s2 =	stileid.u32  }
0x61: {  	s1 =	rddreg [dreg:$0x1];
	p0 =	sne.s32 s2, $0x0  }
0x62: {  	s3 =	rddreg [dreg:$0x2];
	[bflag:$0x3] =	sbarrier.arrive $0xFFFF;
	s2 =	simm.s32 @!p0 $0x1C02  }
0x63: {  	[timem:s3], [sflag:s2] =	dma.local @!p0 [hbm:s0], s1  }
0x64: {  	s0 =	simm.s32 @!p0 $0x2  }
0x65: {  	_ =	swait.ge @!p0 [sflag:s0], s1  }
0x66: {  	s1 =	ssub.s32 @!p0 $0x0, s1;
	[sflag:s0] =	ssyncset.done @!p0 $0x0  }
0x67: {  	[sflag:s0] =	ssyncadd.s32 @!p0 s1  }
0x68: {  	[bflag:$0x3] =	sbarrier.arrive $0xFFFF  }
0x69: {  	_ =	shalt  }

</sc_bundles>
